<compile_context>
chip_gen: v7x
topology: tpu7x:2x2x1
jax: 0.10.2.dev20260603
libtpu: 0.0.44.dev20260713+nightly
codegen_flags: <defaults>
</compile_context>

<pallas_src>
import functools

import jax
import jax.numpy as jnp
from jax import lax
from jax.experimental import pallas as pl
from jax.experimental.pallas import tpu as pltpu
from jax.experimental.pallas import tpu_sc as plsc

_P = 0.0005
_FMIN = float(jnp.finfo(jnp.float32).min)

_CHUNK = 2048
_NCHUNK = 6
_WCOLS = _CHUNK * _NCHUNK
_SC_COLS = _WCOLS * 8


def _desc_rank_row(w):
    r, n = w.shape
    wd = w[:, :, None]
    we = w[:, None, :]
    d_idx = jax.lax.broadcasted_iota(jnp.int32, (r, n, n), 1)
    e_idx = jax.lax.broadcasted_iota(jnp.int32, (r, n, n), 2)
    beats = (we > wd) | ((we == wd) & (e_idx < d_idx))
    return jnp.sum(beats.astype(jnp.int32), axis=2)


def _desc_rank_col(w):
    n, b = w.shape
    wd = w[:, None, :]
    we = w[None, :, :]
    d_idx = jax.lax.broadcasted_iota(jnp.int32, (n, n, b), 0)
    e_idx = jax.lax.broadcasted_iota(jnp.int32, (n, n, b), 1)
    beats = (we > wd) | ((we == wd) & (e_idx < d_idx))
    return jnp.sum(beats.astype(jnp.int32), axis=1)




def _sc_stats_body(x_ref, xf_ref, m_out, s_out, buf, resm, ress):
    nc = 2
    wid = lax.axis_index("s") * nc + lax.axis_index("c")
    arr = wid // 16
    g = (wid // 8) % 2
    q = wid % 8

    nvec = _CHUNK // 16

    def run(src_ref):
        def chunk_body(t, carry):
            pltpu.sync_copy(
                src_ref.at[pl.ds(8 * g, 8),
                           pl.ds(q * _WCOLS + t * _CHUNK, _CHUNK)],
                buf)
            ms = list(carry)
            for r in range(8):
                def vec_body(i, c2, r=r):
                    acc = list(c2)
                    for u in range(4):
                        v = buf[r, pl.ds((4 * i + u) * 16, 16)]
                        m2, s2 = acc[2 * u], acc[2 * u + 1]
                        mn = jnp.maximum(m2, v)
                        acc[2 * u] = mn
                        acc[2 * u + 1] = (s2 * jnp.exp(m2 - mn)
                                          + jnp.exp(v - mn))
                    return tuple(acc)

                ms[r] = lax.fori_loop(0, nvec // 4, vec_body, ms[r])
            return tuple(ms)

        m0 = jnp.full((16,), _FMIN, jnp.float32)
        s0 = jnp.zeros((16,), jnp.float32)
        carry = lax.fori_loop(0, _NCHUNK, chunk_body,
                              ((m0, s0) * 4,) * 8)

        for r in range(8):
            acc = carry[r]
            m = acc[0]
            for u in range(1, 4):
                m = jnp.maximum(m, acc[2 * u])
            s = jnp.zeros((16,), jnp.float32)
            for u in range(4):
                s = s + acc[2 * u + 1] * jnp.exp(acc[2 * u] - m)
            resm[...] = m
            ress[...] = s
            off = arr * 2048 + g * 1024 + r * 128 + q * 16
            pltpu.sync_copy(resm, m_out.at[pl.ds(off, 16)])
            pltpu.sync_copy(ress, s_out.at[pl.ds(off, 16)])

    @pl.when(arr == 0)
    def _a0():
        run(x_ref)

    @pl.when(arr == 1)
    def _a1():
        run(xf_ref)




def _mm_body(feat_ref, wt_ref, b_ref, out_ref):
    y = jax.lax.dot_general(feat_ref[...], wt_ref[...],
                            (((1,), (0,)), ((), ())),
                            preferred_element_type=jnp.float32)
    out_ref[...] = y + b_ref[...][None, :]




def _fix_body(feat_ref, wt_ref, b_ref, x_ref, xf_ref, xt_ref, xft_ref,
              mst_ref, sst_ref, prev_ref, out_ref, *, k, b_sz, c, tail_blk):
    tail_w = c - _SC_COLS
    tvalid = (jax.lax.broadcasted_iota(jnp.int32, (b_sz, tail_blk), 1)
              < tail_w)

    def _finish(a, xt, x0):
        xr = jnp.where(tvalid, xt, _FMIN).reshape(b_sz, tail_blk // 128, 128)
        mt = jnp.max(xr, axis=1)
        st = jnp.sum(jnp.exp(xr - mt[:, None, :]), axis=1)
        m2 = mst_ref[a]
        s2 = sst_ref[a]
        m_row = jnp.maximum(jnp.max(m2, axis=1, keepdims=True),
                            jnp.max(mt, axis=1, keepdims=True))
        s_row = (jnp.sum(s2 * jnp.exp(m2 - m_row), axis=1, keepdims=True)
                 + jnp.sum(st * jnp.exp(mt - m_row), axis=1, keepdims=True))
        return jnp.exp(x0 - m_row) / s_row

    h = _finish(0, xt_ref[...], x_ref[:, 0:1])
    hf = _finish(1, xft_ref[...], xf_ref[:, 0:1])

    eye = (jax.lax.broadcasted_iota(jnp.int32, (b_sz, b_sz), 0)
           == jax.lax.broadcasted_iota(jnp.int32, (b_sz, b_sz), 1))

    def _trow(col):
        return jnp.sum(jnp.where(eye, col, 0), axis=0, keepdims=True)

    def _tcol(row):
        return jnp.sum(jnp.where(eye, row, 0), axis=1, keepdims=True)

    rank_h = _desc_rank_row(_trow(h))
    rank_hf = _desc_rank_row(_trow(hf))
    pair = rank_hf == _tcol(rank_h)

    wt16 = wt_ref[:, 0:b_sz]
    rd = _desc_rank_col(wt16)
    w_src = jnp.sum(jnp.where(pair[None, :, :], wt16[:, None, :], 0.0),
                    axis=2)
    r_src = jnp.sum(jnp.where(pair[None, :, :], rd[:, None, :], 0),
                    axis=2)
    take = r_src[None, :, :] == rd[:, None, :]
    newval = jnp.sum(jnp.where(take, w_src[None, :, :], 0.0), axis=1)
    wt16_mod = jnp.where(rd < k, newval, wt16)

    b16 = b_ref[0:b_sz][None, :]
    b16_mod = _trow(jnp.sum(jnp.where(pair, b16, 0.0),
                            axis=1, keepdims=True))

    y16 = jax.lax.dot_general(feat_ref[...], wt16_mod,
                              (((1,), (0,)), ((), ())),
                              preferred_element_type=jnp.float32)
    out_ref[...] = prev_ref[...]
    out_ref[:, 0:b_sz] = y16 + b16_mod


def kernel(features, features_f, output, output_f, weight_matrix, bias):
    del features_f
    b_sz, d = features.shape
    c = weight_matrix.shape[0]
    k = int(round(c * _P))
    blk = 16384
    n_blocks = pl.cdiv(c, blk)
    wt = weight_matrix.T

    mesh = plsc.VectorSubcoreMesh(core_axis_name="c", subcore_axis_name="s")
    sc_stats = pl.kernel(
        _sc_stats_body,
        mesh=mesh,
        out_type=[jax.ShapeDtypeStruct((4096,), jnp.float32),
                  jax.ShapeDtypeStruct((4096,), jnp.float32)],
        scratch_types=[pltpu.VMEM((8, _CHUNK), jnp.float32),
                       pltpu.VMEM((16,), jnp.float32),
                       pltpu.VMEM((16,), jnp.float32)],
    )
    m_flat, s_flat = sc_stats(output, output_f)
    m_st = m_flat.reshape(2, b_sz, 128)
    s_st = s_flat.reshape(2, b_sz, 128)

    out_main = pl.pallas_call(
        _mm_body,
        grid=(n_blocks,),
        in_specs=[
            pl.BlockSpec((b_sz, d), lambda i: (0, 0)),
            pl.BlockSpec((d, blk), lambda i: (0, i)),
            pl.BlockSpec((blk,), lambda i: (i,)),
        ],
        out_specs=pl.BlockSpec((b_sz, blk), lambda i: (0, i)),
        out_shape=jax.ShapeDtypeStruct((b_sz, c), jnp.float32),
        compiler_params=pltpu.CompilerParams(
            dimension_semantics=("parallel",)),
    )(features, wt, bias)

    tail_blk = 2048
    tail_idx = _SC_COLS // tail_blk
    fix_body = functools.partial(_fix_body, k=k, b_sz=b_sz, c=c,
                                 tail_blk=tail_blk)
    head2 = lambda shape: pl.BlockSpec(shape, lambda i: (0, 0))
    st_spec = pl.BlockSpec((2, b_sz, 128), lambda i: (0, 0, 0))
    tail_spec = pl.BlockSpec((b_sz, tail_blk), lambda i: (0, tail_idx))
    return pl.pallas_call(
        fix_body,
        grid=(1,),
        in_specs=[
            head2((b_sz, d)),
            head2((d, 128)),
            pl.BlockSpec((128,), lambda i: (0,)),
            head2((b_sz, 128)),
            head2((b_sz, 128)),
            tail_spec,
            tail_spec,
            st_spec, st_spec,
            head2((b_sz, 128)),
        ],
        out_specs=head2((b_sz, 128)),
        out_shape=jax.ShapeDtypeStruct((b_sz, c), jnp.float32),
        input_output_aliases={9: 0},
    )(features, wt, bias, output, output_f, output, output_f,
      m_st, s_st, out_main)

# --- scband reference (transcript-rebuilt; emitter-appended) ---
"""Pipeline reference for scband-reconstruct-dropout-80831284511095 (READ-ONLY COPY).

The authoritative reference and input builder live on the scoring server;
editing this copy changes nothing except your own understanding.
"""

import jax, jax.numpy as jnp
import numpy as np

P = 0.0005  # drop_rate -> k = round(100000 * 0.0005) = 50 (<= d_feat=64)


def setup_inputs(seed: int = 0) -> dict:
    key = jax.random.key(seed)
    ks = jax.random.split(key, 6)
    B, C, D = 16, 100000, 64
    return {
        "features": jax.random.normal(ks[0], (B, D), dtype=jnp.float32),
        "features_f": jax.random.normal(ks[1], (B, D), dtype=jnp.float32),
        "output": jax.random.normal(ks[2], (B, C), dtype=jnp.float32),
        "output_f": jax.random.normal(ks[3], (B, C), dtype=jnp.float32),
        "weight_matrix": jax.random.normal(ks[4], (C, D), dtype=jnp.float32),
        "bias": jax.random.normal(ks[5], (C,), dtype=jnp.float32),
    }


def _discriminative_idx(outputs, weight, p):
    # h_x = softmax(outputs, dim=1); sort descending along dim 0, take indices
    h_x = jax.nn.softmax(outputs, axis=1)
    idx = jnp.argsort(-h_x, axis=0)  # [B, C] permutation indices of batch dim
    top_idx0 = idx[:, 0]             # [B], values in [0, B)
    cam_weight = weight[top_idx0, :]  # gather rows -> [B, D]
    k = round(weight.shape[0] * p)
    _, topk_idx = jax.lax.top_k(cam_weight, k)  # [B, k] indices into feature dim
    return top_idx0.reshape((topk_idx.shape[0], 1)), topk_idx


def reference(features, features_f, output, output_f, weight_matrix, bias):
    idx, topk_idx = _discriminative_idx(output, weight_matrix, P)
    idx_f, topk_idx_f = _discriminative_idx(output_f, weight_matrix, P)
    # mask = weight.clone().detach(); mask_b = bias.clone().detach()
    mask = jax.lax.stop_gradient(weight_matrix)
    mask_b = jax.lax.stop_gradient(bias)
    # mask[idx, topk_idx] = mask[idx_f, topk_idx_f]  (RHS gathered before scatter)
    vals = mask[idx_f, topk_idx_f]  # broadcast [B,1],[B,k] -> [B,k]
    mask = mask.at[idx, topk_idx].set(vals)
    # mask_b[idx] = mask_b[idx_f]
    mask_b = mask_b.at[idx[:, 0]].set(mask_b[idx_f[:, 0]])
    # F.linear(features, mask, mask_b)
    return features @ mask.T + mask_b

if __name__ == "__main__":
    import jax
    _d = setup_inputs()
    print(jax.jit(kernel)(*tuple(_d.values())))

</pallas_src>

<mosaic_0001>
#map = affine_map<(d0, d1) -> (0, 0)>
#map1 = affine_map<(d0, d1) -> (0)>
module attributes {stable_mosaic.version = 14 : i64} {
  func.func @_sc_stats_body(%arg0: i32, %arg1: i32, %arg2: memref<16x100000xf32, #tpu.memory_space<hbm>>, %arg3: memref<16x100000xf32, #tpu.memory_space<hbm>>, %arg4: memref<4096xf32, #tpu.memory_space<hbm>>, %arg5: memref<4096xf32, #tpu.memory_space<hbm>>, %arg6: memref<8x2048xf32, #tpu.memory_space<vmem>>, %arg7: memref<16xf32, #tpu.memory_space<vmem>>, %arg8: memref<16xf32, #tpu.memory_space<vmem>>) attributes {dimension_semantics = [#tpu.dimension_semantics<core_parallel>, #tpu.dimension_semantics<subcore_parallel>], iteration_bounds = array<i64: 2, 16>, scalar_prefetch = 0 : i64, scratch_operands = 3 : i64, tpu.core_type = #tpu.core_type<sc_vector_subcore>, window_params = [{transform_indices = #map}, {transform_indices = #map}, {transform_indices = #map1}, {transform_indices = #map1}]} {
    %mul3A = arith.constant 2 : i32
    %mul3A_0 = arith.muli %arg1, %mul3A : i32
    %add3A = arith.addi %mul3A_0, %arg0 : i32
    %jit3A = arith.constant 16 : i32
    %div3A = arith.divsi %add3A, %jit3A : i32
    %sign3A = arith.constant 0 : i32
    %sign3A_1 = arith.cmpi sgt, %add3A, %sign3A : i32
    %sign3A_2 = arith.extui %sign3A_1 : i1 to i32
    %sign3A_3 = arith.constant 0 : i32
    %sign3A_4 = arith.cmpi slt, %add3A, %sign3A_3 : i32
    %sign3A_5 = arith.extui %sign3A_4 : i1 to i32
    %sign3A_6 = arith.subi %sign3A_2, %sign3A_5 : i32
    %sign3A_7 = arith.constant 0 : i32
    %sign3A_8 = arith.cmpi sgt, %jit3A, %sign3A_7 : i32
    %sign3A_9 = arith.extui %sign3A_8 : i1 to i32
    %sign3A_10 = arith.constant 0 : i32
    %sign3A_11 = arith.cmpi slt, %jit3A, %sign3A_10 : i32
    %sign3A_12 = arith.extui %sign3A_11 : i1 to i32
    %sign3A_13 = arith.subi %sign3A_9, %sign3A_12 : i32
    %ne3A = arith.cmpi ne, %sign3A_6, %sign3A_13 : i32
    %rem3A = arith.remsi %add3A, %jit3A : i32
    %ne3A_14 = arith.constant 0 : i32
    %ne3A_15 = arith.cmpi ne, %rem3A, %ne3A_14 : i32
    %and3A = arith.andi %ne3A, %ne3A_15 : i1
    %sub3A = arith.constant 1 : i32
    %sub3A_16 = arith.subi %div3A, %sub3A : i32
    %select_n3A = arith.select %and3A, %sub3A_16, %div3A : i32
    %jit3A_17 = arith.constant 8 : i32
    %div3A_18 = arith.divsi %add3A, %jit3A_17 : i32
    %sign3A_19 = arith.constant 0 : i32
    %sign3A_20 = arith.cmpi sgt, %add3A, %sign3A_19 : i32
    %sign3A_21 = arith.extui %sign3A_20 : i1 to i32
    %sign3A_22 = arith.constant 0 : i32
    %sign3A_23 = arith.cmpi slt, %add3A, %sign3A_22 : i32
    %sign3A_24 = arith.extui %sign3A_23 : i1 to i32
    %sign3A_25 = arith.subi %sign3A_21, %sign3A_24 : i32
    %sign3A_26 = arith.constant 0 : i32
    %sign3A_27 = arith.cmpi sgt, %jit3A_17, %sign3A_26 : i32
    %sign3A_28 = arith.extui %sign3A_27 : i1 to i32
    %sign3A_29 = arith.constant 0 : i32
    %sign3A_30 = arith.cmpi slt, %jit3A_17, %sign3A_29 : i32
    %sign3A_31 = arith.extui %sign3A_30 : i1 to i32
    %sign3A_32 = arith.subi %sign3A_28, %sign3A_31 : i32
    %ne3A_33 = arith.cmpi ne, %sign3A_25, %sign3A_32 : i32
    %rem3A_34 = arith.remsi %add3A, %jit3A_17 : i32
    %ne3A_35 = arith.constant 0 : i32
    %ne3A_36 = arith.cmpi ne, %rem3A_34, %ne3A_35 : i32
    %and3A_37 = arith.andi %ne3A_33, %ne3A_36 : i1
    %sub3A_38 = arith.constant 1 : i32
    %sub3A_39 = arith.subi %div3A_18, %sub3A_38 : i32
    %select_n3A_40 = arith.select %and3A_37, %sub3A_39, %div3A_18 : i32
    %jit3A_41 = arith.constant 2 : i32
    %eq3A = arith.constant 0 : i32
    %eq3A_42 = arith.cmpi eq, %jit3A_41, %eq3A : i32
    %jit3A_43 = arith.constant 1 : i32
    %select_n3A_44 = arith.select %eq3A_42, %jit3A_43, %jit3A_41 : i32
    %rem3A_45 = arith.remsi %select_n3A_40, %select_n3A_44 : i32
    %ne3A_46 = arith.constant 0 : i32
    %ne3A_47 = arith.cmpi ne, %rem3A_45, %ne3A_46 : i32
    %lt3A = arith.constant 0 : i32
    %lt3A_48 = arith.cmpi slt, %rem3A_45, %lt3A : i32
    %lt3A_49 = arith.constant 0 : i32
    %lt3A_50 = arith.cmpi slt, %select_n3A_44, %lt3A_49 : i32
    %ne3A_51 = arith.xori %lt3A_48, %lt3A_50 : i1
    %and3A_52 = arith.andi %ne3A_51, %ne3A_47 : i1
    %add3A_53 = arith.addi %rem3A_45, %select_n3A_44 : i32
    %select_n3A_54 = arith.select %and3A_52, %add3A_53, %rem3A_45 : i32
    %jit3A_55 = arith.constant 8 : i32
    %eq3A_56 = arith.constant 0 : i32
    %eq3A_57 = arith.cmpi eq, %jit3A_55, %eq3A_56 : i32
    %jit3A_58 = arith.constant 1 : i32
    %select_n3A_59 = arith.select %eq3A_57, %jit3A_58, %jit3A_55 : i32
    %rem3A_60 = arith.remsi %add3A, %select_n3A_59 : i32
    %ne3A_61 = arith.constant 0 : i32
    %ne3A_62 = arith.cmpi ne, %rem3A_60, %ne3A_61 : i32
    %lt3A_63 = arith.constant 0 : i32
    %lt3A_64 = arith.cmpi slt, %rem3A_60, %lt3A_63 : i32
    %lt3A_65 = arith.constant 0 : i32
    %lt3A_66 = arith.cmpi slt, %select_n3A_59, %lt3A_65 : i32
    %ne3A_67 = arith.xori %lt3A_64, %lt3A_66 : i1
    %and3A_68 = arith.andi %ne3A_67, %ne3A_62 : i1
    %add3A_69 = arith.addi %rem3A_60, %select_n3A_59 : i32
    %select_n3A_70 = arith.select %and3A_68, %add3A_69, %rem3A_60 : i32
    %eq3A_71 = arith.constant 0 : i32
    %eq3A_72 = arith.cmpi eq, %select_n3A, %eq3A_71 : i32
    %convert_element_type3A = arith.extui %eq3A_72 : i1 to i32
    %cond3A = arith.constant 0 : i32
    %cond3A_73 = arith.cmpi ne, %convert_element_type3A, %cond3A : i32
    scf.if %cond3A_73 {
      %broadcast_in_dim3A = arith.constant -3.40282347E+38 : f32
      %broadcast_in_dim3A_79 = vector.broadcast %broadcast_in_dim3A : f32 to vector<16xf32>
      %broadcast_in_dim3A_80 = arith.constant 0.000000e+00 : f32
      %broadcast_in_dim3A_81 = vector.broadcast %broadcast_in_dim3A_80 : f32 to vector<16xf32>
      %scan3A = arith.constant 0 : i32
      %scan3A_82 = arith.constant 6 : i32
      %scan3A_83 = arith.addi %scan3A, %scan3A_82 : i32
      %scan3A_84 = arith.constant 1 : i32
      %scan3A_85:64 = scf.for %scan3A_396 = %scan3A to %scan3A_83 step %scan3A_84 iter_args(%scan3A_397 = %broadcast_in_dim3A_79, %scan3A_398 = %broadcast_in_dim3A_81, %scan3A_399 = %broadcast_in_dim3A_79, %scan3A_400 = %broadcast_in_dim3A_81, %scan3A_401 = %broadcast_in_dim3A_79, %scan3A_402 = %broadcast_in_dim3A_81, %scan3A_403 = %broadcast_in_dim3A_79, %scan3A_404 = %broadcast_in_dim3A_81, %scan3A_405 = %broadcast_in_dim3A_79, %scan3A_406 = %broadcast_in_dim3A_81, %scan3A_407 = %broadcast_in_dim3A_79, %scan3A_408 = %broadcast_in_dim3A_81, %scan3A_409 = %broadcast_in_dim3A_79, %scan3A_410 = %broadcast_in_dim3A_81, %scan3A_411 = %broadcast_in_dim3A_79, %scan3A_412 = %broadcast_in_dim3A_81, %scan3A_413 = %broadcast_in_dim3A_79, %scan3A_414 = %broadcast_in_dim3A_81, %scan3A_415 = %broadcast_in_dim3A_79, %scan3A_416 = %broadcast_in_dim3A_81, %scan3A_417 = %broadcast_in_dim3A_79, %scan3A_418 = %broadcast_in_dim3A_81, %scan3A_419 = %broadcast_in_dim3A_79, %scan3A_420 = %broadcast_in_dim3A_81, %scan3A_421 = %broadcast_in_dim3A_79, %scan3A_422 = %broadcast_in_dim3A_81, %scan3A_423 = %broadcast_in_dim3A_79, %scan3A_424 = %broadcast_in_dim3A_81, %scan3A_425 = %broadcast_in_dim3A_79, %scan3A_426 = %broadcast_in_dim3A_81, %scan3A_427 = %broadcast_in_dim3A_79, %scan3A_428 = %broadcast_in_dim3A_81, %scan3A_429 = %broadcast_in_dim3A_79, %scan3A_430 = %broadcast_in_dim3A_81, %scan3A_431 = %broadcast_in_dim3A_79, %scan3A_432 = %broadcast_in_dim3A_81, %scan3A_433 = %broadcast_in_dim3A_79, %scan3A_434 = %broadcast_in_dim3A_81, %scan3A_435 = %broadcast_in_dim3A_79, %scan3A_436 = %broadcast_in_dim3A_81, %scan3A_437 = %broadcast_in_dim3A_79, %scan3A_438 = %broadcast_in_dim3A_81, %scan3A_439 = %broadcast_in_dim3A_79, %scan3A_440 = %broadcast_in_dim3A_81, %scan3A_441 = %broadcast_in_dim3A_79, %scan3A_442 = %broadcast_in_dim3A_81, %scan3A_443 = %broadcast_in_dim3A_79, %scan3A_444 = %broadcast_in_dim3A_81, %scan3A_445 = %broadcast_in_dim3A_79, %scan3A_446 = %broadcast_in_dim3A_81, %scan3A_447 = %broadcast_in_dim3A_79, %scan3A_448 = %broadcast_in_dim3A_81, %scan3A_449 = %broadcast_in_dim3A_79, %scan3A_450 = %broadcast_in_dim3A_81, %scan3A_451 = %broadcast_in_dim3A_79, %scan3A_452 = %broadcast_in_dim3A_81, %scan3A_453 = %broadcast_in_dim3A_79, %scan3A_454 = %broadcast_in_dim3A_81, %scan3A_455 = %broadcast_in_dim3A_79, %scan3A_456 = %broadcast_in_dim3A_81, %scan3A_457 = %broadcast_in_dim3A_79, %scan3A_458 = %broadcast_in_dim3A_81, %scan3A_459 = %broadcast_in_dim3A_79, %scan3A_460 = %broadcast_in_dim3A_81) -> (vector<16xf32>, vector<16xf32>, vector<16xf32>, vector<16xf32>, vector<16xf32>, vector<16xf32>, vector<16xf32>, vector<16xf32>, vector<16xf32>, vector<16xf32>, vector<16xf32>, vector<16xf32>, vector<16xf32>, vector<16xf32>, vector<16xf32>, vector<16xf32>, vector<16xf32>, vector<16xf32>, vector<16xf32>, vector<16xf32>, vector<16xf32>, vector<16xf32>, vector<16xf32>, vector<16xf32>, vector<16xf32>, vector<16xf32>, vector<16xf32>, vector<16xf32>, vector<16xf32>, vector<16xf32>, vector<16xf32>, vector<16xf32>, vector<16xf32>, vector<16xf32>, vector<16xf32>, vector<16xf32>, vector<16xf32>, vector<16xf32>, vector<16xf32>, vector<16xf32>, vector<16xf32>, vector<16xf32>, vector<16xf32>, vector<16xf32>, vector<16xf32>, vector<16xf32>, vector<16xf32>, vector<16xf32>, vector<16xf32>, vector<16xf32>, vector<16xf32>, vector<16xf32>, vector<16xf32>, vector<16xf32>, vector<16xf32>, vector<16xf32>, vector<16xf32>, vector<16xf32>, vector<16xf32>, vector<16xf32>, vector<16xf32>, vector<16xf32>, vector<16xf32>, vector<16xf32>)  : i32 {
        %mul3A_461 = arith.constant 8 : i32
        %mul3A_462 = arith.muli %mul3A_461, %select_n3A_54 : i32
        %mul3A_463 = arith.constant 12288 : i32
        %mul3A_464 = arith.muli %select_n3A_70, %mul3A_463 : i32
        %mul3A_465 = arith.constant 2048 : i32
        %mul3A_466 = arith.muli %scan3A_396, %mul3A_465 : i32
        %add3A_467 = arith.addi %mul3A_464, %mul3A_466 : i32
        "tpu.region"() ({
          %run_scoped3A = tpu.sem_alloc : memref<!tpu.dma_semaphore, #tpu.memory_space<semaphore_mem>>
          %dma_start3A = tpu.memref_slice %arg2[%mul3A_462, %add3A_467] : memref<16x100000xf32, #tpu.memory_space<hbm>> -> memref<8x2048xf32, #tpu.memory_space<hbm>>
          %dma_start3A_516 = tpu.memref_slice %arg2[%mul3A_462, %add3A_467] : memref<16x100000xf32, #tpu.memory_space<hbm>> -> memref<8x2048xf32, #tpu.memory_space<hbm>>
          tpu.enqueue_dma source(%dma_start3A_516 : memref<8x2048xf32, #tpu.memory_space<hbm>>) target(%arg6 : memref<8x2048xf32, #tpu.memory_space<vmem>>) target_semaphore(%run_scoped3A : memref<!tpu.dma_semaphore, #tpu.memory_space<semaphore_mem>>)
          %dma_wait3A = tpu.memref_slice %arg2[%mul3A_462, %add3A_467] : memref<16x100000xf32, #tpu.memory_space<hbm>> -> memref<8x2048xf32, #tpu.memory_space<hbm>>
          %dma_wait3A_517 = tpu.memref_slice %arg2[%mul3A_462, %add3A_467] : memref<16x100000xf32, #tpu.memory_space<hbm>> -> memref<8x2048xf32, #tpu.memory_space<hbm>>
          tpu.wait_dma2 semaphore(%run_scoped3A : memref<!tpu.dma_semaphore, #tpu.memory_space<semaphore_mem>>) src(%dma_wait3A_517 : memref<8x2048xf32, #tpu.memory_space<hbm>>) dst(%arg6 : memref<8x2048xf32, #tpu.memory_space<vmem>>)
          tpu.yield
        }) : () -> ()
        %scan3A_468 = arith.constant 0 : i32
        %scan3A_469 = arith.constant 32 : i32
        %scan3A_470 = arith.addi %scan3A_468, %scan3A_469 : i32
        %scan3A_471 = arith.constant 1 : i32
        %scan3A_472:8 = scf.for %scan3A_516 = %scan3A_468 to %scan3A_470 step %scan3A_471 iter_args(%scan3A_517 = %scan3A_397, %scan3A_518 = %scan3A_398, %scan3A_519 = %scan3A_399, %scan3A_520 = %scan3A_400, %scan3A_521 = %scan3A_401, %scan3A_522 = %scan3A_402, %scan3A_523 = %scan3A_403, %scan3A_524 = %scan3A_404) -> (vector<16xf32>, vector<16xf32>, vector<16xf32>, vector<16xf32>, vector<16xf32>, vector<16xf32>, vector<16xf32>, vector<16xf32>)  : i32 {
          %mul3A_525 = arith.constant 4 : i32
          %mul3A_526 = arith.muli %mul3A_525, %scan3A_516 : i32
          %add3A_527 = arith.constant 0 : i32
          %add3A_528 = arith.addi %mul3A_526, %add3A_527 : i32
          %mul3A_529 = arith.constant 16 : i32
          %mul3A_530 = arith.muli %add3A_528, %mul3A_529 : i32
          %get3A = arith.constant 0 : i32
          %get3A_531 = arith.index_cast %get3A : i32 to index
          %get3A_532 = arith.index_cast %mul3A_530 : i32 to index
          %get3A_533 = tpu.vector_load %arg6[%get3A_531, %get3A_532] {strides = array<i32>} : memref<8x2048xf32, #tpu.memory_space<vmem>>, vector<1x16xf32>,
          %get3A_534 = vector.shape_cast %get3A_533 : vector<1x16xf32> to vector<16xf32>
          %max3A_535 = arith.maximumf %scan3A_517, %get3A_534 : vector<16xf32>
          %sub3A_536 = arith.subf %scan3A_517, %max3A_535 : vector<16xf32>
          %exp3A_537 = math.exp %sub3A_536 : vector<16xf32>
          %mul3A_538 = arith.mulf %scan3A_518, %exp3A_537 : vector<16xf32>
          %sub3A_539 = arith.subf %get3A_534, %max3A_535 : vector<16xf32>
          %exp3A_540 = math.exp %sub3A_539 : vector<16xf32>
          %add3A_541 = arith.addf %mul3A_538, %exp3A_540 : vector<16xf32>
          %mul3A_542 = arith.constant 4 : i32
          %mul3A_543 = arith.muli %mul3A_542, %scan3A_516 : i32
          %add3A_544 = arith.constant 1 : i32
          %add3A_545 = arith.addi %mul3A_543, %add3A_544 : i32
          %mul3A_546 = arith.constant 16 : i32
          %mul3A_547 = arith.muli %add3A_545, %mul3A_546 : i32
          %get3A_548 = arith.constant 0 : i32
          %get3A_549 = arith.index_cast %get3A_548 : i32 to index
          %get3A_550 = arith.index_cast %mul3A_547 : i32 to index
          %get3A_551 = tpu.vector_load %arg6[%get3A_549, %get3A_550] {strides = array<i32>} : memref<8x2048xf32, #tpu.memory_space<vmem>>, vector<1x16xf32>,
          %get3A_552 = vector.shape_cast %get3A_551 : vector<1x16xf32> to vector<16xf32>
          %max3A_553 = arith.maximumf %scan3A_519, %get3A_552 : vector<16xf32>
          %sub3A_554 = arith.subf %scan3A_519, %max3A_553 : vector<16xf32>
          %exp3A_555 = math.exp %sub3A_554 : vector<16xf32>
          %mul3A_556 = arith.mulf %scan3A_520, %exp3A_555 : vector<16xf32>
          %sub3A_557 = arith.subf %get3A_552, %max3A_553 : vector<16xf32>
          %exp3A_558 = math.exp %sub3A_557 : vector<16xf32>
          %add3A_559 = arith.addf %mul3A_556, %exp3A_558 : vector<16xf32>
          %mul3A_560 = arith.constant 4 : i32
          %mul3A_561 = arith.muli %mul3A_560, %scan3A_516 : i32
          %add3A_562 = arith.constant 2 : i32
          %add3A_563 = arith.addi %mul3A_561, %add3A_562 : i32
          %mul3A_564 = arith.constant 16 : i32
          %mul3A_565 = arith.muli %add3A_563, %mul3A_564 : i32
          %get3A_566 = arith.constant 0 : i32
          %get3A_567 = arith.index_cast %get3A_566 : i32 to index
          %get3A_568 = arith.index_cast %mul3A_565 : i32 to index
          %get3A_569 = tpu.vector_load %arg6[%get3A_567, %get3A_568] {strides = array<i32>} : memref<8x2048xf32, #tpu.memory_space<vmem>>, vector<1x16xf32>,
          %get3A_570 = vector.shape_cast %get3A_569 : vector<1x16xf32> to vector<16xf32>
          %max3A_571 = arith.maximumf %scan3A_521, %get3A_570 : vector<16xf32>
          %sub3A_572 = arith.subf %scan3A_521, %max3A_571 : vector<16xf32>
          %exp3A_573 = math.exp %sub3A_572 : vector<16xf32>
          %mul3A_574 = arith.mulf %scan3A_522, %exp3A_573 : vector<16xf32>
          %sub3A_575 = arith.subf %get3A_570, %max3A_571 : vector<16xf32>
          %exp3A_576 = math.exp %sub3A_575 : vector<16xf32>
          %add3A_577 = arith.addf %mul3A_574, %exp3A_576 : vector<16xf32>
          %mul3A_578 = arith.constant 4 : i32
          %mul3A_579 = arith.muli %mul3A_578, %scan3A_516 : i32
          %add3A_580 = arith.constant 3 : i32
          %add3A_581 = arith.addi %mul3A_579, %add3A_580 : i32
          %mul3A_582 = arith.constant 16 : i32
          %mul3A_583 = arith.muli %add3A_581, %mul3A_582 : i32
          %get3A_584 = arith.constant 0 : i32
          %get3A_585 = arith.index_cast %get3A_584 : i32 to index
          %get3A_586 = arith.index_cast %mul3A_583 : i32 to index
          %get3A_587 = tpu.vector_load %arg6[%get3A_585, %get3A_586] {strides = array<i32>} : memref<8x2048xf32, #tpu.memory_space<vmem>>, vector<1x16xf32>,
          %get3A_588 = vector.shape_cast %get3A_587 : vector<1x16xf32> to vector<16xf32>
          %max3A_589 = arith.maximumf %scan3A_523, %get3A_588 : vector<16xf32>
          %sub3A_590 = arith.subf %scan3A_523, %max3A_589 : vector<16xf32>
          %exp3A_591 = math.exp %sub3A_590 : vector<16xf32>
          %mul3A_592 = arith.mulf %scan3A_524, %exp3A_591 : vector<16xf32>
          %sub3A_593 = arith.subf %get3A_588, %max3A_589 : vector<16xf32>
          %exp3A_594 = math.exp %sub3A_593 : vector<16xf32>
          %add3A_595 = arith.addf %mul3A_592, %exp3A_594 : vector<16xf32>
          scf.yield %max3A_535, %add3A_541, %max3A_553, %add3A_559, %max3A_571, %add3A_577, %max3A_589, %add3A_595 : vector<16xf32>, vector<16xf32>, vector<16xf32>, vector<16xf32>, vector<16xf32>, vector<16xf32>, vector<16xf32>, vector<16xf32>
        }
        %scan3A_473 = arith.constant 32 : i32
        %scan3A_474 = arith.constant 0 : i32
        %scan3A_475 = arith.constant 32 : i32
        %scan3A_476 = arith.addi %scan3A_474, %scan3A_475 : i32
        %scan3A_477 = arith.constant 1 : i32
        %scan3A_478:8 = scf.for %scan3A_516 = %scan3A_474 to %scan3A_476 step %scan3A_477 iter_args(%scan3A_517 = %scan3A_405, %scan3A_518 = %scan3A_406, %scan3A_519 = %scan3A_407, %scan3A_520 = %scan3A_408, %scan3A_521 = %scan3A_409, %scan3A_522 = %scan3A_410, %scan3A_523 = %scan3A_411, %scan3A_524 = %scan3A_412) -> (vector<16xf32>, vector<16xf32>, vector<16xf32>, vector<16xf32>, vector<16xf32>, vector<16xf32>, vector<16xf32>, vector<16xf32>)  : i32 {
          %mul3A_525 = arith.constant 4 : i32
          %mul3A_526 = arith.muli %mul3A_525, %scan3A_516 : i32
          %add3A_527 = arith.constant 0 : i32
          %add3A_528 = arith.addi %mul3A_526, %add3A_527 : i32
          %mul3A_529 = arith.constant 16 : i32
          %mul3A_530 = arith.muli %add3A_528, %mul3A_529 : i32
          %get3A = arith.constant 1 : i32
          %get3A_531 = arith.index_cast %get3A : i32 to index
          %get3A_532 = arith.index_cast %mul3A_530 : i32 to index
          %get3A_533 = tpu.vector_load %arg6[%get3A_531, %get3A_532] {strides = array<i32>} : memref<8x2048xf32, #tpu.memory_space<vmem>>, vector<1x16xf32>,
          %get3A_534 = vector.shape_cast %get3A_533 : vector<1x16xf32> to vector<16xf32>
          %max3A_535 = arith.maximumf %scan3A_517, %get3A_534 : vector<16xf32>
          %sub3A_536 = arith.subf %scan3A_517, %max3A_535 : vector<16xf32>
          %exp3A_537 = math.exp %sub3A_536 : vector<16xf32>
          %mul3A_538 = arith.mulf %scan3A_518, %exp3A_537 : vector<16xf32>
          %sub3A_539 = arith.subf %get3A_534, %max3A_535 : vector<16xf32>
          %exp3A_540 = math.exp %sub3A_539 : vector<16xf32>
          %add3A_541 = arith.addf %mul3A_538, %exp3A_540 : vector<16xf32>
          %mul3A_542 = arith.constant 4 : i32
          %mul3A_543 = arith.muli %mul3A_542, %scan3A_516 : i32
          %add3A_544 = arith.constant 1 : i32
          %add3A_545 = arith.addi %mul3A_543, %add3A_544 : i32
          %mul3A_546 = arith.constant 16 : i32
          %mul3A_547 = arith.muli %add3A_545, %mul3A_546 : i32
          %get3A_548 = arith.constant 1 : i32
          %get3A_549 = arith.index_cast %get3A_548 : i32 to index
          %get3A_550 = arith.index_cast %mul3A_547 : i32 to index
          %get3A_551 = tpu.vector_load %arg6[%get3A_549, %get3A_550] {strides = array<i32>} : memref<8x2048xf32, #tpu.memory_space<vmem>>, vector<1x16xf32>,
          %get3A_552 = vector.shape_cast %get3A_551 : vector<1x16xf32> to vector<16xf32>
          %max3A_553 = arith.maximumf %scan3A_519, %get3A_552 : vector<16xf32>
          %sub3A_554 = arith.subf %scan3A_519, %max3A_553 : vector<16xf32>
          %exp3A_555 = math.exp %sub3A_554 : vector<16xf32>
          %mul3A_556 = arith.mulf %scan3A_520, %exp3A_555 : vector<16xf32>
          %sub3A_557 = arith.subf %get3A_552, %max3A_553 : vector<16xf32>
          %exp3A_558 = math.exp %sub3A_557 : vector<16xf32>
          %add3A_559 = arith.addf %mul3A_556, %exp3A_558 : vector<16xf32>
          %mul3A_560 = arith.constant 4 : i32
          %mul3A_561 = arith.muli %mul3A_560, %scan3A_516 : i32
          %add3A_562 = arith.constant 2 : i32
          %add3A_563 = arith.addi %mul3A_561, %add3A_562 : i32
          %mul3A_564 = arith.constant 16 : i32
          %mul3A_565 = arith.muli %add3A_563, %mul3A_564 : i32
          %get3A_566 = arith.constant 1 : i32
          %get3A_567 = arith.index_cast %get3A_566 : i32 to index
          %get3A_568 = arith.index_cast %mul3A_565 : i32 to index
          %get3A_569 = tpu.vector_load %arg6[%get3A_567, %get3A_568] {strides = array<i32>} : memref<8x2048xf32, #tpu.memory_space<vmem>>, vector<1x16xf32>,
          %get3A_570 = vector.shape_cast %get3A_569 : vector<1x16xf32> to vector<16xf32>
          %max3A_571 = arith.maximumf %scan3A_521, %get3A_570 : vector<16xf32>
          %sub3A_572 = arith.subf %scan3A_521, %max3A_571 : vector<16xf32>
          %exp3A_573 = math.exp %sub3A_572 : vector<16xf32>
          %mul3A_574 = arith.mulf %scan3A_522, %exp3A_573 : vector<16xf32>
          %sub3A_575 = arith.subf %get3A_570, %max3A_571 : vector<16xf32>
          %exp3A_576 = math.exp %sub3A_575 : vector<16xf32>
          %add3A_577 = arith.addf %mul3A_574, %exp3A_576 : vector<16xf32>
          %mul3A_578 = arith.constant 4 : i32
          %mul3A_579 = arith.muli %mul3A_578, %scan3A_516 : i32
          %add3A_580 = arith.constant 3 : i32
          %add3A_581 = arith.addi %mul3A_579, %add3A_580 : i32
          %mul3A_582 = arith.constant 16 : i32
          %mul3A_583 = arith.muli %add3A_581, %mul3A_582 : i32
          %get3A_584 = arith.constant 1 : i32
          %get3A_585 = arith.index_cast %get3A_584 : i32 to index
          %get3A_586 = arith.index_cast %mul3A_583 : i32 to index
          %get3A_587 = tpu.vector_load %arg6[%get3A_585, %get3A_586] {strides = array<i32>} : memref<8x2048xf32, #tpu.memory_space<vmem>>, vector<1x16xf32>,
          %get3A_588 = vector.shape_cast %get3A_587 : vector<1x16xf32> to vector<16xf32>
          %max3A_589 = arith.maximumf %scan3A_523, %get3A_588 : vector<16xf32>
          %sub3A_590 = arith.subf %scan3A_523, %max3A_589 : vector<16xf32>
          %exp3A_591 = math.exp %sub3A_590 : vector<16xf32>
          %mul3A_592 = arith.mulf %scan3A_524, %exp3A_591 : vector<16xf32>
          %sub3A_593 = arith.subf %get3A_588, %max3A_589 : vector<16xf32>
          %exp3A_594 = math.exp %sub3A_593 : vector<16xf32>
          %add3A_595 = arith.addf %mul3A_592, %exp3A_594 : vector<16xf32>
          scf.yield %max3A_535, %add3A_541, %max3A_553, %add3A_559, %max3A_571, %add3A_577, %max3A_589, %add3A_595 : vector<16xf32>, vector<16xf32>, vector<16xf32>, vector<16xf32>, vector<16xf32>, vector<16xf32>, vector<16xf32>, vector<16xf32>
        }
        %scan3A_479 = arith.constant 32 : i32
        %scan3A_480 = arith.constant 0 : i32
        %scan3A_481 = arith.constant 32 : i32
        %scan3A_482 = arith.addi %scan3A_480, %scan3A_481 : i32
        %scan3A_483 = arith.constant 1 : i32
        %scan3A_484:8 = scf.for %scan3A_516 = %scan3A_480 to %scan3A_482 step %scan3A_483 iter_args(%scan3A_517 = %scan3A_413, %scan3A_518 = %scan3A_414, %scan3A_519 = %scan3A_415, %scan3A_520 = %scan3A_416, %scan3A_521 = %scan3A_417, %scan3A_522 = %scan3A_418, %scan3A_523 = %scan3A_419, %scan3A_524 = %scan3A_420) -> (vector<16xf32>, vector<16xf32>, vector<16xf32>, vector<16xf32>, vector<16xf32>, vector<16xf32>, vector<16xf32>, vector<16xf32>)  : i32 {
          %mul3A_525 = arith.constant 4 : i32
          %mul3A_526 = arith.muli %mul3A_525, %scan3A_516 : i32
          %add3A_527 = arith.constant 0 : i32
          %add3A_528 = arith.addi %mul3A_526, %add3A_527 : i32
          %mul3A_529 = arith.constant 16 : i32
          %mul3A_530 = arith.muli %add3A_528, %mul3A_529 : i32
          %get3A = arith.constant 2 : i32
          %get3A_531 = arith.index_cast %get3A : i32 to index
          %get3A_532 = arith.index_cast %mul3A_530 : i32 to index
          %get3A_533 = tpu.vector_load %arg6[%get3A_531, %get3A_532] {strides = array<i32>} : memref<8x2048xf32, #tpu.memory_space<vmem>>, vector<1x16xf32>,
          %get3A_534 = vector.shape_cast %get3A_533 : vector<1x16xf32> to vector<16xf32>
          %max3A_535 = arith.maximumf %scan3A_517, %get3A_534 : vector<16xf32>
          %sub3A_536 = arith.subf %scan3A_517, %max3A_535 : vector<16xf32>
          %exp3A_537 = math.exp %sub3A_536 : vector<16xf32>
          %mul3A_538 = arith.mulf %scan3A_518, %exp3A_537 : vector<16xf32>
          %sub3A_539 = arith.subf %get3A_534, %max3A_535 : vector<16xf32>
          %exp3A_540 = math.exp %sub3A_539 : vector<16xf32>
          %add3A_541 = arith.addf %mul3A_538, %exp3A_540 : vector<16xf32>
          %mul3A_542 = arith.constant 4 : i32
          %mul3A_543 = arith.muli %mul3A_542, %scan3A_516 : i32
          %add3A_544 = arith.constant 1 : i32
          %add3A_545 = arith.addi %mul3A_543, %add3A_544 : i32
          %mul3A_546 = arith.constant 16 : i32
          %mul3A_547 = arith.muli %add3A_545, %mul3A_546 : i32
          %get3A_548 = arith.constant 2 : i32
          %get3A_549 = arith.index_cast %get3A_548 : i32 to index
          %get3A_550 = arith.index_cast %mul3A_547 : i32 to index
          %get3A_551 = tpu.vector_load %arg6[%get3A_549, %get3A_550] {strides = array<i32>} : memref<8x2048xf32, #tpu.memory_space<vmem>>, vector<1x16xf32>,
          %get3A_552 = vector.shape_cast %get3A_551 : vector<1x16xf32> to vector<16xf32>
          %max3A_553 = arith.maximumf %scan3A_519, %get3A_552 : vector<16xf32>
          %sub3A_554 = arith.subf %scan3A_519, %max3A_553 : vector<16xf32>
          %exp3A_555 = math.exp %sub3A_554 : vector<16xf32>
          %mul3A_556 = arith.mulf %scan3A_520, %exp3A_555 : vector<16xf32>
          %sub3A_557 = arith.subf %get3A_552, %max3A_553 : vector<16xf32>
          %exp3A_558 = math.exp %sub3A_557 : vector<16xf32>
          %add3A_559 = arith.addf %mul3A_556, %exp3A_558 : vector<16xf32>
          %mul3A_560 = arith.constant 4 : i32
          %mul3A_561 = arith.muli %mul3A_560, %scan3A_516 : i32
          %add3A_562 = arith.constant 2 : i32
          %add3A_563 = arith.addi %mul3A_561, %add3A_562 : i32
          %mul3A_564 = arith.constant 16 : i32
          %mul3A_565 = arith.muli %add3A_563, %mul3A_564 : i32
          %get3A_566 = arith.constant 2 : i32
          %get3A_567 = arith.index_cast %get3A_566 : i32 to index
          %get3A_568 = arith.index_cast %mul3A_565 : i32 to index
          %get3A_569 = tpu.vector_load %arg6[%get3A_567, %get3A_568] {strides = array<i32>} : memref<8x2048xf32, #tpu.memory_space<vmem>>, vector<1x16xf32>,
          %get3A_570 = vector.shape_cast %get3A_569 : vector<1x16xf32> to vector<16xf32>
          %max3A_571 = arith.maximumf %scan3A_521, %get3A_570 : vector<16xf32>
          %sub3A_572 = arith.subf %scan3A_521, %max3A_571 : vector<16xf32>
          %exp3A_573 = math.exp %sub3A_572 : vector<16xf32>
          %mul3A_574 = arith.mulf %scan3A_522, %exp3A_573 : vector<16xf32>
          %sub3A_575 = arith.subf %get3A_570, %max3A_571 : vector<16xf32>
          %exp3A_576 = math.exp %sub3A_575 : vector<16xf32>
          %add3A_577 = arith.addf %mul3A_574, %exp3A_576 : vector<16xf32>
          %mul3A_578 = arith.constant 4 : i32
          %mul3A_579 = arith.muli %mul3A_578, %scan3A_516 : i32
          %add3A_580 = arith.constant 3 : i32
          %add3A_581 = arith.addi %mul3A_579, %add3A_580 : i32
          %mul3A_582 = arith.constant 16 : i32
          %mul3A_583 = arith.muli %add3A_581, %mul3A_582 : i32
          %get3A_584 = arith.constant 2 : i32
          %get3A_585 = arith.index_cast %get3A_584 : i32 to index
          %get3A_586 = arith.index_cast %mul3A_583 : i32 to index
          %get3A_587 = tpu.vector_load %arg6[%get3A_585, %get3A_586] {strides = array<i32>} : memref<8x2048xf32, #tpu.memory_space<vmem>>, vector<1x16xf32>,
          %get3A_588 = vector.shape_cast %get3A_587 : vector<1x16xf32> to vector<16xf32>
          %max3A_589 = arith.maximumf %scan3A_523, %get3A_588 : vector<16xf32>
          %sub3A_590 = arith.subf %scan3A_523, %max3A_589 : vector<16xf32>
          %exp3A_591 = math.exp %sub3A_590 : vector<16xf32>
          %mul3A_592 = arith.mulf %scan3A_524, %exp3A_591 : vector<16xf32>
          %sub3A_593 = arith.subf %get3A_588, %max3A_589 : vector<16xf32>
          %exp3A_594 = math.exp %sub3A_593 : vector<16xf32>
          %add3A_595 = arith.addf %mul3A_592, %exp3A_594 : vector<16xf32>
          scf.yield %max3A_535, %add3A_541, %max3A_553, %add3A_559, %max3A_571, %add3A_577, %max3A_589, %add3A_595 : vector<16xf32>, vector<16xf32>, vector<16xf32>, vector<16xf32>, vector<16xf32>, vector<16xf32>, vector<16xf32>, vector<16xf32>
        }
        %scan3A_485 = arith.constant 32 : i32
        %scan3A_486 = arith.constant 0 : i32
        %scan3A_487 = arith.constant 32 : i32
        %scan3A_488 = arith.addi %scan3A_486, %scan3A_487 : i32
        %scan3A_489 = arith.constant 1 : i32
        %scan3A_490:8 = scf.for %scan3A_516 = %scan3A_486 to %scan3A_488 step %scan3A_489 iter_args(%scan3A_517 = %scan3A_421, %scan3A_518 = %scan3A_422, %scan3A_519 = %scan3A_423, %scan3A_520 = %scan3A_424, %scan3A_521 = %scan3A_425, %scan3A_522 = %scan3A_426, %scan3A_523 = %scan3A_427, %scan3A_524 = %scan3A_428) -> (vector<16xf32>, vector<16xf32>, vector<16xf32>, vector<16xf32>, vector<16xf32>, vector<16xf32>, vector<16xf32>, vector<16xf32>)  : i32 {
          %mul3A_525 = arith.constant 4 : i32
          %mul3A_526 = arith.muli %mul3A_525, %scan3A_516 : i32
          %add3A_527 = arith.constant 0 : i32
          %add3A_528 = arith.addi %mul3A_526, %add3A_527 : i32
          %mul3A_529 = arith.constant 16 : i32
          %mul3A_530 = arith.muli %add3A_528, %mul3A_529 : i32
          %get3A = arith.constant 3 : i32
          %get3A_531 = arith.index_cast %get3A : i32 to index
          %get3A_532 = arith.index_cast %mul3A_530 : i32 to index
          %get3A_533 = tpu.vector_load %arg6[%get3A_531, %get3A_532] {strides = array<i32>} : memref<8x2048xf32, #tpu.memory_space<vmem>>, vector<1x16xf32>,
          %get3A_534 = vector.shape_cast %get3A_533 : vector<1x16xf32> to vector<16xf32>
          %max3A_535 = arith.maximumf %scan3A_517, %get3A_534 : vector<16xf32>
          %sub3A_536 = arith.subf %scan3A_517, %max3A_535 : vector<16xf32>
          %exp3A_537 = math.exp %sub3A_536 : vector<16xf32>
          %mul3A_538 = arith.mulf %scan3A_518, %exp3A_537 : vector<16xf32>
          %sub3A_539 = arith.subf %get3A_534, %max3A_535 : vector<16xf32>
          %exp3A_540 = math.exp %sub3A_539 : vector<16xf32>
          %add3A_541 = arith.addf %mul3A_538, %exp3A_540 : vector<16xf32>
          %mul3A_542 = arith.constant 4 : i32
          %mul3A_543 = arith.muli %mul3A_542, %scan3A_516 : i32
          %add3A_544 = arith.constant 1 : i32
          %add3A_545 = arith.addi %mul3A_543, %add3A_544 : i32
          %mul3A_546 = arith.constant 16 : i32
          %mul3A_547 = arith.muli %add3A_545, %mul3A_546 : i32
          %get3A_548 = arith.constant 3 : i32
          %get3A_549 = arith.index_cast %get3A_548 : i32 to index
          %get3A_550 = arith.index_cast %mul3A_547 : i32 to index
          %get3A_551 = tpu.vector_load %arg6[%get3A_549, %get3A_550] {strides = array<i32>} : memref<8x2048xf32, #tpu.memory_space<vmem>>, vector<1x16xf32>,
          %get3A_552 = vector.shape_cast %get3A_551 : vector<1x16xf32> to vector<16xf32>
          %max3A_553 = arith.maximumf %scan3A_519, %get3A_552 : vector<16xf32>
          %sub3A_554 = arith.subf %scan3A_519, %max3A_553 : vector<16xf32>
          %exp3A_555 = math.exp %sub3A_554 : vector<16xf32>
          %mul3A_556 = arith.mulf %scan3A_520, %exp3A_555 : vector<16xf32>
          %sub3A_557 = arith.subf %get3A_552, %max3A_553 : vector<16xf32>
          %exp3A_558 = math.exp %sub3A_557 : vector<16xf32>
          %add3A_559 = arith.addf %mul3A_556, %exp3A_558 : vector<16xf32>
          %mul3A_560 = arith.constant 4 : i32
          %mul3A_561 = arith.muli %mul3A_560, %scan3A_516 : i32
          %add3A_562 = arith.constant 2 : i32
          %add3A_563 = arith.addi %mul3A_561, %add3A_562 : i32
          %mul3A_564 = arith.constant 16 : i32
          %mul3A_565 = arith.muli %add3A_563, %mul3A_564 : i32
          %get3A_566 = arith.constant 3 : i32
          %get3A_567 = arith.index_cast %get3A_566 : i32 to index
          %get3A_568 = arith.index_cast %mul3A_565 : i32 to index
          %get3A_569 = tpu.vector_load %arg6[%get3A_567, %get3A_568] {strides = array<i32>} : memref<8x2048xf32, #tpu.memory_space<vmem>>, vector<1x16xf32>,
          %get3A_570 = vector.shape_cast %get3A_569 : vector<1x16xf32> to vector<16xf32>
          %max3A_571 = arith.maximumf %scan3A_521, %get3A_570 : vector<16xf32>
          %sub3A_572 = arith.subf %scan3A_521, %max3A_571 : vector<16xf32>
          %exp3A_573 = math.exp %sub3A_572 : vector<16xf32>
          %mul3A_574 = arith.mulf %scan3A_522, %exp3A_573 : vector<16xf32>
          %sub3A_575 = arith.subf %get3A_570, %max3A_571 : vector<16xf32>
          %exp3A_576 = math.exp %sub3A_575 : vector<16xf32>
          %add3A_577 = arith.addf %mul3A_574, %exp3A_576 : vector<16xf32>
          %mul3A_578 = arith.constant 4 : i32
          %mul3A_579 = arith.muli %mul3A_578, %scan3A_516 : i32
          %add3A_580 = arith.constant 3 : i32
          %add3A_581 = arith.addi %mul3A_579, %add3A_580 : i32
          %mul3A_582 = arith.constant 16 : i32
          %mul3A_583 = arith.muli %add3A_581, %mul3A_582 : i32
          %get3A_584 = arith.constant 3 : i32
          %get3A_585 = arith.index_cast %get3A_584 : i32 to index
          %get3A_586 = arith.index_cast %mul3A_583 : i32 to index
          %get3A_587 = tpu.vector_load %arg6[%get3A_585, %get3A_586] {strides = array<i32>} : memref<8x2048xf32, #tpu.memory_space<vmem>>, vector<1x16xf32>,
          %get3A_588 = vector.shape_cast %get3A_587 : vector<1x16xf32> to vector<16xf32>
          %max3A_589 = arith.maximumf %scan3A_523, %get3A_588 : vector<16xf32>
          %sub3A_590 = arith.subf %scan3A_523, %max3A_589 : vector<16xf32>
          %exp3A_591 = math.exp %sub3A_590 : vector<16xf32>
          %mul3A_592 = arith.mulf %scan3A_524, %exp3A_591 : vector<16xf32>
          %sub3A_593 = arith.subf %get3A_588, %max3A_589 : vector<16xf32>
          %exp3A_594 = math.exp %sub3A_593 : vector<16xf32>
          %add3A_595 = arith.addf %mul3A_592, %exp3A_594 : vector<16xf32>
          scf.yield %max3A_535, %add3A_541, %max3A_553, %add3A_559, %max3A_571, %add3A_577, %max3A_589, %add3A_595 : vector<16xf32>, vector<16xf32>, vector<16xf32>, vector<16xf32>, vector<16xf32>, vector<16xf32>, vector<16xf32>, vector<16xf32>
        }
        %scan3A_491 = arith.constant 32 : i32
        %scan3A_492 = arith.constant 0 : i32
        %scan3A_493 = arith.constant 32 : i32
        %scan3A_494 = arith.addi %scan3A_492, %scan3A_493 : i32
        %scan3A_495 = arith.constant 1 : i32
        %scan3A_496:8 = scf.for %scan3A_516 = %scan3A_492 to %scan3A_494 step %scan3A_495 iter_args(%scan3A_517 = %scan3A_429, %scan3A_518 = %scan3A_430, %scan3A_519 = %scan3A_431, %scan3A_520 = %scan3A_432, %scan3A_521 = %scan3A_433, %scan3A_522 = %scan3A_434, %scan3A_523 = %scan3A_435, %scan3A_524 = %scan3A_436) -> (vector<16xf32>, vector<16xf32>, vector<16xf32>, vector<16xf32>, vector<16xf32>, vector<16xf32>, vector<16xf32>, vector<16xf32>)  : i32 {
          %mul3A_525 = arith.constant 4 : i32
          %mul3A_526 = arith.muli %mul3A_525, %scan3A_516 : i32
          %add3A_527 = arith.constant 0 : i32
          %add3A_528 = arith.addi %mul3A_526, %add3A_527 : i32
          %mul3A_529 = arith.constant 16 : i32
          %mul3A_530 = arith.muli %add3A_528, %mul3A_529 : i32
          %get3A = arith.constant 4 : i32
          %get3A_531 = arith.index_cast %get3A : i32 to index
          %get3A_532 = arith.index_cast %mul3A_530 : i32 to index
          %get3A_533 = tpu.vector_load %arg6[%get3A_531, %get3A_532] {strides = array<i32>} : memref<8x2048xf32, #tpu.memory_space<vmem>>, vector<1x16xf32>,
          %get3A_534 = vector.shape_cast %get3A_533 : vector<1x16xf32> to vector<16xf32>
          %max3A_535 = arith.maximumf %scan3A_517, %get3A_534 : vector<16xf32>
          %sub3A_536 = arith.subf %scan3A_517, %max3A_535 : vector<16xf32>
          %exp3A_537 = math.exp %sub3A_536 : vector<16xf32>
          %mul3A_538 = arith.mulf %scan3A_518, %exp3A_537 : vector<16xf32>
          %sub3A_539 = arith.subf %get3A_534, %max3A_535 : vector<16xf32>
          %exp3A_540 = math.exp %sub3A_539 : vector<16xf32>
          %add3A_541 = arith.addf %mul3A_538, %exp3A_540 : vector<16xf32>
          %mul3A_542 = arith.constant 4 : i32
          %mul3A_543 = arith.muli %mul3A_542, %scan3A_516 : i32
          %add3A_544 = arith.constant 1 : i32
          %add3A_545 = arith.addi %mul3A_543, %add3A_544 : i32
          %mul3A_546 = arith.constant 16 : i32
          %mul3A_547 = arith.muli %add3A_545, %mul3A_546 : i32
          %get3A_548 = arith.constant 4 : i32
          %get3A_549 = arith.index_cast %get3A_548 : i32 to index
          %get3A_550 = arith.index_cast %mul3A_547 : i32 to index
          %get3A_551 = tpu.vector_load %arg6[%get3A_549, %get3A_550] {strides = array<i32>} : memref<8x2048xf32, #tpu.memory_space<vmem>>, vector<1x16xf32>,
          %get3A_552 = vector.shape_cast %get3A_551 : vector<1x16xf32> to vector<16xf32>
          %max3A_553 = arith.maximumf %scan3A_519, %get3A_552 : vector<16xf32>
          %sub3A_554 = arith.subf %scan3A_519, %max3A_553 : vector<16xf32>
          %exp3A_555 = math.exp %sub3A_554 : vector<16xf32>
          %mul3A_556 = arith.mulf %scan3A_520, %exp3A_555 : vector<16xf32>
          %sub3A_557 = arith.subf %get3A_552, %max3A_553 : vector<16xf32>
          %exp3A_558 = math.exp %sub3A_557 : vector<16xf32>
          %add3A_559 = arith.addf %mul3A_556, %exp3A_558 : vector<16xf32>
          %mul3A_560 = arith.constant 4 : i32
          %mul3A_561 = arith.muli %mul3A_560, %scan3A_516 : i32
          %add3A_562 = arith.constant 2 : i32
          %add3A_563 = arith.addi %mul3A_561, %add3A_562 : i32
          %mul3A_564 = arith.constant 16 : i32
          %mul3A_565 = arith.muli %add3A_563, %mul3A_564 : i32
          %get3A_566 = arith.constant 4 : i32
          %get3A_567 = arith.index_cast %get3A_566 : i32 to index
          %get3A_568 = arith.index_cast %mul3A_565 : i32 to index
          %get3A_569 = tpu.vector_load %arg6[%get3A_567, %get3A_568] {strides = array<i32>} : memref<8x2048xf32, #tpu.memory_space<vmem>>, vector<1x16xf32>,
          %get3A_570 = vector.shape_cast %get3A_569 : vector<1x16xf32> to vector<16xf32>
          %max3A_571 = arith.maximumf %scan3A_521, %get3A_570 : vector<16xf32>
          %sub3A_572 = arith.subf %scan3A_521, %max3A_571 : vector<16xf32>
          %exp3A_573 = math.exp %sub3A_572 : vector<16xf32>
          %mul3A_574 = arith.mulf %scan3A_522, %exp3A_573 : vector<16xf32>
          %sub3A_575 = arith.subf %get3A_570, %max3A_571 : vector<16xf32>
          %exp3A_576 = math.exp %sub3A_575 : vector<16xf32>
          %add3A_577 = arith.addf %mul3A_574, %exp3A_576 : vector<16xf32>
          %mul3A_578 = arith.constant 4 : i32
          %mul3A_579 = arith.muli %mul3A_578, %scan3A_516 : i32
          %add3A_580 = arith.constant 3 : i32
          %add3A_581 = arith.addi %mul3A_579, %add3A_580 : i32
          %mul3A_582 = arith.constant 16 : i32
          %mul3A_583 = arith.muli %add3A_581, %mul3A_582 : i32
          %get3A_584 = arith.constant 4 : i32
          %get3A_585 = arith.index_cast %get3A_584 : i32 to index
          %get3A_586 = arith.index_cast %mul3A_583 : i32 to index
          %get3A_587 = tpu.vector_load %arg6[%get3A_585, %get3A_586] {strides = array<i32>} : memref<8x2048xf32, #tpu.memory_space<vmem>>, vector<1x16xf32>,
          %get3A_588 = vector.shape_cast %get3A_587 : vector<1x16xf32> to vector<16xf32>
          %max3A_589 = arith.maximumf %scan3A_523, %get3A_588 : vector<16xf32>
          %sub3A_590 = arith.subf %scan3A_523, %max3A_589 : vector<16xf32>
          %exp3A_591 = math.exp %sub3A_590 : vector<16xf32>
          %mul3A_592 = arith.mulf %scan3A_524, %exp3A_591 : vector<16xf32>
          %sub3A_593 = arith.subf %get3A_588, %max3A_589 : vector<16xf32>
          %exp3A_594 = math.exp %sub3A_593 : vector<16xf32>
          %add3A_595 = arith.addf %mul3A_592, %exp3A_594 : vector<16xf32>
          scf.yield %max3A_535, %add3A_541, %max3A_553, %add3A_559, %max3A_571, %add3A_577, %max3A_589, %add3A_595 : vector<16xf32>, vector<16xf32>, vector<16xf32>, vector<16xf32>, vector<16xf32>, vector<16xf32>, vector<16xf32>, vector<16xf32>
        }
        %scan3A_497 = arith.constant 32 : i32
        %scan3A_498 = arith.constant 0 : i32
        %scan3A_499 = arith.constant 32 : i32
        %scan3A_500 = arith.addi %scan3A_498, %scan3A_499 : i32
        %scan3A_501 = arith.constant 1 : i32
        %scan3A_502:8 = scf.for %scan3A_516 = %scan3A_498 to %scan3A_500 step %scan3A_501 iter_args(%scan3A_517 = %scan3A_437, %scan3A_518 = %scan3A_438, %scan3A_519 = %scan3A_439, %scan3A_520 = %scan3A_440, %scan3A_521 = %scan3A_441, %scan3A_522 = %scan3A_442, %scan3A_523 = %scan3A_443, %scan3A_524 = %scan3A_444) -> (vector<16xf32>, vector<16xf32>, vector<16xf32>, vector<16xf32>, vector<16xf32>, vector<16xf32>, vector<16xf32>, vector<16xf32>)  : i32 {
          %mul3A_525 = arith.constant 4 : i32
          %mul3A_526 = arith.muli %mul3A_525, %scan3A_516 : i32
          %add3A_527 = arith.constant 0 : i32
          %add3A_528 = arith.addi %mul3A_526, %add3A_527 : i32
          %mul3A_529 = arith.constant 16 : i32
          %mul3A_530 = arith.muli %add3A_528, %mul3A_529 : i32
          %get3A = arith.constant 5 : i32
          %get3A_531 = arith.index_cast %get3A : i32 to index
          %get3A_532 = arith.index_cast %mul3A_530 : i32 to index
          %get3A_533 = tpu.vector_load %arg6[%get3A_531, %get3A_532] {strides = array<i32>} : memref<8x2048xf32, #tpu.memory_space<vmem>>, vector<1x16xf32>,
          %get3A_534 = vector.shape_cast %get3A_533 : vector<1x16xf32> to vector<16xf32>
          %max3A_535 = arith.maximumf %scan3A_517, %get3A_534 : vector<16xf32>
          %sub3A_536 = arith.subf %scan3A_517, %max3A_535 : vector<16xf32>
          %exp3A_537 = math.exp %sub3A_536 : vector<16xf32>
          %mul3A_538 = arith.mulf %scan3A_518, %exp3A_537 : vector<16xf32>
          %sub3A_539 = arith.subf %get3A_534, %max3A_535 : vector<16xf32>
          %exp3A_540 = math.exp %sub3A_539 : vector<16xf32>
          %add3A_541 = arith.addf %mul3A_538, %exp3A_540 : vector<16xf32>
          %mul3A_542 = arith.constant 4 : i32
          %mul3A_543 = arith.muli %mul3A_542, %scan3A_516 : i32
          %add3A_544 = arith.constant 1 : i32
          %add3A_545 = arith.addi %mul3A_543, %add3A_544 : i32
          %mul3A_546 = arith.constant 16 : i32
          %mul3A_547 = arith.muli %add3A_545, %mul3A_546 : i32
          %get3A_548 = arith.constant 5 : i32
          %get3A_549 = arith.index_cast %get3A_548 : i32 to index
          %get3A_550 = arith.index_cast %mul3A_547 : i32 to index
          %get3A_551 = tpu.vector_load %arg6[%get3A_549, %get3A_550] {strides = array<i32>} : memref<8x2048xf32, #tpu.memory_space<vmem>>, vector<1x16xf32>,
          %get3A_552 = vector.shape_cast %get3A_551 : vector<1x16xf32> to vector<16xf32>
          %max3A_553 = arith.maximumf %scan3A_519, %get3A_552 : vector<16xf32>
          %sub3A_554 = arith.subf %scan3A_519, %max3A_553 : vector<16xf32>
          %exp3A_555 = math.exp %sub3A_554 : vector<16xf32>
          %mul3A_556 = arith.mulf %scan3A_520, %exp3A_555 : vector<16xf32>
          %sub3A_557 = arith.subf %get3A_552, %max3A_553 : vector<16xf32>
          %exp3A_558 = math.exp %sub3A_557 : vector<16xf32>
          %add3A_559 = arith.addf %mul3A_556, %exp3A_558 : vector<16xf32>
          %mul3A_560 = arith.constant 4 : i32
          %mul3A_561 = arith.muli %mul3A_560, %scan3A_516 : i32
          %add3A_562 = arith.constant 2 : i32
          %add3A_563 = arith.addi %mul3A_561, %add3A_562 : i32
          %mul3A_564 = arith.constant 16 : i32
          %mul3A_565 = arith.muli %add3A_563, %mul3A_564 : i32
          %get3A_566 = arith.constant 5 : i32
          %get3A_567 = arith.index_cast %get3A_566 : i32 to index
          %get3A_568 = arith.index_cast %mul3A_565 : i32 to index
          %get3A_569 = tpu.vector_load %arg6[%get3A_567, %get3A_568] {strides = array<i32>} : memref<8x2048xf32, #tpu.memory_space<vmem>>, vector<1x16xf32>,
          %get3A_570 = vector.shape_cast %get3A_569 : vector<1x16xf32> to vector<16xf32>
          %max3A_571 = arith.maximumf %scan3A_521, %get3A_570 : vector<16xf32>
          %sub3A_572 = arith.subf %scan3A_521, %max3A_571 : vector<16xf32>
          %exp3A_573 = math.exp %sub3A_572 : vector<16xf32>
          %mul3A_574 = arith.mulf %scan3A_522, %exp3A_573 : vector<16xf32>
          %sub3A_575 = arith.subf %get3A_570, %max3A_571 : vector<16xf32>
          %exp3A_576 = math.exp %sub3A_575 : vector<16xf32>
          %add3A_577 = arith.addf %mul3A_574, %exp3A_576 : vector<16xf32>
          %mul3A_578 = arith.constant 4 : i32
          %mul3A_579 = arith.muli %mul3A_578, %scan3A_516 : i32
          %add3A_580 = arith.constant 3 : i32
          %add3A_581 = arith.addi %mul3A_579, %add3A_580 : i32
          %mul3A_582 = arith.constant 16 : i32
          %mul3A_583 = arith.muli %add3A_581, %mul3A_582 : i32
          %get3A_584 = arith.constant 5 : i32
          %get3A_585 = arith.index_cast %get3A_584 : i32 to index
          %get3A_586 = arith.index_cast %mul3A_583 : i32 to index
          %get3A_587 = tpu.vector_load %arg6[%get3A_585, %get3A_586] {strides = array<i32>} : memref<8x2048xf32, #tpu.memory_space<vmem>>, vector<1x16xf32>,
          %get3A_588 = vector.shape_cast %get3A_587 : vector<1x16xf32> to vector<16xf32>
          %max3A_589 = arith.maximumf %scan3A_523, %get3A_588 : vector<16xf32>
          %sub3A_590 = arith.subf %scan3A_523, %max3A_589 : vector<16xf32>
          %exp3A_591 = math.exp %sub3A_590 : vector<16xf32>
          %mul3A_592 = arith.mulf %scan3A_524, %exp3A_591 : vector<16xf32>
          %sub3A_593 = arith.subf %get3A_588, %max3A_589 : vector<16xf32>
          %exp3A_594 = math.exp %sub3A_593 : vector<16xf32>
          %add3A_595 = arith.addf %mul3A_592, %exp3A_594 : vector<16xf32>
          scf.yield %max3A_535, %add3A_541, %max3A_553, %add3A_559, %max3A_571, %add3A_577, %max3A_589, %add3A_595 : vector<16xf32>, vector<16xf32>, vector<16xf32>, vector<16xf32>, vector<16xf32>, vector<16xf32>, vector<16xf32>, vector<16xf32>
        }
        %scan3A_503 = arith.constant 32 : i32
        %scan3A_504 = arith.constant 0 : i32
        %scan3A_505 = arith.constant 32 : i32
        %scan3A_506 = arith.addi %scan3A_504, %scan3A_505 : i32
        %scan3A_507 = arith.constant 1 : i32
        %scan3A_508:8 = scf.for %scan3A_516 = %scan3A_504 to %scan3A_506 step %scan3A_507 iter_args(%scan3A_517 = %scan3A_445, %scan3A_518 = %scan3A_446, %scan3A_519 = %scan3A_447, %scan3A_520 = %scan3A_448, %scan3A_521 = %scan3A_449, %scan3A_522 = %scan3A_450, %scan3A_523 = %scan3A_451, %scan3A_524 = %scan3A_452) -> (vector<16xf32>, vector<16xf32>, vector<16xf32>, vector<16xf32>, vector<16xf32>, vector<16xf32>, vector<16xf32>, vector<16xf32>)  : i32 {
          %mul3A_525 = arith.constant 4 : i32
          %mul3A_526 = arith.muli %mul3A_525, %scan3A_516 : i32
          %add3A_527 = arith.constant 0 : i32
          %add3A_528 = arith.addi %mul3A_526, %add3A_527 : i32
          %mul3A_529 = arith.constant 16 : i32
          %mul3A_530 = arith.muli %add3A_528, %mul3A_529 : i32
          %get3A = arith.constant 6 : i32
          %get3A_531 = arith.index_cast %get3A : i32 to index
          %get3A_532 = arith.index_cast %mul3A_530 : i32 to index
          %get3A_533 = tpu.vector_load %arg6[%get3A_531, %get3A_532] {strides = array<i32>} : memref<8x2048xf32, #tpu.memory_space<vmem>>, vector<1x16xf32>,
          %get3A_534 = vector.shape_cast %get3A_533 : vector<1x16xf32> to vector<16xf32>
          %max3A_535 = arith.maximumf %scan3A_517, %get3A_534 : vector<16xf32>
          %sub3A_536 = arith.subf %scan3A_517, %max3A_535 : vector<16xf32>
          %exp3A_537 = math.exp %sub3A_536 : vector<16xf32>
          %mul3A_538 = arith.mulf %scan3A_518, %exp3A_537 : vector<16xf32>
          %sub3A_539 = arith.subf %get3A_534, %max3A_535 : vector<16xf32>
          %exp3A_540 = math.exp %sub3A_539 : vector<16xf32>
          %add3A_541 = arith.addf %mul3A_538, %exp3A_540 : vector<16xf32>
          %mul3A_542 = arith.constant 4 : i32
          %mul3A_543 = arith.muli %mul3A_542, %scan3A_516 : i32
          %add3A_544 = arith.constant 1 : i32
          %add3A_545 = arith.addi %mul3A_543, %add3A_544 : i32
          %mul3A_546 = arith.constant 16 : i32
          %mul3A_547 = arith.muli %add3A_545, %mul3A_546 : i32
          %get3A_548 = arith.constant 6 : i32
          %get3A_549 = arith.index_cast %get3A_548 : i32 to index
          %get3A_550 = arith.index_cast %mul3A_547 : i32 to index
          %get3A_551 = tpu.vector_load %arg6[%get3A_549, %get3A_550] {strides = array<i32>} : memref<8x2048xf32, #tpu.memory_space<vmem>>, vector<1x16xf32>,
          %get3A_552 = vector.shape_cast %get3A_551 : vector<1x16xf32> to vector<16xf32>
          %max3A_553 = arith.maximumf %scan3A_519, %get3A_552 : vector<16xf32>
          %sub3A_554 = arith.subf %scan3A_519, %max3A_553 : vector<16xf32>
          %exp3A_555 = math.exp %sub3A_554 : vector<16xf32>
          %mul3A_556 = arith.mulf %scan3A_520, %exp3A_555 : vector<16xf32>
          %sub3A_557 = arith.subf %get3A_552, %max3A_553 : vector<16xf32>
          %exp3A_558 = math.exp %sub3A_557 : vector<16xf32>
          %add3A_559 = arith.addf %mul3A_556, %exp3A_558 : vector<16xf32>
          %mul3A_560 = arith.constant 4 : i32
          %mul3A_561 = arith.muli %mul3A_560, %scan3A_516 : i32
          %add3A_562 = arith.constant 2 : i32
          %add3A_563 = arith.addi %mul3A_561, %add3A_562 : i32
          %mul3A_564 = arith.constant 16 : i32
          %mul3A_565 = arith.muli %add3A_563, %mul3A_564 : i32
          %get3A_566 = arith.constant 6 : i32
          %get3A_567 = arith.index_cast %get3A_566 : i32 to index
          %get3A_568 = arith.index_cast %mul3A_565 : i32 to index
          %get3A_569 = tpu.vector_load %arg6[%get3A_567, %get3A_568] {strides = array<i32>} : memref<8x2048xf32, #tpu.memory_space<vmem>>, vector<1x16xf32>,
          %get3A_570 = vector.shape_cast %get3A_569 : vector<1x16xf32> to vector<16xf32>
          %max3A_571 = arith.maximumf %scan3A_521, %get3A_570 : vector<16xf32>
          %sub3A_572 = arith.subf %scan3A_521, %max3A_571 : vector<16xf32>
          %exp3A_573 = math.exp %sub3A_572 : vector<16xf32>
          %mul3A_574 = arith.mulf %scan3A_522, %exp3A_573 : vector<16xf32>
          %sub3A_575 = arith.subf %get3A_570, %max3A_571 : vector<16xf32>
          %exp3A_576 = math.exp %sub3A_575 : vector<16xf32>
          %add3A_577 = arith.addf %mul3A_574, %exp3A_576 : vector<16xf32>
          %mul3A_578 = arith.constant 4 : i32
          %mul3A_579 = arith.muli %mul3A_578, %scan3A_516 : i32
          %add3A_580 = arith.constant 3 : i32
          %add3A_581 = arith.addi %mul3A_579, %add3A_580 : i32
          %mul3A_582 = arith.constant 16 : i32
          %mul3A_583 = arith.muli %add3A_581, %mul3A_582 : i32
          %get3A_584 = arith.constant 6 : i32
          %get3A_585 = arith.index_cast %get3A_584 : i32 to index
          %get3A_586 = arith.index_cast %mul3A_583 : i32 to index
          %get3A_587 = tpu.vector_load %arg6[%get3A_585, %get3A_586] {strides = array<i32>} : memref<8x2048xf32, #tpu.memory_space<vmem>>, vector<1x16xf32>,
          %get3A_588 = vector.shape_cast %get3A_587 : vector<1x16xf32> to vector<16xf32>
          %max3A_589 = arith.maximumf %scan3A_523, %get3A_588 : vector<16xf32>
          %sub3A_590 = arith.subf %scan3A_523, %max3A_589 : vector<16xf32>
          %exp3A_591 = math.exp %sub3A_590 : vector<16xf32>
          %mul3A_592 = arith.mulf %scan3A_524, %exp3A_591 : vector<16xf32>
          %sub3A_593 = arith.subf %get3A_588, %max3A_589 : vector<16xf32>
          %exp3A_594 = math.exp %sub3A_593 : vector<16xf32>
          %add3A_595 = arith.addf %mul3A_592, %exp3A_594 : vector<16xf32>
          scf.yield %max3A_535, %add3A_541, %max3A_553, %add3A_559, %max3A_571, %add3A_577, %max3A_589, %add3A_595 : vector<16xf32>, vector<16xf32>, vector<16xf32>, vector<16xf32>, vector<16xf32>, vector<16xf32>, vector<16xf32>, vector<16xf32>
        }
        %scan3A_509 = arith.constant 32 : i32
        %scan3A_510 = arith.constant 0 : i32
        %scan3A_511 = arith.constant 32 : i32
        %scan3A_512 = arith.addi %scan3A_510, %scan3A_511 : i32
        %scan3A_513 = arith.constant 1 : i32
        %scan3A_514:8 = scf.for %scan3A_516 = %scan3A_510 to %scan3A_512 step %scan3A_513 iter_args(%scan3A_517 = %scan3A_453, %scan3A_518 = %scan3A_454, %scan3A_519 = %scan3A_455, %scan3A_520 = %scan3A_456, %scan3A_521 = %scan3A_457, %scan3A_522 = %scan3A_458, %scan3A_523 = %scan3A_459, %scan3A_524 = %scan3A_460) -> (vector<16xf32>, vector<16xf32>, vector<16xf32>, vector<16xf32>, vector<16xf32>, vector<16xf32>, vector<16xf32>, vector<16xf32>)  : i32 {
          %mul3A_525 = arith.constant 4 : i32
          %mul3A_526 = arith.muli %mul3A_525, %scan3A_516 : i32
          %add3A_527 = arith.constant 0 : i32
          %add3A_528 = arith.addi %mul3A_526, %add3A_527 : i32
          %mul3A_529 = arith.constant 16 : i32
          %mul3A_530 = arith.muli %add3A_528, %mul3A_529 : i32
          %get3A = arith.constant 7 : i32
          %get3A_531 = arith.index_cast %get3A : i32 to index
          %get3A_532 = arith.index_cast %mul3A_530 : i32 to index
          %get3A_533 = tpu.vector_load %arg6[%get3A_531, %get3A_532] {strides = array<i32>} : memref<8x2048xf32, #tpu.memory_space<vmem>>, vector<1x16xf32>,
          %get3A_534 = vector.shape_cast %get3A_533 : vector<1x16xf32> to vector<16xf32>
          %max3A_535 = arith.maximumf %scan3A_517, %get3A_534 : vector<16xf32>
          %sub3A_536 = arith.subf %scan3A_517, %max3A_535 : vector<16xf32>
          %exp3A_537 = math.exp %sub3A_536 : vector<16xf32>
          %mul3A_538 = arith.mulf %scan3A_518, %exp3A_537 : vector<16xf32>
          %sub3A_539 = arith.subf %get3A_534, %max3A_535 : vector<16xf32>
          %exp3A_540 = math.exp %sub3A_539 : vector<16xf32>
          %add3A_541 = arith.addf %mul3A_538, %exp3A_540 : vector<16xf32>
          %mul3A_542 = arith.constant 4 : i32
          %mul3A_543 = arith.muli %mul3A_542, %scan3A_516 : i32
          %add3A_544 = arith.constant 1 : i32
          %add3A_545 = arith.addi %mul3A_543, %add3A_544 : i32
          %mul3A_546 = arith.constant 16 : i32
          %mul3A_547 = arith.muli %add3A_545, %mul3A_546 : i32
          %get3A_548 = arith.constant 7 : i32
          %get3A_549 = arith.index_cast %get3A_548 : i32 to index
          %get3A_550 = arith.index_cast %mul3A_547 : i32 to index
          %get3A_551 = tpu.vector_load %arg6[%get3A_549, %get3A_550] {strides = array<i32>} : memref<8x2048xf32, #tpu.memory_space<vmem>>, vector<1x16xf32>,
          %get3A_552 = vector.shape_cast %get3A_551 : vector<1x16xf32> to vector<16xf32>
          %max3A_553 = arith.maximumf %scan3A_519, %get3A_552 : vector<16xf32>
          %sub3A_554 = arith.subf %scan3A_519, %max3A_553 : vector<16xf32>
          %exp3A_555 = math.exp %sub3A_554 : vector<16xf32>
          %mul3A_556 = arith.mulf %scan3A_520, %exp3A_555 : vector<16xf32>
          %sub3A_557 = arith.subf %get3A_552, %max3A_553 : vector<16xf32>
          %exp3A_558 = math.exp %sub3A_557 : vector<16xf32>
          %add3A_559 = arith.addf %mul3A_556, %exp3A_558 : vector<16xf32>
          %mul3A_560 = arith.constant 4 : i32
          %mul3A_561 = arith.muli %mul3A_560, %scan3A_516 : i32
          %add3A_562 = arith.constant 2 : i32
          %add3A_563 = arith.addi %mul3A_561, %add3A_562 : i32
          %mul3A_564 = arith.constant 16 : i32
          %mul3A_565 = arith.muli %add3A_563, %mul3A_564 : i32
          %get3A_566 = arith.constant 7 : i32
          %get3A_567 = arith.index_cast %get3A_566 : i32 to index
          %get3A_568 = arith.index_cast %mul3A_565 : i32 to index
          %get3A_569 = tpu.vector_load %arg6[%get3A_567, %get3A_568] {strides = array<i32>} : memref<8x2048xf32, #tpu.memory_space<vmem>>, vector<1x16xf32>,
          %get3A_570 = vector.shape_cast %get3A_569 : vector<1x16xf32> to vector<16xf32>
          %max3A_571 = arith.maximumf %scan3A_521, %get3A_570 : vector<16xf32>
          %sub3A_572 = arith.subf %scan3A_521, %max3A_571 : vector<16xf32>
          %exp3A_573 = math.exp %sub3A_572 : vector<16xf32>
          %mul3A_574 = arith.mulf %scan3A_522, %exp3A_573 : vector<16xf32>
          %sub3A_575 = arith.subf %get3A_570, %max3A_571 : vector<16xf32>
          %exp3A_576 = math.exp %sub3A_575 : vector<16xf32>
          %add3A_577 = arith.addf %mul3A_574, %exp3A_576 : vector<16xf32>
          %mul3A_578 = arith.constant 4 : i32
          %mul3A_579 = arith.muli %mul3A_578, %scan3A_516 : i32
          %add3A_580 = arith.constant 3 : i32
          %add3A_581 = arith.addi %mul3A_579, %add3A_580 : i32
          %mul3A_582 = arith.constant 16 : i32
          %mul3A_583 = arith.muli %add3A_581, %mul3A_582 : i32
          %get3A_584 = arith.constant 7 : i32
          %get3A_585 = arith.index_cast %get3A_584 : i32 to index
          %get3A_586 = arith.index_cast %mul3A_583 : i32 to index
          %get3A_587 = tpu.vector_load %arg6[%get3A_585, %get3A_586] {strides = array<i32>} : memref<8x2048xf32, #tpu.memory_space<vmem>>, vector<1x16xf32>,
          %get3A_588 = vector.shape_cast %get3A_587 : vector<1x16xf32> to vector<16xf32>
          %max3A_589 = arith.maximumf %scan3A_523, %get3A_588 : vector<16xf32>
          %sub3A_590 = arith.subf %scan3A_523, %max3A_589 : vector<16xf32>
          %exp3A_591 = math.exp %sub3A_590 : vector<16xf32>
          %mul3A_592 = arith.mulf %scan3A_524, %exp3A_591 : vector<16xf32>
          %sub3A_593 = arith.subf %get3A_588, %max3A_589 : vector<16xf32>
          %exp3A_594 = math.exp %sub3A_593 : vector<16xf32>
          %add3A_595 = arith.addf %mul3A_592, %exp3A_594 : vector<16xf32>
          scf.yield %max3A_535, %add3A_541, %max3A_553, %add3A_559, %max3A_571, %add3A_577, %max3A_589, %add3A_595 : vector<16xf32>, vector<16xf32>, vector<16xf32>, vector<16xf32>, vector<16xf32>, vector<16xf32>, vector<16xf32>, vector<16xf32>
        }
        %scan3A_515 = arith.constant 32 : i32
        scf.yield %scan3A_472#0, %scan3A_472#1, %scan3A_472#2, %scan3A_472#3, %scan3A_472#4, %scan3A_472#5, %scan3A_472#6, %scan3A_472#7, %scan3A_478#0, %scan3A_478#1, %scan3A_478#2, %scan3A_478#3, %scan3A_478#4, %scan3A_478#5, %scan3A_478#6, %scan3A_478#7, %scan3A_484#0, %scan3A_484#1, %scan3A_484#2, %scan3A_484#3, %scan3A_484#4, %scan3A_484#5, %scan3A_484#6, %scan3A_484#7, %scan3A_490#0, %scan3A_490#1, %scan3A_490#2, %scan3A_490#3, %scan3A_490#4, %scan3A_490#5, %scan3A_490#6, %scan3A_490#7, %scan3A_496#0, %scan3A_496#1, %scan3A_496#2, %scan3A_496#3, %scan3A_496#4, %scan3A_496#5, %scan3A_496#6, %scan3A_496#7, %scan3A_502#0, %scan3A_502#1, %scan3A_502#2, %scan3A_502#3, %scan3A_502#4, %scan3A_502#5, %scan3A_502#6, %scan3A_502#7, %scan3A_508#0, %scan3A_508#1, %scan3A_508#2, %scan3A_508#3, %scan3A_508#4, %scan3A_508#5, %scan3A_508#6, %scan3A_508#7, %scan3A_514#0, %scan3A_514#1, %scan3A_514#2, %scan3A_514#3, %scan3A_514#4, %scan3A_514#5, %scan3A_514#6, %scan3A_514#7 : vector<16xf32>, vector<16xf32>, vector<16xf32>, vector<16xf32>, vector<16xf32>, vector<16xf32>, vector<16xf32>, vector<16xf32>, vector<16xf32>, vector<16xf32>, vector<16xf32>, vector<16xf32>, vector<16xf32>, vector<16xf32>, vector<16xf32>, vector<16xf32>, vector<16xf32>, vector<16xf32>, vector<16xf32>, vector<16xf32>, vector<16xf32>, vector<16xf32>, vector<16xf32>, vector<16xf32>, vector<16xf32>, vector<16xf32>, vector<16xf32>, vector<16xf32>, vector<16xf32>, vector<16xf32>, vector<16xf32>, vector<16xf32>, vector<16xf32>, vector<16xf32>, vector<16xf32>, vector<16xf32>, vector<16xf32>, vector<16xf32>, vector<16xf32>, vector<16xf32>, vector<16xf32>, vector<16xf32>, vector<16xf32>, vector<16xf32>, vector<16xf32>, vector<16xf32>, vector<16xf32>, vector<16xf32>, vector<16xf32>, vector<16xf32>, vector<16xf32>, vector<16xf32>, vector<16xf32>, vector<16xf32>, vector<16xf32>, vector<16xf32>, vector<16xf32>, vector<16xf32>, vector<16xf32>, vector<16xf32>, vector<16xf32>, vector<16xf32>, vector<16xf32>, vector<16xf32>
      }
      %scan3A_86 = arith.constant 6 : i32
      %max3A = arith.maximumf %scan3A_85#0, %scan3A_85#2 : vector<16xf32>
      %max3A_87 = arith.maximumf %max3A, %scan3A_85#4 : vector<16xf32>
      %max3A_88 = arith.maximumf %max3A_87, %scan3A_85#6 : vector<16xf32>
      %broadcast_in_dim3A_89 = arith.constant 0.000000e+00 : f32
      %broadcast_in_dim3A_90 = vector.broadcast %broadcast_in_dim3A_89 : f32 to vector<16xf32>
      %sub3A_91 = arith.subf %scan3A_85#0, %max3A_88 : vector<16xf32>
      %exp3A = math.exp %sub3A_91 : vector<16xf32>
      %mul3A_92 = arith.mulf %scan3A_85#1, %exp3A : vector<16xf32>
      %add3A_93 = arith.addf %broadcast_in_dim3A_90, %mul3A_92 : vector<16xf32>
      %sub3A_94 = arith.subf %scan3A_85#2, %max3A_88 : vector<16xf32>
      %exp3A_95 = math.exp %sub3A_94 : vector<16xf32>
      %mul3A_96 = arith.mulf %scan3A_85#3, %exp3A_95 : vector<16xf32>
      %add3A_97 = arith.addf %add3A_93, %mul3A_96 : vector<16xf32>
      %sub3A_98 = arith.subf %scan3A_85#4, %max3A_88 : vector<16xf32>
      %exp3A_99 = math.exp %sub3A_98 : vector<16xf32>
      %mul3A_100 = arith.mulf %scan3A_85#5, %exp3A_99 : vector<16xf32>
      %add3A_101 = arith.addf %add3A_97, %mul3A_100 : vector<16xf32>
      %sub3A_102 = arith.subf %scan3A_85#6, %max3A_88 : vector<16xf32>
      %exp3A_103 = math.exp %sub3A_102 : vector<16xf32>
      %mul3A_104 = arith.mulf %scan3A_85#7, %exp3A_103 : vector<16xf32>
      %add3A_105 = arith.addf %add3A_101, %mul3A_104 : vector<16xf32>
      %swap3A = arith.constant 0 : index
      %swap3A_106 = tpu.vector_load %arg7[%swap3A] {strides = array<i32>} : memref<16xf32, #tpu.memory_space<vmem>>, vector<16xf32>,
      %swap3A_107 = vector.shape_cast %swap3A_106 : vector<16xf32> to vector<16xf32>
      %swap3A_108 = vector.shape_cast %max3A_88 : vector<16xf32> to vector<16xf32>
      tpu.vector_store %arg7[%swap3A], %swap3A_108 {strides = array<i32>} : memref<16xf32, #tpu.memory_space<vmem>>, vector<16xf32>,
      %swap3A_109 = arith.constant 0 : index
      %swap3A_110 = tpu.vector_load %arg8[%swap3A_109] {strides = array<i32>} : memref<16xf32, #tpu.memory_space<vmem>>, vector<16xf32>,
      %swap3A_111 = vector.shape_cast %swap3A_110 : vector<16xf32> to vector<16xf32>
      %swap3A_112 = vector.shape_cast %add3A_105 : vector<16xf32> to vector<16xf32>
      tpu.vector_store %arg8[%swap3A_109], %swap3A_112 {strides = array<i32>} : memref<16xf32, #tpu.memory_space<vmem>>, vector<16xf32>,
      %mul3A_113 = arith.constant 2048 : i32
      %mul3A_114 = arith.muli %select_n3A, %mul3A_113 : i32
      %mul3A_115 = arith.constant 1024 : i32
      %mul3A_116 = arith.muli %select_n3A_54, %mul3A_115 : i32
      %add3A_117 = arith.addi %mul3A_114, %mul3A_116 : i32
      %add3A_118 = arith.constant 0 : i32
      %add3A_119 = arith.addi %add3A_117, %add3A_118 : i32
      %mul3A_120 = arith.constant 16 : i32
      %mul3A_121 = arith.muli %select_n3A_70, %mul3A_120 : i32
      %add3A_122 = arith.addi %add3A_119, %mul3A_121 : i32
      "tpu.region"() ({
        %run_scoped3A = tpu.sem_alloc : memref<!tpu.dma_semaphore, #tpu.memory_space<semaphore_mem>>
        %dma_start3A = tpu.memref_slice %arg4[%add3A_122] : memref<4096xf32, #tpu.memory_space<hbm>> -> memref<16xf32, #tpu.memory_space<hbm>>
        %dma_start3A_396 = tpu.memref_slice %arg4[%add3A_122] : memref<4096xf32, #tpu.memory_space<hbm>> -> memref<16xf32, #tpu.memory_space<hbm>>
        tpu.enqueue_dma source(%arg7 : memref<16xf32, #tpu.memory_space<vmem>>) target(%dma_start3A_396 : memref<16xf32, #tpu.memory_space<hbm>>) target_semaphore(%run_scoped3A : memref<!tpu.dma_semaphore, #tpu.memory_space<semaphore_mem>>)
        %dma_wait3A = tpu.memref_slice %arg4[%add3A_122] : memref<4096xf32, #tpu.memory_space<hbm>> -> memref<16xf32, #tpu.memory_space<hbm>>
        %dma_wait3A_397 = tpu.memref_slice %arg4[%add3A_122] : memref<4096xf32, #tpu.memory_space<hbm>> -> memref<16xf32, #tpu.memory_space<hbm>>
        tpu.wait_dma2 semaphore(%run_scoped3A : memref<!tpu.dma_semaphore, #tpu.memory_space<semaphore_mem>>) src(%arg7 : memref<16xf32, #tpu.memory_space<vmem>>) dst(%dma_wait3A_397 : memref<16xf32, #tpu.memory_space<hbm>>)
        tpu.yield
      }) : () -> ()
      "tpu.region"() ({
        %run_scoped3A = tpu.sem_alloc : memref<!tpu.dma_semaphore, #tpu.memory_space<semaphore_mem>>
        %dma_start3A = tpu.memref_slice %arg5[%add3A_122] : memref<4096xf32, #tpu.memory_space<hbm>> -> memref<16xf32, #tpu.memory_space<hbm>>
        %dma_start3A_396 = tpu.memref_slice %arg5[%add3A_122] : memref<4096xf32, #tpu.memory_space<hbm>> -> memref<16xf32, #tpu.memory_space<hbm>>
        tpu.enqueue_dma source(%arg8 : memref<16xf32, #tpu.memory_space<vmem>>) target(%dma_start3A_396 : memref<16xf32, #tpu.memory_space<hbm>>) target_semaphore(%run_scoped3A : memref<!tpu.dma_semaphore, #tpu.memory_space<semaphore_mem>>)
        %dma_wait3A = tpu.memref_slice %arg5[%add3A_122] : memref<4096xf32, #tpu.memory_space<hbm>> -> memref<16xf32, #tpu.memory_space<hbm>>
        %dma_wait3A_397 = tpu.memref_slice %arg5[%add3A_122] : memref<4096xf32, #tpu.memory_space<hbm>> -> memref<16xf32, #tpu.memory_space<hbm>>
        tpu.wait_dma2 semaphore(%run_scoped3A : memref<!tpu.dma_semaphore, #tpu.memory_space<semaphore_mem>>) src(%arg8 : memref<16xf32, #tpu.memory_space<vmem>>) dst(%dma_wait3A_397 : memref<16xf32, #tpu.memory_space<hbm>>)
        tpu.yield
      }) : () -> ()
      %max3A_123 = arith.maximumf %scan3A_85#8, %scan3A_85#10 : vector<16xf32>
      %max3A_124 = arith.maximumf %max3A_123, %scan3A_85#12 : vector<16xf32>
      %max3A_125 = arith.maximumf %max3A_124, %scan3A_85#14 : vector<16xf32>
      %broadcast_in_dim3A_126 = arith.constant 0.000000e+00 : f32
      %broadcast_in_dim3A_127 = vector.broadcast %broadcast_in_dim3A_126 : f32 to vector<16xf32>
      %sub3A_128 = arith.subf %scan3A_85#8, %max3A_125 : vector<16xf32>
      %exp3A_129 = math.exp %sub3A_128 : vector<16xf32>
      %mul3A_130 = arith.mulf %scan3A_85#9, %exp3A_129 : vector<16xf32>
      %add3A_131 = arith.addf %broadcast_in_dim3A_127, %mul3A_130 : vector<16xf32>
      %sub3A_132 = arith.subf %scan3A_85#10, %max3A_125 : vector<16xf32>
      %exp3A_133 = math.exp %sub3A_132 : vector<16xf32>
      %mul3A_134 = arith.mulf %scan3A_85#11, %exp3A_133 : vector<16xf32>
      %add3A_135 = arith.addf %add3A_131, %mul3A_134 : vector<16xf32>
      %sub3A_136 = arith.subf %scan3A_85#12, %max3A_125 : vector<16xf32>
      %exp3A_137 = math.exp %sub3A_136 : vector<16xf32>
      %mul3A_138 = arith.mulf %scan3A_85#13, %exp3A_137 : vector<16xf32>
      %add3A_139 = arith.addf %add3A_135, %mul3A_138 : vector<16xf32>
      %sub3A_140 = arith.subf %scan3A_85#14, %max3A_125 : vector<16xf32>
      %exp3A_141 = math.exp %sub3A_140 : vector<16xf32>
      %mul3A_142 = arith.mulf %scan3A_85#15, %exp3A_141 : vector<16xf32>
      %add3A_143 = arith.addf %add3A_139, %mul3A_142 : vector<16xf32>
      %swap3A_144 = arith.constant 0 : index
      %swap3A_145 = tpu.vector_load %arg7[%swap3A_144] {strides = array<i32>} : memref<16xf32, #tpu.memory_space<vmem>>, vector<16xf32>,
      %swap3A_146 = vector.shape_cast %swap3A_145 : vector<16xf32> to vector<16xf32>
      %swap3A_147 = vector.shape_cast %max3A_125 : vector<16xf32> to vector<16xf32>
      tpu.vector_store %arg7[%swap3A_144], %swap3A_147 {strides = array<i32>} : memref<16xf32, #tpu.memory_space<vmem>>, vector<16xf32>,
      %swap3A_148 = arith.constant 0 : index
      %swap3A_149 = tpu.vector_load %arg8[%swap3A_148] {strides = array<i32>} : memref<16xf32, #tpu.memory_space<vmem>>, vector<16xf32>,
      %swap3A_150 = vector.shape_cast %swap3A_149 : vector<16xf32> to vector<16xf32>
      %swap3A_151 = vector.shape_cast %add3A_143 : vector<16xf32> to vector<16xf32>
      tpu.vector_store %arg8[%swap3A_148], %swap3A_151 {strides = array<i32>} : memref<16xf32, #tpu.memory_space<vmem>>, vector<16xf32>,
      %mul3A_152 = arith.constant 2048 : i32
      %mul3A_153 = arith.muli %select_n3A, %mul3A_152 : i32
      %mul3A_154 = arith.constant 1024 : i32
      %mul3A_155 = arith.muli %select_n3A_54, %mul3A_154 : i32
      %add3A_156 = arith.addi %mul3A_153, %mul3A_155 : i32
      %add3A_157 = arith.constant 128 : i32
      %add3A_158 = arith.addi %add3A_156, %add3A_157 : i32
      %mul3A_159 = arith.constant 16 : i32
      %mul3A_160 = arith.muli %select_n3A_70, %mul3A_159 : i32
      %add3A_161 = arith.addi %add3A_158, %mul3A_160 : i32
      "tpu.region"() ({
        %run_scoped3A = tpu.sem_alloc : memref<!tpu.dma_semaphore, #tpu.memory_space<semaphore_mem>>
        %dma_start3A = tpu.memref_slice %arg4[%add3A_161] : memref<4096xf32, #tpu.memory_space<hbm>> -> memref<16xf32, #tpu.memory_space<hbm>>
        %dma_start3A_396 = tpu.memref_slice %arg4[%add3A_161] : memref<4096xf32, #tpu.memory_space<hbm>> -> memref<16xf32, #tpu.memory_space<hbm>>
        tpu.enqueue_dma source(%arg7 : memref<16xf32, #tpu.memory_space<vmem>>) target(%dma_start3A_396 : memref<16xf32, #tpu.memory_space<hbm>>) target_semaphore(%run_scoped3A : memref<!tpu.dma_semaphore, #tpu.memory_space<semaphore_mem>>)
        %dma_wait3A = tpu.memref_slice %arg4[%add3A_161] : memref<4096xf32, #tpu.memory_space<hbm>> -> memref<16xf32, #tpu.memory_space<hbm>>
        %dma_wait3A_397 = tpu.memref_slice %arg4[%add3A_161] : memref<4096xf32, #tpu.memory_space<hbm>> -> memref<16xf32, #tpu.memory_space<hbm>>
        tpu.wait_dma2 semaphore(%run_scoped3A : memref<!tpu.dma_semaphore, #tpu.memory_space<semaphore_mem>>) src(%arg7 : memref<16xf32, #tpu.memory_space<vmem>>) dst(%dma_wait3A_397 : memref<16xf32, #tpu.memory_space<hbm>>)
        tpu.yield
      }) : () -> ()
      "tpu.region"() ({
        %run_scoped3A = tpu.sem_alloc : memref<!tpu.dma_semaphore, #tpu.memory_space<semaphore_mem>>
        %dma_start3A = tpu.memref_slice %arg5[%add3A_161] : memref<4096xf32, #tpu.memory_space<hbm>> -> memref<16xf32, #tpu.memory_space<hbm>>
        %dma_start3A_396 = tpu.memref_slice %arg5[%add3A_161] : memref<4096xf32, #tpu.memory_space<hbm>> -> memref<16xf32, #tpu.memory_space<hbm>>
        tpu.enqueue_dma source(%arg8 : memref<16xf32, #tpu.memory_space<vmem>>) target(%dma_start3A_396 : memref<16xf32, #tpu.memory_space<hbm>>) target_semaphore(%run_scoped3A : memref<!tpu.dma_semaphore, #tpu.memory_space<semaphore_mem>>)
        %dma_wait3A = tpu.memref_slice %arg5[%add3A_161] : memref<4096xf32, #tpu.memory_space<hbm>> -> memref<16xf32, #tpu.memory_space<hbm>>
        %dma_wait3A_397 = tpu.memref_slice %arg5[%add3A_161] : memref<4096xf32, #tpu.memory_space<hbm>> -> memref<16xf32, #tpu.memory_space<hbm>>
        tpu.wait_dma2 semaphore(%run_scoped3A : memref<!tpu.dma_semaphore, #tpu.memory_space<semaphore_mem>>) src(%arg8 : memref<16xf32, #tpu.memory_space<vmem>>) dst(%dma_wait3A_397 : memref<16xf32, #tpu.memory_space<hbm>>)
        tpu.yield
      }) : () -> ()
      %max3A_162 = arith.maximumf %scan3A_85#16, %scan3A_85#18 : vector<16xf32>
      %max3A_163 = arith.maximumf %max3A_162, %scan3A_85#20 : vector<16xf32>
      %max3A_164 = arith.maximumf %max3A_163, %scan3A_85#22 : vector<16xf32>
      %broadcast_in_dim3A_165 = arith.constant 0.000000e+00 : f32
      %broadcast_in_dim3A_166 = vector.broadcast %broadcast_in_dim3A_165 : f32 to vector<16xf32>
      %sub3A_167 = arith.subf %scan3A_85#16, %max3A_164 : vector<16xf32>
      %exp3A_168 = math.exp %sub3A_167 : vector<16xf32>
      %mul3A_169 = arith.mulf %scan3A_85#17, %exp3A_168 : vector<16xf32>
      %add3A_170 = arith.addf %broadcast_in_dim3A_166, %mul3A_169 : vector<16xf32>
      %sub3A_171 = arith.subf %scan3A_85#18, %max3A_164 : vector<16xf32>
      %exp3A_172 = math.exp %sub3A_171 : vector<16xf32>
      %mul3A_173 = arith.mulf %scan3A_85#19, %exp3A_172 : vector<16xf32>
      %add3A_174 = arith.addf %add3A_170, %mul3A_173 : vector<16xf32>
      %sub3A_175 = arith.subf %scan3A_85#20, %max3A_164 : vector<16xf32>
      %exp3A_176 = math.exp %sub3A_175 : vector<16xf32>
      %mul3A_177 = arith.mulf %scan3A_85#21, %exp3A_176 : vector<16xf32>
      %add3A_178 = arith.addf %add3A_174, %mul3A_177 : vector<16xf32>
      %sub3A_179 = arith.subf %scan3A_85#22, %max3A_164 : vector<16xf32>
      %exp3A_180 = math.exp %sub3A_179 : vector<16xf32>
      %mul3A_181 = arith.mulf %scan3A_85#23, %exp3A_180 : vector<16xf32>
      %add3A_182 = arith.addf %add3A_178, %mul3A_181 : vector<16xf32>
      %swap3A_183 = arith.constant 0 : index
      %swap3A_184 = tpu.vector_load %arg7[%swap3A_183] {strides = array<i32>} : memref<16xf32, #tpu.memory_space<vmem>>, vector<16xf32>,
      %swap3A_185 = vector.shape_cast %swap3A_184 : vector<16xf32> to vector<16xf32>
      %swap3A_186 = vector.shape_cast %max3A_164 : vector<16xf32> to vector<16xf32>
      tpu.vector_store %arg7[%swap3A_183], %swap3A_186 {strides = array<i32>} : memref<16xf32, #tpu.memory_space<vmem>>, vector<16xf32>,
      %swap3A_187 = arith.constant 0 : index
      %swap3A_188 = tpu.vector_load %arg8[%swap3A_187] {strides = array<i32>} : memref<16xf32, #tpu.memory_space<vmem>>, vector<16xf32>,
      %swap3A_189 = vector.shape_cast %swap3A_188 : vector<16xf32> to vector<16xf32>
      %swap3A_190 = vector.shape_cast %add3A_182 : vector<16xf32> to vector<16xf32>
      tpu.vector_store %arg8[%swap3A_187], %swap3A_190 {strides = array<i32>} : memref<16xf32, #tpu.memory_space<vmem>>, vector<16xf32>,
      %mul3A_191 = arith.constant 2048 : i32
      %mul3A_192 = arith.muli %select_n3A, %mul3A_191 : i32
      %mul3A_193 = arith.constant 1024 : i32
      %mul3A_194 = arith.muli %select_n3A_54, %mul3A_193 : i32
      %add3A_195 = arith.addi %mul3A_192, %mul3A_194 : i32
      %add3A_196 = arith.constant 256 : i32
      %add3A_197 = arith.addi %add3A_195, %add3A_196 : i32
      %mul3A_198 = arith.constant 16 : i32
      %mul3A_199 = arith.muli %select_n3A_70, %mul3A_198 : i32
      %add3A_200 = arith.addi %add3A_197, %mul3A_199 : i32
      "tpu.region"() ({
        %run_scoped3A = tpu.sem_alloc : memref<!tpu.dma_semaphore, #tpu.memory_space<semaphore_mem>>
        %dma_start3A = tpu.memref_slice %arg4[%add3A_200] : memref<4096xf32, #tpu.memory_space<hbm>> -> memref<16xf32, #tpu.memory_space<hbm>>
        %dma_start3A_396 = tpu.memref_slice %arg4[%add3A_200] : memref<4096xf32, #tpu.memory_space<hbm>> -> memref<16xf32, #tpu.memory_space<hbm>>
        tpu.enqueue_dma source(%arg7 : memref<16xf32, #tpu.memory_space<vmem>>) target(%dma_start3A_396 : memref<16xf32, #tpu.memory_space<hbm>>) target_semaphore(%run_scoped3A : memref<!tpu.dma_semaphore, #tpu.memory_space<semaphore_mem>>)
        %dma_wait3A = tpu.memref_slice %arg4[%add3A_200] : memref<4096xf32, #tpu.memory_space<hbm>> -> memref<16xf32, #tpu.memory_space<hbm>>
        %dma_wait3A_397 = tpu.memref_slice %arg4[%add3A_200] : memref<4096xf32, #tpu.memory_space<hbm>> -> memref<16xf32, #tpu.memory_space<hbm>>
        tpu.wait_dma2 semaphore(%run_scoped3A : memref<!tpu.dma_semaphore, #tpu.memory_space<semaphore_mem>>) src(%arg7 : memref<16xf32, #tpu.memory_space<vmem>>) dst(%dma_wait3A_397 : memref<16xf32, #tpu.memory_space<hbm>>)
        tpu.yield
      }) : () -> ()
      "tpu.region"() ({
        %run_scoped3A = tpu.sem_alloc : memref<!tpu.dma_semaphore, #tpu.memory_space<semaphore_mem>>
        %dma_start3A = tpu.memref_slice %arg5[%add3A_200] : memref<4096xf32, #tpu.memory_space<hbm>> -> memref<16xf32, #tpu.memory_space<hbm>>
        %dma_start3A_396 = tpu.memref_slice %arg5[%add3A_200] : memref<4096xf32, #tpu.memory_space<hbm>> -> memref<16xf32, #tpu.memory_space<hbm>>
        tpu.enqueue_dma source(%arg8 : memref<16xf32, #tpu.memory_space<vmem>>) target(%dma_start3A_396 : memref<16xf32, #tpu.memory_space<hbm>>) target_semaphore(%run_scoped3A : memref<!tpu.dma_semaphore, #tpu.memory_space<semaphore_mem>>)
        %dma_wait3A = tpu.memref_slice %arg5[%add3A_200] : memref<4096xf32, #tpu.memory_space<hbm>> -> memref<16xf32, #tpu.memory_space<hbm>>
        %dma_wait3A_397 = tpu.memref_slice %arg5[%add3A_200] : memref<4096xf32, #tpu.memory_space<hbm>> -> memref<16xf32, #tpu.memory_space<hbm>>
        tpu.wait_dma2 semaphore(%run_scoped3A : memref<!tpu.dma_semaphore, #tpu.memory_space<semaphore_mem>>) src(%arg8 : memref<16xf32, #tpu.memory_space<vmem>>) dst(%dma_wait3A_397 : memref<16xf32, #tpu.memory_space<hbm>>)
        tpu.yield
      }) : () -> ()
      %max3A_201 = arith.maximumf %scan3A_85#24, %scan3A_85#26 : vector<16xf32>
      %max3A_202 = arith.maximumf %max3A_201, %scan3A_85#28 : vector<16xf32>
      %max3A_203 = arith.maximumf %max3A_202, %scan3A_85#30 : vector<16xf32>
      %broadcast_in_dim3A_204 = arith.constant 0.000000e+00 : f32
      %broadcast_in_dim3A_205 = vector.broadcast %broadcast_in_dim3A_204 : f32 to vector<16xf32>
      %sub3A_206 = arith.subf %scan3A_85#24, %max3A_203 : vector<16xf32>
      %exp3A_207 = math.exp %sub3A_206 : vector<16xf32>
      %mul3A_208 = arith.mulf %scan3A_85#25, %exp3A_207 : vector<16xf32>
      %add3A_209 = arith.addf %broadcast_in_dim3A_205, %mul3A_208 : vector<16xf32>
      %sub3A_210 = arith.subf %scan3A_85#26, %max3A_203 : vector<16xf32>
      %exp3A_211 = math.exp %sub3A_210 : vector<16xf32>
      %mul3A_212 = arith.mulf %scan3A_85#27, %exp3A_211 : vector<16xf32>
      %add3A_213 = arith.addf %add3A_209, %mul3A_212 : vector<16xf32>
      %sub3A_214 = arith.subf %scan3A_85#28, %max3A_203 : vector<16xf32>
      %exp3A_215 = math.exp %sub3A_214 : vector<16xf32>
      %mul3A_216 = arith.mulf %scan3A_85#29, %exp3A_215 : vector<16xf32>
      %add3A_217 = arith.addf %add3A_213, %mul3A_216 : vector<16xf32>
      %sub3A_218 = arith.subf %scan3A_85#30, %max3A_203 : vector<16xf32>
      %exp3A_219 = math.exp %sub3A_218 : vector<16xf32>
      %mul3A_220 = arith.mulf %scan3A_85#31, %exp3A_219 : vector<16xf32>
      %add3A_221 = arith.addf %add3A_217, %mul3A_220 : vector<16xf32>
      %swap3A_222 = arith.constant 0 : index
      %swap3A_223 = tpu.vector_load %arg7[%swap3A_222] {strides = array<i32>} : memref<16xf32, #tpu.memory_space<vmem>>, vector<16xf32>,
      %swap3A_224 = vector.shape_cast %swap3A_223 : vector<16xf32> to vector<16xf32>
      %swap3A_225 = vector.shape_cast %max3A_203 : vector<16xf32> to vector<16xf32>
      tpu.vector_store %arg7[%swap3A_222], %swap3A_225 {strides = array<i32>} : memref<16xf32, #tpu.memory_space<vmem>>, vector<16xf32>,
      %swap3A_226 = arith.constant 0 : index
      %swap3A_227 = tpu.vector_load %arg8[%swap3A_226] {strides = array<i32>} : memref<16xf32, #tpu.memory_space<vmem>>, vector<16xf32>,
      %swap3A_228 = vector.shape_cast %swap3A_227 : vector<16xf32> to vector<16xf32>
      %swap3A_229 = vector.shape_cast %add3A_221 : vector<16xf32> to vector<16xf32>
      tpu.vector_store %arg8[%swap3A_226], %swap3A_229 {strides = array<i32>} : memref<16xf32, #tpu.memory_space<vmem>>, vector<16xf32>,
      %mul3A_230 = arith.constant 2048 : i32
      %mul3A_231 = arith.muli %select_n3A, %mul3A_230 : i32
      %mul3A_232 = arith.constant 1024 : i32
      %mul3A_233 = arith.muli %select_n3A_54, %mul3A_232 : i32
      %add3A_234 = arith.addi %mul3A_231, %mul3A_233 : i32
      %add3A_235 = arith.constant 384 : i32
      %add3A_236 = arith.addi %add3A_234, %add3A_235 : i32
      %mul3A_237 = arith.constant 16 : i32
      %mul3A_238 = arith.muli %select_n3A_70, %mul3A_237 : i32
      %add3A_239 = arith.addi %add3A_236, %mul3A_238 : i32
      "tpu.region"() ({
        %run_scoped3A = tpu.sem_alloc : memref<!tpu.dma_semaphore, #tpu.memory_space<semaphore_mem>>
        %dma_start3A = tpu.memref_slice %arg4[%add3A_239] : memref<4096xf32, #tpu.memory_space<hbm>> -> memref<16xf32, #tpu.memory_space<hbm>>
        %dma_start3A_396 = tpu.memref_slice %arg4[%add3A_239] : memref<4096xf32, #tpu.memory_space<hbm>> -> memref<16xf32, #tpu.memory_space<hbm>>
        tpu.enqueue_dma source(%arg7 : memref<16xf32, #tpu.memory_space<vmem>>) target(%dma_start3A_396 : memref<16xf32, #tpu.memory_space<hbm>>) target_semaphore(%run_scoped3A : memref<!tpu.dma_semaphore, #tpu.memory_space<semaphore_mem>>)
        %dma_wait3A = tpu.memref_slice %arg4[%add3A_239] : memref<4096xf32, #tpu.memory_space<hbm>> -> memref<16xf32, #tpu.memory_space<hbm>>
        %dma_wait3A_397 = tpu.memref_slice %arg4[%add3A_239] : memref<4096xf32, #tpu.memory_space<hbm>> -> memref<16xf32, #tpu.memory_space<hbm>>
        tpu.wait_dma2 semaphore(%run_scoped3A : memref<!tpu.dma_semaphore, #tpu.memory_space<semaphore_mem>>) src(%arg7 : memref<16xf32, #tpu.memory_space<vmem>>) dst(%dma_wait3A_397 : memref<16xf32, #tpu.memory_space<hbm>>)
        tpu.yield
      }) : () -> ()
      "tpu.region"() ({
        %run_scoped3A = tpu.sem_alloc : memref<!tpu.dma_semaphore, #tpu.memory_space<semaphore_mem>>
        %dma_start3A = tpu.memref_slice %arg5[%add3A_239] : memref<4096xf32, #tpu.memory_space<hbm>> -> memref<16xf32, #tpu.memory_space<hbm>>
        %dma_start3A_396 = tpu.memref_slice %arg5[%add3A_239] : memref<4096xf32, #tpu.memory_space<hbm>> -> memref<16xf32, #tpu.memory_space<hbm>>
        tpu.enqueue_dma source(%arg8 : memref<16xf32, #tpu.memory_space<vmem>>) target(%dma_start3A_396 : memref<16xf32, #tpu.memory_space<hbm>>) target_semaphore(%run_scoped3A : memref<!tpu.dma_semaphore, #tpu.memory_space<semaphore_mem>>)
        %dma_wait3A = tpu.memref_slice %arg5[%add3A_239] : memref<4096xf32, #tpu.memory_space<hbm>> -> memref<16xf32, #tpu.memory_space<hbm>>
        %dma_wait3A_397 = tpu.memref_slice %arg5[%add3A_239] : memref<4096xf32, #tpu.memory_space<hbm>> -> memref<16xf32, #tpu.memory_space<hbm>>
        tpu.wait_dma2 semaphore(%run_scoped3A : memref<!tpu.dma_semaphore, #tpu.memory_space<semaphore_mem>>) src(%arg8 : memref<16xf32, #tpu.memory_space<vmem>>) dst(%dma_wait3A_397 : memref<16xf32, #tpu.memory_space<hbm>>)
        tpu.yield
      }) : () -> ()
      %max3A_240 = arith.maximumf %scan3A_85#32, %scan3A_85#34 : vector<16xf32>
      %max3A_241 = arith.maximumf %max3A_240, %scan3A_85#36 : vector<16xf32>
      %max3A_242 = arith.maximumf %max3A_241, %scan3A_85#38 : vector<16xf32>
      %broadcast_in_dim3A_243 = arith.constant 0.000000e+00 : f32
      %broadcast_in_dim3A_244 = vector.broadcast %broadcast_in_dim3A_243 : f32 to vector<16xf32>
      %sub3A_245 = arith.subf %scan3A_85#32, %max3A_242 : vector<16xf32>
      %exp3A_246 = math.exp %sub3A_245 : vector<16xf32>
      %mul3A_247 = arith.mulf %scan3A_85#33, %exp3A_246 : vector<16xf32>
      %add3A_248 = arith.addf %broadcast_in_dim3A_244, %mul3A_247 : vector<16xf32>
      %sub3A_249 = arith.subf %scan3A_85#34, %max3A_242 : vector<16xf32>
      %exp3A_250 = math.exp %sub3A_249 : vector<16xf32>
      %mul3A_251 = arith.mulf %scan3A_85#35, %exp3A_250 : vector<16xf32>
      %add3A_252 = arith.addf %add3A_248, %mul3A_251 : vector<16xf32>
      %sub3A_253 = arith.subf %scan3A_85#36, %max3A_242 : vector<16xf32>
      %exp3A_254 = math.exp %sub3A_253 : vector<16xf32>
      %mul3A_255 = arith.mulf %scan3A_85#37, %exp3A_254 : vector<16xf32>
      %add3A_256 = arith.addf %add3A_252, %mul3A_255 : vector<16xf32>
      %sub3A_257 = arith.subf %scan3A_85#38, %max3A_242 : vector<16xf32>
      %exp3A_258 = math.exp %sub3A_257 : vector<16xf32>
      %mul3A_259 = arith.mulf %scan3A_85#39, %exp3A_258 : vector<16xf32>
      %add3A_260 = arith.addf %add3A_256, %mul3A_259 : vector<16xf32>
      %swap3A_261 = arith.constant 0 : index
      %swap3A_262 = tpu.vector_load %arg7[%swap3A_261] {strides = array<i32>} : memref<16xf32, #tpu.memory_space<vmem>>, vector<16xf32>,
      %swap3A_263 = vector.shape_cast %swap3A_262 : vector<16xf32> to vector<16xf32>
      %swap3A_264 = vector.shape_cast %max3A_242 : vector<16xf32> to vector<16xf32>
      tpu.vector_store %arg7[%swap3A_261], %swap3A_264 {strides = array<i32>} : memref<16xf32, #tpu.memory_space<vmem>>, vector<16xf32>,
      %swap3A_265 = arith.constant 0 : index
      %swap3A_266 = tpu.vector_load %arg8[%swap3A_265] {strides = array<i32>} : memref<16xf32, #tpu.memory_space<vmem>>, vector<16xf32>,
      %swap3A_267 = vector.shape_cast %swap3A_266 : vector<16xf32> to vector<16xf32>
      %swap3A_268 = vector.shape_cast %add3A_260 : vector<16xf32> to vector<16xf32>
      tpu.vector_store %arg8[%swap3A_265], %swap3A_268 {strides = array<i32>} : memref<16xf32, #tpu.memory_space<vmem>>, vector<16xf32>,
      %mul3A_269 = arith.constant 2048 : i32
      %mul3A_270 = arith.muli %select_n3A, %mul3A_269 : i32
      %mul3A_271 = arith.constant 1024 : i32
      %mul3A_272 = arith.muli %select_n3A_54, %mul3A_271 : i32
      %add3A_273 = arith.addi %mul3A_270, %mul3A_272 : i32
      %add3A_274 = arith.constant 512 : i32
      %add3A_275 = arith.addi %add3A_273, %add3A_274 : i32
      %mul3A_276 = arith.constant 16 : i32
      %mul3A_277 = arith.muli %select_n3A_70, %mul3A_276 : i32
      %add3A_278 = arith.addi %add3A_275, %mul3A_277 : i32
      "tpu.region"() ({
        %run_scoped3A = tpu.sem_alloc : memref<!tpu.dma_semaphore, #tpu.memory_space<semaphore_mem>>
        %dma_start3A = tpu.memref_slice %arg4[%add3A_278] : memref<4096xf32, #tpu.memory_space<hbm>> -> memref<16xf32, #tpu.memory_space<hbm>>
        %dma_start3A_396 = tpu.memref_slice %arg4[%add3A_278] : memref<4096xf32, #tpu.memory_space<hbm>> -> memref<16xf32, #tpu.memory_space<hbm>>
        tpu.enqueue_dma source(%arg7 : memref<16xf32, #tpu.memory_space<vmem>>) target(%dma_start3A_396 : memref<16xf32, #tpu.memory_space<hbm>>) target_semaphore(%run_scoped3A : memref<!tpu.dma_semaphore, #tpu.memory_space<semaphore_mem>>)
        %dma_wait3A = tpu.memref_slice %arg4[%add3A_278] : memref<4096xf32, #tpu.memory_space<hbm>> -> memref<16xf32, #tpu.memory_space<hbm>>
        %dma_wait3A_397 = tpu.memref_slice %arg4[%add3A_278] : memref<4096xf32, #tpu.memory_space<hbm>> -> memref<16xf32, #tpu.memory_space<hbm>>
        tpu.wait_dma2 semaphore(%run_scoped3A : memref<!tpu.dma_semaphore, #tpu.memory_space<semaphore_mem>>) src(%arg7 : memref<16xf32, #tpu.memory_space<vmem>>) dst(%dma_wait3A_397 : memref<16xf32, #tpu.memory_space<hbm>>)
        tpu.yield
      }) : () -> ()
      "tpu.region"() ({
        %run_scoped3A = tpu.sem_alloc : memref<!tpu.dma_semaphore, #tpu.memory_space<semaphore_mem>>
        %dma_start3A = tpu.memref_slice %arg5[%add3A_278] : memref<4096xf32, #tpu.memory_space<hbm>> -> memref<16xf32, #tpu.memory_space<hbm>>
        %dma_start3A_396 = tpu.memref_slice %arg5[%add3A_278] : memref<4096xf32, #tpu.memory_space<hbm>> -> memref<16xf32, #tpu.memory_space<hbm>>
        tpu.enqueue_dma source(%arg8 : memref<16xf32, #tpu.memory_space<vmem>>) target(%dma_start3A_396 : memref<16xf32, #tpu.memory_space<hbm>>) target_semaphore(%run_scoped3A : memref<!tpu.dma_semaphore, #tpu.memory_space<semaphore_mem>>)
        %dma_wait3A = tpu.memref_slice %arg5[%add3A_278] : memref<4096xf32, #tpu.memory_space<hbm>> -> memref<16xf32, #tpu.memory_space<hbm>>
        %dma_wait3A_397 = tpu.memref_slice %arg5[%add3A_278] : memref<4096xf32, #tpu.memory_space<hbm>> -> memref<16xf32, #tpu.memory_space<hbm>>
        tpu.wait_dma2 semaphore(%run_scoped3A : memref<!tpu.dma_semaphore, #tpu.memory_space<semaphore_mem>>) src(%arg8 : memref<16xf32, #tpu.memory_space<vmem>>) dst(%dma_wait3A_397 : memref<16xf32, #tpu.memory_space<hbm>>)
        tpu.yield
      }) : () -> ()
      %max3A_279 = arith.maximumf %scan3A_85#40, %scan3A_85#42 : vector<16xf32>
      %max3A_280 = arith.maximumf %max3A_279, %scan3A_85#44 : vector<16xf32>
      %max3A_281 = arith.maximumf %max3A_280, %scan3A_85#46 : vector<16xf32>
      %broadcast_in_dim3A_282 = arith.constant 0.000000e+00 : f32
      %broadcast_in_dim3A_283 = vector.broadcast %broadcast_in_dim3A_282 : f32 to vector<16xf32>
      %sub3A_284 = arith.subf %scan3A_85#40, %max3A_281 : vector<16xf32>
      %exp3A_285 = math.exp %sub3A_284 : vector<16xf32>
      %mul3A_286 = arith.mulf %scan3A_85#41, %exp3A_285 : vector<16xf32>
      %add3A_287 = arith.addf %broadcast_in_dim3A_283, %mul3A_286 : vector<16xf32>
      %sub3A_288 = arith.subf %scan3A_85#42, %max3A_281 : vector<16xf32>
      %exp3A_289 = math.exp %sub3A_288 : vector<16xf32>
      %mul3A_290 = arith.mulf %scan3A_85#43, %exp3A_289 : vector<16xf32>
      %add3A_291 = arith.addf %add3A_287, %mul3A_290 : vector<16xf32>
      %sub3A_292 = arith.subf %scan3A_85#44, %max3A_281 : vector<16xf32>
      %exp3A_293 = math.exp %sub3A_292 : vector<16xf32>
      %mul3A_294 = arith.mulf %scan3A_85#45, %exp3A_293 : vector<16xf32>
      %add3A_295 = arith.addf %add3A_291, %mul3A_294 : vector<16xf32>
      %sub3A_296 = arith.subf %scan3A_85#46, %max3A_281 : vector<16xf32>
      %exp3A_297 = math.exp %sub3A_296 : vector<16xf32>
      %mul3A_298 = arith.mulf %scan3A_85#47, %exp3A_297 : vector<16xf32>
      %add3A_299 = arith.addf %add3A_295, %mul3A_298 : vector<16xf32>
      %swap3A_300 = arith.constant 0 : index
      %swap3A_301 = tpu.vector_load %arg7[%swap3A_300] {strides = array<i32>} : memref<16xf32, #tpu.memory_space<vmem>>, vector<16xf32>,
      %swap3A_302 = vector.shape_cast %swap3A_301 : vector<16xf32> to vector<16xf32>
      %swap3A_303 = vector.shape_cast %max3A_281 : vector<16xf32> to vector<16xf32>
      tpu.vector_store %arg7[%swap3A_300], %swap3A_303 {strides = array<i32>} : memref<16xf32, #tpu.memory_space<vmem>>, vector<16xf32>,
      %swap3A_304 = arith.constant 0 : index
      %swap3A_305 = tpu.vector_load %arg8[%swap3A_304] {strides = array<i32>} : memref<16xf32, #tpu.memory_space<vmem>>, vector<16xf32>,
      %swap3A_306 = vector.shape_cast %swap3A_305 : vector<16xf32> to vector<16xf32>
      %swap3A_307 = vector.shape_cast %add3A_299 : vector<16xf32> to vector<16xf32>
      tpu.vector_store %arg8[%swap3A_304], %swap3A_307 {strides = array<i32>} : memref<16xf32, #tpu.memory_space<vmem>>, vector<16xf32>,
      %mul3A_308 = arith.constant 2048 : i32
      %mul3A_309 = arith.muli %select_n3A, %mul3A_308 : i32
      %mul3A_310 = arith.constant 1024 : i32
      %mul3A_311 = arith.muli %select_n3A_54, %mul3A_310 : i32
      %add3A_312 = arith.addi %mul3A_309, %mul3A_311 : i32
      %add3A_313 = arith.constant 640 : i32
      %add3A_314 = arith.addi %add3A_312, %add3A_313 : i32
      %mul3A_315 = arith.constant 16 : i32
      %mul3A_316 = arith.muli %select_n3A_70, %mul3A_315 : i32
      %add3A_317 = arith.addi %add3A_314, %mul3A_316 : i32
      "tpu.region"() ({
        %run_scoped3A = tpu.sem_alloc : memref<!tpu.dma_semaphore, #tpu.memory_space<semaphore_mem>>
        %dma_start3A = tpu.memref_slice %arg4[%add3A_317] : memref<4096xf32, #tpu.memory_space<hbm>> -> memref<16xf32, #tpu.memory_space<hbm>>
        %dma_start3A_396 = tpu.memref_slice %arg4[%add3A_317] : memref<4096xf32, #tpu.memory_space<hbm>> -> memref<16xf32, #tpu.memory_space<hbm>>
        tpu.enqueue_dma source(%arg7 : memref<16xf32, #tpu.memory_space<vmem>>) target(%dma_start3A_396 : memref<16xf32, #tpu.memory_space<hbm>>) target_semaphore(%run_scoped3A : memref<!tpu.dma_semaphore, #tpu.memory_space<semaphore_mem>>)
        %dma_wait3A = tpu.memref_slice %arg4[%add3A_317] : memref<4096xf32, #tpu.memory_space<hbm>> -> memref<16xf32, #tpu.memory_space<hbm>>
        %dma_wait3A_397 = tpu.memref_slice %arg4[%add3A_317] : memref<4096xf32, #tpu.memory_space<hbm>> -> memref<16xf32, #tpu.memory_space<hbm>>
        tpu.wait_dma2 semaphore(%run_scoped3A : memref<!tpu.dma_semaphore, #tpu.memory_space<semaphore_mem>>) src(%arg7 : memref<16xf32, #tpu.memory_space<vmem>>) dst(%dma_wait3A_397 : memref<16xf32, #tpu.memory_space<hbm>>)
        tpu.yield
      }) : () -> ()
      "tpu.region"() ({
        %run_scoped3A = tpu.sem_alloc : memref<!tpu.dma_semaphore, #tpu.memory_space<semaphore_mem>>
        %dma_start3A = tpu.memref_slice %arg5[%add3A_317] : memref<4096xf32, #tpu.memory_space<hbm>> -> memref<16xf32, #tpu.memory_space<hbm>>
        %dma_start3A_396 = tpu.memref_slice %arg5[%add3A_317] : memref<4096xf32, #tpu.memory_space<hbm>> -> memref<16xf32, #tpu.memory_space<hbm>>
        tpu.enqueue_dma source(%arg8 : memref<16xf32, #tpu.memory_space<vmem>>) target(%dma_start3A_396 : memref<16xf32, #tpu.memory_space<hbm>>) target_semaphore(%run_scoped3A : memref<!tpu.dma_semaphore, #tpu.memory_space<semaphore_mem>>)
        %dma_wait3A = tpu.memref_slice %arg5[%add3A_317] : memref<4096xf32, #tpu.memory_space<hbm>> -> memref<16xf32, #tpu.memory_space<hbm>>
        %dma_wait3A_397 = tpu.memref_slice %arg5[%add3A_317] : memref<4096xf32, #tpu.memory_space<hbm>> -> memref<16xf32, #tpu.memory_space<hbm>>
        tpu.wait_dma2 semaphore(%run_scoped3A : memref<!tpu.dma_semaphore, #tpu.memory_space<semaphore_mem>>) src(%arg8 : memref<16xf32, #tpu.memory_space<vmem>>) dst(%dma_wait3A_397 : memref<16xf32, #tpu.memory_space<hbm>>)
        tpu.yield
      }) : () -> ()
      %max3A_318 = arith.maximumf %scan3A_85#48, %scan3A_85#50 : vector<16xf32>
      %max3A_319 = arith.maximumf %max3A_318, %scan3A_85#52 : vector<16xf32>
      %max3A_320 = arith.maximumf %max3A_319, %scan3A_85#54 : vector<16xf32>
      %broadcast_in_dim3A_321 = arith.constant 0.000000e+00 : f32
      %broadcast_in_dim3A_322 = vector.broadcast %broadcast_in_dim3A_321 : f32 to vector<16xf32>
      %sub3A_323 = arith.subf %scan3A_85#48, %max3A_320 : vector<16xf32>
      %exp3A_324 = math.exp %sub3A_323 : vector<16xf32>
      %mul3A_325 = arith.mulf %scan3A_85#49, %exp3A_324 : vector<16xf32>
      %add3A_326 = arith.addf %broadcast_in_dim3A_322, %mul3A_325 : vector<16xf32>
      %sub3A_327 = arith.subf %scan3A_85#50, %max3A_320 : vector<16xf32>
      %exp3A_328 = math.exp %sub3A_327 : vector<16xf32>
      %mul3A_329 = arith.mulf %scan3A_85#51, %exp3A_328 : vector<16xf32>
      %add3A_330 = arith.addf %add3A_326, %mul3A_329 : vector<16xf32>
      %sub3A_331 = arith.subf %scan3A_85#52, %max3A_320 : vector<16xf32>
      %exp3A_332 = math.exp %sub3A_331 : vector<16xf32>
      %mul3A_333 = arith.mulf %scan3A_85#53, %exp3A_332 : vector<16xf32>
      %add3A_334 = arith.addf %add3A_330, %mul3A_333 : vector<16xf32>
      %sub3A_335 = arith.subf %scan3A_85#54, %max3A_320 : vector<16xf32>
      %exp3A_336 = math.exp %sub3A_335 : vector<16xf32>
      %mul3A_337 = arith.mulf %scan3A_85#55, %exp3A_336 : vector<16xf32>
      %add3A_338 = arith.addf %add3A_334, %mul3A_337 : vector<16xf32>
      %swap3A_339 = arith.constant 0 : index
      %swap3A_340 = tpu.vector_load %arg7[%swap3A_339] {strides = array<i32>} : memref<16xf32, #tpu.memory_space<vmem>>, vector<16xf32>,
      %swap3A_341 = vector.shape_cast %swap3A_340 : vector<16xf32> to vector<16xf32>
      %swap3A_342 = vector.shape_cast %max3A_320 : vector<16xf32> to vector<16xf32>
      tpu.vector_store %arg7[%swap3A_339], %swap3A_342 {strides = array<i32>} : memref<16xf32, #tpu.memory_space<vmem>>, vector<16xf32>,
      %swap3A_343 = arith.constant 0 : index
      %swap3A_344 = tpu.vector_load %arg8[%swap3A_343] {strides = array<i32>} : memref<16xf32, #tpu.memory_space<vmem>>, vector<16xf32>,
      %swap3A_345 = vector.shape_cast %swap3A_344 : vector<16xf32> to vector<16xf32>
      %swap3A_346 = vector.shape_cast %add3A_338 : vector<16xf32> to vector<16xf32>
      tpu.vector_store %arg8[%swap3A_343], %swap3A_346 {strides = array<i32>} : memref<16xf32, #tpu.memory_space<vmem>>, vector<16xf32>,
      %mul3A_347 = arith.constant 2048 : i32
      %mul3A_348 = arith.muli %select_n3A, %mul3A_347 : i32
      %mul3A_349 = arith.constant 1024 : i32
      %mul3A_350 = arith.muli %select_n3A_54, %mul3A_349 : i32
      %add3A_351 = arith.addi %mul3A_348, %mul3A_350 : i32
      %add3A_352 = arith.constant 768 : i32
      %add3A_353 = arith.addi %add3A_351, %add3A_352 : i32
      %mul3A_354 = arith.constant 16 : i32
      %mul3A_355 = arith.muli %select_n3A_70, %mul3A_354 : i32
      %add3A_356 = arith.addi %add3A_353, %mul3A_355 : i32
      "tpu.region"() ({
        %run_scoped3A = tpu.sem_alloc : memref<!tpu.dma_semaphore, #tpu.memory_space<semaphore_mem>>
        %dma_start3A = tpu.memref_slice %arg4[%add3A_356] : memref<4096xf32, #tpu.memory_space<hbm>> -> memref<16xf32, #tpu.memory_space<hbm>>
        %dma_start3A_396 = tpu.memref_slice %arg4[%add3A_356] : memref<4096xf32, #tpu.memory_space<hbm>> -> memref<16xf32, #tpu.memory_space<hbm>>
        tpu.enqueue_dma source(%arg7 : memref<16xf32, #tpu.memory_space<vmem>>) target(%dma_start3A_396 : memref<16xf32, #tpu.memory_space<hbm>>) target_semaphore(%run_scoped3A : memref<!tpu.dma_semaphore, #tpu.memory_space<semaphore_mem>>)
        %dma_wait3A = tpu.memref_slice %arg4[%add3A_356] : memref<4096xf32, #tpu.memory_space<hbm>> -> memref<16xf32, #tpu.memory_space<hbm>>
        %dma_wait3A_397 = tpu.memref_slice %arg4[%add3A_356] : memref<4096xf32, #tpu.memory_space<hbm>> -> memref<16xf32, #tpu.memory_space<hbm>>
        tpu.wait_dma2 semaphore(%run_scoped3A : memref<!tpu.dma_semaphore, #tpu.memory_space<semaphore_mem>>) src(%arg7 : memref<16xf32, #tpu.memory_space<vmem>>) dst(%dma_wait3A_397 : memref<16xf32, #tpu.memory_space<hbm>>)
        tpu.yield
      }) : () -> ()
      "tpu.region"() ({
        %run_scoped3A = tpu.sem_alloc : memref<!tpu.dma_semaphore, #tpu.memory_space<semaphore_mem>>
        %dma_start3A = tpu.memref_slice %arg5[%add3A_356] : memref<4096xf32, #tpu.memory_space<hbm>> -> memref<16xf32, #tpu.memory_space<hbm>>
        %dma_start3A_396 = tpu.memref_slice %arg5[%add3A_356] : memref<4096xf32, #tpu.memory_space<hbm>> -> memref<16xf32, #tpu.memory_space<hbm>>
        tpu.enqueue_dma source(%arg8 : memref<16xf32, #tpu.memory_space<vmem>>) target(%dma_start3A_396 : memref<16xf32, #tpu.memory_space<hbm>>) target_semaphore(%run_scoped3A : memref<!tpu.dma_semaphore, #tpu.memory_space<semaphore_mem>>)
        %dma_wait3A = tpu.memref_slice %arg5[%add3A_356] : memref<4096xf32, #tpu.memory_space<hbm>> -> memref<16xf32, #tpu.memory_space<hbm>>
        %dma_wait3A_397 = tpu.memref_slice %arg5[%add3A_356] : memref<4096xf32, #tpu.memory_space<hbm>> -> memref<16xf32, #tpu.memory_space<hbm>>
        tpu.wait_dma2 semaphore(%run_scoped3A : memref<!tpu.dma_semaphore, #tpu.memory_space<semaphore_mem>>) src(%arg8 : memref<16xf32, #tpu.memory_space<vmem>>) dst(%dma_wait3A_397 : memref<16xf32, #tpu.memory_space<hbm>>)
        tpu.yield
      }) : () -> ()
      %max3A_357 = arith.maximumf %scan3A_85#56, %scan3A_85#58 : vector<16xf32>
      %max3A_358 = arith.maximumf %max3A_357, %scan3A_85#60 : vector<16xf32>
      %max3A_359 = arith.maximumf %max3A_358, %scan3A_85#62 : vector<16xf32>
      %broadcast_in_dim3A_360 = arith.constant 0.000000e+00 : f32
      %broadcast_in_dim3A_361 = vector.broadcast %broadcast_in_dim3A_360 : f32 to vector<16xf32>
      %sub3A_362 = arith.subf %scan3A_85#56, %max3A_359 : vector<16xf32>
      %exp3A_363 = math.exp %sub3A_362 : vector<16xf32>
      %mul3A_364 = arith.mulf %scan3A_85#57, %exp3A_363 : vector<16xf32>
      %add3A_365 = arith.addf %broadcast_in_dim3A_361, %mul3A_364 : vector<16xf32>
      %sub3A_366 = arith.subf %scan3A_85#58, %max3A_359 : vector<16xf32>
      %exp3A_367 = math.exp %sub3A_366 : vector<16xf32>
      %mul3A_368 = arith.mulf %scan3A_85#59, %exp3A_367 : vector<16xf32>
      %add3A_369 = arith.addf %add3A_365, %mul3A_368 : vector<16xf32>
      %sub3A_370 = arith.subf %scan3A_85#60, %max3A_359 : vector<16xf32>
      %exp3A_371 = math.exp %sub3A_370 : vector<16xf32>
      %mul3A_372 = arith.mulf %scan3A_85#61, %exp3A_371 : vector<16xf32>
      %add3A_373 = arith.addf %add3A_369, %mul3A_372 : vector<16xf32>
      %sub3A_374 = arith.subf %scan3A_85#62, %max3A_359 : vector<16xf32>
      %exp3A_375 = math.exp %sub3A_374 : vector<16xf32>
      %mul3A_376 = arith.mulf %scan3A_85#63, %exp3A_375 : vector<16xf32>
      %add3A_377 = arith.addf %add3A_373, %mul3A_376 : vector<16xf32>
      %swap3A_378 = arith.constant 0 : index
      %swap3A_379 = tpu.vector_load %arg7[%swap3A_378] {strides = array<i32>} : memref<16xf32, #tpu.memory_space<vmem>>, vector<16xf32>,
      %swap3A_380 = vector.shape_cast %swap3A_379 : vector<16xf32> to vector<16xf32>
      %swap3A_381 = vector.shape_cast %max3A_359 : vector<16xf32> to vector<16xf32>
      tpu.vector_store %arg7[%swap3A_378], %swap3A_381 {strides = array<i32>} : memref<16xf32, #tpu.memory_space<vmem>>, vector<16xf32>,
      %swap3A_382 = arith.constant 0 : index
      %swap3A_383 = tpu.vector_load %arg8[%swap3A_382] {strides = array<i32>} : memref<16xf32, #tpu.memory_space<vmem>>, vector<16xf32>,
      %swap3A_384 = vector.shape_cast %swap3A_383 : vector<16xf32> to vector<16xf32>
      %swap3A_385 = vector.shape_cast %add3A_377 : vector<16xf32> to vector<16xf32>
      tpu.vector_store %arg8[%swap3A_382], %swap3A_385 {strides = array<i32>} : memref<16xf32, #tpu.memory_space<vmem>>, vector<16xf32>,
      %mul3A_386 = arith.constant 2048 : i32
      %mul3A_387 = arith.muli %select_n3A, %mul3A_386 : i32
      %mul3A_388 = arith.constant 1024 : i32
      %mul3A_389 = arith.muli %select_n3A_54, %mul3A_388 : i32
      %add3A_390 = arith.addi %mul3A_387, %mul3A_389 : i32
      %add3A_391 = arith.constant 896 : i32
      %add3A_392 = arith.addi %add3A_390, %add3A_391 : i32
      %mul3A_393 = arith.constant 16 : i32
      %mul3A_394 = arith.muli %select_n3A_70, %mul3A_393 : i32
      %add3A_395 = arith.addi %add3A_392, %mul3A_394 : i32
      "tpu.region"() ({
        %run_scoped3A = tpu.sem_alloc : memref<!tpu.dma_semaphore, #tpu.memory_space<semaphore_mem>>
        %dma_start3A = tpu.memref_slice %arg4[%add3A_395] : memref<4096xf32, #tpu.memory_space<hbm>> -> memref<16xf32, #tpu.memory_space<hbm>>
        %dma_start3A_396 = tpu.memref_slice %arg4[%add3A_395] : memref<4096xf32, #tpu.memory_space<hbm>> -> memref<16xf32, #tpu.memory_space<hbm>>
        tpu.enqueue_dma source(%arg7 : memref<16xf32, #tpu.memory_space<vmem>>) target(%dma_start3A_396 : memref<16xf32, #tpu.memory_space<hbm>>) target_semaphore(%run_scoped3A : memref<!tpu.dma_semaphore, #tpu.memory_space<semaphore_mem>>)
        %dma_wait3A = tpu.memref_slice %arg4[%add3A_395] : memref<4096xf32, #tpu.memory_space<hbm>> -> memref<16xf32, #tpu.memory_space<hbm>>
        %dma_wait3A_397 = tpu.memref_slice %arg4[%add3A_395] : memref<4096xf32, #tpu.memory_space<hbm>> -> memref<16xf32, #tpu.memory_space<hbm>>
        tpu.wait_dma2 semaphore(%run_scoped3A : memref<!tpu.dma_semaphore, #tpu.memory_space<semaphore_mem>>) src(%arg7 : memref<16xf32, #tpu.memory_space<vmem>>) dst(%dma_wait3A_397 : memref<16xf32, #tpu.memory_space<hbm>>)
        tpu.yield
      }) : () -> ()
      "tpu.region"() ({
        %run_scoped3A = tpu.sem_alloc : memref<!tpu.dma_semaphore, #tpu.memory_space<semaphore_mem>>
        %dma_start3A = tpu.memref_slice %arg5[%add3A_395] : memref<4096xf32, #tpu.memory_space<hbm>> -> memref<16xf32, #tpu.memory_space<hbm>>
        %dma_start3A_396 = tpu.memref_slice %arg5[%add3A_395] : memref<4096xf32, #tpu.memory_space<hbm>> -> memref<16xf32, #tpu.memory_space<hbm>>
        tpu.enqueue_dma source(%arg8 : memref<16xf32, #tpu.memory_space<vmem>>) target(%dma_start3A_396 : memref<16xf32, #tpu.memory_space<hbm>>) target_semaphore(%run_scoped3A : memref<!tpu.dma_semaphore, #tpu.memory_space<semaphore_mem>>)
        %dma_wait3A = tpu.memref_slice %arg5[%add3A_395] : memref<4096xf32, #tpu.memory_space<hbm>> -> memref<16xf32, #tpu.memory_space<hbm>>
        %dma_wait3A_397 = tpu.memref_slice %arg5[%add3A_395] : memref<4096xf32, #tpu.memory_space<hbm>> -> memref<16xf32, #tpu.memory_space<hbm>>
        tpu.wait_dma2 semaphore(%run_scoped3A : memref<!tpu.dma_semaphore, #tpu.memory_space<semaphore_mem>>) src(%arg8 : memref<16xf32, #tpu.memory_space<vmem>>) dst(%dma_wait3A_397 : memref<16xf32, #tpu.memory_space<hbm>>)
        tpu.yield
      }) : () -> ()
    } else {
    }
    %eq3A_74 = arith.constant 1 : i32
    %eq3A_75 = arith.cmpi eq, %select_n3A, %eq3A_74 : i32
    %convert_element_type3A_76 = arith.extui %eq3A_75 : i1 to i32
    %cond3A_77 = arith.constant 0 : i32
    %cond3A_78 = arith.cmpi ne, %convert_element_type3A_76, %cond3A_77 : i32
    scf.if %cond3A_78 {
      %broadcast_in_dim3A = arith.constant -3.40282347E+38 : f32
      %broadcast_in_dim3A_79 = vector.broadcast %broadcast_in_dim3A : f32 to vector<16xf32>
      %broadcast_in_dim3A_80 = arith.constant 0.000000e+00 : f32
      %broadcast_in_dim3A_81 = vector.broadcast %broadcast_in_dim3A_80 : f32 to vector<16xf32>
      %scan3A = arith.constant 0 : i32
      %scan3A_82 = arith.constant 6 : i32
      %scan3A_83 = arith.addi %scan3A, %scan3A_82 : i32
      %scan3A_84 = arith.constant 1 : i32
      %scan3A_85:64 = scf.for %scan3A_396 = %scan3A to %scan3A_83 step %scan3A_84 iter_args(%scan3A_397 = %broadcast_in_dim3A_79, %scan3A_398 = %broadcast_in_dim3A_81, %scan3A_399 = %broadcast_in_dim3A_79, %scan3A_400 = %broadcast_in_dim3A_81, %scan3A_401 = %broadcast_in_dim3A_79, %scan3A_402 = %broadcast_in_dim3A_81, %scan3A_403 = %broadcast_in_dim3A_79, %scan3A_404 = %broadcast_in_dim3A_81, %scan3A_405 = %broadcast_in_dim3A_79, %scan3A_406 = %broadcast_in_dim3A_81, %scan3A_407 = %broadcast_in_dim3A_79, %scan3A_408 = %broadcast_in_dim3A_81, %scan3A_409 = %broadcast_in_dim3A_79, %scan3A_410 = %broadcast_in_dim3A_81, %scan3A_411 = %broadcast_in_dim3A_79, %scan3A_412 = %broadcast_in_dim3A_81, %scan3A_413 = %broadcast_in_dim3A_79, %scan3A_414 = %broadcast_in_dim3A_81, %scan3A_415 = %broadcast_in_dim3A_79, %scan3A_416 = %broadcast_in_dim3A_81, %scan3A_417 = %broadcast_in_dim3A_79, %scan3A_418 = %broadcast_in_dim3A_81, %scan3A_419 = %broadcast_in_dim3A_79, %scan3A_420 = %broadcast_in_dim3A_81, %scan3A_421 = %broadcast_in_dim3A_79, %scan3A_422 = %broadcast_in_dim3A_81, %scan3A_423 = %broadcast_in_dim3A_79, %scan3A_424 = %broadcast_in_dim3A_81, %scan3A_425 = %broadcast_in_dim3A_79, %scan3A_426 = %broadcast_in_dim3A_81, %scan3A_427 = %broadcast_in_dim3A_79, %scan3A_428 = %broadcast_in_dim3A_81, %scan3A_429 = %broadcast_in_dim3A_79, %scan3A_430 = %broadcast_in_dim3A_81, %scan3A_431 = %broadcast_in_dim3A_79, %scan3A_432 = %broadcast_in_dim3A_81, %scan3A_433 = %broadcast_in_dim3A_79, %scan3A_434 = %broadcast_in_dim3A_81, %scan3A_435 = %broadcast_in_dim3A_79, %scan3A_436 = %broadcast_in_dim3A_81, %scan3A_437 = %broadcast_in_dim3A_79, %scan3A_438 = %broadcast_in_dim3A_81, %scan3A_439 = %broadcast_in_dim3A_79, %scan3A_440 = %broadcast_in_dim3A_81, %scan3A_441 = %broadcast_in_dim3A_79, %scan3A_442 = %broadcast_in_dim3A_81, %scan3A_443 = %broadcast_in_dim3A_79, %scan3A_444 = %broadcast_in_dim3A_81, %scan3A_445 = %broadcast_in_dim3A_79, %scan3A_446 = %broadcast_in_dim3A_81, %scan3A_447 = %broadcast_in_dim3A_79, %scan3A_448 = %broadcast_in_dim3A_81, %scan3A_449 = %broadcast_in_dim3A_79, %scan3A_450 = %broadcast_in_dim3A_81, %scan3A_451 = %broadcast_in_dim3A_79, %scan3A_452 = %broadcast_in_dim3A_81, %scan3A_453 = %broadcast_in_dim3A_79, %scan3A_454 = %broadcast_in_dim3A_81, %scan3A_455 = %broadcast_in_dim3A_79, %scan3A_456 = %broadcast_in_dim3A_81, %scan3A_457 = %broadcast_in_dim3A_79, %scan3A_458 = %broadcast_in_dim3A_81, %scan3A_459 = %broadcast_in_dim3A_79, %scan3A_460 = %broadcast_in_dim3A_81) -> (vector<16xf32>, vector<16xf32>, vector<16xf32>, vector<16xf32>, vector<16xf32>, vector<16xf32>, vector<16xf32>, vector<16xf32>, vector<16xf32>, vector<16xf32>, vector<16xf32>, vector<16xf32>, vector<16xf32>, vector<16xf32>, vector<16xf32>, vector<16xf32>, vector<16xf32>, vector<16xf32>, vector<16xf32>, vector<16xf32>, vector<16xf32>, vector<16xf32>, vector<16xf32>, vector<16xf32>, vector<16xf32>, vector<16xf32>, vector<16xf32>, vector<16xf32>, vector<16xf32>, vector<16xf32>, vector<16xf32>, vector<16xf32>, vector<16xf32>, vector<16xf32>, vector<16xf32>, vector<16xf32>, vector<16xf32>, vector<16xf32>, vector<16xf32>, vector<16xf32>, vector<16xf32>, vector<16xf32>, vector<16xf32>, vector<16xf32>, vector<16xf32>, vector<16xf32>, vector<16xf32>, vector<16xf32>, vector<16xf32>, vector<16xf32>, vector<16xf32>, vector<16xf32>, vector<16xf32>, vector<16xf32>, vector<16xf32>, vector<16xf32>, vector<16xf32>, vector<16xf32>, vector<16xf32>, vector<16xf32>, vector<16xf32>, vector<16xf32>, vector<16xf32>, vector<16xf32>)  : i32 {
        %mul3A_461 = arith.constant 8 : i32
        %mul3A_462 = arith.muli %mul3A_461, %select_n3A_54 : i32
        %mul3A_463 = arith.constant 12288 : i32
        %mul3A_464 = arith.muli %select_n3A_70, %mul3A_463 : i32
        %mul3A_465 = arith.constant 2048 : i32
        %mul3A_466 = arith.muli %scan3A_396, %mul3A_465 : i32
        %add3A_467 = arith.addi %mul3A_464, %mul3A_466 : i32
        "tpu.region"() ({
          %run_scoped3A = tpu.sem_alloc : memref<!tpu.dma_semaphore, #tpu.memory_space<semaphore_mem>>
          %dma_start3A = tpu.memref_slice %arg3[%mul3A_462, %add3A_467] : memref<16x100000xf32, #tpu.memory_space<hbm>> -> memref<8x2048xf32, #tpu.memory_space<hbm>>
          %dma_start3A_516 = tpu.memref_slice %arg3[%mul3A_462, %add3A_467] : memref<16x100000xf32, #tpu.memory_space<hbm>> -> memref<8x2048xf32, #tpu.memory_space<hbm>>
          tpu.enqueue_dma source(%dma_start3A_516 : memref<8x2048xf32, #tpu.memory_space<hbm>>) target(%arg6 : memref<8x2048xf32, #tpu.memory_space<vmem>>) target_semaphore(%run_scoped3A : memref<!tpu.dma_semaphore, #tpu.memory_space<semaphore_mem>>)
          %dma_wait3A = tpu.memref_slice %arg3[%mul3A_462, %add3A_467] : memref<16x100000xf32, #tpu.memory_space<hbm>> -> memref<8x2048xf32, #tpu.memory_space<hbm>>
          %dma_wait3A_517 = tpu.memref_slice %arg3[%mul3A_462, %add3A_467] : memref<16x100000xf32, #tpu.memory_space<hbm>> -> memref<8x2048xf32, #tpu.memory_space<hbm>>
          tpu.wait_dma2 semaphore(%run_scoped3A : memref<!tpu.dma_semaphore, #tpu.memory_space<semaphore_mem>>) src(%dma_wait3A_517 : memref<8x2048xf32, #tpu.memory_space<hbm>>) dst(%arg6 : memref<8x2048xf32, #tpu.memory_space<vmem>>)
          tpu.yield
        }) : () -> ()
        %scan3A_468 = arith.constant 0 : i32
        %scan3A_469 = arith.constant 32 : i32
        %scan3A_470 = arith.addi %scan3A_468, %scan3A_469 : i32
        %scan3A_471 = arith.constant 1 : i32
        %scan3A_472:8 = scf.for %scan3A_516 = %scan3A_468 to %scan3A_470 step %scan3A_471 iter_args(%scan3A_517 = %scan3A_397, %scan3A_518 = %scan3A_398, %scan3A_519 = %scan3A_399, %scan3A_520 = %scan3A_400, %scan3A_521 = %scan3A_401, %scan3A_522 = %scan3A_402, %scan3A_523 = %scan3A_403, %scan3A_524 = %scan3A_404) -> (vector<16xf32>, vector<16xf32>, vector<16xf32>, vector<16xf32>, vector<16xf32>, vector<16xf32>, vector<16xf32>, vector<16xf32>)  : i32 {
          %mul3A_525 = arith.constant 4 : i32
          %mul3A_526 = arith.muli %mul3A_525, %scan3A_516 : i32
          %add3A_527 = arith.constant 0 : i32
          %add3A_528 = arith.addi %mul3A_526, %add3A_527 : i32
          %mul3A_529 = arith.constant 16 : i32
          %mul3A_530 = arith.muli %add3A_528, %mul3A_529 : i32
          %get3A = arith.constant 0 : i32
          %get3A_531 = arith.index_cast %get3A : i32 to index
          %get3A_532 = arith.index_cast %mul3A_530 : i32 to index
          %get3A_533 = tpu.vector_load %arg6[%get3A_531, %get3A_532] {strides = array<i32>} : memref<8x2048xf32, #tpu.memory_space<vmem>>, vector<1x16xf32>,
          %get3A_534 = vector.shape_cast %get3A_533 : vector<1x16xf32> to vector<16xf32>
          %max3A_535 = arith.maximumf %scan3A_517, %get3A_534 : vector<16xf32>
          %sub3A_536 = arith.subf %scan3A_517, %max3A_535 : vector<16xf32>
          %exp3A_537 = math.exp %sub3A_536 : vector<16xf32>
          %mul3A_538 = arith.mulf %scan3A_518, %exp3A_537 : vector<16xf32>
          %sub3A_539 = arith.subf %get3A_534, %max3A_535 : vector<16xf32>
          %exp3A_540 = math.exp %sub3A_539 : vector<16xf32>
          %add3A_541 = arith.addf %mul3A_538, %exp3A_540 : vector<16xf32>
          %mul3A_542 = arith.constant 4 : i32
          %mul3A_543 = arith.muli %mul3A_542, %scan3A_516 : i32
          %add3A_544 = arith.constant 1 : i32
          %add3A_545 = arith.addi %mul3A_543, %add3A_544 : i32
          %mul3A_546 = arith.constant 16 : i32
          %mul3A_547 = arith.muli %add3A_545, %mul3A_546 : i32
          %get3A_548 = arith.constant 0 : i32
          %get3A_549 = arith.index_cast %get3A_548 : i32 to index
          %get3A_550 = arith.index_cast %mul3A_547 : i32 to index
          %get3A_551 = tpu.vector_load %arg6[%get3A_549, %get3A_550] {strides = array<i32>} : memref<8x2048xf32, #tpu.memory_space<vmem>>, vector<1x16xf32>,
          %get3A_552 = vector.shape_cast %get3A_551 : vector<1x16xf32> to vector<16xf32>
          %max3A_553 = arith.maximumf %scan3A_519, %get3A_552 : vector<16xf32>
          %sub3A_554 = arith.subf %scan3A_519, %max3A_553 : vector<16xf32>
          %exp3A_555 = math.exp %sub3A_554 : vector<16xf32>
          %mul3A_556 = arith.mulf %scan3A_520, %exp3A_555 : vector<16xf32>
          %sub3A_557 = arith.subf %get3A_552, %max3A_553 : vector<16xf32>
          %exp3A_558 = math.exp %sub3A_557 : vector<16xf32>
          %add3A_559 = arith.addf %mul3A_556, %exp3A_558 : vector<16xf32>
          %mul3A_560 = arith.constant 4 : i32
          %mul3A_561 = arith.muli %mul3A_560, %scan3A_516 : i32
          %add3A_562 = arith.constant 2 : i32
          %add3A_563 = arith.addi %mul3A_561, %add3A_562 : i32
          %mul3A_564 = arith.constant 16 : i32
          %mul3A_565 = arith.muli %add3A_563, %mul3A_564 : i32
          %get3A_566 = arith.constant 0 : i32
          %get3A_567 = arith.index_cast %get3A_566 : i32 to index
          %get3A_568 = arith.index_cast %mul3A_565 : i32 to index
          %get3A_569 = tpu.vector_load %arg6[%get3A_567, %get3A_568] {strides = array<i32>} : memref<8x2048xf32, #tpu.memory_space<vmem>>, vector<1x16xf32>,
          %get3A_570 = vector.shape_cast %get3A_569 : vector<1x16xf32> to vector<16xf32>
          %max3A_571 = arith.maximumf %scan3A_521, %get3A_570 : vector<16xf32>
          %sub3A_572 = arith.subf %scan3A_521, %max3A_571 : vector<16xf32>
          %exp3A_573 = math.exp %sub3A_572 : vector<16xf32>
          %mul3A_574 = arith.mulf %scan3A_522, %exp3A_573 : vector<16xf32>
          %sub3A_575 = arith.subf %get3A_570, %max3A_571 : vector<16xf32>
          %exp3A_576 = math.exp %sub3A_575 : vector<16xf32>
          %add3A_577 = arith.addf %mul3A_574, %exp3A_576 : vector<16xf32>
          %mul3A_578 = arith.constant 4 : i32
          %mul3A_579 = arith.muli %mul3A_578, %scan3A_516 : i32
          %add3A_580 = arith.constant 3 : i32
          %add3A_581 = arith.addi %mul3A_579, %add3A_580 : i32
          %mul3A_582 = arith.constant 16 : i32
          %mul3A_583 = arith.muli %add3A_581, %mul3A_582 : i32
          %get3A_584 = arith.constant 0 : i32
          %get3A_585 = arith.index_cast %get3A_584 : i32 to index
          %get3A_586 = arith.index_cast %mul3A_583 : i32 to index
          %get3A_587 = tpu.vector_load %arg6[%get3A_585, %get3A_586] {strides = array<i32>} : memref<8x2048xf32, #tpu.memory_space<vmem>>, vector<1x16xf32>,
          %get3A_588 = vector.shape_cast %get3A_587 : vector<1x16xf32> to vector<16xf32>
          %max3A_589 = arith.maximumf %scan3A_523, %get3A_588 : vector<16xf32>
          %sub3A_590 = arith.subf %scan3A_523, %max3A_589 : vector<16xf32>
          %exp3A_591 = math.exp %sub3A_590 : vector<16xf32>
          %mul3A_592 = arith.mulf %scan3A_524, %exp3A_591 : vector<16xf32>
          %sub3A_593 = arith.subf %get3A_588, %max3A_589 : vector<16xf32>
          %exp3A_594 = math.exp %sub3A_593 : vector<16xf32>
          %add3A_595 = arith.addf %mul3A_592, %exp3A_594 : vector<16xf32>
          scf.yield %max3A_535, %add3A_541, %max3A_553, %add3A_559, %max3A_571, %add3A_577, %max3A_589, %add3A_595 : vector<16xf32>, vector<16xf32>, vector<16xf32>, vector<16xf32>, vector<16xf32>, vector<16xf32>, vector<16xf32>, vector<16xf32>
        }
        %scan3A_473 = arith.constant 32 : i32
        %scan3A_474 = arith.constant 0 : i32
        %scan3A_475 = arith.constant 32 : i32
        %scan3A_476 = arith.addi %scan3A_474, %scan3A_475 : i32
        %scan3A_477 = arith.constant 1 : i32
        %scan3A_478:8 = scf.for %scan3A_516 = %scan3A_474 to %scan3A_476 step %scan3A_477 iter_args(%scan3A_517 = %scan3A_405, %scan3A_518 = %scan3A_406, %scan3A_519 = %scan3A_407, %scan3A_520 = %scan3A_408, %scan3A_521 = %scan3A_409, %scan3A_522 = %scan3A_410, %scan3A_523 = %scan3A_411, %scan3A_524 = %scan3A_412) -> (vector<16xf32>, vector<16xf32>, vector<16xf32>, vector<16xf32>, vector<16xf32>, vector<16xf32>, vector<16xf32>, vector<16xf32>)  : i32 {
          %mul3A_525 = arith.constant 4 : i32
          %mul3A_526 = arith.muli %mul3A_525, %scan3A_516 : i32
          %add3A_527 = arith.constant 0 : i32
          %add3A_528 = arith.addi %mul3A_526, %add3A_527 : i32
          %mul3A_529 = arith.constant 16 : i32
          %mul3A_530 = arith.muli %add3A_528, %mul3A_529 : i32
          %get3A = arith.constant 1 : i32
          %get3A_531 = arith.index_cast %get3A : i32 to index
          %get3A_532 = arith.index_cast %mul3A_530 : i32 to index
          %get3A_533 = tpu.vector_load %arg6[%get3A_531, %get3A_532] {strides = array<i32>} : memref<8x2048xf32, #tpu.memory_space<vmem>>, vector<1x16xf32>,
          %get3A_534 = vector.shape_cast %get3A_533 : vector<1x16xf32> to vector<16xf32>
          %max3A_535 = arith.maximumf %scan3A_517, %get3A_534 : vector<16xf32>
          %sub3A_536 = arith.subf %scan3A_517, %max3A_535 : vector<16xf32>
          %exp3A_537 = math.exp %sub3A_536 : vector<16xf32>
          %mul3A_538 = arith.mulf %scan3A_518, %exp3A_537 : vector<16xf32>
          %sub3A_539 = arith.subf %get3A_534, %max3A_535 : vector<16xf32>
          %exp3A_540 = math.exp %sub3A_539 : vector<16xf32>
          %add3A_541 = arith.addf %mul3A_538, %exp3A_540 : vector<16xf32>
          %mul3A_542 = arith.constant 4 : i32
          %mul3A_543 = arith.muli %mul3A_542, %scan3A_516 : i32
          %add3A_544 = arith.constant 1 : i32
          %add3A_545 = arith.addi %mul3A_543, %add3A_544 : i32
          %mul3A_546 = arith.constant 16 : i32
          %mul3A_547 = arith.muli %add3A_545, %mul3A_546 : i32
          %get3A_548 = arith.constant 1 : i32
          %get3A_549 = arith.index_cast %get3A_548 : i32 to index
          %get3A_550 = arith.index_cast %mul3A_547 : i32 to index
          %get3A_551 = tpu.vector_load %arg6[%get3A_549, %get3A_550] {strides = array<i32>} : memref<8x2048xf32, #tpu.memory_space<vmem>>, vector<1x16xf32>,
          %get3A_552 = vector.shape_cast %get3A_551 : vector<1x16xf32> to vector<16xf32>
          %max3A_553 = arith.maximumf %scan3A_519, %get3A_552 : vector<16xf32>
          %sub3A_554 = arith.subf %scan3A_519, %max3A_553 : vector<16xf32>
          %exp3A_555 = math.exp %sub3A_554 : vector<16xf32>
          %mul3A_556 = arith.mulf %scan3A_520, %exp3A_555 : vector<16xf32>
          %sub3A_557 = arith.subf %get3A_552, %max3A_553 : vector<16xf32>
          %exp3A_558 = math.exp %sub3A_557 : vector<16xf32>
          %add3A_559 = arith.addf %mul3A_556, %exp3A_558 : vector<16xf32>
          %mul3A_560 = arith.constant 4 : i32
          %mul3A_561 = arith.muli %mul3A_560, %scan3A_516 : i32
          %add3A_562 = arith.constant 2 : i32
          %add3A_563 = arith.addi %mul3A_561, %add3A_562 : i32
          %mul3A_564 = arith.constant 16 : i32
          %mul3A_565 = arith.muli %add3A_563, %mul3A_564 : i32
          %get3A_566 = arith.constant 1 : i32
          %get3A_567 = arith.index_cast %get3A_566 : i32 to index
          %get3A_568 = arith.index_cast %mul3A_565 : i32 to index
          %get3A_569 = tpu.vector_load %arg6[%get3A_567, %get3A_568] {strides = array<i32>} : memref<8x2048xf32, #tpu.memory_space<vmem>>, vector<1x16xf32>,
          %get3A_570 = vector.shape_cast %get3A_569 : vector<1x16xf32> to vector<16xf32>
          %max3A_571 = arith.maximumf %scan3A_521, %get3A_570 : vector<16xf32>
          %sub3A_572 = arith.subf %scan3A_521, %max3A_571 : vector<16xf32>
          %exp3A_573 = math.exp %sub3A_572 : vector<16xf32>
          %mul3A_574 = arith.mulf %scan3A_522, %exp3A_573 : vector<16xf32>
          %sub3A_575 = arith.subf %get3A_570, %max3A_571 : vector<16xf32>
          %exp3A_576 = math.exp %sub3A_575 : vector<16xf32>
          %add3A_577 = arith.addf %mul3A_574, %exp3A_576 : vector<16xf32>
          %mul3A_578 = arith.constant 4 : i32
          %mul3A_579 = arith.muli %mul3A_578, %scan3A_516 : i32
          %add3A_580 = arith.constant 3 : i32
          %add3A_581 = arith.addi %mul3A_579, %add3A_580 : i32
          %mul3A_582 = arith.constant 16 : i32
          %mul3A_583 = arith.muli %add3A_581, %mul3A_582 : i32
          %get3A_584 = arith.constant 1 : i32
          %get3A_585 = arith.index_cast %get3A_584 : i32 to index
          %get3A_586 = arith.index_cast %mul3A_583 : i32 to index
          %get3A_587 = tpu.vector_load %arg6[%get3A_585, %get3A_586] {strides = array<i32>} : memref<8x2048xf32, #tpu.memory_space<vmem>>, vector<1x16xf32>,
          %get3A_588 = vector.shape_cast %get3A_587 : vector<1x16xf32> to vector<16xf32>
          %max3A_589 = arith.maximumf %scan3A_523, %get3A_588 : vector<16xf32>
          %sub3A_590 = arith.subf %scan3A_523, %max3A_589 : vector<16xf32>
          %exp3A_591 = math.exp %sub3A_590 : vector<16xf32>
          %mul3A_592 = arith.mulf %scan3A_524, %exp3A_591 : vector<16xf32>
          %sub3A_593 = arith.subf %get3A_588, %max3A_589 : vector<16xf32>
          %exp3A_594 = math.exp %sub3A_593 : vector<16xf32>
          %add3A_595 = arith.addf %mul3A_592, %exp3A_594 : vector<16xf32>
          scf.yield %max3A_535, %add3A_541, %max3A_553, %add3A_559, %max3A_571, %add3A_577, %max3A_589, %add3A_595 : vector<16xf32>, vector<16xf32>, vector<16xf32>, vector<16xf32>, vector<16xf32>, vector<16xf32>, vector<16xf32>, vector<16xf32>
        }
        %scan3A_479 = arith.constant 32 : i32
        %scan3A_480 = arith.constant 0 : i32
        %scan3A_481 = arith.constant 32 : i32
        %scan3A_482 = arith.addi %scan3A_480, %scan3A_481 : i32
        %scan3A_483 = arith.constant 1 : i32
        %scan3A_484:8 = scf.for %scan3A_516 = %scan3A_480 to %scan3A_482 step %scan3A_483 iter_args(%scan3A_517 = %scan3A_413, %scan3A_518 = %scan3A_414, %scan3A_519 = %scan3A_415, %scan3A_520 = %scan3A_416, %scan3A_521 = %scan3A_417, %scan3A_522 = %scan3A_418, %scan3A_523 = %scan3A_419, %scan3A_524 = %scan3A_420) -> (vector<16xf32>, vector<16xf32>, vector<16xf32>, vector<16xf32>, vector<16xf32>, vector<16xf32>, vector<16xf32>, vector<16xf32>)  : i32 {
          %mul3A_525 = arith.constant 4 : i32
          %mul3A_526 = arith.muli %mul3A_525, %scan3A_516 : i32
          %add3A_527 = arith.constant 0 : i32
          %add3A_528 = arith.addi %mul3A_526, %add3A_527 : i32
          %mul3A_529 = arith.constant 16 : i32
          %mul3A_530 = arith.muli %add3A_528, %mul3A_529 : i32
          %get3A = arith.constant 2 : i32
          %get3A_531 = arith.index_cast %get3A : i32 to index
          %get3A_532 = arith.index_cast %mul3A_530 : i32 to index
          %get3A_533 = tpu.vector_load %arg6[%get3A_531, %get3A_532] {strides = array<i32>} : memref<8x2048xf32, #tpu.memory_space<vmem>>, vector<1x16xf32>,
          %get3A_534 = vector.shape_cast %get3A_533 : vector<1x16xf32> to vector<16xf32>
          %max3A_535 = arith.maximumf %scan3A_517, %get3A_534 : vector<16xf32>
          %sub3A_536 = arith.subf %scan3A_517, %max3A_535 : vector<16xf32>
          %exp3A_537 = math.exp %sub3A_536 : vector<16xf32>
          %mul3A_538 = arith.mulf %scan3A_518, %exp3A_537 : vector<16xf32>
          %sub3A_539 = arith.subf %get3A_534, %max3A_535 : vector<16xf32>
          %exp3A_540 = math.exp %sub3A_539 : vector<16xf32>
          %add3A_541 = arith.addf %mul3A_538, %exp3A_540 : vector<16xf32>
          %mul3A_542 = arith.constant 4 : i32
          %mul3A_543 = arith.muli %mul3A_542, %scan3A_516 : i32
          %add3A_544 = arith.constant 1 : i32
          %add3A_545 = arith.addi %mul3A_543, %add3A_544 : i32
          %mul3A_546 = arith.constant 16 : i32
          %mul3A_547 = arith.muli %add3A_545, %mul3A_546 : i32
          %get3A_548 = arith.constant 2 : i32
          %get3A_549 = arith.index_cast %get3A_548 : i32 to index
          %get3A_550 = arith.index_cast %mul3A_547 : i32 to index
          %get3A_551 = tpu.vector_load %arg6[%get3A_549, %get3A_550] {strides = array<i32>} : memref<8x2048xf32, #tpu.memory_space<vmem>>, vector<1x16xf32>,
          %get3A_552 = vector.shape_cast %get3A_551 : vector<1x16xf32> to vector<16xf32>
          %max3A_553 = arith.maximumf %scan3A_519, %get3A_552 : vector<16xf32>
          %sub3A_554 = arith.subf %scan3A_519, %max3A_553 : vector<16xf32>
          %exp3A_555 = math.exp %sub3A_554 : vector<16xf32>
          %mul3A_556 = arith.mulf %scan3A_520, %exp3A_555 : vector<16xf32>
          %sub3A_557 = arith.subf %get3A_552, %max3A_553 : vector<16xf32>
          %exp3A_558 = math.exp %sub3A_557 : vector<16xf32>
          %add3A_559 = arith.addf %mul3A_556, %exp3A_558 : vector<16xf32>
          %mul3A_560 = arith.constant 4 : i32
          %mul3A_561 = arith.muli %mul3A_560, %scan3A_516 : i32
          %add3A_562 = arith.constant 2 : i32
          %add3A_563 = arith.addi %mul3A_561, %add3A_562 : i32
          %mul3A_564 = arith.constant 16 : i32
          %mul3A_565 = arith.muli %add3A_563, %mul3A_564 : i32
          %get3A_566 = arith.constant 2 : i32
          %get3A_567 = arith.index_cast %get3A_566 : i32 to index
          %get3A_568 = arith.index_cast %mul3A_565 : i32 to index
          %get3A_569 = tpu.vector_load %arg6[%get3A_567, %get3A_568] {strides = array<i32>} : memref<8x2048xf32, #tpu.memory_space<vmem>>, vector<1x16xf32>,
          %get3A_570 = vector.shape_cast %get3A_569 : vector<1x16xf32> to vector<16xf32>
          %max3A_571 = arith.maximumf %scan3A_521, %get3A_570 : vector<16xf32>
          %sub3A_572 = arith.subf %scan3A_521, %max3A_571 : vector<16xf32>
          %exp3A_573 = math.exp %sub3A_572 : vector<16xf32>
          %mul3A_574 = arith.mulf %scan3A_522, %exp3A_573 : vector<16xf32>
          %sub3A_575 = arith.subf %get3A_570, %max3A_571 : vector<16xf32>
          %exp3A_576 = math.exp %sub3A_575 : vector<16xf32>
          %add3A_577 = arith.addf %mul3A_574, %exp3A_576 : vector<16xf32>
          %mul3A_578 = arith.constant 4 : i32
          %mul3A_579 = arith.muli %mul3A_578, %scan3A_516 : i32
          %add3A_580 = arith.constant 3 : i32
          %add3A_581 = arith.addi %mul3A_579, %add3A_580 : i32
          %mul3A_582 = arith.constant 16 : i32
          %mul3A_583 = arith.muli %add3A_581, %mul3A_582 : i32
          %get3A_584 = arith.constant 2 : i32
          %get3A_585 = arith.index_cast %get3A_584 : i32 to index
          %get3A_586 = arith.index_cast %mul3A_583 : i32 to index
          %get3A_587 = tpu.vector_load %arg6[%get3A_585, %get3A_586] {strides = array<i32>} : memref<8x2048xf32, #tpu.memory_space<vmem>>, vector<1x16xf32>,
          %get3A_588 = vector.shape_cast %get3A_587 : vector<1x16xf32> to vector<16xf32>
          %max3A_589 = arith.maximumf %scan3A_523, %get3A_588 : vector<16xf32>
          %sub3A_590 = arith.subf %scan3A_523, %max3A_589 : vector<16xf32>
          %exp3A_591 = math.exp %sub3A_590 : vector<16xf32>
          %mul3A_592 = arith.mulf %scan3A_524, %exp3A_591 : vector<16xf32>
          %sub3A_593 = arith.subf %get3A_588, %max3A_589 : vector<16xf32>
          %exp3A_594 = math.exp %sub3A_593 : vector<16xf32>
          %add3A_595 = arith.addf %mul3A_592, %exp3A_594 : vector<16xf32>
          scf.yield %max3A_535, %add3A_541, %max3A_553, %add3A_559, %max3A_571, %add3A_577, %max3A_589, %add3A_595 : vector<16xf32>, vector<16xf32>, vector<16xf32>, vector<16xf32>, vector<16xf32>, vector<16xf32>, vector<16xf32>, vector<16xf32>
        }
        %scan3A_485 = arith.constant 32 : i32
        %scan3A_486 = arith.constant 0 : i32
        %scan3A_487 = arith.constant 32 : i32
        %scan3A_488 = arith.addi %scan3A_486, %scan3A_487 : i32
        %scan3A_489 = arith.constant 1 : i32
        %scan3A_490:8 = scf.for %scan3A_516 = %scan3A_486 to %scan3A_488 step %scan3A_489 iter_args(%scan3A_517 = %scan3A_421, %scan3A_518 = %scan3A_422, %scan3A_519 = %scan3A_423, %scan3A_520 = %scan3A_424, %scan3A_521 = %scan3A_425, %scan3A_522 = %scan3A_426, %scan3A_523 = %scan3A_427, %scan3A_524 = %scan3A_428) -> (vector<16xf32>, vector<16xf32>, vector<16xf32>, vector<16xf32>, vector<16xf32>, vector<16xf32>, vector<16xf32>, vector<16xf32>)  : i32 {
          %mul3A_525 = arith.constant 4 : i32
          %mul3A_526 = arith.muli %mul3A_525, %scan3A_516 : i32
          %add3A_527 = arith.constant 0 : i32
          %add3A_528 = arith.addi %mul3A_526, %add3A_527 : i32
          %mul3A_529 = arith.constant 16 : i32
          %mul3A_530 = arith.muli %add3A_528, %mul3A_529 : i32
          %get3A = arith.constant 3 : i32
          %get3A_531 = arith.index_cast %get3A : i32 to index
          %get3A_532 = arith.index_cast %mul3A_530 : i32 to index
          %get3A_533 = tpu.vector_load %arg6[%get3A_531, %get3A_532] {strides = array<i32>} : memref<8x2048xf32, #tpu.memory_space<vmem>>, vector<1x16xf32>,
          %get3A_534 = vector.shape_cast %get3A_533 : vector<1x16xf32> to vector<16xf32>
          %max3A_535 = arith.maximumf %scan3A_517, %get3A_534 : vector<16xf32>
          %sub3A_536 = arith.subf %scan3A_517, %max3A_535 : vector<16xf32>
          %exp3A_537 = math.exp %sub3A_536 : vector<16xf32>
          %mul3A_538 = arith.mulf %scan3A_518, %exp3A_537 : vector<16xf32>
          %sub3A_539 = arith.subf %get3A_534, %max3A_535 : vector<16xf32>
          %exp3A_540 = math.exp %sub3A_539 : vector<16xf32>
          %add3A_541 = arith.addf %mul3A_538, %exp3A_540 : vector<16xf32>
          %mul3A_542 = arith.constant 4 : i32
          %mul3A_543 = arith.muli %mul3A_542, %scan3A_516 : i32
          %add3A_544 = arith.constant 1 : i32
          %add3A_545 = arith.addi %mul3A_543, %add3A_544 : i32
          %mul3A_546 = arith.constant 16 : i32
          %mul3A_547 = arith.muli %add3A_545, %mul3A_546 : i32
          %get3A_548 = arith.constant 3 : i32
          %get3A_549 = arith.index_cast %get3A_548 : i32 to index
          %get3A_550 = arith.index_cast %mul3A_547 : i32 to index
          %get3A_551 = tpu.vector_load %arg6[%get3A_549, %get3A_550] {strides = array<i32>} : memref<8x2048xf32, #tpu.memory_space<vmem>>, vector<1x16xf32>,
          %get3A_552 = vector.shape_cast %get3A_551 : vector<1x16xf32> to vector<16xf32>
          %max3A_553 = arith.maximumf %scan3A_519, %get3A_552 : vector<16xf32>
          %sub3A_554 = arith.subf %scan3A_519, %max3A_553 : vector<16xf32>
          %exp3A_555 = math.exp %sub3A_554 : vector<16xf32>
          %mul3A_556 = arith.mulf %scan3A_520, %exp3A_555 : vector<16xf32>
          %sub3A_557 = arith.subf %get3A_552, %max3A_553 : vector<16xf32>
          %exp3A_558 = math.exp %sub3A_557 : vector<16xf32>
          %add3A_559 = arith.addf %mul3A_556, %exp3A_558 : vector<16xf32>
          %mul3A_560 = arith.constant 4 : i32
          %mul3A_561 = arith.muli %mul3A_560, %scan3A_516 : i32
          %add3A_562 = arith.constant 2 : i32
          %add3A_563 = arith.addi %mul3A_561, %add3A_562 : i32
          %mul3A_564 = arith.constant 16 : i32
          %mul3A_565 = arith.muli %add3A_563, %mul3A_564 : i32
          %get3A_566 = arith.constant 3 : i32
          %get3A_567 = arith.index_cast %get3A_566 : i32 to index
          %get3A_568 = arith.index_cast %mul3A_565 : i32 to index
          %get3A_569 = tpu.vector_load %arg6[%get3A_567, %get3A_568] {strides = array<i32>} : memref<8x2048xf32, #tpu.memory_space<vmem>>, vector<1x16xf32>,
          %get3A_570 = vector.shape_cast %get3A_569 : vector<1x16xf32> to vector<16xf32>
          %max3A_571 = arith.maximumf %scan3A_521, %get3A_570 : vector<16xf32>
          %sub3A_572 = arith.subf %scan3A_521, %max3A_571 : vector<16xf32>
          %exp3A_573 = math.exp %sub3A_572 : vector<16xf32>
          %mul3A_574 = arith.mulf %scan3A_522, %exp3A_573 : vector<16xf32>
          %sub3A_575 = arith.subf %get3A_570, %max3A_571 : vector<16xf32>
          %exp3A_576 = math.exp %sub3A_575 : vector<16xf32>
          %add3A_577 = arith.addf %mul3A_574, %exp3A_576 : vector<16xf32>
          %mul3A_578 = arith.constant 4 : i32
          %mul3A_579 = arith.muli %mul3A_578, %scan3A_516 : i32
          %add3A_580 = arith.constant 3 : i32
          %add3A_581 = arith.addi %mul3A_579, %add3A_580 : i32
          %mul3A_582 = arith.constant 16 : i32
          %mul3A_583 = arith.muli %add3A_581, %mul3A_582 : i32
          %get3A_584 = arith.constant 3 : i32
          %get3A_585 = arith.index_cast %get3A_584 : i32 to index
          %get3A_586 = arith.index_cast %mul3A_583 : i32 to index
          %get3A_587 = tpu.vector_load %arg6[%get3A_585, %get3A_586] {strides = array<i32>} : memref<8x2048xf32, #tpu.memory_space<vmem>>, vector<1x16xf32>,
          %get3A_588 = vector.shape_cast %get3A_587 : vector<1x16xf32> to vector<16xf32>
          %max3A_589 = arith.maximumf %scan3A_523, %get3A_588 : vector<16xf32>
          %sub3A_590 = arith.subf %scan3A_523, %max3A_589 : vector<16xf32>
          %exp3A_591 = math.exp %sub3A_590 : vector<16xf32>
          %mul3A_592 = arith.mulf %scan3A_524, %exp3A_591 : vector<16xf32>
          %sub3A_593 = arith.subf %get3A_588, %max3A_589 : vector<16xf32>
          %exp3A_594 = math.exp %sub3A_593 : vector<16xf32>
          %add3A_595 = arith.addf %mul3A_592, %exp3A_594 : vector<16xf32>
          scf.yield %max3A_535, %add3A_541, %max3A_553, %add3A_559, %max3A_571, %add3A_577, %max3A_589, %add3A_595 : vector<16xf32>, vector<16xf32>, vector<16xf32>, vector<16xf32>, vector<16xf32>, vector<16xf32>, vector<16xf32>, vector<16xf32>
        }
        %scan3A_491 = arith.constant 32 : i32
        %scan3A_492 = arith.constant 0 : i32
        %scan3A_493 = arith.constant 32 : i32
        %scan3A_494 = arith.addi %scan3A_492, %scan3A_493 : i32
        %scan3A_495 = arith.constant 1 : i32
        %scan3A_496:8 = scf.for %scan3A_516 = %scan3A_492 to %scan3A_494 step %scan3A_495 iter_args(%scan3A_517 = %scan3A_429, %scan3A_518 = %scan3A_430, %scan3A_519 = %scan3A_431, %scan3A_520 = %scan3A_432, %scan3A_521 = %scan3A_433, %scan3A_522 = %scan3A_434, %scan3A_523 = %scan3A_435, %scan3A_524 = %scan3A_436) -> (vector<16xf32>, vector<16xf32>, vector<16xf32>, vector<16xf32>, vector<16xf32>, vector<16xf32>, vector<16xf32>, vector<16xf32>)  : i32 {
          %mul3A_525 = arith.constant 4 : i32
          %mul3A_526 = arith.muli %mul3A_525, %scan3A_516 : i32
          %add3A_527 = arith.constant 0 : i32
          %add3A_528 = arith.addi %mul3A_526, %add3A_527 : i32
          %mul3A_529 = arith.constant 16 : i32
          %mul3A_530 = arith.muli %add3A_528, %mul3A_529 : i32
          %get3A = arith.constant 4 : i32
          %get3A_531 = arith.index_cast %get3A : i32 to index
          %get3A_532 = arith.index_cast %mul3A_530 : i32 to index
          %get3A_533 = tpu.vector_load %arg6[%get3A_531, %get3A_532] {strides = array<i32>} : memref<8x2048xf32, #tpu.memory_space<vmem>>, vector<1x16xf32>,
          %get3A_534 = vector.shape_cast %get3A_533 : vector<1x16xf32> to vector<16xf32>
          %max3A_535 = arith.maximumf %scan3A_517, %get3A_534 : vector<16xf32>
          %sub3A_536 = arith.subf %scan3A_517, %max3A_535 : vector<16xf32>
          %exp3A_537 = math.exp %sub3A_536 : vector<16xf32>
          %mul3A_538 = arith.mulf %scan3A_518, %exp3A_537 : vector<16xf32>
          %sub3A_539 = arith.subf %get3A_534, %max3A_535 : vector<16xf32>
          %exp3A_540 = math.exp %sub3A_539 : vector<16xf32>
          %add3A_541 = arith.addf %mul3A_538, %exp3A_540 : vector<16xf32>
          %mul3A_542 = arith.constant 4 : i32
          %mul3A_543 = arith.muli %mul3A_542, %scan3A_516 : i32
          %add3A_544 = arith.constant 1 : i32
          %add3A_545 = arith.addi %mul3A_543, %add3A_544 : i32
          %mul3A_546 = arith.constant 16 : i32
          %mul3A_547 = arith.muli %add3A_545, %mul3A_546 : i32
          %get3A_548 = arith.constant 4 : i32
          %get3A_549 = arith.index_cast %get3A_548 : i32 to index
          %get3A_550 = arith.index_cast %mul3A_547 : i32 to index
          %get3A_551 = tpu.vector_load %arg6[%get3A_549, %get3A_550] {strides = array<i32>} : memref<8x2048xf32, #tpu.memory_space<vmem>>, vector<1x16xf32>,
          %get3A_552 = vector.shape_cast %get3A_551 : vector<1x16xf32> to vector<16xf32>
          %max3A_553 = arith.maximumf %scan3A_519, %get3A_552 : vector<16xf32>
          %sub3A_554 = arith.subf %scan3A_519, %max3A_553 : vector<16xf32>
          %exp3A_555 = math.exp %sub3A_554 : vector<16xf32>
          %mul3A_556 = arith.mulf %scan3A_520, %exp3A_555 : vector<16xf32>
          %sub3A_557 = arith.subf %get3A_552, %max3A_553 : vector<16xf32>
          %exp3A_558 = math.exp %sub3A_557 : vector<16xf32>
          %add3A_559 = arith.addf %mul3A_556, %exp3A_558 : vector<16xf32>
          %mul3A_560 = arith.constant 4 : i32
          %mul3A_561 = arith.muli %mul3A_560, %scan3A_516 : i32
          %add3A_562 = arith.constant 2 : i32
          %add3A_563 = arith.addi %mul3A_561, %add3A_562 : i32
          %mul3A_564 = arith.constant 16 : i32
          %mul3A_565 = arith.muli %add3A_563, %mul3A_564 : i32
          %get3A_566 = arith.constant 4 : i32
          %get3A_567 = arith.index_cast %get3A_566 : i32 to index
          %get3A_568 = arith.index_cast %mul3A_565 : i32 to index
          %get3A_569 = tpu.vector_load %arg6[%get3A_567, %get3A_568] {strides = array<i32>} : memref<8x2048xf32, #tpu.memory_space<vmem>>, vector<1x16xf32>,
          %get3A_570 = vector.shape_cast %get3A_569 : vector<1x16xf32> to vector<16xf32>
          %max3A_571 = arith.maximumf %scan3A_521, %get3A_570 : vector<16xf32>
          %sub3A_572 = arith.subf %scan3A_521, %max3A_571 : vector<16xf32>
          %exp3A_573 = math.exp %sub3A_572 : vector<16xf32>
          %mul3A_574 = arith.mulf %scan3A_522, %exp3A_573 : vector<16xf32>
          %sub3A_575 = arith.subf %get3A_570, %max3A_571 : vector<16xf32>
          %exp3A_576 = math.exp %sub3A_575 : vector<16xf32>
          %add3A_577 = arith.addf %mul3A_574, %exp3A_576 : vector<16xf32>
          %mul3A_578 = arith.constant 4 : i32
          %mul3A_579 = arith.muli %mul3A_578, %scan3A_516 : i32
          %add3A_580 = arith.constant 3 : i32
          %add3A_581 = arith.addi %mul3A_579, %add3A_580 : i32
          %mul3A_582 = arith.constant 16 : i32
          %mul3A_583 = arith.muli %add3A_581, %mul3A_582 : i32
          %get3A_584 = arith.constant 4 : i32
          %get3A_585 = arith.index_cast %get3A_584 : i32 to index
          %get3A_586 = arith.index_cast %mul3A_583 : i32 to index
          %get3A_587 = tpu.vector_load %arg6[%get3A_585, %get3A_586] {strides = array<i32>} : memref<8x2048xf32, #tpu.memory_space<vmem>>, vector<1x16xf32>,
          %get3A_588 = vector.shape_cast %get3A_587 : vector<1x16xf32> to vector<16xf32>
          %max3A_589 = arith.maximumf %scan3A_523, %get3A_588 : vector<16xf32>
          %sub3A_590 = arith.subf %scan3A_523, %max3A_589 : vector<16xf32>
          %exp3A_591 = math.exp %sub3A_590 : vector<16xf32>
          %mul3A_592 = arith.mulf %scan3A_524, %exp3A_591 : vector<16xf32>
          %sub3A_593 = arith.subf %get3A_588, %max3A_589 : vector<16xf32>
          %exp3A_594 = math.exp %sub3A_593 : vector<16xf32>
          %add3A_595 = arith.addf %mul3A_592, %exp3A_594 : vector<16xf32>
          scf.yield %max3A_535, %add3A_541, %max3A_553, %add3A_559, %max3A_571, %add3A_577, %max3A_589, %add3A_595 : vector<16xf32>, vector<16xf32>, vector<16xf32>, vector<16xf32>, vector<16xf32>, vector<16xf32>, vector<16xf32>, vector<16xf32>
        }
        %scan3A_497 = arith.constant 32 : i32
        %scan3A_498 = arith.constant 0 : i32
        %scan3A_499 = arith.constant 32 : i32
        %scan3A_500 = arith.addi %scan3A_498, %scan3A_499 : i32
        %scan3A_501 = arith.constant 1 : i32
        %scan3A_502:8 = scf.for %scan3A_516 = %scan3A_498 to %scan3A_500 step %scan3A_501 iter_args(%scan3A_517 = %scan3A_437, %scan3A_518 = %scan3A_438, %scan3A_519 = %scan3A_439, %scan3A_520 = %scan3A_440, %scan3A_521 = %scan3A_441, %scan3A_522 = %scan3A_442, %scan3A_523 = %scan3A_443, %scan3A_524 = %scan3A_444) -> (vector<16xf32>, vector<16xf32>, vector<16xf32>, vector<16xf32>, vector<16xf32>, vector<16xf32>, vector<16xf32>, vector<16xf32>)  : i32 {
          %mul3A_525 = arith.constant 4 : i32
          %mul3A_526 = arith.muli %mul3A_525, %scan3A_516 : i32
          %add3A_527 = arith.constant 0 : i32
          %add3A_528 = arith.addi %mul3A_526, %add3A_527 : i32
          %mul3A_529 = arith.constant 16 : i32
          %mul3A_530 = arith.muli %add3A_528, %mul3A_529 : i32
          %get3A = arith.constant 5 : i32
          %get3A_531 = arith.index_cast %get3A : i32 to index
          %get3A_532 = arith.index_cast %mul3A_530 : i32 to index
          %get3A_533 = tpu.vector_load %arg6[%get3A_531, %get3A_532] {strides = array<i32>} : memref<8x2048xf32, #tpu.memory_space<vmem>>, vector<1x16xf32>,
          %get3A_534 = vector.shape_cast %get3A_533 : vector<1x16xf32> to vector<16xf32>
          %max3A_535 = arith.maximumf %scan3A_517, %get3A_534 : vector<16xf32>
          %sub3A_536 = arith.subf %scan3A_517, %max3A_535 : vector<16xf32>
          %exp3A_537 = math.exp %sub3A_536 : vector<16xf32>
          %mul3A_538 = arith.mulf %scan3A_518, %exp3A_537 : vector<16xf32>
          %sub3A_539 = arith.subf %get3A_534, %max3A_535 : vector<16xf32>
          %exp3A_540 = math.exp %sub3A_539 : vector<16xf32>
          %add3A_541 = arith.addf %mul3A_538, %exp3A_540 : vector<16xf32>
          %mul3A_542 = arith.constant 4 : i32
          %mul3A_543 = arith.muli %mul3A_542, %scan3A_516 : i32
          %add3A_544 = arith.constant 1 : i32
          %add3A_545 = arith.addi %mul3A_543, %add3A_544 : i32
          %mul3A_546 = arith.constant 16 : i32
          %mul3A_547 = arith.muli %add3A_545, %mul3A_546 : i32
          %get3A_548 = arith.constant 5 : i32
          %get3A_549 = arith.index_cast %get3A_548 : i32 to index
          %get3A_550 = arith.index_cast %mul3A_547 : i32 to index
          %get3A_551 = tpu.vector_load %arg6[%get3A_549, %get3A_550] {strides = array<i32>} : memref<8x2048xf32, #tpu.memory_space<vmem>>, vector<1x16xf32>,
          %get3A_552 = vector.shape_cast %get3A_551 : vector<1x16xf32> to vector<16xf32>
          %max3A_553 = arith.maximumf %scan3A_519, %get3A_552 : vector<16xf32>
          %sub3A_554 = arith.subf %scan3A_519, %max3A_553 : vector<16xf32>
          %exp3A_555 = math.exp %sub3A_554 : vector<16xf32>
          %mul3A_556 = arith.mulf %scan3A_520, %exp3A_555 : vector<16xf32>
          %sub3A_557 = arith.subf %get3A_552, %max3A_553 : vector<16xf32>
          %exp3A_558 = math.exp %sub3A_557 : vector<16xf32>
          %add3A_559 = arith.addf %mul3A_556, %exp3A_558 : vector<16xf32>
          %mul3A_560 = arith.constant 4 : i32
          %mul3A_561 = arith.muli %mul3A_560, %scan3A_516 : i32
          %add3A_562 = arith.constant 2 : i32
          %add3A_563 = arith.addi %mul3A_561, %add3A_562 : i32
          %mul3A_564 = arith.constant 16 : i32
          %mul3A_565 = arith.muli %add3A_563, %mul3A_564 : i32
          %get3A_566 = arith.constant 5 : i32
          %get3A_567 = arith.index_cast %get3A_566 : i32 to index
          %get3A_568 = arith.index_cast %mul3A_565 : i32 to index
          %get3A_569 = tpu.vector_load %arg6[%get3A_567, %get3A_568] {strides = array<i32>} : memref<8x2048xf32, #tpu.memory_space<vmem>>, vector<1x16xf32>,
          %get3A_570 = vector.shape_cast %get3A_569 : vector<1x16xf32> to vector<16xf32>
          %max3A_571 = arith.maximumf %scan3A_521, %get3A_570 : vector<16xf32>
          %sub3A_572 = arith.subf %scan3A_521, %max3A_571 : vector<16xf32>
          %exp3A_573 = math.exp %sub3A_572 : vector<16xf32>
          %mul3A_574 = arith.mulf %scan3A_522, %exp3A_573 : vector<16xf32>
          %sub3A_575 = arith.subf %get3A_570, %max3A_571 : vector<16xf32>
          %exp3A_576 = math.exp %sub3A_575 : vector<16xf32>
          %add3A_577 = arith.addf %mul3A_574, %exp3A_576 : vector<16xf32>
          %mul3A_578 = arith.constant 4 : i32
          %mul3A_579 = arith.muli %mul3A_578, %scan3A_516 : i32
          %add3A_580 = arith.constant 3 : i32
          %add3A_581 = arith.addi %mul3A_579, %add3A_580 : i32
          %mul3A_582 = arith.constant 16 : i32
          %mul3A_583 = arith.muli %add3A_581, %mul3A_582 : i32
          %get3A_584 = arith.constant 5 : i32
          %get3A_585 = arith.index_cast %get3A_584 : i32 to index
          %get3A_586 = arith.index_cast %mul3A_583 : i32 to index
          %get3A_587 = tpu.vector_load %arg6[%get3A_585, %get3A_586] {strides = array<i32>} : memref<8x2048xf32, #tpu.memory_space<vmem>>, vector<1x16xf32>,
          %get3A_588 = vector.shape_cast %get3A_587 : vector<1x16xf32> to vector<16xf32>
          %max3A_589 = arith.maximumf %scan3A_523, %get3A_588 : vector<16xf32>
          %sub3A_590 = arith.subf %scan3A_523, %max3A_589 : vector<16xf32>
          %exp3A_591 = math.exp %sub3A_590 : vector<16xf32>
          %mul3A_592 = arith.mulf %scan3A_524, %exp3A_591 : vector<16xf32>
          %sub3A_593 = arith.subf %get3A_588, %max3A_589 : vector<16xf32>
          %exp3A_594 = math.exp %sub3A_593 : vector<16xf32>
          %add3A_595 = arith.addf %mul3A_592, %exp3A_594 : vector<16xf32>
          scf.yield %max3A_535, %add3A_541, %max3A_553, %add3A_559, %max3A_571, %add3A_577, %max3A_589, %add3A_595 : vector<16xf32>, vector<16xf32>, vector<16xf32>, vector<16xf32>, vector<16xf32>, vector<16xf32>, vector<16xf32>, vector<16xf32>
        }
        %scan3A_503 = arith.constant 32 : i32
        %scan3A_504 = arith.constant 0 : i32
        %scan3A_505 = arith.constant 32 : i32
        %scan3A_506 = arith.addi %scan3A_504, %scan3A_505 : i32
        %scan3A_507 = arith.constant 1 : i32
        %scan3A_508:8 = scf.for %scan3A_516 = %scan3A_504 to %scan3A_506 step %scan3A_507 iter_args(%scan3A_517 = %scan3A_445, %scan3A_518 = %scan3A_446, %scan3A_519 = %scan3A_447, %scan3A_520 = %scan3A_448, %scan3A_521 = %scan3A_449, %scan3A_522 = %scan3A_450, %scan3A_523 = %scan3A_451, %scan3A_524 = %scan3A_452) -> (vector<16xf32>, vector<16xf32>, vector<16xf32>, vector<16xf32>, vector<16xf32>, vector<16xf32>, vector<16xf32>, vector<16xf32>)  : i32 {
          %mul3A_525 = arith.constant 4 : i32
          %mul3A_526 = arith.muli %mul3A_525, %scan3A_516 : i32
          %add3A_527 = arith.constant 0 : i32
          %add3A_528 = arith.addi %mul3A_526, %add3A_527 : i32
          %mul3A_529 = arith.constant 16 : i32
          %mul3A_530 = arith.muli %add3A_528, %mul3A_529 : i32
          %get3A = arith.constant 6 : i32
          %get3A_531 = arith.index_cast %get3A : i32 to index
          %get3A_532 = arith.index_cast %mul3A_530 : i32 to index
          %get3A_533 = tpu.vector_load %arg6[%get3A_531, %get3A_532] {strides = array<i32>} : memref<8x2048xf32, #tpu.memory_space<vmem>>, vector<1x16xf32>,
          %get3A_534 = vector.shape_cast %get3A_533 : vector<1x16xf32> to vector<16xf32>
          %max3A_535 = arith.maximumf %scan3A_517, %get3A_534 : vector<16xf32>
          %sub3A_536 = arith.subf %scan3A_517, %max3A_535 : vector<16xf32>
          %exp3A_537 = math.exp %sub3A_536 : vector<16xf32>
          %mul3A_538 = arith.mulf %scan3A_518, %exp3A_537 : vector<16xf32>
          %sub3A_539 = arith.subf %get3A_534, %max3A_535 : vector<16xf32>
          %exp3A_540 = math.exp %sub3A_539 : vector<16xf32>
          %add3A_541 = arith.addf %mul3A_538, %exp3A_540 : vector<16xf32>
          %mul3A_542 = arith.constant 4 : i32
          %mul3A_543 = arith.muli %mul3A_542, %scan3A_516 : i32
          %add3A_544 = arith.constant 1 : i32
          %add3A_545 = arith.addi %mul3A_543, %add3A_544 : i32
          %mul3A_546 = arith.constant 16 : i32
          %mul3A_547 = arith.muli %add3A_545, %mul3A_546 : i32
          %get3A_548 = arith.constant 6 : i32
          %get3A_549 = arith.index_cast %get3A_548 : i32 to index
          %get3A_550 = arith.index_cast %mul3A_547 : i32 to index
          %get3A_551 = tpu.vector_load %arg6[%get3A_549, %get3A_550] {strides = array<i32>} : memref<8x2048xf32, #tpu.memory_space<vmem>>, vector<1x16xf32>,
          %get3A_552 = vector.shape_cast %get3A_551 : vector<1x16xf32> to vector<16xf32>
          %max3A_553 = arith.maximumf %scan3A_519, %get3A_552 : vector<16xf32>
          %sub3A_554 = arith.subf %scan3A_519, %max3A_553 : vector<16xf32>
          %exp3A_555 = math.exp %sub3A_554 : vector<16xf32>
          %mul3A_556 = arith.mulf %scan3A_520, %exp3A_555 : vector<16xf32>
          %sub3A_557 = arith.subf %get3A_552, %max3A_553 : vector<16xf32>
          %exp3A_558 = math.exp %sub3A_557 : vector<16xf32>
          %add3A_559 = arith.addf %mul3A_556, %exp3A_558 : vector<16xf32>
          %mul3A_560 = arith.constant 4 : i32
          %mul3A_561 = arith.muli %mul3A_560, %scan3A_516 : i32
          %add3A_562 = arith.constant 2 : i32
          %add3A_563 = arith.addi %mul3A_561, %add3A_562 : i32
          %mul3A_564 = arith.constant 16 : i32
          %mul3A_565 = arith.muli %add3A_563, %mul3A_564 : i32
          %get3A_566 = arith.constant 6 : i32
          %get3A_567 = arith.index_cast %get3A_566 : i32 to index
          %get3A_568 = arith.index_cast %mul3A_565 : i32 to index
          %get3A_569 = tpu.vector_load %arg6[%get3A_567, %get3A_568] {strides = array<i32>} : memref<8x2048xf32, #tpu.memory_space<vmem>>, vector<1x16xf32>,
          %get3A_570 = vector.shape_cast %get3A_569 : vector<1x16xf32> to vector<16xf32>
          %max3A_571 = arith.maximumf %scan3A_521, %get3A_570 : vector<16xf32>
          %sub3A_572 = arith.subf %scan3A_521, %max3A_571 : vector<16xf32>
          %exp3A_573 = math.exp %sub3A_572 : vector<16xf32>
          %mul3A_574 = arith.mulf %scan3A_522, %exp3A_573 : vector<16xf32>
          %sub3A_575 = arith.subf %get3A_570, %max3A_571 : vector<16xf32>
          %exp3A_576 = math.exp %sub3A_575 : vector<16xf32>
          %add3A_577 = arith.addf %mul3A_574, %exp3A_576 : vector<16xf32>
          %mul3A_578 = arith.constant 4 : i32
          %mul3A_579 = arith.muli %mul3A_578, %scan3A_516 : i32
          %add3A_580 = arith.constant 3 : i32
          %add3A_581 = arith.addi %mul3A_579, %add3A_580 : i32
          %mul3A_582 = arith.constant 16 : i32
          %mul3A_583 = arith.muli %add3A_581, %mul3A_582 : i32
          %get3A_584 = arith.constant 6 : i32
          %get3A_585 = arith.index_cast %get3A_584 : i32 to index
          %get3A_586 = arith.index_cast %mul3A_583 : i32 to index
          %get3A_587 = tpu.vector_load %arg6[%get3A_585, %get3A_586] {strides = array<i32>} : memref<8x2048xf32, #tpu.memory_space<vmem>>, vector<1x16xf32>,
          %get3A_588 = vector.shape_cast %get3A_587 : vector<1x16xf32> to vector<16xf32>
          %max3A_589 = arith.maximumf %scan3A_523, %get3A_588 : vector<16xf32>
          %sub3A_590 = arith.subf %scan3A_523, %max3A_589 : vector<16xf32>
          %exp3A_591 = math.exp %sub3A_590 : vector<16xf32>
          %mul3A_592 = arith.mulf %scan3A_524, %exp3A_591 : vector<16xf32>
          %sub3A_593 = arith.subf %get3A_588, %max3A_589 : vector<16xf32>
          %exp3A_594 = math.exp %sub3A_593 : vector<16xf32>
          %add3A_595 = arith.addf %mul3A_592, %exp3A_594 : vector<16xf32>
          scf.yield %max3A_535, %add3A_541, %max3A_553, %add3A_559, %max3A_571, %add3A_577, %max3A_589, %add3A_595 : vector<16xf32>, vector<16xf32>, vector<16xf32>, vector<16xf32>, vector<16xf32>, vector<16xf32>, vector<16xf32>, vector<16xf32>
        }
        %scan3A_509 = arith.constant 32 : i32
        %scan3A_510 = arith.constant 0 : i32
        %scan3A_511 = arith.constant 32 : i32
        %scan3A_512 = arith.addi %scan3A_510, %scan3A_511 : i32
        %scan3A_513 = arith.constant 1 : i32
        %scan3A_514:8 = scf.for %scan3A_516 = %scan3A_510 to %scan3A_512 step %scan3A_513 iter_args(%scan3A_517 = %scan3A_453, %scan3A_518 = %scan3A_454, %scan3A_519 = %scan3A_455, %scan3A_520 = %scan3A_456, %scan3A_521 = %scan3A_457, %scan3A_522 = %scan3A_458, %scan3A_523 = %scan3A_459, %scan3A_524 = %scan3A_460) -> (vector<16xf32>, vector<16xf32>, vector<16xf32>, vector<16xf32>, vector<16xf32>, vector<16xf32>, vector<16xf32>, vector<16xf32>)  : i32 {
          %mul3A_525 = arith.constant 4 : i32
          %mul3A_526 = arith.muli %mul3A_525, %scan3A_516 : i32
          %add3A_527 = arith.constant 0 : i32
          %add3A_528 = arith.addi %mul3A_526, %add3A_527 : i32
          %mul3A_529 = arith.constant 16 : i32
          %mul3A_530 = arith.muli %add3A_528, %mul3A_529 : i32
          %get3A = arith.constant 7 : i32
          %get3A_531 = arith.index_cast %get3A : i32 to index
          %get3A_532 = arith.index_cast %mul3A_530 : i32 to index
          %get3A_533 = tpu.vector_load %arg6[%get3A_531, %get3A_532] {strides = array<i32>} : memref<8x2048xf32, #tpu.memory_space<vmem>>, vector<1x16xf32>,
          %get3A_534 = vector.shape_cast %get3A_533 : vector<1x16xf32> to vector<16xf32>
          %max3A_535 = arith.maximumf %scan3A_517, %get3A_534 : vector<16xf32>
          %sub3A_536 = arith.subf %scan3A_517, %max3A_535 : vector<16xf32>
          %exp3A_537 = math.exp %sub3A_536 : vector<16xf32>
          %mul3A_538 = arith.mulf %scan3A_518, %exp3A_537 : vector<16xf32>
          %sub3A_539 = arith.subf %get3A_534, %max3A_535 : vector<16xf32>
          %exp3A_540 = math.exp %sub3A_539 : vector<16xf32>
          %add3A_541 = arith.addf %mul3A_538, %exp3A_540 : vector<16xf32>
          %mul3A_542 = arith.constant 4 : i32
          %mul3A_543 = arith.muli %mul3A_542, %scan3A_516 : i32
          %add3A_544 = arith.constant 1 : i32
          %add3A_545 = arith.addi %mul3A_543, %add3A_544 : i32
          %mul3A_546 = arith.constant 16 : i32
          %mul3A_547 = arith.muli %add3A_545, %mul3A_546 : i32
          %get3A_548 = arith.constant 7 : i32
          %get3A_549 = arith.index_cast %get3A_548 : i32 to index
          %get3A_550 = arith.index_cast %mul3A_547 : i32 to index
          %get3A_551 = tpu.vector_load %arg6[%get3A_549, %get3A_550] {strides = array<i32>} : memref<8x2048xf32, #tpu.memory_space<vmem>>, vector<1x16xf32>,
          %get3A_552 = vector.shape_cast %get3A_551 : vector<1x16xf32> to vector<16xf32>
          %max3A_553 = arith.maximumf %scan3A_519, %get3A_552 : vector<16xf32>
          %sub3A_554 = arith.subf %scan3A_519, %max3A_553 : vector<16xf32>
          %exp3A_555 = math.exp %sub3A_554 : vector<16xf32>
          %mul3A_556 = arith.mulf %scan3A_520, %exp3A_555 : vector<16xf32>
          %sub3A_557 = arith.subf %get3A_552, %max3A_553 : vector<16xf32>
          %exp3A_558 = math.exp %sub3A_557 : vector<16xf32>
          %add3A_559 = arith.addf %mul3A_556, %exp3A_558 : vector<16xf32>
          %mul3A_560 = arith.constant 4 : i32
          %mul3A_561 = arith.muli %mul3A_560, %scan3A_516 : i32
          %add3A_562 = arith.constant 2 : i32
          %add3A_563 = arith.addi %mul3A_561, %add3A_562 : i32
          %mul3A_564 = arith.constant 16 : i32
          %mul3A_565 = arith.muli %add3A_563, %mul3A_564 : i32
          %get3A_566 = arith.constant 7 : i32
          %get3A_567 = arith.index_cast %get3A_566 : i32 to index
          %get3A_568 = arith.index_cast %mul3A_565 : i32 to index
          %get3A_569 = tpu.vector_load %arg6[%get3A_567, %get3A_568] {strides = array<i32>} : memref<8x2048xf32, #tpu.memory_space<vmem>>, vector<1x16xf32>,
          %get3A_570 = vector.shape_cast %get3A_569 : vector<1x16xf32> to vector<16xf32>
          %max3A_571 = arith.maximumf %scan3A_521, %get3A_570 : vector<16xf32>
          %sub3A_572 = arith.subf %scan3A_521, %max3A_571 : vector<16xf32>
          %exp3A_573 = math.exp %sub3A_572 : vector<16xf32>
          %mul3A_574 = arith.mulf %scan3A_522, %exp3A_573 : vector<16xf32>
          %sub3A_575 = arith.subf %get3A_570, %max3A_571 : vector<16xf32>
          %exp3A_576 = math.exp %sub3A_575 : vector<16xf32>
          %add3A_577 = arith.addf %mul3A_574, %exp3A_576 : vector<16xf32>
          %mul3A_578 = arith.constant 4 : i32
          %mul3A_579 = arith.muli %mul3A_578, %scan3A_516 : i32
          %add3A_580 = arith.constant 3 : i32
          %add3A_581 = arith.addi %mul3A_579, %add3A_580 : i32
          %mul3A_582 = arith.constant 16 : i32
          %mul3A_583 = arith.muli %add3A_581, %mul3A_582 : i32
          %get3A_584 = arith.constant 7 : i32
          %get3A_585 = arith.index_cast %get3A_584 : i32 to index
          %get3A_586 = arith.index_cast %mul3A_583 : i32 to index
          %get3A_587 = tpu.vector_load %arg6[%get3A_585, %get3A_586] {strides = array<i32>} : memref<8x2048xf32, #tpu.memory_space<vmem>>, vector<1x16xf32>,
          %get3A_588 = vector.shape_cast %get3A_587 : vector<1x16xf32> to vector<16xf32>
          %max3A_589 = arith.maximumf %scan3A_523, %get3A_588 : vector<16xf32>
          %sub3A_590 = arith.subf %scan3A_523, %max3A_589 : vector<16xf32>
          %exp3A_591 = math.exp %sub3A_590 : vector<16xf32>
          %mul3A_592 = arith.mulf %scan3A_524, %exp3A_591 : vector<16xf32>
          %sub3A_593 = arith.subf %get3A_588, %max3A_589 : vector<16xf32>
          %exp3A_594 = math.exp %sub3A_593 : vector<16xf32>
          %add3A_595 = arith.addf %mul3A_592, %exp3A_594 : vector<16xf32>
          scf.yield %max3A_535, %add3A_541, %max3A_553, %add3A_559, %max3A_571, %add3A_577, %max3A_589, %add3A_595 : vector<16xf32>, vector<16xf32>, vector<16xf32>, vector<16xf32>, vector<16xf32>, vector<16xf32>, vector<16xf32>, vector<16xf32>
        }
        %scan3A_515 = arith.constant 32 : i32
        scf.yield %scan3A_472#0, %scan3A_472#1, %scan3A_472#2, %scan3A_472#3, %scan3A_472#4, %scan3A_472#5, %scan3A_472#6, %scan3A_472#7, %scan3A_478#0, %scan3A_478#1, %scan3A_478#2, %scan3A_478#3, %scan3A_478#4, %scan3A_478#5, %scan3A_478#6, %scan3A_478#7, %scan3A_484#0, %scan3A_484#1, %scan3A_484#2, %scan3A_484#3, %scan3A_484#4, %scan3A_484#5, %scan3A_484#6, %scan3A_484#7, %scan3A_490#0, %scan3A_490#1, %scan3A_490#2, %scan3A_490#3, %scan3A_490#4, %scan3A_490#5, %scan3A_490#6, %scan3A_490#7, %scan3A_496#0, %scan3A_496#1, %scan3A_496#2, %scan3A_496#3, %scan3A_496#4, %scan3A_496#5, %scan3A_496#6, %scan3A_496#7, %scan3A_502#0, %scan3A_502#1, %scan3A_502#2, %scan3A_502#3, %scan3A_502#4, %scan3A_502#5, %scan3A_502#6, %scan3A_502#7, %scan3A_508#0, %scan3A_508#1, %scan3A_508#2, %scan3A_508#3, %scan3A_508#4, %scan3A_508#5, %scan3A_508#6, %scan3A_508#7, %scan3A_514#0, %scan3A_514#1, %scan3A_514#2, %scan3A_514#3, %scan3A_514#4, %scan3A_514#5, %scan3A_514#6, %scan3A_514#7 : vector<16xf32>, vector<16xf32>, vector<16xf32>, vector<16xf32>, vector<16xf32>, vector<16xf32>, vector<16xf32>, vector<16xf32>, vector<16xf32>, vector<16xf32>, vector<16xf32>, vector<16xf32>, vector<16xf32>, vector<16xf32>, vector<16xf32>, vector<16xf32>, vector<16xf32>, vector<16xf32>, vector<16xf32>, vector<16xf32>, vector<16xf32>, vector<16xf32>, vector<16xf32>, vector<16xf32>, vector<16xf32>, vector<16xf32>, vector<16xf32>, vector<16xf32>, vector<16xf32>, vector<16xf32>, vector<16xf32>, vector<16xf32>, vector<16xf32>, vector<16xf32>, vector<16xf32>, vector<16xf32>, vector<16xf32>, vector<16xf32>, vector<16xf32>, vector<16xf32>, vector<16xf32>, vector<16xf32>, vector<16xf32>, vector<16xf32>, vector<16xf32>, vector<16xf32>, vector<16xf32>, vector<16xf32>, vector<16xf32>, vector<16xf32>, vector<16xf32>, vector<16xf32>, vector<16xf32>, vector<16xf32>, vector<16xf32>, vector<16xf32>, vector<16xf32>, vector<16xf32>, vector<16xf32>, vector<16xf32>, vector<16xf32>, vector<16xf32>, vector<16xf32>, vector<16xf32>
      }
      %scan3A_86 = arith.constant 6 : i32
      %max3A = arith.maximumf %scan3A_85#0, %scan3A_85#2 : vector<16xf32>
      %max3A_87 = arith.maximumf %max3A, %scan3A_85#4 : vector<16xf32>
      %max3A_88 = arith.maximumf %max3A_87, %scan3A_85#6 : vector<16xf32>
      %broadcast_in_dim3A_89 = arith.constant 0.000000e+00 : f32
      %broadcast_in_dim3A_90 = vector.broadcast %broadcast_in_dim3A_89 : f32 to vector<16xf32>
      %sub3A_91 = arith.subf %scan3A_85#0, %max3A_88 : vector<16xf32>
      %exp3A = math.exp %sub3A_91 : vector<16xf32>
      %mul3A_92 = arith.mulf %scan3A_85#1, %exp3A : vector<16xf32>
      %add3A_93 = arith.addf %broadcast_in_dim3A_90, %mul3A_92 : vector<16xf32>
      %sub3A_94 = arith.subf %scan3A_85#2, %max3A_88 : vector<16xf32>
      %exp3A_95 = math.exp %sub3A_94 : vector<16xf32>
      %mul3A_96 = arith.mulf %scan3A_85#3, %exp3A_95 : vector<16xf32>
      %add3A_97 = arith.addf %add3A_93, %mul3A_96 : vector<16xf32>
      %sub3A_98 = arith.subf %scan3A_85#4, %max3A_88 : vector<16xf32>
      %exp3A_99 = math.exp %sub3A_98 : vector<16xf32>
      %mul3A_100 = arith.mulf %scan3A_85#5, %exp3A_99 : vector<16xf32>
      %add3A_101 = arith.addf %add3A_97, %mul3A_100 : vector<16xf32>
      %sub3A_102 = arith.subf %scan3A_85#6, %max3A_88 : vector<16xf32>
      %exp3A_103 = math.exp %sub3A_102 : vector<16xf32>
      %mul3A_104 = arith.mulf %scan3A_85#7, %exp3A_103 : vector<16xf32>
      %add3A_105 = arith.addf %add3A_101, %mul3A_104 : vector<16xf32>
      %swap3A = arith.constant 0 : index
      %swap3A_106 = tpu.vector_load %arg7[%swap3A] {strides = array<i32>} : memref<16xf32, #tpu.memory_space<vmem>>, vector<16xf32>,
      %swap3A_107 = vector.shape_cast %swap3A_106 : vector<16xf32> to vector<16xf32>
      %swap3A_108 = vector.shape_cast %max3A_88 : vector<16xf32> to vector<16xf32>
      tpu.vector_store %arg7[%swap3A], %swap3A_108 {strides = array<i32>} : memref<16xf32, #tpu.memory_space<vmem>>, vector<16xf32>,
      %swap3A_109 = arith.constant 0 : index
      %swap3A_110 = tpu.vector_load %arg8[%swap3A_109] {strides = array<i32>} : memref<16xf32, #tpu.memory_space<vmem>>, vector<16xf32>,
      %swap3A_111 = vector.shape_cast %swap3A_110 : vector<16xf32> to vector<16xf32>
      %swap3A_112 = vector.shape_cast %add3A_105 : vector<16xf32> to vector<16xf32>
      tpu.vector_store %arg8[%swap3A_109], %swap3A_112 {strides = array<i32>} : memref<16xf32, #tpu.memory_space<vmem>>, vector<16xf32>,
      %mul3A_113 = arith.constant 2048 : i32
      %mul3A_114 = arith.muli %select_n3A, %mul3A_113 : i32
      %mul3A_115 = arith.constant 1024 : i32
      %mul3A_116 = arith.muli %select_n3A_54, %mul3A_115 : i32
      %add3A_117 = arith.addi %mul3A_114, %mul3A_116 : i32
      %add3A_118 = arith.constant 0 : i32
      %add3A_119 = arith.addi %add3A_117, %add3A_118 : i32
      %mul3A_120 = arith.constant 16 : i32
      %mul3A_121 = arith.muli %select_n3A_70, %mul3A_120 : i32
      %add3A_122 = arith.addi %add3A_119, %mul3A_121 : i32
      "tpu.region"() ({
        %run_scoped3A = tpu.sem_alloc : memref<!tpu.dma_semaphore, #tpu.memory_space<semaphore_mem>>
        %dma_start3A = tpu.memref_slice %arg4[%add3A_122] : memref<4096xf32, #tpu.memory_space<hbm>> -> memref<16xf32, #tpu.memory_space<hbm>>
        %dma_start3A_396 = tpu.memref_slice %arg4[%add3A_122] : memref<4096xf32, #tpu.memory_space<hbm>> -> memref<16xf32, #tpu.memory_space<hbm>>
        tpu.enqueue_dma source(%arg7 : memref<16xf32, #tpu.memory_space<vmem>>) target(%dma_start3A_396 : memref<16xf32, #tpu.memory_space<hbm>>) target_semaphore(%run_scoped3A : memref<!tpu.dma_semaphore, #tpu.memory_space<semaphore_mem>>)
        %dma_wait3A = tpu.memref_slice %arg4[%add3A_122] : memref<4096xf32, #tpu.memory_space<hbm>> -> memref<16xf32, #tpu.memory_space<hbm>>
        %dma_wait3A_397 = tpu.memref_slice %arg4[%add3A_122] : memref<4096xf32, #tpu.memory_space<hbm>> -> memref<16xf32, #tpu.memory_space<hbm>>
        tpu.wait_dma2 semaphore(%run_scoped3A : memref<!tpu.dma_semaphore, #tpu.memory_space<semaphore_mem>>) src(%arg7 : memref<16xf32, #tpu.memory_space<vmem>>) dst(%dma_wait3A_397 : memref<16xf32, #tpu.memory_space<hbm>>)
        tpu.yield
      }) : () -> ()
      "tpu.region"() ({
        %run_scoped3A = tpu.sem_alloc : memref<!tpu.dma_semaphore, #tpu.memory_space<semaphore_mem>>
        %dma_start3A = tpu.memref_slice %arg5[%add3A_122] : memref<4096xf32, #tpu.memory_space<hbm>> -> memref<16xf32, #tpu.memory_space<hbm>>
        %dma_start3A_396 = tpu.memref_slice %arg5[%add3A_122] : memref<4096xf32, #tpu.memory_space<hbm>> -> memref<16xf32, #tpu.memory_space<hbm>>
        tpu.enqueue_dma source(%arg8 : memref<16xf32, #tpu.memory_space<vmem>>) target(%dma_start3A_396 : memref<16xf32, #tpu.memory_space<hbm>>) target_semaphore(%run_scoped3A : memref<!tpu.dma_semaphore, #tpu.memory_space<semaphore_mem>>)
        %dma_wait3A = tpu.memref_slice %arg5[%add3A_122] : memref<4096xf32, #tpu.memory_space<hbm>> -> memref<16xf32, #tpu.memory_space<hbm>>
        %dma_wait3A_397 = tpu.memref_slice %arg5[%add3A_122] : memref<4096xf32, #tpu.memory_space<hbm>> -> memref<16xf32, #tpu.memory_space<hbm>>
        tpu.wait_dma2 semaphore(%run_scoped3A : memref<!tpu.dma_semaphore, #tpu.memory_space<semaphore_mem>>) src(%arg8 : memref<16xf32, #tpu.memory_space<vmem>>) dst(%dma_wait3A_397 : memref<16xf32, #tpu.memory_space<hbm>>)
        tpu.yield
      }) : () -> ()
      %max3A_123 = arith.maximumf %scan3A_85#8, %scan3A_85#10 : vector<16xf32>
      %max3A_124 = arith.maximumf %max3A_123, %scan3A_85#12 : vector<16xf32>
      %max3A_125 = arith.maximumf %max3A_124, %scan3A_85#14 : vector<16xf32>
      %broadcast_in_dim3A_126 = arith.constant 0.000000e+00 : f32
      %broadcast_in_dim3A_127 = vector.broadcast %broadcast_in_dim3A_126 : f32 to vector<16xf32>
      %sub3A_128 = arith.subf %scan3A_85#8, %max3A_125 : vector<16xf32>
      %exp3A_129 = math.exp %sub3A_128 : vector<16xf32>
      %mul3A_130 = arith.mulf %scan3A_85#9, %exp3A_129 : vector<16xf32>
      %add3A_131 = arith.addf %broadcast_in_dim3A_127, %mul3A_130 : vector<16xf32>
      %sub3A_132 = arith.subf %scan3A_85#10, %max3A_125 : vector<16xf32>
      %exp3A_133 = math.exp %sub3A_132 : vector<16xf32>
      %mul3A_134 = arith.mulf %scan3A_85#11, %exp3A_133 : vector<16xf32>
      %add3A_135 = arith.addf %add3A_131, %mul3A_134 : vector<16xf32>
      %sub3A_136 = arith.subf %scan3A_85#12, %max3A_125 : vector<16xf32>
      %exp3A_137 = math.exp %sub3A_136 : vector<16xf32>
      %mul3A_138 = arith.mulf %scan3A_85#13, %exp3A_137 : vector<16xf32>
      %add3A_139 = arith.addf %add3A_135, %mul3A_138 : vector<16xf32>
      %sub3A_140 = arith.subf %scan3A_85#14, %max3A_125 : vector<16xf32>
      %exp3A_141 = math.exp %sub3A_140 : vector<16xf32>
      %mul3A_142 = arith.mulf %scan3A_85#15, %exp3A_141 : vector<16xf32>
      %add3A_143 = arith.addf %add3A_139, %mul3A_142 : vector<16xf32>
      %swap3A_144 = arith.constant 0 : index
      %swap3A_145 = tpu.vector_load %arg7[%swap3A_144] {strides = array<i32>} : memref<16xf32, #tpu.memory_space<vmem>>, vector<16xf32>,
      %swap3A_146 = vector.shape_cast %swap3A_145 : vector<16xf32> to vector<16xf32>
      %swap3A_147 = vector.shape_cast %max3A_125 : vector<16xf32> to vector<16xf32>
      tpu.vector_store %arg7[%swap3A_144], %swap3A_147 {strides = array<i32>} : memref<16xf32, #tpu.memory_space<vmem>>, vector<16xf32>,
      %swap3A_148 = arith.constant 0 : index
      %swap3A_149 = tpu.vector_load %arg8[%swap3A_148] {strides = array<i32>} : memref<16xf32, #tpu.memory_space<vmem>>, vector<16xf32>,
      %swap3A_150 = vector.shape_cast %swap3A_149 : vector<16xf32> to vector<16xf32>
      %swap3A_151 = vector.shape_cast %add3A_143 : vector<16xf32> to vector<16xf32>
      tpu.vector_store %arg8[%swap3A_148], %swap3A_151 {strides = array<i32>} : memref<16xf32, #tpu.memory_space<vmem>>, vector<16xf32>,
      %mul3A_152 = arith.constant 2048 : i32
      %mul3A_153 = arith.muli %select_n3A, %mul3A_152 : i32
      %mul3A_154 = arith.constant 1024 : i32
      %mul3A_155 = arith.muli %select_n3A_54, %mul3A_154 : i32
      %add3A_156 = arith.addi %mul3A_153, %mul3A_155 : i32
      %add3A_157 = arith.constant 128 : i32
      %add3A_158 = arith.addi %add3A_156, %add3A_157 : i32
      %mul3A_159 = arith.constant 16 : i32
      %mul3A_160 = arith.muli %select_n3A_70, %mul3A_159 : i32
      %add3A_161 = arith.addi %add3A_158, %mul3A_160 : i32
      "tpu.region"() ({
        %run_scoped3A = tpu.sem_alloc : memref<!tpu.dma_semaphore, #tpu.memory_space<semaphore_mem>>
        %dma_start3A = tpu.memref_slice %arg4[%add3A_161] : memref<4096xf32, #tpu.memory_space<hbm>> -> memref<16xf32, #tpu.memory_space<hbm>>
        %dma_start3A_396 = tpu.memref_slice %arg4[%add3A_161] : memref<4096xf32, #tpu.memory_space<hbm>> -> memref<16xf32, #tpu.memory_space<hbm>>
        tpu.enqueue_dma source(%arg7 : memref<16xf32, #tpu.memory_space<vmem>>) target(%dma_start3A_396 : memref<16xf32, #tpu.memory_space<hbm>>) target_semaphore(%run_scoped3A : memref<!tpu.dma_semaphore, #tpu.memory_space<semaphore_mem>>)
        %dma_wait3A = tpu.memref_slice %arg4[%add3A_161] : memref<4096xf32, #tpu.memory_space<hbm>> -> memref<16xf32, #tpu.memory_space<hbm>>
        %dma_wait3A_397 = tpu.memref_slice %arg4[%add3A_161] : memref<4096xf32, #tpu.memory_space<hbm>> -> memref<16xf32, #tpu.memory_space<hbm>>
        tpu.wait_dma2 semaphore(%run_scoped3A : memref<!tpu.dma_semaphore, #tpu.memory_space<semaphore_mem>>) src(%arg7 : memref<16xf32, #tpu.memory_space<vmem>>) dst(%dma_wait3A_397 : memref<16xf32, #tpu.memory_space<hbm>>)
        tpu.yield
      }) : () -> ()
      "tpu.region"() ({
        %run_scoped3A = tpu.sem_alloc : memref<!tpu.dma_semaphore, #tpu.memory_space<semaphore_mem>>
        %dma_start3A = tpu.memref_slice %arg5[%add3A_161] : memref<4096xf32, #tpu.memory_space<hbm>> -> memref<16xf32, #tpu.memory_space<hbm>>
        %dma_start3A_396 = tpu.memref_slice %arg5[%add3A_161] : memref<4096xf32, #tpu.memory_space<hbm>> -> memref<16xf32, #tpu.memory_space<hbm>>
        tpu.enqueue_dma source(%arg8 : memref<16xf32, #tpu.memory_space<vmem>>) target(%dma_start3A_396 : memref<16xf32, #tpu.memory_space<hbm>>) target_semaphore(%run_scoped3A : memref<!tpu.dma_semaphore, #tpu.memory_space<semaphore_mem>>)
        %dma_wait3A = tpu.memref_slice %arg5[%add3A_161] : memref<4096xf32, #tpu.memory_space<hbm>> -> memref<16xf32, #tpu.memory_space<hbm>>
        %dma_wait3A_397 = tpu.memref_slice %arg5[%add3A_161] : memref<4096xf32, #tpu.memory_space<hbm>> -> memref<16xf32, #tpu.memory_space<hbm>>
        tpu.wait_dma2 semaphore(%run_scoped3A : memref<!tpu.dma_semaphore, #tpu.memory_space<semaphore_mem>>) src(%arg8 : memref<16xf32, #tpu.memory_space<vmem>>) dst(%dma_wait3A_397 : memref<16xf32, #tpu.memory_space<hbm>>)
        tpu.yield
      }) : () -> ()
      %max3A_162 = arith.maximumf %scan3A_85#16, %scan3A_85#18 : vector<16xf32>
      %max3A_163 = arith.maximumf %max3A_162, %scan3A_85#20 : vector<16xf32>
      %max3A_164 = arith.maximumf %max3A_163, %scan3A_85#22 : vector<16xf32>
      %broadcast_in_dim3A_165 = arith.constant 0.000000e+00 : f32
      %broadcast_in_dim3A_166 = vector.broadcast %broadcast_in_dim3A_165 : f32 to vector<16xf32>
      %sub3A_167 = arith.subf %scan3A_85#16, %max3A_164 : vector<16xf32>
      %exp3A_168 = math.exp %sub3A_167 : vector<16xf32>
      %mul3A_169 = arith.mulf %scan3A_85#17, %exp3A_168 : vector<16xf32>
      %add3A_170 = arith.addf %broadcast_in_dim3A_166, %mul3A_169 : vector<16xf32>
      %sub3A_171 = arith.subf %scan3A_85#18, %max3A_164 : vector<16xf32>
      %exp3A_172 = math.exp %sub3A_171 : vector<16xf32>
      %mul3A_173 = arith.mulf %scan3A_85#19, %exp3A_172 : vector<16xf32>
      %add3A_174 = arith.addf %add3A_170, %mul3A_173 : vector<16xf32>
      %sub3A_175 = arith.subf %scan3A_85#20, %max3A_164 : vector<16xf32>
      %exp3A_176 = math.exp %sub3A_175 : vector<16xf32>
      %mul3A_177 = arith.mulf %scan3A_85#21, %exp3A_176 : vector<16xf32>
      %add3A_178 = arith.addf %add3A_174, %mul3A_177 : vector<16xf32>
      %sub3A_179 = arith.subf %scan3A_85#22, %max3A_164 : vector<16xf32>
      %exp3A_180 = math.exp %sub3A_179 : vector<16xf32>
      %mul3A_181 = arith.mulf %scan3A_85#23, %exp3A_180 : vector<16xf32>
      %add3A_182 = arith.addf %add3A_178, %mul3A_181 : vector<16xf32>
      %swap3A_183 = arith.constant 0 : index
      %swap3A_184 = tpu.vector_load %arg7[%swap3A_183] {strides = array<i32>} : memref<16xf32, #tpu.memory_space<vmem>>, vector<16xf32>,
      %swap3A_185 = vector.shape_cast %swap3A_184 : vector<16xf32> to vector<16xf32>
      %swap3A_186 = vector.shape_cast %max3A_164 : vector<16xf32> to vector<16xf32>
      tpu.vector_store %arg7[%swap3A_183], %swap3A_186 {strides = array<i32>} : memref<16xf32, #tpu.memory_space<vmem>>, vector<16xf32>,
      %swap3A_187 = arith.constant 0 : index
      %swap3A_188 = tpu.vector_load %arg8[%swap3A_187] {strides = array<i32>} : memref<16xf32, #tpu.memory_space<vmem>>, vector<16xf32>,
      %swap3A_189 = vector.shape_cast %swap3A_188 : vector<16xf32> to vector<16xf32>
      %swap3A_190 = vector.shape_cast %add3A_182 : vector<16xf32> to vector<16xf32>
      tpu.vector_store %arg8[%swap3A_187], %swap3A_190 {strides = array<i32>} : memref<16xf32, #tpu.memory_space<vmem>>, vector<16xf32>,
      %mul3A_191 = arith.constant 2048 : i32
      %mul3A_192 = arith.muli %select_n3A, %mul3A_191 : i32
      %mul3A_193 = arith.constant 1024 : i32
      %mul3A_194 = arith.muli %select_n3A_54, %mul3A_193 : i32
      %add3A_195 = arith.addi %mul3A_192, %mul3A_194 : i32
      %add3A_196 = arith.constant 256 : i32
      %add3A_197 = arith.addi %add3A_195, %add3A_196 : i32
      %mul3A_198 = arith.constant 16 : i32
      %mul3A_199 = arith.muli %select_n3A_70, %mul3A_198 : i32
      %add3A_200 = arith.addi %add3A_197, %mul3A_199 : i32
      "tpu.region"() ({
        %run_scoped3A = tpu.sem_alloc : memref<!tpu.dma_semaphore, #tpu.memory_space<semaphore_mem>>
        %dma_start3A = tpu.memref_slice %arg4[%add3A_200] : memref<4096xf32, #tpu.memory_space<hbm>> -> memref<16xf32, #tpu.memory_space<hbm>>
        %dma_start3A_396 = tpu.memref_slice %arg4[%add3A_200] : memref<4096xf32, #tpu.memory_space<hbm>> -> memref<16xf32, #tpu.memory_space<hbm>>
        tpu.enqueue_dma source(%arg7 : memref<16xf32, #tpu.memory_space<vmem>>) target(%dma_start3A_396 : memref<16xf32, #tpu.memory_space<hbm>>) target_semaphore(%run_scoped3A : memref<!tpu.dma_semaphore, #tpu.memory_space<semaphore_mem>>)
        %dma_wait3A = tpu.memref_slice %arg4[%add3A_200] : memref<4096xf32, #tpu.memory_space<hbm>> -> memref<16xf32, #tpu.memory_space<hbm>>
        %dma_wait3A_397 = tpu.memref_slice %arg4[%add3A_200] : memref<4096xf32, #tpu.memory_space<hbm>> -> memref<16xf32, #tpu.memory_space<hbm>>
        tpu.wait_dma2 semaphore(%run_scoped3A : memref<!tpu.dma_semaphore, #tpu.memory_space<semaphore_mem>>) src(%arg7 : memref<16xf32, #tpu.memory_space<vmem>>) dst(%dma_wait3A_397 : memref<16xf32, #tpu.memory_space<hbm>>)
        tpu.yield
      }) : () -> ()
      "tpu.region"() ({
        %run_scoped3A = tpu.sem_alloc : memref<!tpu.dma_semaphore, #tpu.memory_space<semaphore_mem>>
        %dma_start3A = tpu.memref_slice %arg5[%add3A_200] : memref<4096xf32, #tpu.memory_space<hbm>> -> memref<16xf32, #tpu.memory_space<hbm>>
        %dma_start3A_396 = tpu.memref_slice %arg5[%add3A_200] : memref<4096xf32, #tpu.memory_space<hbm>> -> memref<16xf32, #tpu.memory_space<hbm>>
        tpu.enqueue_dma source(%arg8 : memref<16xf32, #tpu.memory_space<vmem>>) target(%dma_start3A_396 : memref<16xf32, #tpu.memory_space<hbm>>) target_semaphore(%run_scoped3A : memref<!tpu.dma_semaphore, #tpu.memory_space<semaphore_mem>>)
        %dma_wait3A = tpu.memref_slice %arg5[%add3A_200] : memref<4096xf32, #tpu.memory_space<hbm>> -> memref<16xf32, #tpu.memory_space<hbm>>
        %dma_wait3A_397 = tpu.memref_slice %arg5[%add3A_200] : memref<4096xf32, #tpu.memory_space<hbm>> -> memref<16xf32, #tpu.memory_space<hbm>>
        tpu.wait_dma2 semaphore(%run_scoped3A : memref<!tpu.dma_semaphore, #tpu.memory_space<semaphore_mem>>) src(%arg8 : memref<16xf32, #tpu.memory_space<vmem>>) dst(%dma_wait3A_397 : memref<16xf32, #tpu.memory_space<hbm>>)
        tpu.yield
      }) : () -> ()
      %max3A_201 = arith.maximumf %scan3A_85#24, %scan3A_85#26 : vector<16xf32>
      %max3A_202 = arith.maximumf %max3A_201, %scan3A_85#28 : vector<16xf32>
      %max3A_203 = arith.maximumf %max3A_202, %scan3A_85#30 : vector<16xf32>
      %broadcast_in_dim3A_204 = arith.constant 0.000000e+00 : f32
      %broadcast_in_dim3A_205 = vector.broadcast %broadcast_in_dim3A_204 : f32 to vector<16xf32>
      %sub3A_206 = arith.subf %scan3A_85#24, %max3A_203 : vector<16xf32>
      %exp3A_207 = math.exp %sub3A_206 : vector<16xf32>
      %mul3A_208 = arith.mulf %scan3A_85#25, %exp3A_207 : vector<16xf32>
      %add3A_209 = arith.addf %broadcast_in_dim3A_205, %mul3A_208 : vector<16xf32>
      %sub3A_210 = arith.subf %scan3A_85#26, %max3A_203 : vector<16xf32>
      %exp3A_211 = math.exp %sub3A_210 : vector<16xf32>
      %mul3A_212 = arith.mulf %scan3A_85#27, %exp3A_211 : vector<16xf32>
      %add3A_213 = arith.addf %add3A_209, %mul3A_212 : vector<16xf32>
      %sub3A_214 = arith.subf %scan3A_85#28, %max3A_203 : vector<16xf32>
      %exp3A_215 = math.exp %sub3A_214 : vector<16xf32>
      %mul3A_216 = arith.mulf %scan3A_85#29, %exp3A_215 : vector<16xf32>
      %add3A_217 = arith.addf %add3A_213, %mul3A_216 : vector<16xf32>
      %sub3A_218 = arith.subf %scan3A_85#30, %max3A_203 : vector<16xf32>
      %exp3A_219 = math.exp %sub3A_218 : vector<16xf32>
      %mul3A_220 = arith.mulf %scan3A_85#31, %exp3A_219 : vector<16xf32>
      %add3A_221 = arith.addf %add3A_217, %mul3A_220 : vector<16xf32>
      %swap3A_222 = arith.constant 0 : index
      %swap3A_223 = tpu.vector_load %arg7[%swap3A_222] {strides = array<i32>} : memref<16xf32, #tpu.memory_space<vmem>>, vector<16xf32>,
      %swap3A_224 = vector.shape_cast %swap3A_223 : vector<16xf32> to vector<16xf32>
      %swap3A_225 = vector.shape_cast %max3A_203 : vector<16xf32> to vector<16xf32>
      tpu.vector_store %arg7[%swap3A_222], %swap3A_225 {strides = array<i32>} : memref<16xf32, #tpu.memory_space<vmem>>, vector<16xf32>,
      %swap3A_226 = arith.constant 0 : index
      %swap3A_227 = tpu.vector_load %arg8[%swap3A_226] {strides = array<i32>} : memref<16xf32, #tpu.memory_space<vmem>>, vector<16xf32>,
      %swap3A_228 = vector.shape_cast %swap3A_227 : vector<16xf32> to vector<16xf32>
      %swap3A_229 = vector.shape_cast %add3A_221 : vector<16xf32> to vector<16xf32>
      tpu.vector_store %arg8[%swap3A_226], %swap3A_229 {strides = array<i32>} : memref<16xf32, #tpu.memory_space<vmem>>, vector<16xf32>,
      %mul3A_230 = arith.constant 2048 : i32
      %mul3A_231 = arith.muli %select_n3A, %mul3A_230 : i32
      %mul3A_232 = arith.constant 1024 : i32
      %mul3A_233 = arith.muli %select_n3A_54, %mul3A_232 : i32
      %add3A_234 = arith.addi %mul3A_231, %mul3A_233 : i32
      %add3A_235 = arith.constant 384 : i32
      %add3A_236 = arith.addi %add3A_234, %add3A_235 : i32
      %mul3A_237 = arith.constant 16 : i32
      %mul3A_238 = arith.muli %select_n3A_70, %mul3A_237 : i32
      %add3A_239 = arith.addi %add3A_236, %mul3A_238 : i32
      "tpu.region"() ({
        %run_scoped3A = tpu.sem_alloc : memref<!tpu.dma_semaphore, #tpu.memory_space<semaphore_mem>>
        %dma_start3A = tpu.memref_slice %arg4[%add3A_239] : memref<4096xf32, #tpu.memory_space<hbm>> -> memref<16xf32, #tpu.memory_space<hbm>>
        %dma_start3A_396 = tpu.memref_slice %arg4[%add3A_239] : memref<4096xf32, #tpu.memory_space<hbm>> -> memref<16xf32, #tpu.memory_space<hbm>>
        tpu.enqueue_dma source(%arg7 : memref<16xf32, #tpu.memory_space<vmem>>) target(%dma_start3A_396 : memref<16xf32, #tpu.memory_space<hbm>>) target_semaphore(%run_scoped3A : memref<!tpu.dma_semaphore, #tpu.memory_space<semaphore_mem>>)
        %dma_wait3A = tpu.memref_slice %arg4[%add3A_239] : memref<4096xf32, #tpu.memory_space<hbm>> -> memref<16xf32, #tpu.memory_space<hbm>>
        %dma_wait3A_397 = tpu.memref_slice %arg4[%add3A_239] : memref<4096xf32, #tpu.memory_space<hbm>> -> memref<16xf32, #tpu.memory_space<hbm>>
        tpu.wait_dma2 semaphore(%run_scoped3A : memref<!tpu.dma_semaphore, #tpu.memory_space<semaphore_mem>>) src(%arg7 : memref<16xf32, #tpu.memory_space<vmem>>) dst(%dma_wait3A_397 : memref<16xf32, #tpu.memory_space<hbm>>)
        tpu.yield
      }) : () -> ()
      "tpu.region"() ({
        %run_scoped3A = tpu.sem_alloc : memref<!tpu.dma_semaphore, #tpu.memory_space<semaphore_mem>>
        %dma_start3A = tpu.memref_slice %arg5[%add3A_239] : memref<4096xf32, #tpu.memory_space<hbm>> -> memref<16xf32, #tpu.memory_space<hbm>>
        %dma_start3A_396 = tpu.memref_slice %arg5[%add3A_239] : memref<4096xf32, #tpu.memory_space<hbm>> -> memref<16xf32, #tpu.memory_space<hbm>>
        tpu.enqueue_dma source(%arg8 : memref<16xf32, #tpu.memory_space<vmem>>) target(%dma_start3A_396 : memref<16xf32, #tpu.memory_space<hbm>>) target_semaphore(%run_scoped3A : memref<!tpu.dma_semaphore, #tpu.memory_space<semaphore_mem>>)
        %dma_wait3A = tpu.memref_slice %arg5[%add3A_239] : memref<4096xf32, #tpu.memory_space<hbm>> -> memref<16xf32, #tpu.memory_space<hbm>>
        %dma_wait3A_397 = tpu.memref_slice %arg5[%add3A_239] : memref<4096xf32, #tpu.memory_space<hbm>> -> memref<16xf32, #tpu.memory_space<hbm>>
        tpu.wait_dma2 semaphore(%run_scoped3A : memref<!tpu.dma_semaphore, #tpu.memory_space<semaphore_mem>>) src(%arg8 : memref<16xf32, #tpu.memory_space<vmem>>) dst(%dma_wait3A_397 : memref<16xf32, #tpu.memory_space<hbm>>)
        tpu.yield
      }) : () -> ()
      %max3A_240 = arith.maximumf %scan3A_85#32, %scan3A_85#34 : vector<16xf32>
      %max3A_241 = arith.maximumf %max3A_240, %scan3A_85#36 : vector<16xf32>
      %max3A_242 = arith.maximumf %max3A_241, %scan3A_85#38 : vector<16xf32>
      %broadcast_in_dim3A_243 = arith.constant 0.000000e+00 : f32
      %broadcast_in_dim3A_244 = vector.broadcast %broadcast_in_dim3A_243 : f32 to vector<16xf32>
      %sub3A_245 = arith.subf %scan3A_85#32, %max3A_242 : vector<16xf32>
      %exp3A_246 = math.exp %sub3A_245 : vector<16xf32>
      %mul3A_247 = arith.mulf %scan3A_85#33, %exp3A_246 : vector<16xf32>
      %add3A_248 = arith.addf %broadcast_in_dim3A_244, %mul3A_247 : vector<16xf32>
      %sub3A_249 = arith.subf %scan3A_85#34, %max3A_242 : vector<16xf32>
      %exp3A_250 = math.exp %sub3A_249 : vector<16xf32>
      %mul3A_251 = arith.mulf %scan3A_85#35, %exp3A_250 : vector<16xf32>
      %add3A_252 = arith.addf %add3A_248, %mul3A_251 : vector<16xf32>
      %sub3A_253 = arith.subf %scan3A_85#36, %max3A_242 : vector<16xf32>
      %exp3A_254 = math.exp %sub3A_253 : vector<16xf32>
      %mul3A_255 = arith.mulf %scan3A_85#37, %exp3A_254 : vector<16xf32>
      %add3A_256 = arith.addf %add3A_252, %mul3A_255 : vector<16xf32>
      %sub3A_257 = arith.subf %scan3A_85#38, %max3A_242 : vector<16xf32>
      %exp3A_258 = math.exp %sub3A_257 : vector<16xf32>
      %mul3A_259 = arith.mulf %scan3A_85#39, %exp3A_258 : vector<16xf32>
      %add3A_260 = arith.addf %add3A_256, %mul3A_259 : vector<16xf32>
      %swap3A_261 = arith.constant 0 : index
      %swap3A_262 = tpu.vector_load %arg7[%swap3A_261] {strides = array<i32>} : memref<16xf32, #tpu.memory_space<vmem>>, vector<16xf32>,
      %swap3A_263 = vector.shape_cast %swap3A_262 : vector<16xf32> to vector<16xf32>
      %swap3A_264 = vector.shape_cast %max3A_242 : vector<16xf32> to vector<16xf32>
      tpu.vector_store %arg7[%swap3A_261], %swap3A_264 {strides = array<i32>} : memref<16xf32, #tpu.memory_space<vmem>>, vector<16xf32>,
      %swap3A_265 = arith.constant 0 : index
      %swap3A_266 = tpu.vector_load %arg8[%swap3A_265] {strides = array<i32>} : memref<16xf32, #tpu.memory_space<vmem>>, vector<16xf32>,
      %swap3A_267 = vector.shape_cast %swap3A_266 : vector<16xf32> to vector<16xf32>
      %swap3A_268 = vector.shape_cast %add3A_260 : vector<16xf32> to vector<16xf32>
      tpu.vector_store %arg8[%swap3A_265], %swap3A_268 {strides = array<i32>} : memref<16xf32, #tpu.memory_space<vmem>>, vector<16xf32>,
      %mul3A_269 = arith.constant 2048 : i32
      %mul3A_270 = arith.muli %select_n3A, %mul3A_269 : i32
      %mul3A_271 = arith.constant 1024 : i32
      %mul3A_272 = arith.muli %select_n3A_54, %mul3A_271 : i32
      %add3A_273 = arith.addi %mul3A_270, %mul3A_272 : i32
      %add3A_274 = arith.constant 512 : i32
      %add3A_275 = arith.addi %add3A_273, %add3A_274 : i32
      %mul3A_276 = arith.constant 16 : i32
      %mul3A_277 = arith.muli %select_n3A_70, %mul3A_276 : i32
      %add3A_278 = arith.addi %add3A_275, %mul3A_277 : i32
      "tpu.region"() ({
        %run_scoped3A = tpu.sem_alloc : memref<!tpu.dma_semaphore, #tpu.memory_space<semaphore_mem>>
        %dma_start3A = tpu.memref_slice %arg4[%add3A_278] : memref<4096xf32, #tpu.memory_space<hbm>> -> memref<16xf32, #tpu.memory_space<hbm>>
        %dma_start3A_396 = tpu.memref_slice %arg4[%add3A_278] : memref<4096xf32, #tpu.memory_space<hbm>> -> memref<16xf32, #tpu.memory_space<hbm>>
        tpu.enqueue_dma source(%arg7 : memref<16xf32, #tpu.memory_space<vmem>>) target(%dma_start3A_396 : memref<16xf32, #tpu.memory_space<hbm>>) target_semaphore(%run_scoped3A : memref<!tpu.dma_semaphore, #tpu.memory_space<semaphore_mem>>)
        %dma_wait3A = tpu.memref_slice %arg4[%add3A_278] : memref<4096xf32, #tpu.memory_space<hbm>> -> memref<16xf32, #tpu.memory_space<hbm>>
        %dma_wait3A_397 = tpu.memref_slice %arg4[%add3A_278] : memref<4096xf32, #tpu.memory_space<hbm>> -> memref<16xf32, #tpu.memory_space<hbm>>
        tpu.wait_dma2 semaphore(%run_scoped3A : memref<!tpu.dma_semaphore, #tpu.memory_space<semaphore_mem>>) src(%arg7 : memref<16xf32, #tpu.memory_space<vmem>>) dst(%dma_wait3A_397 : memref<16xf32, #tpu.memory_space<hbm>>)
        tpu.yield
      }) : () -> ()
      "tpu.region"() ({
        %run_scoped3A = tpu.sem_alloc : memref<!tpu.dma_semaphore, #tpu.memory_space<semaphore_mem>>
        %dma_start3A = tpu.memref_slice %arg5[%add3A_278] : memref<4096xf32, #tpu.memory_space<hbm>> -> memref<16xf32, #tpu.memory_space<hbm>>
        %dma_start3A_396 = tpu.memref_slice %arg5[%add3A_278] : memref<4096xf32, #tpu.memory_space<hbm>> -> memref<16xf32, #tpu.memory_space<hbm>>
        tpu.enqueue_dma source(%arg8 : memref<16xf32, #tpu.memory_space<vmem>>) target(%dma_start3A_396 : memref<16xf32, #tpu.memory_space<hbm>>) target_semaphore(%run_scoped3A : memref<!tpu.dma_semaphore, #tpu.memory_space<semaphore_mem>>)
        %dma_wait3A = tpu.memref_slice %arg5[%add3A_278] : memref<4096xf32, #tpu.memory_space<hbm>> -> memref<16xf32, #tpu.memory_space<hbm>>
        %dma_wait3A_397 = tpu.memref_slice %arg5[%add3A_278] : memref<4096xf32, #tpu.memory_space<hbm>> -> memref<16xf32, #tpu.memory_space<hbm>>
        tpu.wait_dma2 semaphore(%run_scoped3A : memref<!tpu.dma_semaphore, #tpu.memory_space<semaphore_mem>>) src(%arg8 : memref<16xf32, #tpu.memory_space<vmem>>) dst(%dma_wait3A_397 : memref<16xf32, #tpu.memory_space<hbm>>)
        tpu.yield
      }) : () -> ()
      %max3A_279 = arith.maximumf %scan3A_85#40, %scan3A_85#42 : vector<16xf32>
      %max3A_280 = arith.maximumf %max3A_279, %scan3A_85#44 : vector<16xf32>
      %max3A_281 = arith.maximumf %max3A_280, %scan3A_85#46 : vector<16xf32>
      %broadcast_in_dim3A_282 = arith.constant 0.000000e+00 : f32
      %broadcast_in_dim3A_283 = vector.broadcast %broadcast_in_dim3A_282 : f32 to vector<16xf32>
      %sub3A_284 = arith.subf %scan3A_85#40, %max3A_281 : vector<16xf32>
      %exp3A_285 = math.exp %sub3A_284 : vector<16xf32>
      %mul3A_286 = arith.mulf %scan3A_85#41, %exp3A_285 : vector<16xf32>
      %add3A_287 = arith.addf %broadcast_in_dim3A_283, %mul3A_286 : vector<16xf32>
      %sub3A_288 = arith.subf %scan3A_85#42, %max3A_281 : vector<16xf32>
      %exp3A_289 = math.exp %sub3A_288 : vector<16xf32>
      %mul3A_290 = arith.mulf %scan3A_85#43, %exp3A_289 : vector<16xf32>
      %add3A_291 = arith.addf %add3A_287, %mul3A_290 : vector<16xf32>
      %sub3A_292 = arith.subf %scan3A_85#44, %max3A_281 : vector<16xf32>
      %exp3A_293 = math.exp %sub3A_292 : vector<16xf32>
      %mul3A_294 = arith.mulf %scan3A_85#45, %exp3A_293 : vector<16xf32>
      %add3A_295 = arith.addf %add3A_291, %mul3A_294 : vector<16xf32>
      %sub3A_296 = arith.subf %scan3A_85#46, %max3A_281 : vector<16xf32>
      %exp3A_297 = math.exp %sub3A_296 : vector<16xf32>
      %mul3A_298 = arith.mulf %scan3A_85#47, %exp3A_297 : vector<16xf32>
      %add3A_299 = arith.addf %add3A_295, %mul3A_298 : vector<16xf32>
      %swap3A_300 = arith.constant 0 : index
      %swap3A_301 = tpu.vector_load %arg7[%swap3A_300] {strides = array<i32>} : memref<16xf32, #tpu.memory_space<vmem>>, vector<16xf32>,
      %swap3A_302 = vector.shape_cast %swap3A_301 : vector<16xf32> to vector<16xf32>
      %swap3A_303 = vector.shape_cast %max3A_281 : vector<16xf32> to vector<16xf32>
      tpu.vector_store %arg7[%swap3A_300], %swap3A_303 {strides = array<i32>} : memref<16xf32, #tpu.memory_space<vmem>>, vector<16xf32>,
      %swap3A_304 = arith.constant 0 : index
      %swap3A_305 = tpu.vector_load %arg8[%swap3A_304] {strides = array<i32>} : memref<16xf32, #tpu.memory_space<vmem>>, vector<16xf32>,
      %swap3A_306 = vector.shape_cast %swap3A_305 : vector<16xf32> to vector<16xf32>
      %swap3A_307 = vector.shape_cast %add3A_299 : vector<16xf32> to vector<16xf32>
      tpu.vector_store %arg8[%swap3A_304], %swap3A_307 {strides = array<i32>} : memref<16xf32, #tpu.memory_space<vmem>>, vector<16xf32>,
      %mul3A_308 = arith.constant 2048 : i32
      %mul3A_309 = arith.muli %select_n3A, %mul3A_308 : i32
      %mul3A_310 = arith.constant 1024 : i32
      %mul3A_311 = arith.muli %select_n3A_54, %mul3A_310 : i32
      %add3A_312 = arith.addi %mul3A_309, %mul3A_311 : i32
      %add3A_313 = arith.constant 640 : i32
      %add3A_314 = arith.addi %add3A_312, %add3A_313 : i32
      %mul3A_315 = arith.constant 16 : i32
      %mul3A_316 = arith.muli %select_n3A_70, %mul3A_315 : i32
      %add3A_317 = arith.addi %add3A_314, %mul3A_316 : i32
      "tpu.region"() ({
        %run_scoped3A = tpu.sem_alloc : memref<!tpu.dma_semaphore, #tpu.memory_space<semaphore_mem>>
        %dma_start3A = tpu.memref_slice %arg4[%add3A_317] : memref<4096xf32, #tpu.memory_space<hbm>> -> memref<16xf32, #tpu.memory_space<hbm>>
        %dma_start3A_396 = tpu.memref_slice %arg4[%add3A_317] : memref<4096xf32, #tpu.memory_space<hbm>> -> memref<16xf32, #tpu.memory_space<hbm>>
        tpu.enqueue_dma source(%arg7 : memref<16xf32, #tpu.memory_space<vmem>>) target(%dma_start3A_396 : memref<16xf32, #tpu.memory_space<hbm>>) target_semaphore(%run_scoped3A : memref<!tpu.dma_semaphore, #tpu.memory_space<semaphore_mem>>)
        %dma_wait3A = tpu.memref_slice %arg4[%add3A_317] : memref<4096xf32, #tpu.memory_space<hbm>> -> memref<16xf32, #tpu.memory_space<hbm>>
        %dma_wait3A_397 = tpu.memref_slice %arg4[%add3A_317] : memref<4096xf32, #tpu.memory_space<hbm>> -> memref<16xf32, #tpu.memory_space<hbm>>
        tpu.wait_dma2 semaphore(%run_scoped3A : memref<!tpu.dma_semaphore, #tpu.memory_space<semaphore_mem>>) src(%arg7 : memref<16xf32, #tpu.memory_space<vmem>>) dst(%dma_wait3A_397 : memref<16xf32, #tpu.memory_space<hbm>>)
        tpu.yield
      }) : () -> ()
      "tpu.region"() ({
        %run_scoped3A = tpu.sem_alloc : memref<!tpu.dma_semaphore, #tpu.memory_space<semaphore_mem>>
        %dma_start3A = tpu.memref_slice %arg5[%add3A_317] : memref<4096xf32, #tpu.memory_space<hbm>> -> memref<16xf32, #tpu.memory_space<hbm>>
        %dma_start3A_396 = tpu.memref_slice %arg5[%add3A_317] : memref<4096xf32, #tpu.memory_space<hbm>> -> memref<16xf32, #tpu.memory_space<hbm>>
        tpu.enqueue_dma source(%arg8 : memref<16xf32, #tpu.memory_space<vmem>>) target(%dma_start3A_396 : memref<16xf32, #tpu.memory_space<hbm>>) target_semaphore(%run_scoped3A : memref<!tpu.dma_semaphore, #tpu.memory_space<semaphore_mem>>)
        %dma_wait3A = tpu.memref_slice %arg5[%add3A_317] : memref<4096xf32, #tpu.memory_space<hbm>> -> memref<16xf32, #tpu.memory_space<hbm>>
        %dma_wait3A_397 = tpu.memref_slice %arg5[%add3A_317] : memref<4096xf32, #tpu.memory_space<hbm>> -> memref<16xf32, #tpu.memory_space<hbm>>
        tpu.wait_dma2 semaphore(%run_scoped3A : memref<!tpu.dma_semaphore, #tpu.memory_space<semaphore_mem>>) src(%arg8 : memref<16xf32, #tpu.memory_space<vmem>>) dst(%dma_wait3A_397 : memref<16xf32, #tpu.memory_space<hbm>>)
        tpu.yield
      }) : () -> ()
      %max3A_318 = arith.maximumf %scan3A_85#48, %scan3A_85#50 : vector<16xf32>
      %max3A_319 = arith.maximumf %max3A_318, %scan3A_85#52 : vector<16xf32>
      %max3A_320 = arith.maximumf %max3A_319, %scan3A_85#54 : vector<16xf32>
      %broadcast_in_dim3A_321 = arith.constant 0.000000e+00 : f32
      %broadcast_in_dim3A_322 = vector.broadcast %broadcast_in_dim3A_321 : f32 to vector<16xf32>
      %sub3A_323 = arith.subf %scan3A_85#48, %max3A_320 : vector<16xf32>
      %exp3A_324 = math.exp %sub3A_323 : vector<16xf32>
      %mul3A_325 = arith.mulf %scan3A_85#49, %exp3A_324 : vector<16xf32>
      %add3A_326 = arith.addf %broadcast_in_dim3A_322, %mul3A_325 : vector<16xf32>
      %sub3A_327 = arith.subf %scan3A_85#50, %max3A_320 : vector<16xf32>
      %exp3A_328 = math.exp %sub3A_327 : vector<16xf32>
      %mul3A_329 = arith.mulf %scan3A_85#51, %exp3A_328 : vector<16xf32>
      %add3A_330 = arith.addf %add3A_326, %mul3A_329 : vector<16xf32>
      %sub3A_331 = arith.subf %scan3A_85#52, %max3A_320 : vector<16xf32>
      %exp3A_332 = math.exp %sub3A_331 : vector<16xf32>
      %mul3A_333 = arith.mulf %scan3A_85#53, %exp3A_332 : vector<16xf32>
      %add3A_334 = arith.addf %add3A_330, %mul3A_333 : vector<16xf32>
      %sub3A_335 = arith.subf %scan3A_85#54, %max3A_320 : vector<16xf32>
      %exp3A_336 = math.exp %sub3A_335 : vector<16xf32>
      %mul3A_337 = arith.mulf %scan3A_85#55, %exp3A_336 : vector<16xf32>
      %add3A_338 = arith.addf %add3A_334, %mul3A_337 : vector<16xf32>
      %swap3A_339 = arith.constant 0 : index
      %swap3A_340 = tpu.vector_load %arg7[%swap3A_339] {strides = array<i32>} : memref<16xf32, #tpu.memory_space<vmem>>, vector<16xf32>,
      %swap3A_341 = vector.shape_cast %swap3A_340 : vector<16xf32> to vector<16xf32>
      %swap3A_342 = vector.shape_cast %max3A_320 : vector<16xf32> to vector<16xf32>
      tpu.vector_store %arg7[%swap3A_339], %swap3A_342 {strides = array<i32>} : memref<16xf32, #tpu.memory_space<vmem>>, vector<16xf32>,
      %swap3A_343 = arith.constant 0 : index
      %swap3A_344 = tpu.vector_load %arg8[%swap3A_343] {strides = array<i32>} : memref<16xf32, #tpu.memory_space<vmem>>, vector<16xf32>,
      %swap3A_345 = vector.shape_cast %swap3A_344 : vector<16xf32> to vector<16xf32>
      %swap3A_346 = vector.shape_cast %add3A_338 : vector<16xf32> to vector<16xf32>
      tpu.vector_store %arg8[%swap3A_343], %swap3A_346 {strides = array<i32>} : memref<16xf32, #tpu.memory_space<vmem>>, vector<16xf32>,
      %mul3A_347 = arith.constant 2048 : i32
      %mul3A_348 = arith.muli %select_n3A, %mul3A_347 : i32
      %mul3A_349 = arith.constant 1024 : i32
      %mul3A_350 = arith.muli %select_n3A_54, %mul3A_349 : i32
      %add3A_351 = arith.addi %mul3A_348, %mul3A_350 : i32
      %add3A_352 = arith.constant 768 : i32
      %add3A_353 = arith.addi %add3A_351, %add3A_352 : i32
      %mul3A_354 = arith.constant 16 : i32
      %mul3A_355 = arith.muli %select_n3A_70, %mul3A_354 : i32
      %add3A_356 = arith.addi %add3A_353, %mul3A_355 : i32
      "tpu.region"() ({
        %run_scoped3A = tpu.sem_alloc : memref<!tpu.dma_semaphore, #tpu.memory_space<semaphore_mem>>
        %dma_start3A = tpu.memref_slice %arg4[%add3A_356] : memref<4096xf32, #tpu.memory_space<hbm>> -> memref<16xf32, #tpu.memory_space<hbm>>
        %dma_start3A_396 = tpu.memref_slice %arg4[%add3A_356] : memref<4096xf32, #tpu.memory_space<hbm>> -> memref<16xf32, #tpu.memory_space<hbm>>
        tpu.enqueue_dma source(%arg7 : memref<16xf32, #tpu.memory_space<vmem>>) target(%dma_start3A_396 : memref<16xf32, #tpu.memory_space<hbm>>) target_semaphore(%run_scoped3A : memref<!tpu.dma_semaphore, #tpu.memory_space<semaphore_mem>>)
        %dma_wait3A = tpu.memref_slice %arg4[%add3A_356] : memref<4096xf32, #tpu.memory_space<hbm>> -> memref<16xf32, #tpu.memory_space<hbm>>
        %dma_wait3A_397 = tpu.memref_slice %arg4[%add3A_356] : memref<4096xf32, #tpu.memory_space<hbm>> -> memref<16xf32, #tpu.memory_space<hbm>>
        tpu.wait_dma2 semaphore(%run_scoped3A : memref<!tpu.dma_semaphore, #tpu.memory_space<semaphore_mem>>) src(%arg7 : memref<16xf32, #tpu.memory_space<vmem>>) dst(%dma_wait3A_397 : memref<16xf32, #tpu.memory_space<hbm>>)
        tpu.yield
      }) : () -> ()
      "tpu.region"() ({
        %run_scoped3A = tpu.sem_alloc : memref<!tpu.dma_semaphore, #tpu.memory_space<semaphore_mem>>
        %dma_start3A = tpu.memref_slice %arg5[%add3A_356] : memref<4096xf32, #tpu.memory_space<hbm>> -> memref<16xf32, #tpu.memory_space<hbm>>
        %dma_start3A_396 = tpu.memref_slice %arg5[%add3A_356] : memref<4096xf32, #tpu.memory_space<hbm>> -> memref<16xf32, #tpu.memory_space<hbm>>
        tpu.enqueue_dma source(%arg8 : memref<16xf32, #tpu.memory_space<vmem>>) target(%dma_start3A_396 : memref<16xf32, #tpu.memory_space<hbm>>) target_semaphore(%run_scoped3A : memref<!tpu.dma_semaphore, #tpu.memory_space<semaphore_mem>>)
        %dma_wait3A = tpu.memref_slice %arg5[%add3A_356] : memref<4096xf32, #tpu.memory_space<hbm>> -> memref<16xf32, #tpu.memory_space<hbm>>
        %dma_wait3A_397 = tpu.memref_slice %arg5[%add3A_356] : memref<4096xf32, #tpu.memory_space<hbm>> -> memref<16xf32, #tpu.memory_space<hbm>>
        tpu.wait_dma2 semaphore(%run_scoped3A : memref<!tpu.dma_semaphore, #tpu.memory_space<semaphore_mem>>) src(%arg8 : memref<16xf32, #tpu.memory_space<vmem>>) dst(%dma_wait3A_397 : memref<16xf32, #tpu.memory_space<hbm>>)
        tpu.yield
      }) : () -> ()
      %max3A_357 = arith.maximumf %scan3A_85#56, %scan3A_85#58 : vector<16xf32>
      %max3A_358 = arith.maximumf %max3A_357, %scan3A_85#60 : vector<16xf32>
      %max3A_359 = arith.maximumf %max3A_358, %scan3A_85#62 : vector<16xf32>
      %broadcast_in_dim3A_360 = arith.constant 0.000000e+00 : f32
      %broadcast_in_dim3A_361 = vector.broadcast %broadcast_in_dim3A_360 : f32 to vector<16xf32>
      %sub3A_362 = arith.subf %scan3A_85#56, %max3A_359 : vector<16xf32>
      %exp3A_363 = math.exp %sub3A_362 : vector<16xf32>
      %mul3A_364 = arith.mulf %scan3A_85#57, %exp3A_363 : vector<16xf32>
      %add3A_365 = arith.addf %broadcast_in_dim3A_361, %mul3A_364 : vector<16xf32>
      %sub3A_366 = arith.subf %scan3A_85#58, %max3A_359 : vector<16xf32>
      %exp3A_367 = math.exp %sub3A_366 : vector<16xf32>
      %mul3A_368 = arith.mulf %scan3A_85#59, %exp3A_367 : vector<16xf32>
      %add3A_369 = arith.addf %add3A_365, %mul3A_368 : vector<16xf32>
      %sub3A_370 = arith.subf %scan3A_85#60, %max3A_359 : vector<16xf32>
      %exp3A_371 = math.exp %sub3A_370 : vector<16xf32>
      %mul3A_372 = arith.mulf %scan3A_85#61, %exp3A_371 : vector<16xf32>
      %add3A_373 = arith.addf %add3A_369, %mul3A_372 : vector<16xf32>
      %sub3A_374 = arith.subf %scan3A_85#62, %max3A_359 : vector<16xf32>
      %exp3A_375 = math.exp %sub3A_374 : vector<16xf32>
      %mul3A_376 = arith.mulf %scan3A_85#63, %exp3A_375 : vector<16xf32>
      %add3A_377 = arith.addf %add3A_373, %mul3A_376 : vector<16xf32>
      %swap3A_378 = arith.constant 0 : index
      %swap3A_379 = tpu.vector_load %arg7[%swap3A_378] {strides = array<i32>} : memref<16xf32, #tpu.memory_space<vmem>>, vector<16xf32>,
      %swap3A_380 = vector.shape_cast %swap3A_379 : vector<16xf32> to vector<16xf32>
      %swap3A_381 = vector.shape_cast %max3A_359 : vector<16xf32> to vector<16xf32>
      tpu.vector_store %arg7[%swap3A_378], %swap3A_381 {strides = array<i32>} : memref<16xf32, #tpu.memory_space<vmem>>, vector<16xf32>,
      %swap3A_382 = arith.constant 0 : index
      %swap3A_383 = tpu.vector_load %arg8[%swap3A_382] {strides = array<i32>} : memref<16xf32, #tpu.memory_space<vmem>>, vector<16xf32>,
      %swap3A_384 = vector.shape_cast %swap3A_383 : vector<16xf32> to vector<16xf32>
      %swap3A_385 = vector.shape_cast %add3A_377 : vector<16xf32> to vector<16xf32>
      tpu.vector_store %arg8[%swap3A_382], %swap3A_385 {strides = array<i32>} : memref<16xf32, #tpu.memory_space<vmem>>, vector<16xf32>,
      %mul3A_386 = arith.constant 2048 : i32
      %mul3A_387 = arith.muli %select_n3A, %mul3A_386 : i32
      %mul3A_388 = arith.constant 1024 : i32
      %mul3A_389 = arith.muli %select_n3A_54, %mul3A_388 : i32
      %add3A_390 = arith.addi %mul3A_387, %mul3A_389 : i32
      %add3A_391 = arith.constant 896 : i32
      %add3A_392 = arith.addi %add3A_390, %add3A_391 : i32
      %mul3A_393 = arith.constant 16 : i32
      %mul3A_394 = arith.muli %select_n3A_70, %mul3A_393 : i32
      %add3A_395 = arith.addi %add3A_392, %mul3A_394 : i32
      "tpu.region"() ({
        %run_scoped3A = tpu.sem_alloc : memref<!tpu.dma_semaphore, #tpu.memory_space<semaphore_mem>>
        %dma_start3A = tpu.memref_slice %arg4[%add3A_395] : memref<4096xf32, #tpu.memory_space<hbm>> -> memref<16xf32, #tpu.memory_space<hbm>>
        %dma_start3A_396 = tpu.memref_slice %arg4[%add3A_395] : memref<4096xf32, #tpu.memory_space<hbm>> -> memref<16xf32, #tpu.memory_space<hbm>>
        tpu.enqueue_dma source(%arg7 : memref<16xf32, #tpu.memory_space<vmem>>) target(%dma_start3A_396 : memref<16xf32, #tpu.memory_space<hbm>>) target_semaphore(%run_scoped3A : memref<!tpu.dma_semaphore, #tpu.memory_space<semaphore_mem>>)
        %dma_wait3A = tpu.memref_slice %arg4[%add3A_395] : memref<4096xf32, #tpu.memory_space<hbm>> -> memref<16xf32, #tpu.memory_space<hbm>>
        %dma_wait3A_397 = tpu.memref_slice %arg4[%add3A_395] : memref<4096xf32, #tpu.memory_space<hbm>> -> memref<16xf32, #tpu.memory_space<hbm>>
        tpu.wait_dma2 semaphore(%run_scoped3A : memref<!tpu.dma_semaphore, #tpu.memory_space<semaphore_mem>>) src(%arg7 : memref<16xf32, #tpu.memory_space<vmem>>) dst(%dma_wait3A_397 : memref<16xf32, #tpu.memory_space<hbm>>)
        tpu.yield
      }) : () -> ()
      "tpu.region"() ({
        %run_scoped3A = tpu.sem_alloc : memref<!tpu.dma_semaphore, #tpu.memory_space<semaphore_mem>>
        %dma_start3A = tpu.memref_slice %arg5[%add3A_395] : memref<4096xf32, #tpu.memory_space<hbm>> -> memref<16xf32, #tpu.memory_space<hbm>>
        %dma_start3A_396 = tpu.memref_slice %arg5[%add3A_395] : memref<4096xf32, #tpu.memory_space<hbm>> -> memref<16xf32, #tpu.memory_space<hbm>>
        tpu.enqueue_dma source(%arg8 : memref<16xf32, #tpu.memory_space<vmem>>) target(%dma_start3A_396 : memref<16xf32, #tpu.memory_space<hbm>>) target_semaphore(%run_scoped3A : memref<!tpu.dma_semaphore, #tpu.memory_space<semaphore_mem>>)
        %dma_wait3A = tpu.memref_slice %arg5[%add3A_395] : memref<4096xf32, #tpu.memory_space<hbm>> -> memref<16xf32, #tpu.memory_space<hbm>>
        %dma_wait3A_397 = tpu.memref_slice %arg5[%add3A_395] : memref<4096xf32, #tpu.memory_space<hbm>> -> memref<16xf32, #tpu.memory_space<hbm>>
        tpu.wait_dma2 semaphore(%run_scoped3A : memref<!tpu.dma_semaphore, #tpu.memory_space<semaphore_mem>>) src(%arg8 : memref<16xf32, #tpu.memory_space<vmem>>) dst(%dma_wait3A_397 : memref<16xf32, #tpu.memory_space<hbm>>)
        tpu.yield
      }) : () -> ()
    } else {
    }
    return
  }
}

module attributes {stable_mosaic.version = 14 : i64} {
  func.func @_fix_body(%arg0: i32, %arg1: memref<16x64xf32, #tpu.memory_space<vmem>>, %arg2: memref<64x128xf32, #tpu.memory_space<vmem>>, %arg3: memref<128xf32, #tpu.memory_space<vmem>>, %arg4: memref<16x128xf32, #tpu.memory_space<vmem>>, %arg5: memref<16x128xf32, #tpu.memory_space<vmem>>, %arg6: memref<16x2048xf32, #tpu.memory_space<vmem>>, %arg7: memref<16x2048xf32, #tpu.memory_space<vmem>>, %arg8: memref<2x16x128xf32, #tpu.memory_space<vmem>>, %arg9: memref<2x16x128xf32, #tpu.memory_space<vmem>>, %arg10: memref<16x128xf32, #tpu.memory_space<vmem>>, %arg11: memref<16x128xf32, #tpu.memory_space<vmem>>) attributes {dimension_semantics = [#tpu.dimension_semantics<arbitrary>], iteration_bounds = array<i64: 1>, scalar_prefetch = 0 : i64, scratch_operands = 0 : i64, tpu.core_type = #tpu.core_type<tc>, window_params = [{pipeline_mode = #tpu.pipeline_mode<synchronous>, transform_indices = @transform_0, window_bounds = array<i64: 16, 64>}, {transform_indices = @transform_1, window_bounds = array<i64: 64, 128>}, {transform_indices = @transform_2, window_bounds = array<i64: 128>}, {transform_indices = @transform_3, window_bounds = array<i64: 16, 128>}, {transform_indices = @transform_4, window_bounds = array<i64: 16, 128>}, {transform_indices = @transform_5, window_bounds = array<i64: 16, 2048>}, {transform_indices = @transform_6, window_bounds = array<i64: 16, 2048>}, {pipeline_mode = #tpu.pipeline_mode<synchronous>, transform_indices = @transform_7, window_bounds = array<i64: 2, 16, 128>}, {pipeline_mode = #tpu.pipeline_mode<synchronous>, transform_indices = @transform_8, window_bounds = array<i64: 2, 16, 128>}, {transform_indices = @transform_9, window_bounds = array<i64: 16, 128>}, {transform_indices = @transform_10, window_bounds = array<i64: 16, 128>}]} {
    %iota3A = tpu.iota {dimensions = array<i32: 1>} : vector<16x2048xi32>
    %lt3A = arith.constant 1696 : i32
    %lt3A_0 = vector.broadcast %lt3A : i32 to vector<16x2048xi32>
    %lt3A_1 = arith.cmpi slt, %iota3A, %lt3A_0 : vector<16x2048xi32>
    %get3A = arith.constant 0 : index
    %get3A_2 = arith.constant 0 : index
    %get3A_3 = vector.load %arg6[%get3A, %get3A_2] : memref<16x2048xf32, #tpu.memory_space<vmem>>, vector<16x2048xf32>
    %get3A_4 = arith.constant 0 : index
    %get3A_5 = arith.constant 0 : index
    %get3A_6 = vector.load %arg4[%get3A_4, %get3A_5] : memref<16x128xf32, #tpu.memory_space<vmem>>, vector<16x1xf32>
    %jit3A = arith.constant -3.40282347E+38 : f32
    %broadcast_in_dim3A = vector.broadcast %jit3A : f32 to vector<16x2048xf32>
    %select_n3A = arith.select %lt3A_1, %get3A_3, %broadcast_in_dim3A : vector<16x2048xi1>, vector<16x2048xf32>
    %reshape3A = vector.shape_cast %select_n3A : vector<16x2048xf32> to vector<16x16x128xf32>
    %reduce_max3A = arith.constant dense<0xFF800000> : vector<16x128xf32>
    %reduce_max3A_7 = vector.multi_reduction <maximumf>, %reshape3A, %reduce_max3A [1] : vector<16x16x128xf32> to vector<16x128xf32>
    %broadcast_in_dim3A_8 = vector.shape_cast %reduce_max3A_7 : vector<16x128xf32> to vector<16x1x128xf32>
    %sub3A = vector.broadcast %broadcast_in_dim3A_8 : vector<16x1x128xf32> to vector<16x16x128xf32>
    %sub3A_9 = arith.subf %reshape3A, %sub3A : vector<16x16x128xf32>
    %exp3A = math.exp %sub3A_9 : vector<16x16x128xf32>
    %reduce_sum3A = arith.constant dense<0.000000e+00> : vector<16x128xf32>
    %reduce_sum3A_10 = vector.multi_reduction <add>, %exp3A, %reduce_sum3A [1] : vector<16x16x128xf32> to vector<16x128xf32>
    %get3A_11 = arith.constant 0 : index
    %get3A_12 = arith.constant 0 : index
    %get3A_13 = arith.constant 0 : index
    %get3A_14 = vector.load %arg8[%get3A_11, %get3A_12, %get3A_13] : memref<2x16x128xf32, #tpu.memory_space<vmem>>, vector<1x16x128xf32>
    %get3A_15 = vector.shape_cast %get3A_14 : vector<1x16x128xf32> to vector<16x128xf32>
    %get3A_16 = arith.constant 0 : index
    %get3A_17 = arith.constant 0 : index
    %get3A_18 = arith.constant 0 : index
    %get3A_19 = vector.load %arg9[%get3A_16, %get3A_17, %get3A_18] : memref<2x16x128xf32, #tpu.memory_space<vmem>>, vector<1x16x128xf32>
    %get3A_20 = vector.shape_cast %get3A_19 : vector<1x16x128xf32> to vector<16x128xf32>
    %reduce_max3A_21 = arith.constant dense<0xFF800000> : vector<16xf32>
    %reduce_max3A_22 = vector.multi_reduction <maximumf>, %get3A_15, %reduce_max3A_21 [1] : vector<16x128xf32> to vector<16xf32>
    %broadcast_in_dim3A_23 = vector.shape_cast %reduce_max3A_22 : vector<16xf32> to vector<16x1xf32>
    %reduce_max3A_24 = arith.constant dense<0xFF800000> : vector<16xf32>
    %reduce_max3A_25 = vector.multi_reduction <maximumf>, %reduce_max3A_7, %reduce_max3A_24 [1] : vector<16x128xf32> to vector<16xf32>
    %broadcast_in_dim3A_26 = vector.shape_cast %reduce_max3A_25 : vector<16xf32> to vector<16x1xf32>
    %max3A = arith.maximumf %broadcast_in_dim3A_23, %broadcast_in_dim3A_26 : vector<16x1xf32>
    %sub3A_27 = vector.broadcast %max3A : vector<16x1xf32> to vector<16x128xf32>
    %sub3A_28 = arith.subf %get3A_15, %sub3A_27 : vector<16x128xf32>
    %exp3A_29 = math.exp %sub3A_28 : vector<16x128xf32>
    %mul3A = arith.mulf %get3A_20, %exp3A_29 : vector<16x128xf32>
    %reduce_sum3A_30 = arith.constant dense<0.000000e+00> : vector<16xf32>
    %reduce_sum3A_31 = vector.multi_reduction <add>, %mul3A, %reduce_sum3A_30 [1] : vector<16x128xf32> to vector<16xf32>
    %broadcast_in_dim3A_32 = vector.shape_cast %reduce_sum3A_31 : vector<16xf32> to vector<16x1xf32>
    %sub3A_33 = vector.broadcast %max3A : vector<16x1xf32> to vector<16x128xf32>
    %sub3A_34 = arith.subf %reduce_max3A_7, %sub3A_33 : vector<16x128xf32>
    %exp3A_35 = math.exp %sub3A_34 : vector<16x128xf32>
    %mul3A_36 = arith.mulf %reduce_sum3A_10, %exp3A_35 : vector<16x128xf32>
    %reduce_sum3A_37 = arith.constant dense<0.000000e+00> : vector<16xf32>
    %reduce_sum3A_38 = vector.multi_reduction <add>, %mul3A_36, %reduce_sum3A_37 [1] : vector<16x128xf32> to vector<16xf32>
    %broadcast_in_dim3A_39 = vector.shape_cast %reduce_sum3A_38 : vector<16xf32> to vector<16x1xf32>
    %add3A = arith.addf %broadcast_in_dim3A_32, %broadcast_in_dim3A_39 : vector<16x1xf32>
    %sub3A_40 = arith.subf %get3A_6, %max3A : vector<16x1xf32>
    %exp3A_41 = math.exp %sub3A_40 : vector<16x1xf32>
    %div3A = arith.divf %exp3A_41, %add3A : vector<16x1xf32>
    %get3A_42 = arith.constant 0 : index
    %get3A_43 = arith.constant 0 : index
    %get3A_44 = vector.load %arg7[%get3A_42, %get3A_43] : memref<16x2048xf32, #tpu.memory_space<vmem>>, vector<16x2048xf32>
    %get3A_45 = arith.constant 0 : index
    %get3A_46 = arith.constant 0 : index
    %get3A_47 = vector.load %arg5[%get3A_45, %get3A_46] : memref<16x128xf32, #tpu.memory_space<vmem>>, vector<16x1xf32>
    %jit3A_48 = arith.constant -3.40282347E+38 : f32
    %broadcast_in_dim3A_49 = vector.broadcast %jit3A_48 : f32 to vector<16x2048xf32>
    %select_n3A_50 = arith.select %lt3A_1, %get3A_44, %broadcast_in_dim3A_49 : vector<16x2048xi1>, vector<16x2048xf32>
    %reshape3A_51 = vector.shape_cast %select_n3A_50 : vector<16x2048xf32> to vector<16x16x128xf32>
    %reduce_max3A_52 = arith.constant dense<0xFF800000> : vector<16x128xf32>
    %reduce_max3A_53 = vector.multi_reduction <maximumf>, %reshape3A_51, %reduce_max3A_52 [1] : vector<16x16x128xf32> to vector<16x128xf32>
    %broadcast_in_dim3A_54 = vector.shape_cast %reduce_max3A_53 : vector<16x128xf32> to vector<16x1x128xf32>
    %sub3A_55 = vector.broadcast %broadcast_in_dim3A_54 : vector<16x1x128xf32> to vector<16x16x128xf32>
    %sub3A_56 = arith.subf %reshape3A_51, %sub3A_55 : vector<16x16x128xf32>
    %exp3A_57 = math.exp %sub3A_56 : vector<16x16x128xf32>
    %reduce_sum3A_58 = arith.constant dense<0.000000e+00> : vector<16x128xf32>
    %reduce_sum3A_59 = vector.multi_reduction <add>, %exp3A_57, %reduce_sum3A_58 [1] : vector<16x16x128xf32> to vector<16x128xf32>
    %get3A_60 = arith.constant 1 : index
    %get3A_61 = arith.constant 0 : index
    %get3A_62 = arith.constant 0 : index
    %get3A_63 = vector.load %arg8[%get3A_60, %get3A_61, %get3A_62] : memref<2x16x128xf32, #tpu.memory_space<vmem>>, vector<1x16x128xf32>
    %get3A_64 = vector.shape_cast %get3A_63 : vector<1x16x128xf32> to vector<16x128xf32>
    %get3A_65 = arith.constant 1 : index
    %get3A_66 = arith.constant 0 : index
    %get3A_67 = arith.constant 0 : index
    %get3A_68 = vector.load %arg9[%get3A_65, %get3A_66, %get3A_67] : memref<2x16x128xf32, #tpu.memory_space<vmem>>, vector<1x16x128xf32>
    %get3A_69 = vector.shape_cast %get3A_68 : vector<1x16x128xf32> to vector<16x128xf32>
    %reduce_max3A_70 = arith.constant dense<0xFF800000> : vector<16xf32>
    %reduce_max3A_71 = vector.multi_reduction <maximumf>, %get3A_64, %reduce_max3A_70 [1] : vector<16x128xf32> to vector<16xf32>
    %broadcast_in_dim3A_72 = vector.shape_cast %reduce_max3A_71 : vector<16xf32> to vector<16x1xf32>
    %reduce_max3A_73 = arith.constant dense<0xFF800000> : vector<16xf32>
    %reduce_max3A_74 = vector.multi_reduction <maximumf>, %reduce_max3A_53, %reduce_max3A_73 [1] : vector<16x128xf32> to vector<16xf32>
    %broadcast_in_dim3A_75 = vector.shape_cast %reduce_max3A_74 : vector<16xf32> to vector<16x1xf32>
    %max3A_76 = arith.maximumf %broadcast_in_dim3A_72, %broadcast_in_dim3A_75 : vector<16x1xf32>
    %sub3A_77 = vector.broadcast %max3A_76 : vector<16x1xf32> to vector<16x128xf32>
    %sub3A_78 = arith.subf %get3A_64, %sub3A_77 : vector<16x128xf32>
    %exp3A_79 = math.exp %sub3A_78 : vector<16x128xf32>
    %mul3A_80 = arith.mulf %get3A_69, %exp3A_79 : vector<16x128xf32>
    %reduce_sum3A_81 = arith.constant dense<0.000000e+00> : vector<16xf32>
    %reduce_sum3A_82 = vector.multi_reduction <add>, %mul3A_80, %reduce_sum3A_81 [1] : vector<16x128xf32> to vector<16xf32>
    %broadcast_in_dim3A_83 = vector.shape_cast %reduce_sum3A_82 : vector<16xf32> to vector<16x1xf32>
    %sub3A_84 = vector.broadcast %max3A_76 : vector<16x1xf32> to vector<16x128xf32>
    %sub3A_85 = arith.subf %reduce_max3A_53, %sub3A_84 : vector<16x128xf32>
    %exp3A_86 = math.exp %sub3A_85 : vector<16x128xf32>
    %mul3A_87 = arith.mulf %reduce_sum3A_59, %exp3A_86 : vector<16x128xf32>
    %reduce_sum3A_88 = arith.constant dense<0.000000e+00> : vector<16xf32>
    %reduce_sum3A_89 = vector.multi_reduction <add>, %mul3A_87, %reduce_sum3A_88 [1] : vector<16x128xf32> to vector<16xf32>
    %broadcast_in_dim3A_90 = vector.shape_cast %reduce_sum3A_89 : vector<16xf32> to vector<16x1xf32>
    %add3A_91 = arith.addf %broadcast_in_dim3A_83, %broadcast_in_dim3A_90 : vector<16x1xf32>
    %sub3A_92 = arith.subf %get3A_47, %max3A_76 : vector<16x1xf32>
    %exp3A_93 = math.exp %sub3A_92 : vector<16x1xf32>
    %div3A_94 = arith.divf %exp3A_93, %add3A_91 : vector<16x1xf32>
    %iota3A_95 = tpu.iota {dimensions = array<i32: 0>} : vector<16x16xi32>
    %iota3A_96 = tpu.iota {dimensions = array<i32: 1>} : vector<16x16xi32>
    %eq3A = arith.cmpi eq, %iota3A_95, %iota3A_96 : vector<16x16xi32>
    %jit3A_97 = arith.constant 0 : i32
    %convert_element_type3A = arith.sitofp %jit3A_97 : i32 to f32
    %broadcast_in_dim3A_98 = vector.shape_cast %div3A : vector<16x1xf32> to vector<16x1xf32>
    %broadcast_in_dim3A_99 = vector.broadcast %broadcast_in_dim3A_98 : vector<16x1xf32> to vector<16x16xf32>
    %broadcast_in_dim3A_100 = vector.broadcast %convert_element_type3A : f32 to vector<16x16xf32>
    %select_n3A_101 = arith.select %eq3A, %broadcast_in_dim3A_99, %broadcast_in_dim3A_100 : vector<16x16xi1>, vector<16x16xf32>
    %reduce_sum3A_102 = arith.constant dense<0.000000e+00> : vector<16xf32>
    %reduce_sum3A_103 = vector.multi_reduction <add>, %select_n3A_101, %reduce_sum3A_102 [0] : vector<16x16xf32> to vector<16xf32>
    %broadcast_in_dim3A_104 = vector.shape_cast %reduce_sum3A_103 : vector<16xf32> to vector<1x16xf32>
    %broadcast_in_dim3A_105 = vector.shape_cast %broadcast_in_dim3A_104 : vector<1x16xf32> to vector<1x16x1xf32>
    %broadcast_in_dim3A_106 = vector.shape_cast %broadcast_in_dim3A_104 : vector<1x16xf32> to vector<1x1x16xf32>
    %iota3A_107 = tpu.iota {dimensions = array<i32: 1>} : vector<1x16x16xi32>
    %iota3A_108 = tpu.iota {dimensions = array<i32: 2>} : vector<1x16x16xi32>
    %gt3A = vector.broadcast %broadcast_in_dim3A_106 : vector<1x1x16xf32> to vector<1x16x16xf32>
    %gt3A_109 = vector.broadcast %broadcast_in_dim3A_105 : vector<1x16x1xf32> to vector<1x16x16xf32>
    %gt3A_110 = arith.cmpf ogt, %gt3A, %gt3A_109 : vector<1x16x16xf32>
    %eq3A_111 = vector.broadcast %broadcast_in_dim3A_106 : vector<1x1x16xf32> to vector<1x16x16xf32>
    %eq3A_112 = vector.broadcast %broadcast_in_dim3A_105 : vector<1x16x1xf32> to vector<1x16x16xf32>
    %eq3A_113 = arith.cmpf oeq, %eq3A_111, %eq3A_112 : vector<1x16x16xf32>
    %lt3A_114 = arith.cmpi slt, %iota3A_108, %iota3A_107 : vector<1x16x16xi32>
    %and3A = arith.andi %eq3A_113, %lt3A_114 : vector<1x16x16xi1>
    %or3A = arith.ori %gt3A_110, %and3A : vector<1x16x16xi1>
    %convert_element_type3A_115 = arith.extui %or3A : vector<1x16x16xi1> to vector<1x16x16xi32>
    %reduce_sum3A_116 = arith.constant dense<0> : vector<1x16xi32>
    %reduce_sum3A_117 = vector.multi_reduction <add>, %convert_element_type3A_115, %reduce_sum3A_116 [2] : vector<1x16x16xi32> to vector<1x16xi32>
    %jit3A_118 = arith.constant 0 : i32
    %convert_element_type3A_119 = arith.sitofp %jit3A_118 : i32 to f32
    %broadcast_in_dim3A_120 = vector.shape_cast %div3A_94 : vector<16x1xf32> to vector<16x1xf32>
    %broadcast_in_dim3A_121 = vector.broadcast %broadcast_in_dim3A_120 : vector<16x1xf32> to vector<16x16xf32>
    %broadcast_in_dim3A_122 = vector.broadcast %convert_element_type3A_119 : f32 to vector<16x16xf32>
    %select_n3A_123 = arith.select %eq3A, %broadcast_in_dim3A_121, %broadcast_in_dim3A_122 : vector<16x16xi1>, vector<16x16xf32>
    %reduce_sum3A_124 = arith.constant dense<0.000000e+00> : vector<16xf32>
    %reduce_sum3A_125 = vector.multi_reduction <add>, %select_n3A_123, %reduce_sum3A_124 [0] : vector<16x16xf32> to vector<16xf32>
    %broadcast_in_dim3A_126 = vector.shape_cast %reduce_sum3A_125 : vector<16xf32> to vector<1x16xf32>
    %broadcast_in_dim3A_127 = vector.shape_cast %broadcast_in_dim3A_126 : vector<1x16xf32> to vector<1x16x1xf32>
    %broadcast_in_dim3A_128 = vector.shape_cast %broadcast_in_dim3A_126 : vector<1x16xf32> to vector<1x1x16xf32>
    %iota3A_129 = tpu.iota {dimensions = array<i32: 1>} : vector<1x16x16xi32>
    %iota3A_130 = tpu.iota {dimensions = array<i32: 2>} : vector<1x16x16xi32>
    %gt3A_131 = vector.broadcast %broadcast_in_dim3A_128 : vector<1x1x16xf32> to vector<1x16x16xf32>
    %gt3A_132 = vector.broadcast %broadcast_in_dim3A_127 : vector<1x16x1xf32> to vector<1x16x16xf32>
    %gt3A_133 = arith.cmpf ogt, %gt3A_131, %gt3A_132 : vector<1x16x16xf32>
    %eq3A_134 = vector.broadcast %broadcast_in_dim3A_128 : vector<1x1x16xf32> to vector<1x16x16xf32>
    %eq3A_135 = vector.broadcast %broadcast_in_dim3A_127 : vector<1x16x1xf32> to vector<1x16x16xf32>
    %eq3A_136 = arith.cmpf oeq, %eq3A_134, %eq3A_135 : vector<1x16x16xf32>
    %lt3A_137 = arith.cmpi slt, %iota3A_130, %iota3A_129 : vector<1x16x16xi32>
    %and3A_138 = arith.andi %eq3A_136, %lt3A_137 : vector<1x16x16xi1>
    %or3A_139 = arith.ori %gt3A_133, %and3A_138 : vector<1x16x16xi1>
    %convert_element_type3A_140 = arith.extui %or3A_139 : vector<1x16x16xi1> to vector<1x16x16xi32>
    %reduce_sum3A_141 = arith.constant dense<0> : vector<1x16xi32>
    %reduce_sum3A_142 = vector.multi_reduction <add>, %convert_element_type3A_140, %reduce_sum3A_141 [2] : vector<1x16x16xi32> to vector<1x16xi32>
    %jit3A_143 = arith.constant 0 : i32
    %broadcast_in_dim3A_144 = vector.shape_cast %reduce_sum3A_117 : vector<1x16xi32> to vector<1x16xi32>
    %broadcast_in_dim3A_145 = vector.broadcast %broadcast_in_dim3A_144 : vector<1x16xi32> to vector<16x16xi32>
    %broadcast_in_dim3A_146 = vector.broadcast %jit3A_143 : i32 to vector<16x16xi32>
    %select_n3A_147 = arith.select %eq3A, %broadcast_in_dim3A_145, %broadcast_in_dim3A_146 : vector<16x16xi1>, vector<16x16xi32>
    %reduce_sum3A_148 = arith.constant dense<0> : vector<16xi32>
    %reduce_sum3A_149 = vector.multi_reduction <add>, %select_n3A_147, %reduce_sum3A_148 [1] : vector<16x16xi32> to vector<16xi32>
    %broadcast_in_dim3A_150 = vector.shape_cast %reduce_sum3A_149 : vector<16xi32> to vector<16x1xi32>
    %eq3A_151 = vector.broadcast %reduce_sum3A_142 : vector<1x16xi32> to vector<16x16xi32>
    %eq3A_152 = vector.broadcast %broadcast_in_dim3A_150 : vector<16x1xi32> to vector<16x16xi32>
    %eq3A_153 = arith.cmpi eq, %eq3A_151, %eq3A_152 : vector<16x16xi32>
    %get3A_154 = arith.constant 0 : index
    %get3A_155 = arith.constant 0 : index
    %get3A_156 = vector.load %arg2[%get3A_154, %get3A_155] : memref<64x128xf32, #tpu.memory_space<vmem>>, vector<64x16xf32>
    %broadcast_in_dim3A_157 = vector.shape_cast %get3A_156 : vector<64x16xf32> to vector<64x1x16xf32>
    %broadcast_in_dim3A_158 = vector.shape_cast %get3A_156 : vector<64x16xf32> to vector<1x64x16xf32>
    %iota3A_159 = tpu.iota {dimensions = array<i32: 0>} : vector<64x64x16xi32>
    %iota3A_160 = tpu.iota {dimensions = array<i32: 1>} : vector<64x64x16xi32>
    %gt3A_161 = vector.broadcast %broadcast_in_dim3A_158 : vector<1x64x16xf32> to vector<64x64x16xf32>
    %gt3A_162 = vector.broadcast %broadcast_in_dim3A_157 : vector<64x1x16xf32> to vector<64x64x16xf32>
    %gt3A_163 = arith.cmpf ogt, %gt3A_161, %gt3A_162 : vector<64x64x16xf32>
    %eq3A_164 = vector.broadcast %broadcast_in_dim3A_158 : vector<1x64x16xf32> to vector<64x64x16xf32>
    %eq3A_165 = vector.broadcast %broadcast_in_dim3A_157 : vector<64x1x16xf32> to vector<64x64x16xf32>
    %eq3A_166 = arith.cmpf oeq, %eq3A_164, %eq3A_165 : vector<64x64x16xf32>
    %lt3A_167 = arith.cmpi slt, %iota3A_160, %iota3A_159 : vector<64x64x16xi32>
    %and3A_168 = arith.andi %eq3A_166, %lt3A_167 : vector<64x64x16xi1>
    %or3A_169 = arith.ori %gt3A_163, %and3A_168 : vector<64x64x16xi1>
    %convert_element_type3A_170 = arith.extui %or3A_169 : vector<64x64x16xi1> to vector<64x64x16xi32>
    %reduce_sum3A_171 = arith.constant dense<0> : vector<64x16xi32>
    %reduce_sum3A_172 = vector.multi_reduction <add>, %convert_element_type3A_170, %reduce_sum3A_171 [1] : vector<64x64x16xi32> to vector<64x16xi32>
    %broadcast_in_dim3A_173 = vector.shape_cast %eq3A_153 : vector<16x16xi1> to vector<1x16x16xi1>
    %broadcast_in_dim3A_174 = vector.shape_cast %get3A_156 : vector<64x16xf32> to vector<64x1x16xf32>
    %jit3A_175 = arith.constant 0.000000e+00 : f32
    %broadcast_in_dim3A_176 = vector.shape_cast %broadcast_in_dim3A_173 : vector<1x16x16xi1> to vector<1x16x16xi1>
    %broadcast_in_dim3A_177 = vector.broadcast %broadcast_in_dim3A_176 : vector<1x16x16xi1> to vector<64x16x16xi1>
    %broadcast_in_dim3A_178 = vector.shape_cast %broadcast_in_dim3A_174 : vector<64x1x16xf32> to vector<64x1x16xf32>
    %broadcast_in_dim3A_179 = vector.broadcast %broadcast_in_dim3A_178 : vector<64x1x16xf32> to vector<64x16x16xf32>
    %broadcast_in_dim3A_180 = vector.broadcast %jit3A_175 : f32 to vector<64x16x16xf32>
    %select_n3A_181 = arith.select %broadcast_in_dim3A_177, %broadcast_in_dim3A_179, %broadcast_in_dim3A_180 : vector<64x16x16xi1>, vector<64x16x16xf32>
    %reduce_sum3A_182 = arith.constant dense<0.000000e+00> : vector<64x16xf32>
    %reduce_sum3A_183 = vector.multi_reduction <add>, %select_n3A_181, %reduce_sum3A_182 [2] : vector<64x16x16xf32> to vector<64x16xf32>
    %broadcast_in_dim3A_184 = vector.shape_cast %eq3A_153 : vector<16x16xi1> to vector<1x16x16xi1>
    %broadcast_in_dim3A_185 = vector.shape_cast %reduce_sum3A_172 : vector<64x16xi32> to vector<64x1x16xi32>
    %jit3A_186 = arith.constant 0 : i32
    %broadcast_in_dim3A_187 = vector.shape_cast %broadcast_in_dim3A_184 : vector<1x16x16xi1> to vector<1x16x16xi1>
    %broadcast_in_dim3A_188 = vector.broadcast %broadcast_in_dim3A_187 : vector<1x16x16xi1> to vector<64x16x16xi1>
    %broadcast_in_dim3A_189 = vector.shape_cast %broadcast_in_dim3A_185 : vector<64x1x16xi32> to vector<64x1x16xi32>
    %broadcast_in_dim3A_190 = vector.broadcast %broadcast_in_dim3A_189 : vector<64x1x16xi32> to vector<64x16x16xi32>
    %broadcast_in_dim3A_191 = vector.broadcast %jit3A_186 : i32 to vector<64x16x16xi32>
    %select_n3A_192 = arith.select %broadcast_in_dim3A_188, %broadcast_in_dim3A_190, %broadcast_in_dim3A_191 : vector<64x16x16xi1>, vector<64x16x16xi32>
    %reduce_sum3A_193 = arith.constant dense<0> : vector<64x16xi32>
    %reduce_sum3A_194 = vector.multi_reduction <add>, %select_n3A_192, %reduce_sum3A_193 [2] : vector<64x16x16xi32> to vector<64x16xi32>
    %broadcast_in_dim3A_195 = vector.shape_cast %reduce_sum3A_194 : vector<64x16xi32> to vector<1x64x16xi32>
    %broadcast_in_dim3A_196 = vector.shape_cast %reduce_sum3A_172 : vector<64x16xi32> to vector<64x1x16xi32>
    %eq3A_197 = vector.broadcast %broadcast_in_dim3A_195 : vector<1x64x16xi32> to vector<64x64x16xi32>
    %eq3A_198 = vector.broadcast %broadcast_in_dim3A_196 : vector<64x1x16xi32> to vector<64x64x16xi32>
    %eq3A_199 = arith.cmpi eq, %eq3A_197, %eq3A_198 : vector<64x64x16xi32>
    %broadcast_in_dim3A_200 = vector.shape_cast %reduce_sum3A_183 : vector<64x16xf32> to vector<1x64x16xf32>
    %jit3A_201 = arith.constant 0.000000e+00 : f32
    %broadcast_in_dim3A_202 = vector.shape_cast %broadcast_in_dim3A_200 : vector<1x64x16xf32> to vector<1x64x16xf32>
    %broadcast_in_dim3A_203 = vector.broadcast %broadcast_in_dim3A_202 : vector<1x64x16xf32> to vector<64x64x16xf32>
    %broadcast_in_dim3A_204 = vector.broadcast %jit3A_201 : f32 to vector<64x64x16xf32>
    %select_n3A_205 = arith.select %eq3A_199, %broadcast_in_dim3A_203, %broadcast_in_dim3A_204 : vector<64x64x16xi1>, vector<64x64x16xf32>
    %reduce_sum3A_206 = arith.constant dense<0.000000e+00> : vector<64x16xf32>
    %reduce_sum3A_207 = vector.multi_reduction <add>, %select_n3A_205, %reduce_sum3A_206 [1] : vector<64x64x16xf32> to vector<64x16xf32>
    %lt3A_208 = arith.constant 50 : i32
    %lt3A_209 = vector.broadcast %lt3A_208 : i32 to vector<64x16xi32>
    %lt3A_210 = arith.cmpi slt, %reduce_sum3A_172, %lt3A_209 : vector<64x16xi32>
    %select_n3A_211 = arith.select %lt3A_210, %reduce_sum3A_207, %get3A_156 : vector<64x16xi1>, vector<64x16xf32>
    %get3A_212 = arith.constant 0 : index
    %get3A_213 = vector.load %arg3[%get3A_212] : memref<128xf32, #tpu.memory_space<vmem>>, vector<16xf32>
    %broadcast_in_dim3A_214 = vector.shape_cast %get3A_213 : vector<16xf32> to vector<1x16xf32>
    %jit3A_215 = arith.constant 0.000000e+00 : f32
    %broadcast_in_dim3A_216 = vector.shape_cast %broadcast_in_dim3A_214 : vector<1x16xf32> to vector<1x16xf32>
    %broadcast_in_dim3A_217 = vector.broadcast %broadcast_in_dim3A_216 : vector<1x16xf32> to vector<16x16xf32>
    %broadcast_in_dim3A_218 = vector.broadcast %jit3A_215 : f32 to vector<16x16xf32>
    %select_n3A_219 = arith.select %eq3A_153, %broadcast_in_dim3A_217, %broadcast_in_dim3A_218 : vector<16x16xi1>, vector<16x16xf32>
    %reduce_sum3A_220 = arith.constant dense<0.000000e+00> : vector<16xf32>
    %reduce_sum3A_221 = vector.multi_reduction <add>, %select_n3A_219, %reduce_sum3A_220 [1] : vector<16x16xf32> to vector<16xf32>
    %broadcast_in_dim3A_222 = vector.shape_cast %reduce_sum3A_221 : vector<16xf32> to vector<16x1xf32>
    %jit3A_223 = arith.constant 0 : i32
    %convert_element_type3A_224 = arith.sitofp %jit3A_223 : i32 to f32
    %broadcast_in_dim3A_225 = vector.shape_cast %broadcast_in_dim3A_222 : vector<16x1xf32> to vector<16x1xf32>
    %broadcast_in_dim3A_226 = vector.broadcast %broadcast_in_dim3A_225 : vector<16x1xf32> to vector<16x16xf32>
    %broadcast_in_dim3A_227 = vector.broadcast %convert_element_type3A_224 : f32 to vector<16x16xf32>
    %select_n3A_228 = arith.select %eq3A, %broadcast_in_dim3A_226, %broadcast_in_dim3A_227 : vector<16x16xi1>, vector<16x16xf32>
    %reduce_sum3A_229 = arith.constant dense<0.000000e+00> : vector<16xf32>
    %reduce_sum3A_230 = vector.multi_reduction <add>, %select_n3A_228, %reduce_sum3A_229 [0] : vector<16x16xf32> to vector<16xf32>
    %broadcast_in_dim3A_231 = vector.shape_cast %reduce_sum3A_230 : vector<16xf32> to vector<1x16xf32>
    %get3A_232 = arith.constant 0 : index
    %get3A_233 = arith.constant 0 : index
    %get3A_234 = vector.load %arg1[%get3A_232, %get3A_233] : memref<16x64xf32, #tpu.memory_space<vmem>>, vector<16x64xf32>
    %dot_general3A = arith.constant dense<0.000000e+00> : vector<16x16xf32>
    %dot_general3A_235 = tpu.matmul %get3A_234, %select_n3A_211, %dot_general3A {dimension_numbers = #tpu.dot_dimension_numbers<[1], [0], [0], [1], [0, 0, 1, 1], [], []>, transpose_lhs_hint = false} : vector<16x64xf32>, vector<64x16xf32>, vector<16x16xf32> -> vector<16x16xf32>
    %get3A_236 = arith.constant 0 : index
    %get3A_237 = arith.constant 0 : index
    %get3A_238 = vector.load %arg10[%get3A_236, %get3A_237] : memref<16x128xf32, #tpu.memory_space<vmem>>, vector<16x128xf32>
    %swap3A = arith.constant 0 : index
    %swap3A_239 = arith.constant 0 : index
    %swap3A_240 = vector.load %arg11[%swap3A, %swap3A_239] : memref<16x128xf32, #tpu.memory_space<vmem>>, vector<16x128xf32>
    tpu.vector_store %arg11[%swap3A, %swap3A_239], %get3A_238 {strides = array<i32>} : memref<16x128xf32, #tpu.memory_space<vmem>>, vector<16x128xf32>,
    %add3A_241 = vector.broadcast %broadcast_in_dim3A_231 : vector<1x16xf32> to vector<16x16xf32>
    %add3A_242 = arith.addf %dot_general3A_235, %add3A_241 : vector<16x16xf32>
    %swap3A_243 = arith.constant 0 : index
    %swap3A_244 = arith.constant 0 : index
    %swap3A_245 = vector.load %arg11[%swap3A_243, %swap3A_244] : memref<16x128xf32, #tpu.memory_space<vmem>>, vector<16x16xf32>
    tpu.vector_store %arg11[%swap3A_243, %swap3A_244], %add3A_242 {strides = array<i32>} : memref<16x128xf32, #tpu.memory_space<vmem>>, vector<16x16xf32>,
    return
  }
  func.func @transform_0(%arg0: i32) -> (i32, i32) {
    %c0_i32 = arith.constant 0 : i32
    %c0_i32_0 = arith.constant 0 : i32
    %c0_i32_1 = arith.constant 0 : i32
    return %c0_i32, %c0_i32_0 : i32, i32
  }
  func.func @transform_1(%arg0: i32) -> (i32, i32) {
    %c0_i32 = arith.constant 0 : i32
    %c0_i32_0 = arith.constant 0 : i32
    %c0_i32_1 = arith.constant 0 : i32
    return %c0_i32, %c0_i32_0 : i32, i32
  }
  func.func @transform_2(%arg0: i32) -> i32 {
    %c0_i32 = arith.constant 0 : i32
    %c0_i32_0 = arith.constant 0 : i32
    return %c0_i32 : i32
  }
  func.func @transform_3(%arg0: i32) -> (i32, i32) {
    %c0_i32 = arith.constant 0 : i32
    %c0_i32_0 = arith.constant 0 : i32
    %c0_i32_1 = arith.constant 0 : i32
    return %c0_i32, %c0_i32_0 : i32, i32
  }
  func.func @transform_4(%arg0: i32) -> (i32, i32) {
    %c0_i32 = arith.constant 0 : i32
    %c0_i32_0 = arith.constant 0 : i32
    %c0_i32_1 = arith.constant 0 : i32
    return %c0_i32, %c0_i32_0 : i32, i32
  }
  func.func @transform_5(%arg0: i32) -> (i32, i32) {
    %c0_i32 = arith.constant 0 : i32
    %c48_i32 = arith.constant 48 : i32
    %c0_i32_0 = arith.constant 0 : i32
    return %c0_i32, %c48_i32 : i32, i32
  }
  func.func @transform_6(%arg0: i32) -> (i32, i32) {
    %c0_i32 = arith.constant 0 : i32
    %c48_i32 = arith.constant 48 : i32
    %c0_i32_0 = arith.constant 0 : i32
    return %c0_i32, %c48_i32 : i32, i32
  }
  func.func @transform_7(%arg0: i32) -> (i32, i32, i32) {
    %c0_i32 = arith.constant 0 : i32
    %c0_i32_0 = arith.constant 0 : i32
    %c0_i32_1 = arith.constant 0 : i32
    %c0_i32_2 = arith.constant 0 : i32
    return %c0_i32, %c0_i32_0, %c0_i32_1 : i32, i32, i32
  }
  func.func @transform_8(%arg0: i32) -> (i32, i32, i32) {
    %c0_i32 = arith.constant 0 : i32
    %c0_i32_0 = arith.constant 0 : i32
    %c0_i32_1 = arith.constant 0 : i32
    %c0_i32_2 = arith.constant 0 : i32
    return %c0_i32, %c0_i32_0, %c0_i32_1 : i32, i32, i32
  }
  func.func @transform_9(%arg0: i32) -> (i32, i32) {
    %c0_i32 = arith.constant 0 : i32
    %c0_i32_0 = arith.constant 0 : i32
    %c0_i32_1 = arith.constant 0 : i32
    return %c0_i32, %c0_i32_0 : i32, i32
  }
  func.func @transform_10(%arg0: i32) -> (i32, i32) {
    %c0_i32 = arith.constant 0 : i32
    %c0_i32_0 = arith.constant 0 : i32
    %c0_i32_1 = arith.constant 0 : i32
    return %c0_i32, %c0_i32_0 : i32, i32
  }
}

module attributes {stable_mosaic.version = 14 : i64} {
  func.func @_mm_body(%arg0: i32, %arg1: memref<16x64xf32, #tpu.memory_space<vmem>>, %arg2: memref<64x16384xf32, #tpu.memory_space<vmem>>, %arg3: memref<16384xf32, #tpu.memory_space<vmem>>, %arg4: memref<16x16384xf32, #tpu.memory_space<vmem>>) attributes {dimension_semantics = [#tpu.dimension_semantics<parallel>], iteration_bounds = array<i64: 7>, scalar_prefetch = 0 : i64, scratch_operands = 0 : i64, tpu.core_type = #tpu.core_type<tc>, window_params = [{pipeline_mode = #tpu.pipeline_mode<synchronous>, transform_indices = @transform_0, window_bounds = array<i64: 16, 64>}, {transform_indices = @transform_1, window_bounds = array<i64: 64, 16384>}, {transform_indices = @transform_2, window_bounds = array<i64: 16384>}, {transform_indices = @transform_3, window_bounds = array<i64: 16, 16384>}]} {
    %get3A = arith.constant 0 : index
    %get3A_0 = arith.constant 0 : index
    %get3A_1 = vector.load %arg1[%get3A, %get3A_0] : memref<16x64xf32, #tpu.memory_space<vmem>>, vector<16x64xf32>
    %get3A_2 = arith.constant 0 : index
    %get3A_3 = arith.constant 0 : index
    %get3A_4 = vector.load %arg2[%get3A_2, %get3A_3] : memref<64x16384xf32, #tpu.memory_space<vmem>>, vector<64x16384xf32>
    %dot_general3A = arith.constant dense<0.000000e+00> : vector<16x16384xf32>
    %dot_general3A_5 = tpu.matmul %get3A_1, %get3A_4, %dot_general3A {dimension_numbers = #tpu.dot_dimension_numbers<[1], [0], [0], [1], [0, 0, 1, 1], [], []>, transpose_lhs_hint = false} : vector<16x64xf32>, vector<64x16384xf32>, vector<16x16384xf32> -> vector<16x16384xf32>
    %get3A_6 = arith.constant 0 : index
    %get3A_7 = vector.load %arg3[%get3A_6] : memref<16384xf32, #tpu.memory_space<vmem>>, vector<16384xf32>
    %broadcast_in_dim3A = vector.shape_cast %get3A_7 : vector<16384xf32> to vector<1x16384xf32>
    %add3A = vector.broadcast %broadcast_in_dim3A : vector<1x16384xf32> to vector<16x16384xf32>
    %add3A_8 = arith.addf %dot_general3A_5, %add3A : vector<16x16384xf32>
    %swap3A = arith.constant 0 : index
    %swap3A_9 = arith.constant 0 : index
    %swap3A_10 = vector.load %arg4[%swap3A, %swap3A_9] : memref<16x16384xf32, #tpu.memory_space<vmem>>, vector<16x16384xf32>
    tpu.vector_store %arg4[%swap3A, %swap3A_9], %add3A_8 {strides = array<i32>} : memref<16x16384xf32, #tpu.memory_space<vmem>>, vector<16x16384xf32>,
    return
  }
  func.func @transform_0(%arg0: i32) -> (i32, i32) {
    %c0_i32 = arith.constant 0 : i32
    %c0_i32_0 = arith.constant 0 : i32
    %c0_i32_1 = arith.constant 0 : i32
    return %c0_i32, %c0_i32_0 : i32, i32
  }
  func.func @transform_1(%arg0: i32) -> (i32, i32) {
    %c0_i32 = arith.constant 0 : i32
    %c0_i32_0 = arith.constant 0 : i32
    return %c0_i32, %arg0 : i32, i32
  }
  func.func @transform_2(%arg0: i32) -> i32 {
    %c0_i32 = arith.constant 0 : i32
    return %arg0 : i32
  }
  func.func @transform_3(%arg0: i32) -> (i32, i32) {
    %c0_i32 = arith.constant 0 : i32
    %c0_i32_0 = arith.constant 0 : i32
    return %c0_i32, %arg0 : i32, i32
  }
}

</mosaic_0001>

<sc_bundles>
// kernel: kernel.5.cloned.1.call-start
scs
__scs_entry_jumppad:
0x0: {  	(pc) =	sbr.rel $0x88, $3  }
0x1: {  	(tag) =	ssettag $0x0;
	lr =	simm.s32 $0x1  }
0x2: {  	[smem:$0x3F9C] =	sst lr;
	_ =	strace $0xD0000000  }
0x3: {  	_ = 	snop  }
0x4: {  	_ = 	snop  }
0x5: {  	_ = 	snop  }
0x6: {  	_ = 	snop  }
0x7: {  	_ = 	snop  }
__scs_overlays_trampoline_lowered:
0x8: {  	[smem:$0x3FAB] =	sst s0  }
0x9: {  	[smem:$0x3FAC] =	sst s1  }
0xa: {  	[smem:$0x3FAD] =	sst s2  }
0xb: {  	[smem:$0x3FAE] =	sst s3  }
0xc: {  	[smem:$0x3FAF] =	sst s4  }
0xd: {  	[smem:$0x3FB0] =	sst s5  }
0xe: {  	[smem:$0x3FB1] =	sst s6  }
0xf: {  	[smem:$0x3FB2] =	sst s7  }
0x10: {  	[smem:$0x3FB3] =	sst s8  }
0x11: {  	[smem:$0x3FB4] =	sst s9;
	s0 =	simm.s32 @!p0 $0x0  }
0x12: {  	s1 =	sld [smem:$0x3F9A];
	s0 =	simm.s32 @p0 $0x1  }
0x13: {  	[smem:$0x3FB5] =	sst s0;
	s0 =	simm.s32 @!p1 $0x0  }
0x14: {  	s2 =	sld [smem:$0x3F99];
	s0 =	simm.s32 @p1 $0x1  }
0x15: {  	[smem:$0x3FB6] =	sst s0;
	s0 =	simm.s32 @!p2 $0x0  }
0x16: {  	s3 =	sld [smem:$0x3FDB];
	s0 =	simm.s32 @p2 $0x1  }
0x17: {  	s4 =	simm.s32 $0x1BF5;
	[smem:$0x3FB8] =	sst s0  }
0x18: {  	s0 =	sld [smem:$0x3F9B];
	_ =	swait.ge [sflag:s4], $0x0  }
0x19: {  	s7 =	sld [smem:$0x3F9C]  }
0x1a: {  	s8 =	sadd.s32 $0xFFFFE003, lr  }
0x1b: {  	s9 =	sadd.s32 $0xFFFFFEF7, lr;
	s5 =	simm.s32 $0xFFFFFFFF;
	p2 =	slt.u32 s8, $0xFFFFF086  }
0x1c: {  	p1 =	slt.u32 s9, $0xF7A;
	s5 =	simm.s32 @!p2 $0x0  }
0x1d: {  	s5 =	simm.s32 @p1 $0x1;
	p0 =	seq.s32 s7, s2  }
0x1e: {  	s7 =	smul.u32 @!p0 $0xF7A, s2;
	p2 =	seq.s32 @!p0 s5, $0x0  }
0x1f: {  	s9 =	smul.u32 $0xF7A, s1;
	s8 =	simm.s32 @!p0 $0x1BF5;
	p2 =	por !p2, p0  }
0x20: {  	[sflag:s8] =	ssyncset.s32 @!p0 $0xFFFFF086;
	s6 =	sadd.s32 @!p0 s3, s7;
	s7 =	simm.s32 @!p0 $0x108  }
0x21: {  	s3 =	sadd.s32 s3, s9;
	s6 =	sadd.s32 @!p0 $0x88, s6;
	s7 =	simm.s32 @p2 $0x1082  }
0x22: {  	[simem:s7], [sflag:s8] =	dma.local @!p0 [hbm:s6], $0xF7A  }
0x23: {  	s9 =	sor.u32 $0xD0000000, s2;
	s6 =	simm.s32 $0x108;
	_ =	swait.ge @!p0 [sflag:s8], $0x0  }
0x24: {  	s3 =	sadd.s32 $0x88, s3;
	s6 =	simm.s32 @!p1 $0x1082;
	[sflag:s4] =	ssyncset.s32 $0xFFFFF086  }
0x25: {  	[simem:s6], [sflag:s4] =	dma.local [hbm:s3], $0xF7A  }
0x26: {  	[smem:$0x3F9C] =	sst s1;
	(tag) =	ssettag s2;
	_ =	strace s9  }
0x27: {  	s1 =	sld [smem:$0x3FAC]  }
0x28: {  	s2 =	sld [smem:$0x3FAD]  }
0x29: {  	s4 =	sld [smem:$0x3FAF]  }
0x2a: {  	p0 =	seq.s32 s5, $0x0;
	s5 =	sld [smem:$0x3FB0]  }
0x2b: {  	s6 =	sld [smem:$0x3FB1]  }
0x2c: {  	s7 =	sld [smem:$0x3FB2]  }
0x2d: {  	s3 =	simm.s32 $0x108;
	s8 =	sld [smem:$0x3FB3]  }
0x2e: {  	s3 =	simm.s32 @!p0 $0x1082;
	s9 =	sld [smem:$0x3FB4]  }
0x2f: {  	lr =	sadd.s32 s0, s3;
	s0 =	sld [smem:$0x3FAB]  }
0x30: {  	s3 =	sld [smem:$0x3FAE]  }
0x31: {  	[smem:$0x3FB7] =	sst s10  }
0x32: {  	s10 =	sld [smem:$0x3FB5];
	_ =	sdelay $0x3  }
0x33: {  	p0 =	seq.s32 s10, $0x1;
	s10 =	sld [smem:$0x3FB7];
	_ =	sdelay $0x3  }
0x34: {  	[smem:$0x3FB7] =	sst s10  }
0x35: {  	s10 =	sld [smem:$0x3FB6];
	_ =	sdelay $0x3  }
0x36: {  	p1 =	seq.s32 s10, $0x1;
	s10 =	sld [smem:$0x3FB7];
	_ =	sdelay $0x3  }
0x37: {  	[smem:$0x3FB7] =	sst s10  }
0x38: {  	s10 =	sld [smem:$0x3FB8]  }
0x39: {  	_ = 	snop;
	(pc) =	sbr.ind lr, $3  }
0x3a: {  	_ = 	snop  }
0x3b: {  	_ = 	snop  }
0x3c: {  	p2 =	seq.s32 s10, $0x1;
	s10 =	sld [smem:$0x3FB7]  }
0x3d: {  	_ =	shalt  }
0x3e: {  	_ =	shalt  }
0x3f: {  	_ =	shalt  }
0x40: {  	_ =	shalt  }
0x41: {  	_ =	shalt  }
0x42: {  	_ =	shalt  }
0x43: {  	_ =	shalt  }
0x44: {  	_ =	shalt  }
0x45: {  	_ =	shalt  }
0x46: {  	_ =	shalt  }
0x47: {  	_ =	shalt  }
0x48: {  	_ =	shalt  }
0x49: {  	_ =	shalt  }
0x4a: {  	_ =	shalt  }
0x4b: {  	_ =	shalt  }
0x4c: {  	_ =	shalt  }
0x4d: {  	_ =	shalt  }
0x4e: {  	_ =	shalt  }
0x4f: {  	_ =	shalt  }
0x50: {  	_ =	shalt  }
0x51: {  	_ =	shalt  }
0x52: {  	_ =	shalt  }
0x53: {  	_ =	shalt  }
0x54: {  	_ =	shalt  }
0x55: {  	_ =	shalt  }
0x56: {  	_ =	shalt  }
0x57: {  	_ =	shalt  }
0x58: {  	_ =	shalt  }
0x59: {  	_ =	shalt  }
0x5a: {  	_ =	shalt  }
0x5b: {  	_ =	shalt  }
0x5c: {  	_ =	shalt  }
0x5d: {  	_ =	shalt  }
0x5e: {  	_ =	shalt  }
0x5f: {  	_ =	shalt  }
0x60: {  	_ =	shalt  }
0x61: {  	_ =	shalt  }
0x62: {  	_ =	shalt  }
0x63: {  	_ =	shalt  }
0x64: {  	_ =	shalt  }
0x65: {  	_ =	shalt  }
0x66: {  	_ =	shalt  }
0x67: {  	_ =	shalt  }
0x68: {  	_ =	shalt  }
0x69: {  	_ =	shalt  }
0x6a: {  	_ =	shalt  }
0x6b: {  	_ =	shalt  }
0x6c: {  	_ =	shalt  }
0x6d: {  	_ =	shalt  }
0x6e: {  	_ =	shalt  }
0x6f: {  	_ =	shalt  }
0x70: {  	_ =	shalt  }
0x71: {  	_ =	shalt  }
0x72: {  	_ =	shalt  }
0x73: {  	_ =	shalt  }
0x74: {  	_ =	shalt  }
0x75: {  	_ =	shalt  }
0x76: {  	_ =	shalt  }
0x77: {  	_ =	shalt  }
0x78: {  	_ =	shalt  }
0x79: {  	_ =	shalt  }
0x7a: {  	_ =	shalt  }
0x7b: {  	_ =	shalt  }
0x7c: {  	_ =	shalt  }
0x7d: {  	_ =	shalt  }
0x7e: {  	_ =	shalt  }
0x7f: {  	_ =	shalt  }
0x80: {  	_ =	shalt  }
0x81: {  	_ =	shalt  }
0x82: {  	_ =	shalt  }
0x83: {  	_ =	shalt  }
0x84: {  	_ =	shalt  }
0x85: {  	_ =	shalt  }
0x86: {  	_ =	shalt  }
0x87: {  	_ =	shalt  }
.Lfunc_end0:
.L_simem_size_0:
called_computation_lowered:
.L_overlay_start_0:
0x88: {  	s2 =	sld [smem:$0x3FD9]  }
0x89: {  	s3 =	sld [smem:$0x3FFE];
	_ =	sdelay $0x1  }
0x8a: {  	s1 =	srdreg.scid  }
0x8b: {  	s0 =	sand.u32 $0x1, s1  }
0x8c: {  	s17 =	sshll.u32 s0, $0xA;
	s2 =	sadd.s32 s3, s2  }
0x8d: {  	s2 =	sadd.s32 s2, s17  }
0x8e: {  	[smem:$0x3FC3] =	sst s2  }
0x8f: {  	_ = 	snop  }
0x90: {  	s2 =	sld [smem:$0x3FC8]  }
0x91: {  	s18 =	sld [smem:$0x3FC7];
	(tm) =	ssettm $0x1  }
0x92: {  	s4 =	sld [smem:$0x3FFB];
	_ =	sdelay $0x3  }
0x93: {  	_ =	strace s4  }
0x94: {  	s4 =	sld [smem:$0x3FFC];
	_ =	sdelay $0x3  }
0x95: {  	_ =	strace s4  }
0x96: {  	s4 =	sld [smem:$0x3FFD];
	_ =	sdelay $0x3  }
0x97: {  	_ =	strace s4  }
0x98: {  	_ =	strace $0x8FFFFFFF  }
0x99: {  	s19 =	sld [smem:$0x3FDB];
	_ =	sdelay $0x1  }
0x9a: {  	s5 =	simm.s32 $_scs_section_size  }
0x9b: {  	s6 =	simm.s32 $_size__tile_overlayer_lowered;
	s7 =	simm.s32 $_tile_overlayer_lowered  }
0x9c: {  	s22 =	simm.s32 $0x1BFF;
	s21 =	sshll.u32 s7, $0x1;
	s4 =	sadd.s32 s5, s19  }
0x9d: {  	s8 =	simm.s32 $0x0;
	s20 =	sshll.u32 s6, $0x1;
	s6 =	sadd.s32 s21, s4  }
0x9e: {  	[timem:s8], [sflag:s22] =	dma.local [hbm:s6], s20  }
0x9f: {  	_ =	swait.ge [sflag:s22], s20  }
0xa0: {  	s5 =	ssub.s32 $0x0, s20;
	[sflag:s22] =	ssyncset.done $0x0  }
0xa1: {  	[sflag:s22] =	ssyncadd.s32 s5;
	_ =	sdelay $0x1  }
0xa2: {  	s23 =	simm.s32 $0x1B8B  }
0xa3: {  	_ =	swait.ge [sflag:s23], $0x1  }
0xa4: {  	[sflag:s23] =	ssyncset.done $0x0  }
0xa5: {  	s25 =	simm.s32 $0x1B8E;
	s24 =	sld [smem:$0x3FFE];
	[sflag:s23] =	ssyncadd.s32 $0xFFFFFFFF  }
0xa6: {  	s26 =	simm.s32 $execute0_lowered;
	[smem:$0x3FD2] =	sst s25  }
0xa7: {  	s6 =	sshll.u32 s26, $0x1;
	_ =	strace $0x80000046;
	[dreg:$0x1] =	wrdreg $0xFFFFFFFF  }
0xa8: {  	s28 =	simm.s32 $_size_execute0_lowered;
	s4 =	sadd.s32 s4, s6;
	[dreg:$0x0] =	wrdreg $0x0  }
0xa9: {  	s6 =	sshll.u32 s28, $0x1;
	[dreg:$0x2] =	wrdreg s4  }
0xaa: {  	[dreg:$0x3] =	wrdreg s6  }
0xab: {  	[dreg:$0x4] =	wrdreg $0xC0  }
0xac: {  	_ =	task [dreg:s8], $0x5FFFF  }
0xad: {  	[dreg:$0x1] =	wrdreg $0xFFFFFFFF  }
0xae: {  	[dreg:$0x0] =	wrdreg $0x60  }
0xaf: {  	[dreg:$0x2] =	wrdreg s2  }
0xb0: {  	[dreg:$0x3] =	wrdreg s18  }
0xb1: {  	[dreg:$0x4] =	wrdreg s24  }
0xb2: {  	[dreg:$0x5] =	wrdreg $0x9  }
0xb3: {  	_ =	task.clear_ibuf [dreg:s8], $0x6FFFF;
	_ =	strace $0x90000046  }
0xb4: {  	s29 =	simm.s32 $0x9;
	_ =	strace $0x80000048  }
0xb5: {  	_ =	swait.ge [sflag:s29], $0x1  }
0xb6: {  	[sflag:s29] =	ssyncadd.s32 $0xFFFFFFFF  }
0xb7: {  	_ =	strace $0x90000048  }
0xb8: {  	_ =	sfence  }
0xb9: {  	s30 =	sld [smem:$0x0];
	_ =	sdelay $0x2  }
0xba: {  	s31 =	sshll.u32 s1, $0xD;
	s1 =	sshrl.u32 s1, $0x2  }
0xbb: {  	s3 =	sand.u32 $0x4000, s31;
	s1 =	sadd.s32 s1, s30  }
0xbc: {  	s0 =	sor.u32 s3, s0;
	s1 =	sshll.u32 s1, $0x11  }
0xbd: {  	s0 =	sor.u32 s1, s0  }
0xbe: {  	s0 =	sadd.s32 $0x8F2B, s0  }
0xbf: {  	[sflag:s0] =	ssyncadd.remote.s32 $0x1  }
0xc0: {  	_ =	sfence.sel $0xFFFF  }
0xc1: {  	[dreg:$0x0] =	wrdreg $0xFFFFFFFF;
	(pc) =	sbr.abs _section_cstart, $3  }
0xc2: {  	[dreg:$0x1] =	wrdreg $0xFFFFFFFF  }
0xc3: {  	_ =	task.clear_ibuf [dreg:s8], $0x2FFFF;
	_ =	strace $0x9FFFFFFF  }
0xc4: {  	(tm) =	ssettm $0x7FFFFFFF  }
0xc5: {  	_ =	shalt  }
tec
execute0_lowered:
.L_overlay_start_1:
0x0: {  	(tag) =	ssettag $0x1  }
0x1: {  	s1 =	rddreg [dreg:$0x0]  }
0x2: {  	s2 =	rddreg [dreg:$0x1]  }
0x3: {  	s0 =	rddreg [dreg:$0x2];
	s3 =	simm.s32 $0x0;
	s4 =	srdreg.scid  }
0x4: {  	s14 =	stileid.u32;
	[smem:$0x7FF] =	sst s3;
	s5 =	sadd.s32 $0x1400, s0  }
0x5: {  	s6 =	sadd.s32 $0x1600, s0;
	s18 =	sand.u32 $0x1, s4;
	s19 =	sshll.u32 s14, $0x1  }
0x6: {  	s8 =	sshll.u32 s14, $0x1D;
	s20 =	sand.u32 $0x4, s14;
	p0 =	sgt.u32 s14, $0x7  }
0x7: {  	_ =	strace $0x80000047;
	s7 =	ssub.s32 $0x2, s18;
	s4 =	sand.u32 $0x6, s19  }
0x8: {  	s8 =	sshra.s32 s8, $0x1F;
	s14 =	simm.s32 @!p0 $0x0;
	s0 =	sor.u32 s18, s4  }
0x9: {  	s4 =	sshll.u32 s20, $0x5;
	s10 =	sshrl.u32 s7, $0x1;
	s8 =	sand.u32 $0xC3800, s8  }
0xa: {  	s14 =	simm.s32 @p0 $0x1;
	s9 =	smul.u32 $0x18000, s0;
	s0 =	sshll.u32 s0, $0x1  }
0xb: {  	s13 =	ssub.s32 s7, s10;
	[smem:$0x7FD] =	sst s14;
	s12 =	sor.u32 s4, s0  }
0xc: {  	s14 =	simm.s32 $0x1;
	s13 =	smax.u32 s13, $0x1;
	s0 =	sor.u32 $0x100, s12  }
0xd: {  	s7 =	sadd.s32 s8, s9;
	s22 =	sor.u32 $0x110, s12;
	s21 =	sadd.s32 s5, s0  }
0xe: {  	s24 =	sor.u32 $0x120, s12;
	s0 =	sadd.s32 s6, s0;
	[dreg:$0x4] =	wrdreg s21  }
0xf: {  	s26 =	sor.u32 $0x130, s12;
	s23 =	sadd.s32 s5, s22;
	[dreg:$0x5] =	wrdreg s0  }
0x10: {  	s9 =	sor.u32 $0x140, s12;
	s25 =	sadd.s32 s5, s24;
	[dreg:$0x6] =	wrdreg s23  }
0x11: {  	s11 =	sor.u32 $0x150, s12;
	s8 =	sadd.s32 s5, s26;
	[dreg:$0x8] =	wrdreg s25  }
0x12: {  	s16 =	sor.u32 $0x160, s12;
	s10 =	sadd.s32 s5, s9;
	[dreg:$0xa] =	wrdreg s8  }
0x13: {  	s18 =	sor.u32 $0x10, s12;
	s15 =	sadd.s32 s5, s11;
	[dreg:$0xc] =	wrdreg s10  }
0x14: {  	s20 =	sor.u32 $0x20, s12;
	s17 =	sadd.s32 s5, s16;
	[dreg:$0xe] =	wrdreg s15  }
0x15: {  	s19 =	sadd.s32 s5, s18;
	s0 =	sadd.s32 s6, s22;
	[dreg:$0x10] =	wrdreg s17  }
0x16: {  	[dreg:$0x12] =	wrdreg s19;
	s21 =	sadd.s32 s5, s20;
	s22 =	sor.u32 $0x30, s12  }
0x17: {  	s25 =	sor.u32 $0x50, s12;
	s10 =	sadd.s32 s5, s12;
	s15 =	simm.s32 $0x4000  }
0x18: {  	s17 =	simm.s32 $0x0;
	[dreg:$0x7] =	wrdreg s0;
	s0 =	sadd.s32 s6, s24  }
0x19: {  	[dreg:$0x14] =	wrdreg s21;
	s23 =	sadd.s32 s5, s22;
	s28 =	sadd.s32 s6, s22  }
0x1a: {  	s24 =	sor.u32 $0x40, s12;
	s31 =	sadd.s32 s5, s25;
	[dreg:$0x9] =	wrdreg s0  }
0x1b: {  	s0 =	sadd.s32 s6, s26;
	[dreg:$0x16] =	wrdreg s23;
	s29 =	sadd.s32 s5, s24  }
0x1c: {  	s30 =	sadd.s32 s6, s24;
	s26 =	sor.u32 $0x60, s12;
	[dreg:$0xb] =	wrdreg s0  }
0x1d: {  	s0 =	sadd.s32 s6, s9;
	s4 =	sadd.s32 s5, s26;
	s8 =	sadd.s32 s6, s26  }
.Ltmp0:
0x1e: {  	[dreg:$0xd] =	wrdreg s0;
	s0 =	sadd.s32 s6, s11;
	(pc) =	sbr.rel .LBB2_1-.Ltmp0, $4  }
0x1f: {  	s9 =	sor.u32 $0x170, s12;
	[dreg:$0xf] =	wrdreg s0;
	s0 =	sadd.s32 s6, s16  }
0x20: {  	s11 =	sadd.s32 s6, s12;
	[dreg:$0x11] =	wrdreg s0;
	s0 =	sadd.s32 s6, s18  }
0x21: {  	s12 =	sor.u32 $0x70, s12;
	[dreg:$0x13] =	wrdreg s0;
	s0 =	sadd.s32 s6, s20  }
0x22: {  	s16 =	simm.s32 $0x4080;
	[dreg:$0x15] =	wrdreg s0;
	s0 =	sadd.s32 s6, s25  }
.LBB2_113:
0x23: {  	v1 =	vld [tilespmem:$0x1FFF0];
	_ =	sdelay $0x4  }
0x24: {  	v5 =	vmax.f32 v1, v10  }
0x25: {  	v5 =	vmax.f32 v5, v13  }
0x26: {  	v5 =	vmax.f32 v5, v0  }
0x27: {  	v9 =	vsub.f32 v1, v5;
	_ =	sdelay $0x1  }
0x28: {  	v9 =	vmul.f32 $1.442695020e+00, v9;
	_ =	sdelay $0x1  }
0x29: {  	(erf) = vpow2.f32 v9  }
0x2a: {  	v63 =	vsub.f32 v10, v5;
	_ =	sdelay $0x1  }
0x2b: {  	v0 =	vsub.f32 v0, v5;
	v12 =	vmul.f32 $1.442695020e+00, v63  }
0x2c: {  	v14 =	vsub.f32 v13, v5  }
0x2d: {  	v1 =	vld [tilespmem:$0x1FFD0];
	v0 =	vmul.f32 $1.442695020e+00, v0;
	(erf) = vpow2.f32 v12  }
0x2e: {  	v17 =	vmul.f32 $1.442695020e+00, v14;
	_ =	sdelay $0x1  }
0x2f: {  	(erf) = vpow2.f32 v17  }
0x30: {  	(erf) = vpow2.f32 v0;
	v0 =	vpop (erf)  }
0x31: {  	v0 =	vmul.f32 v0, v1;
	v1 =	vld [tilespmem:$0x1FFC0];
	_ =	sdelay $0x3  }
0x32: {  	v19 =	vpop (erf)  }
0x33: {  	v9 =	vmul.f32 v19, v1;
	v1 =	vld [tilespmem:$0x1FFB0];
	_ =	sdelay $0x1  }
0x34: {  	v0 =	vadd.f32 $0.0e+00, v0  }
0x35: {  	v21 =	vpop (erf)  }
0x36: {  	v4 =	vmul.f32 v21, v4;
	v23 =	vpop (erf);
	v0 =	vadd.f32 v0, v9  }
0x37: {  	v24 =	vmul.f32 v23, v1;
	v1 =	vld [tilespmem:$0x1FF90]  }
0x38: {  	v0 =	vadd.f32 v0, v4;
	_ =	sdelay $0x1  }
0x39: {  	v0 =	vadd.f32 v0, v24  }
0x3a: {  	[tilespmem:$0x4000] =	vst v5  }
0x3b: {  	s18 =	rddreg [dreg:$0x4];
	[tilespmem:$0x4080] =	vst v0;
	v0 =	vmax.f32 v36, v1  }
0x3c: {  	[hbm4b:s18+s3] =	stream.linear.scatter [tilespmem:s15], [sflag:$0x1], $0x10, $0x38;
	v0 =	vmax.f32 v0, v60;
	[tilespmem:$0x4100] =	vst v63  }
0x3d: {  	_ =	swait.ge [sflag:s14], $0x10;
	v0 =	vmax.f32 v0, v29  }
0x3e: {  	[sflag:s14] =	ssyncset.done $0x0;
	v26 =	vsub.f32 v36, v0  }
0x3f: {  	s22 =	rddreg [dreg:$0x5];
	[sflag:s14] =	ssyncadd.s32 $0xFFFFFFF0  }
0x40: {  	[hbm4b:s22+s3] =	stream.linear.scatter [tilespmem:s16], [sflag:$0x1], $0x10, $0x38;
	v4 =	vmul.f32 $1.442695020e+00, v26;
	[tilespmem:$0x4100] =	vst v63  }
0x41: {  	_ =	swait.ge [sflag:s14], $0x10  }
0x42: {  	v28 =	vsub.f32 v1, v0;
	(erf) = vpow2.f32 v4  }
0x43: {  	v31 =	vsub.f32 v60, v0  }
0x44: {  	v30 =	vmul.f32 $1.442695020e+00, v28  }
0x45: {  	v33 =	vmul.f32 $1.442695020e+00, v31  }
0x46: {  	(erf) = vpow2.f32 v30  }
0x47: {  	v1 =	vld [tilespmem:$0x1FFA0];
	(erf) = vpow2.f32 v33  }
0x48: {  	v35 =	vsub.f32 v29, v0;
	_ =	sdelay $0x1  }
0x49: {  	v36 =	vmul.f32 $1.442695020e+00, v35  }
0x4a: {  	v38 =	vpop (erf)  }
0x4b: {  	(erf) = vpow2.f32 v36;
	v4 =	vmul.f32 v38, v1;
	v1 =	vld [tilespmem:$0x1FF80];
	_ =	sdelay $0x2  }
0x4c: {  	v41 =	vpop (erf)  }
0x4d: {  	v43 =	vpop (erf)  }
0x4e: {  	v45 =	vmul.f32 v43, v1;
	v1 =	vld [tilespmem:$0x1FF70]  }
0x4f: {  	v5 =	vmul.f32 v41, v62;
	v4 =	vadd.f32 $0.0e+00, v4;
	_ =	sdelay $0x1  }
0x50: {  	v4 =	vadd.f32 v4, v5  }
0x51: {  	v46 =	vpop (erf)  }
0x52: {  	v4 =	vadd.f32 v4, v45;
	v48 =	vmul.f32 v46, v1  }
0x53: {  	[sflag:s14] =	ssyncset.done $0x0  }
0x54: {  	[sflag:s14] =	ssyncadd.s32 $0xFFFFFFF0;
	v4 =	vadd.f32 v4, v48  }
0x55: {  	[tilespmem:$0x4000] =	vst v0  }
0x56: {  	s23 =	rddreg [dreg:$0x6];
	v0 =	vmax.f32 v52, v3;
	[tilespmem:$0x4080] =	vst v4  }
0x57: {  	v0 =	vmax.f32 v0, v18;
	[hbm4b:s23+s3] =	stream.linear.scatter [tilespmem:s15], [sflag:$0x1], $0x10, $0x38;
	[tilespmem:$0x4100] =	vst v63  }
0x58: {  	v0 =	vmax.f32 v0, v2;
	_ =	swait.ge [sflag:s14], $0x10  }
0x59: {  	v49 =	vsub.f32 v52, v0;
	[sflag:s14] =	ssyncset.done $0x0  }
0x5a: {  	s24 =	rddreg [dreg:$0x7];
	[sflag:s14] =	ssyncadd.s32 $0xFFFFFFF0  }
0x5b: {  	v4 =	vmul.f32 $1.442695020e+00, v49;
	[hbm4b:s24+s3] =	stream.linear.scatter [tilespmem:s16], [sflag:$0x1], $0x10, $0x38;
	[tilespmem:$0x4100] =	vst v63  }
0x5c: {  	_ =	swait.ge [sflag:s14], $0x10  }
0x5d: {  	(erf) = vpow2.f32 v4  }
0x5e: {  	v3 =	vsub.f32 v3, v0;
	_ =	sdelay $0x1  }
0x5f: {  	v2 =	vsub.f32 v2, v0;
	v3 =	vmul.f32 $1.442695020e+00, v3  }
0x60: {  	v50 =	vsub.f32 v18, v0  }
0x61: {  	v2 =	vmul.f32 $1.442695020e+00, v2;
	v1 =	vld [tilespmem:$0x1FF60];
	(erf) = vpow2.f32 v3  }
0x62: {  	v3 =	vmul.f32 $1.442695020e+00, v50;
	_ =	sdelay $0x1  }
0x63: {  	(erf) = vpow2.f32 v3  }
0x64: {  	(erf) = vpow2.f32 v2;
	v2 =	vpop (erf)  }
0x65: {  	v2 =	vmul.f32 v2, v1;
	v1 =	vld [tilespmem:$0x1FF50];
	_ =	sdelay $0x3  }
0x66: {  	v3 =	vpop (erf)  }
0x67: {  	v3 =	vmul.f32 v3, v1;
	v1 =	vld [tilespmem:$0x1FF40];
	_ =	sdelay $0x2  }
0x68: {  	v2 =	vadd.f32 $0.0e+00, v2  }
0x69: {  	v51 =	vpop (erf)  }
0x6a: {  	v2 =	vadd.f32 v2, v3;
	v3 =	vmul.f32 v51, v1;
	v1 =	vld [tilespmem:$0x1FF30];
	_ =	sdelay $0x3  }
0x6b: {  	v52 =	vpop (erf)  }
0x6c: {  	v2 =	vadd.f32 v2, v3;
	v3 =	vmul.f32 v52, v1  }
0x6d: {  	[sflag:s14] =	ssyncset.done $0x0  }
0x6e: {  	[sflag:s14] =	ssyncadd.s32 $0xFFFFFFF0;
	v2 =	vadd.f32 v2, v3  }
0x6f: {  	[tilespmem:$0x4000] =	vst v0  }
0x70: {  	s25 =	rddreg [dreg:$0x8];
	v0 =	vmax.f32 v34, v22;
	[tilespmem:$0x4080] =	vst v2  }
0x71: {  	v0 =	vmax.f32 v0, v61;
	[hbm4b:s25+s3] =	stream.linear.scatter [tilespmem:s15], [sflag:$0x1], $0x10, $0x38;
	[tilespmem:$0x4100] =	vst v63  }
0x72: {  	v0 =	vmax.f32 v0, v15;
	_ =	swait.ge [sflag:s14], $0x10  }
0x73: {  	v2 =	vsub.f32 v34, v0;
	[sflag:s14] =	ssyncset.done $0x0  }
0x74: {  	s26 =	rddreg [dreg:$0x9];
	[sflag:s14] =	ssyncadd.s32 $0xFFFFFFF0  }
0x75: {  	v2 =	vmul.f32 $1.442695020e+00, v2;
	[hbm4b:s26+s3] =	stream.linear.scatter [tilespmem:s16], [sflag:$0x1], $0x10, $0x38;
	[tilespmem:$0x4100] =	vst v63  }
0x76: {  	v3 =	vsub.f32 v22, v0;
	_ =	swait.ge [sflag:s14], $0x10  }
0x77: {  	(erf) = vpow2.f32 v2  }
0x78: {  	v2 =	vmul.f32 $1.442695020e+00, v3;
	v3 =	vsub.f32 v61, v0;
	_ =	sdelay $0x1  }
0x79: {  	(erf) = vpow2.f32 v2;
	v2 =	vmul.f32 $1.442695020e+00, v3;
	v3 =	vsub.f32 v15, v0;
	_ =	sdelay $0x1  }
0x7a: {  	v1 =	vld [tilespmem:$0x1FF20];
	(erf) = vpow2.f32 v2;
	v2 =	vmul.f32 $1.442695020e+00, v3;
	_ =	sdelay $0x3  }
0x7b: {  	(erf) = vpow2.f32 v2;
	v2 =	vpop (erf)  }
0x7c: {  	v2 =	vmul.f32 v2, v1;
	v1 =	vld [tilespmem:$0x1FF10];
	_ =	sdelay $0x3  }
0x7d: {  	v3 =	vpop (erf)  }
0x7e: {  	v3 =	vmul.f32 v3, v1;
	v1 =	vld [tilespmem:$0x1FF00];
	_ =	sdelay $0x2  }
0x7f: {  	v2 =	vadd.f32 $0.0e+00, v2  }
0x80: {  	v53 =	vpop (erf)  }
0x81: {  	v2 =	vadd.f32 v2, v3;
	v3 =	vmul.f32 v53, v1;
	v1 =	vld [tilespmem:$0x1FEF0];
	_ =	sdelay $0x3  }
0x82: {  	v54 =	vpop (erf)  }
0x83: {  	v2 =	vadd.f32 v2, v3;
	v3 =	vmul.f32 v54, v1  }
0x84: {  	[sflag:s14] =	ssyncset.done $0x0  }
0x85: {  	[sflag:s14] =	ssyncadd.s32 $0xFFFFFFF0;
	v2 =	vadd.f32 v2, v3  }
0x86: {  	[tilespmem:$0x4000] =	vst v0  }
0x87: {  	s19 =	rddreg [dreg:$0xa];
	v0 =	vmax.f32 v8, v16;
	[tilespmem:$0x4080] =	vst v2  }
0x88: {  	v0 =	vmax.f32 v0, v20;
	[hbm4b:s19+s3] =	stream.linear.scatter [tilespmem:s15], [sflag:$0x1], $0x10, $0x38;
	[tilespmem:$0x4100] =	vst v63  }
0x89: {  	v0 =	vmax.f32 v0, v40;
	_ =	swait.ge [sflag:s14], $0x10  }
0x8a: {  	v2 =	vsub.f32 v8, v0;
	[sflag:s14] =	ssyncset.done $0x0  }
0x8b: {  	s20 =	rddreg [dreg:$0xb];
	[sflag:s14] =	ssyncadd.s32 $0xFFFFFFF0  }
0x8c: {  	v2 =	vmul.f32 $1.442695020e+00, v2;
	[hbm4b:s20+s3] =	stream.linear.scatter [tilespmem:s16], [sflag:$0x1], $0x10, $0x38;
	[tilespmem:$0x4100] =	vst v63  }
0x8d: {  	v3 =	vsub.f32 v16, v0;
	_ =	swait.ge [sflag:s14], $0x10  }
0x8e: {  	(erf) = vpow2.f32 v2  }
0x8f: {  	v2 =	vmul.f32 $1.442695020e+00, v3;
	v3 =	vsub.f32 v20, v0;
	_ =	sdelay $0x1  }
0x90: {  	(erf) = vpow2.f32 v2;
	v2 =	vmul.f32 $1.442695020e+00, v3;
	v3 =	vsub.f32 v40, v0;
	_ =	sdelay $0x1  }
0x91: {  	v1 =	vld [tilespmem:$0x1FEE0];
	(erf) = vpow2.f32 v2;
	v2 =	vmul.f32 $1.442695020e+00, v3;
	_ =	sdelay $0x3  }
0x92: {  	(erf) = vpow2.f32 v2;
	v2 =	vpop (erf)  }
0x93: {  	v2 =	vmul.f32 v2, v1;
	v1 =	vld [tilespmem:$0x1FED0];
	_ =	sdelay $0x3  }
0x94: {  	v3 =	vpop (erf)  }
0x95: {  	v3 =	vmul.f32 v3, v1;
	v1 =	vld [tilespmem:$0x1FEC0];
	_ =	sdelay $0x2  }
0x96: {  	v2 =	vadd.f32 $0.0e+00, v2  }
0x97: {  	v55 =	vpop (erf)  }
0x98: {  	v2 =	vadd.f32 v2, v3;
	v3 =	vmul.f32 v55, v1;
	v1 =	vld [tilespmem:$0x1FEB0];
	_ =	sdelay $0x3  }
0x99: {  	v56 =	vpop (erf)  }
0x9a: {  	v2 =	vadd.f32 v2, v3;
	v3 =	vmul.f32 v56, v1  }
0x9b: {  	[sflag:s14] =	ssyncset.done $0x0  }
0x9c: {  	[sflag:s14] =	ssyncadd.s32 $0xFFFFFFF0;
	v2 =	vadd.f32 v2, v3  }
0x9d: {  	[tilespmem:$0x4000] =	vst v0  }
0x9e: {  	s21 =	rddreg [dreg:$0xc];
	v0 =	vmax.f32 v47, v42;
	[tilespmem:$0x4080] =	vst v2  }
0x9f: {  	v0 =	vmax.f32 v0, v57;
	[hbm4b:s21+s3] =	stream.linear.scatter [tilespmem:s15], [sflag:$0x1], $0x10, $0x38;
	[tilespmem:$0x4100] =	vst v63  }
0xa0: {  	v0 =	vmax.f32 v0, v6;
	_ =	swait.ge [sflag:s14], $0x10  }
0xa1: {  	v2 =	vsub.f32 v47, v0;
	[sflag:s14] =	ssyncset.done $0x0  }
0xa2: {  	s22 =	rddreg [dreg:$0xd];
	[sflag:s14] =	ssyncadd.s32 $0xFFFFFFF0  }
0xa3: {  	v2 =	vmul.f32 $1.442695020e+00, v2;
	[hbm4b:s22+s3] =	stream.linear.scatter [tilespmem:s16], [sflag:$0x1], $0x10, $0x38;
	[tilespmem:$0x4100] =	vst v63  }
0xa4: {  	v3 =	vsub.f32 v42, v0;
	_ =	swait.ge [sflag:s14], $0x10  }
0xa5: {  	(erf) = vpow2.f32 v2  }
0xa6: {  	v2 =	vmul.f32 $1.442695020e+00, v3;
	v3 =	vsub.f32 v57, v0;
	_ =	sdelay $0x1  }
0xa7: {  	(erf) = vpow2.f32 v2;
	v2 =	vmul.f32 $1.442695020e+00, v3;
	v3 =	vsub.f32 v6, v0;
	_ =	sdelay $0x1  }
0xa8: {  	v1 =	vld [tilespmem:$0x1FEA0];
	(erf) = vpow2.f32 v2;
	v2 =	vmul.f32 $1.442695020e+00, v3;
	_ =	sdelay $0x3  }
0xa9: {  	(erf) = vpow2.f32 v2;
	v2 =	vpop (erf)  }
0xaa: {  	v2 =	vmul.f32 v2, v1;
	v1 =	vld [tilespmem:$0x1FE90];
	_ =	sdelay $0x3  }
0xab: {  	v3 =	vpop (erf)  }
0xac: {  	v3 =	vmul.f32 v3, v1;
	v1 =	vld [tilespmem:$0x1FE80];
	_ =	sdelay $0x2  }
0xad: {  	v2 =	vadd.f32 $0.0e+00, v2  }
0xae: {  	v58 =	vpop (erf)  }
0xaf: {  	v2 =	vadd.f32 v2, v3;
	v3 =	vmul.f32 v58, v1;
	v1 =	vld [tilespmem:$0x1FE70];
	_ =	sdelay $0x3  }
0xb0: {  	v59 =	vpop (erf)  }
0xb1: {  	v2 =	vadd.f32 v2, v3;
	v3 =	vmul.f32 v59, v1  }
0xb2: {  	[sflag:s14] =	ssyncset.done $0x0  }
0xb3: {  	[sflag:s14] =	ssyncadd.s32 $0xFFFFFFF0;
	v2 =	vadd.f32 v2, v3  }
0xb4: {  	[tilespmem:$0x4000] =	vst v0  }
0xb5: {  	s23 =	rddreg [dreg:$0xe];
	v0 =	vmax.f32 v37, v39;
	[tilespmem:$0x4080] =	vst v2  }
0xb6: {  	v0 =	vmax.f32 v0, v44;
	[hbm4b:s23+s3] =	stream.linear.scatter [tilespmem:s15], [sflag:$0x1], $0x10, $0x38;
	[tilespmem:$0x4100] =	vst v63  }
0xb7: {  	v0 =	vmax.f32 v0, v7;
	_ =	swait.ge [sflag:s14], $0x10  }
0xb8: {  	v2 =	vsub.f32 v37, v0;
	[sflag:s14] =	ssyncset.done $0x0  }
0xb9: {  	s24 =	rddreg [dreg:$0xf];
	[sflag:s14] =	ssyncadd.s32 $0xFFFFFFF0  }
0xba: {  	v2 =	vmul.f32 $1.442695020e+00, v2;
	[hbm4b:s24+s3] =	stream.linear.scatter [tilespmem:s16], [sflag:$0x1], $0x10, $0x38;
	[tilespmem:$0x4100] =	vst v63  }
0xbb: {  	v3 =	vsub.f32 v39, v0;
	_ =	swait.ge [sflag:s14], $0x10  }
0xbc: {  	(erf) = vpow2.f32 v2  }
0xbd: {  	v2 =	vmul.f32 $1.442695020e+00, v3;
	v3 =	vsub.f32 v44, v0;
	_ =	sdelay $0x1  }
0xbe: {  	(erf) = vpow2.f32 v2;
	v2 =	vmul.f32 $1.442695020e+00, v3;
	v3 =	vsub.f32 v7, v0;
	_ =	sdelay $0x1  }
0xbf: {  	v1 =	vld [tilespmem:$0x1FE60];
	(erf) = vpow2.f32 v2;
	v2 =	vmul.f32 $1.442695020e+00, v3;
	_ =	sdelay $0x3  }
0xc0: {  	(erf) = vpow2.f32 v2;
	v2 =	vpop (erf)  }
0xc1: {  	v2 =	vmul.f32 v2, v1;
	v1 =	vld [tilespmem:$0x1FE50];
	_ =	sdelay $0x3  }
0xc2: {  	v3 =	vpop (erf)  }
0xc3: {  	v3 =	vmul.f32 v3, v1;
	v1 =	vld [tilespmem:$0x1FE40];
	_ =	sdelay $0x2  }
0xc4: {  	v2 =	vadd.f32 $0.0e+00, v2  }
0xc5: {  	v60 =	vpop (erf)  }
0xc6: {  	v2 =	vadd.f32 v2, v3;
	v3 =	vmul.f32 v60, v1;
	v1 =	vld [tilespmem:$0x1FE30];
	_ =	sdelay $0x3  }
0xc7: {  	v61 =	vpop (erf)  }
0xc8: {  	v2 =	vadd.f32 v2, v3;
	v3 =	vmul.f32 v61, v1  }
0xc9: {  	[sflag:s14] =	ssyncset.done $0x0  }
0xca: {  	[sflag:s14] =	ssyncadd.s32 $0xFFFFFFF0;
	v2 =	vadd.f32 v2, v3  }
0xcb: {  	[tilespmem:$0x4000] =	vst v0  }
0xcc: {  	s25 =	rddreg [dreg:$0x10];
	[tilespmem:$0x4080] =	vst v2  }
0xcd: {  	[hbm4b:s25+s3] =	stream.linear.scatter [tilespmem:s15], [sflag:$0x1], $0x10, $0x38;
	[tilespmem:$0x4100] =	vst v63  }
0xce: {  	_ =	swait.ge [sflag:s14], $0x10  }
0xcf: {  	v1 =	vld [tilespmem:$0x1FC10];
	_ =	sdelay $0x2  }
0xd0: {  	v0 =	vmax.f32 v25, v27  }
0xd1: {  	v0 =	vmax.f32 v0, v32  }
0xd2: {  	v0 =	vmax.f32 v0, v1  }
0xd3: {  	[sflag:s14] =	ssyncset.done $0x0;
	v2 =	vsub.f32 v25, v0  }
0xd4: {  	s26 =	rddreg [dreg:$0x11];
	[sflag:s14] =	ssyncadd.s32 $0xFFFFFFF0  }
0xd5: {  	[hbm4b:s26+s3] =	stream.linear.scatter [tilespmem:s16], [sflag:$0x1], $0x10, $0x38;
	v3 =	vsub.f32 v27, v0;
	v2 =	vmul.f32 $1.442695020e+00, v2;
	[tilespmem:$0x4100] =	vst v63  }
0xd6: {  	_ =	swait.ge [sflag:s14], $0x10  }
0xd7: {  	(erf) = vpow2.f32 v2;
	v2 =	vmul.f32 $1.442695020e+00, v3;
	_ =	sdelay $0x1  }
0xd8: {  	(erf) = vpow2.f32 v2  }
0xd9: {  	v3 =	vsub.f32 v32, v0;
	_ =	sdelay $0x1  }
0xda: {  	v2 =	vmul.f32 $1.442695020e+00, v3;
	v3 =	vld [tilespmem:$0x1FE20];
	_ =	sdelay $0x1  }
0xdb: {  	v62 =	vld [tilespmem:$0x1FFE0];
	_ =	sdelay $0x1  }
0xdc: {  	(erf) = vpow2.f32 v2;
	v2 =	vpop (erf)  }
0xdd: {  	v2 =	vmul.f32 v2, v3  }
0xde: {  	v3 =	vpop (erf)  }
0xdf: {  	v2 =	vadd.f32 $0.0e+00, v2;
	v3 =	vmul.f32 v3, v62;
	_ =	sdelay $0x1  }
0xe0: {  	v2 =	vadd.f32 v2, v3;
	v3 =	vld [tilespmem:$0x1FE10];
	_ =	sdelay $0x3  }
0xe1: {  	v63 =	vpop (erf)  }
0xe2: {  	v3 =	vmul.f32 v63, v3  }
0xe3: {  	[sflag:s14] =	ssyncset.done $0x0  }
0xe4: {  	s18 =	smov.u32 s9;
	[sflag:s14] =	ssyncadd.s32 $0xFFFFFFF0;
	v1 =	vsub.f32 v1, v0;
	v2 =	vadd.f32 v2, v3  }
.LBB2_114:
0xe5: {  	_ = 	snop  }
0xe6: {  	v1 =	vmul.f32 $1.442695020e+00, v1;
	_ =	sdelay $0x1  }
0xe7: {  	(erf) = vpow2.f32 v1;
	_ =	sdelay $0x4  }
0xe8: {  	v3 =	vld [tilespmem:$0x1FC20];
	_ =	sdelay $0x3  }
0xe9: {  	v1 =	vpop (erf)  }
0xea: {  	v1 =	vmul.f32 v1, v3;
	_ =	sdelay $0x1  }
0xeb: {  	v1 =	vadd.f32 v2, v1  }
0xec: {  	[tilespmem:$0x4000] =	vst v0  }
0xed: {  	s19 =	sadd.s32 s5, s18;
	[tilespmem:$0x4080] =	vst v1  }
0xee: {  	[hbm4b:s19+s3] =	stream.linear.scatter [tilespmem:s15], [sflag:$0x1], $0x10, $0x38;
	[tilespmem:$0x4100] =	vst v63  }
0xef: {  	s17 =	sadd.s32 $0x1, s17;
	_ =	swait.ge [sflag:s14], $0x10  }
0xf0: {  	p0 =	sne.s32 s17, s13;
	[sflag:s14] =	ssyncset.done $0x0  }
.Ltmp1:
0xf1: {  	s26 =	sadd.s32 s6, s18;
	[sflag:s14] =	ssyncadd.s32 $0xFFFFFFF0;
	(pc) =	sbr.rel @!p0 .LBB2_115-.Ltmp1, $4  }
0xf2: {  	[hbm4b:s26+s3] =	stream.linear.scatter [tilespmem:s16], [sflag:$0x1], $0x10, $0x38;
	[tilespmem:$0x4100] =	vst v63  }
0xf3: {  	_ =	swait.ge [sflag:s14], $0x10  }
0xf4: {  	[sflag:s14] =	ssyncset.done $0x0  }
0xf5: {  	[sflag:s14] =	ssyncadd.s32 $0xFFFFFFF0  }
.LBB2_1:
0xf6: {  	v0 =	vimm.f32 $-3.402823470e+38  }
0xf7: {  	v10 =	vimm.f32 $0.0e+00;
	[tilespmem:$0x1FC10] =	vst v0  }
0xf8: {  	v11 =	vimm.f32 $0.0e+00;
	[tilespmem:$0x1FFC0] =	vst v10  }
0xf9: {  	v0 =	vimm.f32 $0.0e+00;
	[tilespmem:$0x1FFD0] =	vst v11  }
0xfa: {  	v11 =	vimm.f32 $0.0e+00;
	[tilespmem:$0x1FC20] =	vst v0  }
0xfb: {  	v0 =	vimm.f32 $0.0e+00;
	[tilespmem:$0x1FFE0] =	vst v11  }
0xfc: {  	v11 =	vimm.f32 $-3.402823470e+38;
	[tilespmem:$0x1FC30] =	vst v0  }
0xfd: {  	v0 =	vimm.f32 $0.0e+00;
	[tilespmem:$0x1FFF0] =	vst v11  }
0xfe: {  	[tilespmem:$0x1FC40] =	vst v0;
	v0 =	vimm.f32 $-3.402823470e+38  }
0xff: {  	[tilespmem:$0x1FC50] =	vst v0;
	v0 =	vimm.f32 $0.0e+00  }
0x100: {  	[tilespmem:$0x1FC60] =	vst v0;
	v0 =	vimm.f32 $0.0e+00  }
0x101: {  	[tilespmem:$0x1FC70] =	vst v0;
	v0 =	vimm.f32 $0.0e+00  }
0x102: {  	[tilespmem:$0x1FC80] =	vst v0;
	v0 =	vimm.f32 $0.0e+00  }
0x103: {  	[tilespmem:$0x1FC90] =	vst v0;
	v0 =	vimm.f32 $0.0e+00  }
0x104: {  	[tilespmem:$0x1FCA0] =	vst v0;
	v0 =	vimm.f32 $0.0e+00  }
0x105: {  	[tilespmem:$0x1FCB0] =	vst v0;
	v0 =	vimm.f32 $0.0e+00  }
0x106: {  	[tilespmem:$0x1FCC0] =	vst v0;
	v0 =	vimm.f32 $0.0e+00  }
0x107: {  	[tilespmem:$0x1FCD0] =	vst v0;
	v0 =	vimm.f32 $0.0e+00  }
0x108: {  	[tilespmem:$0x1FCE0] =	vst v0;
	v0 =	vimm.f32 $0.0e+00  }
0x109: {  	[tilespmem:$0x1FCF0] =	vst v0;
	v0 =	vimm.f32 $0.0e+00  }
0x10a: {  	[tilespmem:$0x1FD00] =	vst v0;
	v0 =	vimm.f32 $0.0e+00  }
0x10b: {  	[tilespmem:$0x1FD10] =	vst v0;
	v0 =	vimm.f32 $0.0e+00  }
0x10c: {  	[tilespmem:$0x1FD20] =	vst v0;
	v0 =	vimm.f32 $0.0e+00  }
0x10d: {  	[tilespmem:$0x1FD30] =	vst v0;
	v0 =	vimm.f32 $0.0e+00  }
0x10e: {  	[tilespmem:$0x1FD40] =	vst v0;
	v0 =	vimm.f32 $0.0e+00  }
0x10f: {  	[tilespmem:$0x1FD50] =	vst v0;
	v0 =	vimm.f32 $0.0e+00  }
0x110: {  	[tilespmem:$0x1FD60] =	vst v0;
	v0 =	vimm.f32 $0.0e+00  }
0x111: {  	[tilespmem:$0x1FD70] =	vst v0;
	v0 =	vimm.f32 $0.0e+00  }
0x112: {  	[tilespmem:$0x1FD80] =	vst v0;
	v0 =	vimm.f32 $0.0e+00  }
0x113: {  	[tilespmem:$0x1FD90] =	vst v0;
	v0 =	vimm.f32 $0.0e+00  }
0x114: {  	[tilespmem:$0x1FDA0] =	vst v0;
	v0 =	vimm.f32 $-3.402823470e+38  }
0x115: {  	[tilespmem:$0x1FDB0] =	vst v0;
	v0 =	vimm.f32 $0.0e+00  }
0x116: {  	[tilespmem:$0x1FDC0] =	vst v0;
	v0 =	vimm.f32 $0.0e+00  }
0x117: {  	v50 =	vimm.f32 $0.0e+00;
	v14 =	vimm.f32 $-3.402823470e+38;
	[tilespmem:$0x1FDD0] =	vst v0;
	v0 =	vimm.f32 $0.0e+00  }
0x118: {  	v1 =	vimm.f32 $0.0e+00;
	v12 =	vimm.f32 $-3.402823470e+38;
	[tilespmem:$0x1FDE0] =	vst v0;
	v0 =	vimm.f32 $0.0e+00  }
0x119: {  	v9 =	vimm.f32 $-3.402823470e+38;
	v26 =	vimm.f32 $-3.402823470e+38;
	[tilespmem:$0x1FDF0] =	vst v0;
	v0 =	vimm.f32 $-3.402823470e+38  }
0x11a: {  	v23 =	vimm.f32 $-3.402823470e+38;
	v21 =	vimm.f32 $-3.402823470e+38;
	[tilespmem:$0x1FE00] =	vst v0;
	v0 =	vimm.f32 $0.0e+00  }
0x11b: {  	v45 =	vimm.f32 $-3.402823470e+38;
	v38 =	vimm.f32 $-3.402823470e+38;
	[tilespmem:$0x1FE10] =	vst v0;
	v0 =	vimm.f32 $0.0e+00  }
0x11c: {  	v5 =	vimm.f32 $-3.402823470e+38;
	v17 =	vimm.f32 $-3.402823470e+38;
	[tilespmem:$0x1FE20] =	vst v0;
	v0 =	vimm.f32 $0.0e+00  }
0x11d: {  	v19 =	vimm.f32 $-3.402823470e+38;
	v53 =	vimm.f32 $-3.402823470e+38;
	[tilespmem:$0x1FE30] =	vst v0;
	v0 =	vimm.f32 $0.0e+00  }
0x11e: {  	v51 =	vimm.f32 $-3.402823470e+38;
	v48 =	vimm.f32 $-3.402823470e+38;
	[tilespmem:$0x1FE40] =	vst v0;
	v0 =	vimm.f32 $0.0e+00  }
0x11f: {  	v33 =	vimm.f32 $-3.402823470e+38;
	v35 =	vimm.f32 $-3.402823470e+38;
	[tilespmem:$0x1FE50] =	vst v0;
	v0 =	vimm.f32 $0.0e+00  }
0x120: {  	v41 =	vimm.f32 $-3.402823470e+38;
	v59 =	vimm.f32 $-3.402823470e+38;
	[tilespmem:$0x1FE60] =	vst v0;
	v0 =	vimm.f32 $0.0e+00  }
0x121: {  	v56 =	vimm.f32 $-3.402823470e+38;
	v54 =	vimm.f32 $-3.402823470e+38;
	[tilespmem:$0x1FE70] =	vst v0;
	v0 =	vimm.f32 $0.0e+00  }
0x122: {  	v58 =	vimm.f32 $-3.402823470e+38;
	v24 =	vimm.f32 $-3.402823470e+38;
	[tilespmem:$0x1FE80] =	vst v0;
	v0 =	vimm.f32 $0.0e+00  }
0x123: {  	v43 =	vimm.f32 $-3.402823470e+38;
	v30 =	vimm.f32 $-3.402823470e+38;
	[tilespmem:$0x1FE90] =	vst v0;
	v0 =	vimm.f32 $0.0e+00  }
0x124: {  	v28 =	vimm.f32 $0.0e+00;
	v46 =	vimm.f32 $-3.402823470e+38;
	[tilespmem:$0x1FEA0] =	vst v0;
	v0 =	vimm.f32 $0.0e+00  }
0x125: {  	v63 =	vimm.f32 $-3.402823470e+38;
	v49 =	vimm.f32 $0.0e+00;
	[tilespmem:$0x1FEB0] =	vst v0;
	v0 =	vimm.f32 $0.0e+00  }
0x126: {  	v55 =	vimm.f32 $-3.402823470e+38;
	v31 =	vimm.f32 $-3.402823470e+38;
	[tilespmem:$0x1FEC0] =	vst v0;
	v0 =	vimm.f32 $0.0e+00  }
0x127: {  	v32 =	vimm.f32 $-3.402823470e+38;
	v27 =	vimm.f32 $-3.402823470e+38;
	[tilespmem:$0x1FED0] =	vst v0;
	v0 =	vimm.f32 $0.0e+00  }
0x128: {  	v25 =	vimm.f32 $-3.402823470e+38;
	v7 =	vimm.f32 $-3.402823470e+38;
	[tilespmem:$0x1FEE0] =	vst v0;
	v0 =	vimm.f32 $0.0e+00  }
0x129: {  	v44 =	vimm.f32 $-3.402823470e+38;
	v39 =	vimm.f32 $-3.402823470e+38;
	[tilespmem:$0x1FEF0] =	vst v0;
	v0 =	vimm.f32 $0.0e+00  }
0x12a: {  	v37 =	vimm.f32 $-3.402823470e+38;
	v6 =	vimm.f32 $-3.402823470e+38;
	[tilespmem:$0x1FF00] =	vst v0;
	v0 =	vimm.f32 $0.0e+00  }
0x12b: {  	v57 =	vimm.f32 $-3.402823470e+38;
	v42 =	vimm.f32 $-3.402823470e+38;
	[tilespmem:$0x1FF10] =	vst v0;
	v0 =	vimm.f32 $0.0e+00  }
0x12c: {  	v47 =	vimm.f32 $-3.402823470e+38;
	v40 =	vimm.f32 $-3.402823470e+38;
	[tilespmem:$0x1FF20] =	vst v0;
	v0 =	vimm.f32 $0.0e+00  }
0x12d: {  	v20 =	vimm.f32 $-3.402823470e+38;
	v16 =	vimm.f32 $-3.402823470e+38;
	s20 =	sld [smem:$0x7FD];
	[tilespmem:$0x1FF30] =	vst v0;
	v0 =	vimm.f32 $0.0e+00  }
0x12e: {  	v8 =	vimm.f32 $-3.402823470e+38;
	v15 =	vimm.f32 $-3.402823470e+38;
	[tilespmem:$0x1FF40] =	vst v0;
	v0 =	vimm.f32 $0.0e+00  }
0x12f: {  	v61 =	vimm.f32 $-3.402823470e+38;
	v22 =	vimm.f32 $-3.402823470e+38;
	[tilespmem:$0x1FF50] =	vst v0;
	v0 =	vimm.f32 $0.0e+00  }
0x130: {  	v34 =	vimm.f32 $-3.402823470e+38;
	v2 =	vimm.f32 $-3.402823470e+38;
	p0 =	seq.s32 s20, $0x1;
	[tilespmem:$0x1FF60] =	vst v0;
	v0 =	vimm.f32 $0.0e+00  }
.Ltmp2:
0x131: {  	v18 =	vimm.f32 $-3.402823470e+38;
	v3 =	vimm.f32 $-3.402823470e+38;
	[tilespmem:$0x1FF70] =	vst v0;
	v0 =	vimm.f32 $0.0e+00;
	(pc) =	sbr.rel @p0 .LBB2_58-.Ltmp2, $4  }
0x132: {  	v52 =	vimm.f32 $-3.402823470e+38;
	v29 =	vimm.f32 $-3.402823470e+38;
	[tilespmem:$0x1FF80] =	vst v0;
	v0 =	vimm.f32 $-3.402823470e+38  }
0x133: {  	v60 =	vimm.f32 $-3.402823470e+38;
	v62 =	vimm.f32 $0.0e+00;
	[tilespmem:$0x1FF90] =	vst v0;
	v0 =	vimm.f32 $0.0e+00  }
0x134: {  	v36 =	vimm.f32 $-3.402823470e+38;
	v4 =	vimm.f32 $0.0e+00;
	[tilespmem:$0x1FFA0] =	vst v0;
	v0 =	vimm.f32 $0.0e+00  }
0x135: {  	v13 =	vimm.f32 $-3.402823470e+38;
	s18 =	simm.s32 $0x0;
	s19 =	simm.s32 $0x0;
	v10 =	vimm.f32 $-3.402823470e+38;
	[tilespmem:$0x1FFB0] =	vst v0;
	v0 =	vimm.f32 $-3.402823470e+38  }
.LBB2_2:
0x136: {  	s19 =	sshll.u32 s18, $0xE  }
0x137: {  	s19 =	sadd.s32 s19, s7  }
0x138: {  	s19 =	sshrl.u32 s19, $0x3  }
0x139: {  	s20 =	simm.s32 $0x0;
	s19 =	sadd.s32 s1, s19  }
0x13a: {  	[tilespmem:s20], [sflag:$0x1] =	stream.linear.gather [hbm4b:s19+s20], $0x4000, $0x38;
	[tilespmem:$0x4100] =	vst v63  }
0x13b: {  	_ =	swait.ge [sflag:s14], $0x4000  }
0x13c: {  	s23 =	sand.u32 $0x40, s20;
	s20 =	sand.u32 $0x3C00, s20;
	[sflag:s14] =	ssyncset.done $0x0  }
0x13d: {  	s21 =	sor.u32 s23, s20;
	v20 =	vld [tilespmem:$0x1FE00];
	[sflag:s14] =	ssyncadd.s32 $0xFFFFC000  }
0x13e: {  	v2 =	vld [tilespmem:s21+$0x10]  }
0x13f: {  	v0 =	vld [tilespmem:s21+$0x30]  }
0x140: {  	v3 =	vld [tilespmem:s21+$0x20]  }
0x141: {  	v4 =	vld [tilespmem:s21+$0x0];
	_ =	sdelay $0x1  }
0x142: {  	v7 =	vmax.f32 v31, v2  }
0x143: {  	s24 =	simm.s32 $0x40;
	s25 =	simm.s32 $0x200;
	v6 =	vmax.f32 v63, v0;
	v11 =	vsub.f32 v31, v7  }
0x144: {  	s19 =	sand.u32 $0x40, s24;
	s20 =	sand.u32 $0x3C00, s25;
	v10 =	vsub.f32 v63, v6  }
0x145: {  	s20 =	sor.u32 s19, s20;
	v8 =	vmax.f32 v55, v3;
	v16 =	vmax.f32 v20, v4;
	v11 =	vmul.f32 $1.442695020e+00, v11  }
0x146: {  	v15 =	vld [tilespmem:s20+$0x30];
	v0 =	vsub.f32 v0, v6;
	v13 =	vsub.f32 v55, v8;
	v10 =	vmul.f32 $1.442695020e+00, v10  }
0x147: {  	v22 =	vld [tilespmem:s20+$0x10];
	v2 =	vsub.f32 v2, v7;
	v20 =	vsub.f32 v20, v16;
	(erf) = vpow2.f32 v11  }
0x148: {  	v4 =	vsub.f32 v4, v16;
	v0 =	vmul.f32 $1.442695020e+00, v0;
	(erf) = vpow2.f32 v10;
	v10 =	vld [tilespmem:s20+$0x0]  }
0x149: {  	v11 =	vmul.f32 $1.442695020e+00, v2;
	v2 =	vsub.f32 v3, v8;
	v3 =	vmul.f32 $1.442695020e+00, v20  }
0x14a: {  	v18 =	vld [tilespmem:s20+$0x20];
	v13 =	vmul.f32 $1.442695020e+00, v13;
	v4 =	vmul.f32 $1.442695020e+00, v4  }
0x14b: {  	v25 =	vmax.f32 v6, v15;
	v27 =	vmul.f32 $1.442695020e+00, v2;
	(erf) = vpow2.f32 v3  }
0x14c: {  	v2 =	vsub.f32 v6, v25;
	v6 =	vsub.f32 v15, v25;
	(erf) = vpow2.f32 v0  }
0x14d: {  	v15 =	vmax.f32 v7, v22;
	(erf) = vpow2.f32 v4;
	v3 =	vmax.f32 v16, v10  }
0x14e: {  	(erf) = vpow2.f32 v11;
	v16 =	vsub.f32 v16, v3;
	v10 =	vsub.f32 v10, v3  }
0x14f: {  	v29 =	vmax.f32 v8, v18;
	v0 =	vsub.f32 v7, v15;
	(erf) = vpow2.f32 v13  }
0x150: {  	s26 =	simm.s32 $0x80;
	s22 =	simm.s32 $0x400;
	v4 =	vsub.f32 v22, v15;
	v13 =	vmul.f32 $1.442695020e+00, v16;
	v16 =	vmul.f32 $1.442695020e+00, v10;
	v10 =	vld [tilespmem:$0x1FDD0]  }
0x151: {  	s22 =	sand.u32 $0x3C00, s22;
	s19 =	sand.u32 $0x40, s26;
	v8 =	vsub.f32 v8, v29  }
0x152: {  	s19 =	sor.u32 s19, s22;
	v31 =	vmul.f32 $1.442695020e+00, v2;
	v11 =	vmul.f32 $1.442695020e+00, v0  }
0x153: {  	v32 =	vld [tilespmem:s19+$0x30];
	v2 =	vmul.f32 $1.442695020e+00, v6;
	v6 =	vmul.f32 $1.442695020e+00, v8;
	v22 =	vpop (erf)  }
0x154: {  	v7 =	vld [tilespmem:s19+$0x10];
	v8 =	vmul.f32 $1.442695020e+00, v4;
	(erf) = vpow2.f32 v11;
	v4 =	vpop (erf)  }
0x155: {  	(erf) = vpow2.f32 v31;
	v10 =	vmul.f32 v4, v10;
	v4 =	vld [tilespmem:$0x1FDE0]  }
0x156: {  	v0 =	vld [tilespmem:s19+$0x20];
	(erf) = vpow2.f32 v27  }
0x157: {  	v18 =	vsub.f32 v18, v29;
	v36 =	vpop (erf);
	(erf) = vpow2.f32 v13;
	v13 =	vld [tilespmem:$0x1FDF0]  }
0x158: {  	v63 =	vmax.f32 v25, v32  }
0x159: {  	v32 =	vsub.f32 v32, v63;
	v20 =	vmul.f32 $1.442695020e+00, v18  }
0x15a: {  	v31 =	vmax.f32 v15, v7;
	v27 =	vpop (erf);
	v4 =	vmul.f32 v22, v4;
	v22 =	vsub.f32 v25, v63  }
0x15b: {  	v11 =	vld [tilespmem:s19+$0x0];
	v55 =	vmax.f32 v29, v0;
	v34 =	vsub.f32 v15, v31;
	v15 =	vmov v3;
	v25 =	vpop (erf)  }
0x15c: {  	s23 =	simm.s32 $0xC0;
	s22 =	simm.s32 $0x600;
	v18 =	vsub.f32 v29, v55;
	v29 =	vmul.f32 v36, v13;
	v13 =	vpop (erf);
	v22 =	vmul.f32 $1.442695020e+00, v22  }
.LBB2_3:
0x15d: {  	(erf) = vpow2.f32 v2;
	v10 =	vadd.f32 v10, v27;
	v27 =	vpop (erf);
	s26 =	smov.u32 s23  }
0x15e: {  	s24 =	sand.u32 $0x40, s23;
	s25 =	sand.u32 $0x3C00, s22;
	v2 =	vmul.f32 $1.442695020e+00, v32;
	v36 =	vmovc v20;
	v37 =	vmovc v55;
	v32 =	vmov v63;
	v39 =	vmov v31;
	s26 =	sadd.s32 $0x40, s23  }
0x15f: {  	p0 =	sne.s32 s23, $0x7C0;
	s24 =	sor.u32 s24, s25;
	v20 =	vmul.f32 $1.442695020e+00, v34;
	v29 =	vadd.f32 v29, v25;
	(erf) = vpow2.f32 v16  }
0x160: {  	v3 =	vmax.f32 v3, v11;
	v16 =	vsub.f32 v7, v31;
	v25 =	vld [tilespmem:s24+$0x30];
	v34 =	vpop (erf);
	(erf) = vpow2.f32 v8  }
0x161: {  	v42 =	vsub.f32 v15, v3;
	v15 =	vmovc v3;
	v40 =	vld [tilespmem:s24+$0x20];
	(erf) = vpow2.f32 v6;
	v6 =	vmul.f32 $1.442695020e+00, v18  }
0x162: {  	v27 =	vmul.f32 v27, v49;
	v18 =	vsub.f32 v11, v3;
	v8 =	vmul.f32 $1.442695020e+00, v16;
	v7 =	vld [tilespmem:s24+$0x10];
	v44 =	vpop (erf)  }
0x163: {  	v47 =	vsub.f32 v0, v55;
	v42 =	vmul.f32 $1.442695020e+00, v42;
	v11 =	vld [tilespmem:s24+$0x0];
	(erf) = vpow2.f32 v20  }
0x164: {  	v4 =	vadd.f32 v4, v13;
	v16 =	vmul.f32 $1.442695020e+00, v18;
	v10 =	vmul.f32 v44, v10;
	v13 =	vpop (erf)  }
.Ltmp3:
0x165: {  	v20 =	vmul.f32 $1.442695020e+00, v47;
	(erf) = vpow2.f32 v22;
	v44 =	vpop (erf);
	v49 =	vadd.f32 v27, v13;
	(pc) =	sbr.rel @p0 .LBB2_3-.Ltmp3, $4  }
0x166: {  	v4 =	vmul.f32 v34, v4;
	v63 =	vmax.f32 v63, v25;
	v55 =	vmax.f32 v55, v40;
	v0 =	vmovc v40  }
0x167: {  	v40 =	vsub.f32 v32, v63;
	v32 =	vsub.f32 v25, v63;
	(erf) = vpow2.f32 v36;
	v27 =	vpop (erf)  }
0x168: {  	v31 =	vmax.f32 v31, v7;
	v18 =	vsub.f32 v37, v55;
	(erf) = vpow2.f32 v42;
	v25 =	vpop (erf)  }
0x169: {  	s22 =	sadd.s32 $0x200, s22;
	s23 =	smov.u32 s26;
	v29 =	vmul.f32 v44, v29;
	v34 =	vsub.f32 v39, v31;
	v22 =	vmul.f32 $1.442695020e+00, v40;
	v13 =	vpop (erf)  }
0x16a: {  	(erf) = vpow2.f32 v2  }
0x16b: {  	(erf) = vpow2.f32 v16;
	v2 =	vmul.f32 $1.442695020e+00, v34  }
0x16c: {  	v16 =	vmax.f32 v3, v11;
	(erf) = vpow2.f32 v8  }
0x16d: {  	v7 =	vsub.f32 v7, v31;
	v3 =	vsub.f32 v15, v16;
	(erf) = vpow2.f32 v6  }
0x16e: {  	v8 =	vsub.f32 v11, v16;
	v11 =	vmul.f32 $1.442695020e+00, v32;
	v6 =	vpop (erf);
	(erf) = vpow2.f32 v2  }
0x16f: {  	v3 =	vmul.f32 $1.442695020e+00, v3;
	v2 =	vpop (erf);
	(erf) = vpow2.f32 v22  }
0x170: {  	v8 =	vmul.f32 $1.442695020e+00, v8;
	v15 =	vpop (erf);
	(erf) = vpow2.f32 v20  }
0x171: {  	[tilespmem:$0x1FE00] =	vst v16;
	v16 =	vpop (erf);
	(erf) = vpow2.f32 v3;
	v3 =	vmul.f32 $1.442695020e+00, v7  }
0x172: {  	v7 =	vpop (erf);
	(erf) = vpow2.f32 v11;
	v11 =	vmul.f32 $1.442695020e+00, v18  }
0x173: {  	v20 =	vadd.f32 v29, v25;
	v18 =	vpop (erf);
	(erf) = vpow2.f32 v8  }
0x174: {  	v6 =	vmul.f32 v6, v49;
	v8 =	vpop (erf);
	(erf) = vpow2.f32 v3;
	v3 =	vadd.f32 v10, v27  }
0x175: {  	v0 =	vsub.f32 v0, v55;
	v4 =	vadd.f32 v4, v13;
	v7 =	vmul.f32 v7, v20;
	v10 =	vpop (erf)  }
0x176: {  	v6 =	vadd.f32 v6, v16;
	(erf) = vpow2.f32 v11;
	v11 =	vpop (erf);
	v3 =	vmul.f32 v15, v3  }
0x177: {  	v0 =	vmul.f32 $1.442695020e+00, v0;
	v15 =	vld [tilespmem:s21+$0xB0];
	v13 =	vpop (erf)  }
0x178: {  	v6 =	vmul.f32 v11, v6;
	v16 =	vpop (erf);
	v3 =	vadd.f32 v3, v18  }
0x179: {  	v2 =	vmul.f32 v2, v4;
	v20 =	vld [tilespmem:s21+$0x80];
	(erf) = vpow2.f32 v0;
	v0 =	vadd.f32 v7, v8;
	v4 =	vpop (erf)  }
0x17a: {  	v7 =	vpop (erf);
	v3 =	vmul.f32 v16, v3  }
0x17b: {  	v2 =	vadd.f32 v2, v10;
	v8 =	vpop (erf);
	v0 =	vmul.f32 v7, v0  }
0x17c: {  	v10 =	vld [tilespmem:s21+$0xA0];
	v4 =	vadd.f32 v6, v4;
	v7 =	vmax.f32 v43, v15;
	v6 =	vpop (erf);
	v39 =	vadd.f32 v3, v8  }
0x17d: {  	v18 =	vld [tilespmem:$0x1FDB0];
	v8 =	vsub.f32 v15, v7;
	v0 =	vadd.f32 v0, v6  }
0x17e: {  	v2 =	vmul.f32 v13, v2;
	v3 =	vld [tilespmem:s21+$0x90];
	v15 =	vmax.f32 v46, v20;
	v11 =	vpop (erf)  }
0x17f: {  	v6 =	vsub.f32 v43, v7;
	v13 =	vpop (erf);
	v8 =	vmul.f32 $1.442695020e+00, v8;
	[tilespmem:$0x1FDF0] =	vst v0;
	v0 =	vsub.f32 v46, v15  }
0x180: {  	v2 =	vadd.f32 v2, v11;
	v4 =	vmul.f32 v13, v4  }
0x181: {  	v11 =	vld [tilespmem:s20+$0xB0];
	v6 =	vmul.f32 $1.442695020e+00, v6;
	v0 =	vmul.f32 $1.442695020e+00, v0  }
0x182: {  	v13 =	vsub.f32 v20, v15;
	[tilespmem:$0x1FDE0] =	vst v2;
	v2 =	vmax.f32 v30, v10;
	(erf) = vpow2.f32 v8  }
0x183: {  	v16 =	vmax.f32 v18, v3;
	v10 =	vsub.f32 v10, v2;
	v8 =	vpop (erf);
	(erf) = vpow2.f32 v0  }
0x184: {  	v3 =	vsub.f32 v3, v16;
	v0 =	vld [tilespmem:s20+$0x80];
	v49 =	vadd.f32 v4, v8;
	v4 =	vmul.f32 $1.442695020e+00, v13  }
0x185: {  	v8 =	vsub.f32 v18, v16;
	v13 =	vld [tilespmem:s20+$0xA0];
	(erf) = vpow2.f32 v6;
	v6 =	vmul.f32 $1.442695020e+00, v10  }
0x186: {  	v18 =	vmax.f32 v7, v11;
	v3 =	vmul.f32 $1.442695020e+00, v3;
	(erf) = vpow2.f32 v4  }
0x187: {  	v10 =	vsub.f32 v30, v2;
	(erf) = vpow2.f32 v6;
	v6 =	vsub.f32 v7, v18  }
0x188: {  	v7 =	vsub.f32 v11, v18;
	(erf) = vpow2.f32 v3  }
0x189: {  	v3 =	vmul.f32 $1.442695020e+00, v10;
	v20 =	vmax.f32 v15, v0;
	v11 =	vmul.f32 $1.442695020e+00, v6  }
0x18a: {  	v6 =	vmul.f32 $1.442695020e+00, v7;
	v10 =	vsub.f32 v15, v20;
	v15 =	vmax.f32 v2, v13  }
0x18b: {  	v4 =	vmul.f32 $1.442695020e+00, v8;
	v8 =	vld [tilespmem:s20+$0x90];
	v7 =	vsub.f32 v2, v15;
	v2 =	vpop (erf);
	(erf) = vpow2.f32 v3  }
0x18c: {  	v22 =	vpop (erf);
	(erf) = vpow2.f32 v6;
	v6 =	vld [tilespmem:$0x1FDC0];
	_ =	sdelay $0x1  }
0x18d: {  	v29 =	vld [tilespmem:$0x1FD90];
	v10 =	vmul.f32 $1.442695020e+00, v10;
	_ =	sdelay $0x1  }
0x18e: {  	v25 =	vld [tilespmem:s19+$0xB0];
	v0 =	vsub.f32 v0, v20  }
0x18f: {  	v3 =	vmax.f32 v16, v8;
	v22 =	vmul.f32 v22, v6;
	v6 =	vld [tilespmem:s19+$0xA0]  }
0x190: {  	v27 =	vsub.f32 v13, v15;
	v0 =	vmul.f32 $1.442695020e+00, v0;
	(erf) = vpow2.f32 v10;
	v10 =	vpop (erf)  }
0x191: {  	v8 =	vsub.f32 v8, v3;
	(erf) = vpow2.f32 v11;
	v11 =	vpop (erf);
	v10 =	vmul.f32 v10, v29  }
0x192: {  	(erf) = vpow2.f32 v4;
	v4 =	vadd.f32 v22, v11;
	v22 =	vmul.f32 $1.442695020e+00, v27  }
0x193: {  	v43 =	vmax.f32 v18, v25;
	v8 =	vmul.f32 $1.442695020e+00, v8;
	(erf) = vpow2.f32 v0  }
0x194: {  	v13 =	vld [tilespmem:s19+$0x80];
	v16 =	vsub.f32 v16, v3;
	(erf) = vpow2.f32 v22;
	v30 =	vmax.f32 v15, v6  }
0x195: {  	v2 =	vadd.f32 v10, v2;
	v10 =	vpop (erf);
	(erf) = vpow2.f32 v8;
	v8 =	vsub.f32 v15, v30;
	v15 =	vld [tilespmem:$0x1FDA0]  }
0x196: {  	v18 =	vsub.f32 v18, v43;
	v11 =	vmul.f32 $1.442695020e+00, v16;
	v16 =	vld [tilespmem:s19+$0x90];
	_ =	sdelay $0x1  }
0x197: {  	v62 =	vmov v50;
	v18 =	vmul.f32 $1.442695020e+00, v18;
	v0 =	vpop (erf)  }
0x198: {  	v46 =	vmax.f32 v20, v13;
	v27 =	vmul.f32 $1.442695020e+00, v7;
	v22 =	vsub.f32 v25, v43;
	v29 =	vpop (erf)  }
0x199: {  	s20 =	simm.s32 $0xC0;
	s19 =	simm.s32 $0x600;
	v25 =	vsub.f32 v20, v46;
	v7 =	vpop (erf);
	v20 =	vmul.f32 v29, v15;
	v15 =	vmov v3  }
.LBB2_5:
0x19a: {  	v3 =	vmax.f32 v3, v16;
	v29 =	vpop (erf);
	s23 =	smov.u32 s20  }
0x19b: {  	s21 =	sand.u32 $0x40, s20;
	s22 =	sand.u32 $0x3C00, s19;
	v22 =	vmul.f32 $1.442695020e+00, v22;
	(erf) = vpow2.f32 v27;
	v32 =	vmovc v30;
	v27 =	vmovc v43;
	v34 =	vmov v46;
	s23 =	sadd.s32 $0x40, s20  }
0x19c: {  	p0 =	sne.s32 s20, $0x7C0;
	s21 =	sor.u32 s21, s22;
	v25 =	vmul.f32 $1.442695020e+00, v25;
	v4 =	vmul.f32 v29, v4;
	v20 =	vadd.f32 v20, v10;
	v29 =	vpop (erf)  }
0x19d: {  	v40 =	vsub.f32 v13, v46;
	v37 =	vsub.f32 v16, v3;
	v36 =	vld [tilespmem:s21+$0xB0];
	(erf) = vpow2.f32 v22;
	v13 =	vpop (erf)  }
0x19e: {  	v22 =	vsub.f32 v6, v30;
	v6 =	vld [tilespmem:s21+$0xA0];
	(erf) = vpow2.f32 v25;
	v16 =	vpop (erf);
	v25 =	vmul.f32 v13, v28  }
0x19f: {  	v28 =	vmul.f32 $1.442695020e+00, v40;
	v13 =	vld [tilespmem:s21+$0x80];
	(erf) = vpow2.f32 v18;
	v4 =	vadd.f32 v4, v16  }
0x1a0: {  	v2 =	vmul.f32 v29, v2;
	v40 =	vsub.f32 v15, v3;
	v16 =	vld [tilespmem:s21+$0x90];
	(erf) = vpow2.f32 v11;
	v10 =	vpop (erf)  }
0x1a1: {  	v18 =	vmul.f32 $1.442695020e+00, v22;
	(erf) = vpow2.f32 v28;
	v28 =	vadd.f32 v25, v0;
	v0 =	vpop (erf)  }
.Ltmp4:
0x1a2: {  	v15 =	vmovc v3;
	v2 =	vadd.f32 v2, v7;
	v11 =	vmul.f32 $1.442695020e+00, v40;
	v25 =	vmul.f32 $1.442695020e+00, v37;
	(pc) =	sbr.rel @p0 .LBB2_5-.Ltmp4, $4  }
0x1a3: {  	v43 =	vmax.f32 v43, v36;
	v30 =	vmax.f32 v30, v6;
	(erf) = vpow2.f32 v18  }
0x1a4: {  	v37 =	vsub.f32 v27, v43;
	v22 =	vsub.f32 v36, v43;
	(erf) = vpow2.f32 v25;
	v29 =	vpop (erf)  }
0x1a5: {  	v27 =	vmul.f32 $1.442695020e+00, v8;
	v46 =	vmax.f32 v46, v13;
	v8 =	vsub.f32 v32, v30  }
0x1a6: {  	s19 =	sadd.s32 $0x200, s19;
	s20 =	smov.u32 s23;
	v25 =	vsub.f32 v34, v46;
	v18 =	vmul.f32 $1.442695020e+00, v37;
	v20 =	vmul.f32 v29, v20;
	v7 =	vpop (erf)  }
0x1a7: {  	v22 =	vmul.f32 $1.442695020e+00, v22  }
0x1a8: {  	(erf) = vpow2.f32 v27;
	v25 =	vmul.f32 $1.442695020e+00, v25  }
0x1a9: {  	v13 =	vsub.f32 v13, v46;
	v27 =	vmax.f32 v3, v16;
	(erf) = vpow2.f32 v22  }
0x1aa: {  	v3 =	vsub.f32 v6, v30;
	v16 =	vsub.f32 v16, v27;
	(erf) = vpow2.f32 v25  }
0x1ab: {  	v6 =	vpop (erf);
	v13 =	vmul.f32 $1.442695020e+00, v13;
	(erf) = vpow2.f32 v18  }
0x1ac: {  	v3 =	vmul.f32 $1.442695020e+00, v3;
	v18 =	vpop (erf);
	(erf) = vpow2.f32 v11  }
0x1ad: {  	v15 =	vsub.f32 v15, v27;
	v11 =	vpop (erf);
	(erf) = vpow2.f32 v13;
	v13 =	vmul.f32 $1.442695020e+00, v16  }
0x1ae: {  	v16 =	vpop (erf);
	(erf) = vpow2.f32 v3;
	v3 =	vmul.f32 $1.442695020e+00, v8  }
0x1af: {  	v15 =	vmul.f32 $1.442695020e+00, v15  }
0x1b0: {  	v8 =	vpop (erf);
	(erf) = vpow2.f32 v13  }
0x1b1: {  	v13 =	vpop (erf);
	(erf) = vpow2.f32 v3  }
0x1b2: {  	v3 =	vpop (erf);
	(erf) = vpow2.f32 v15  }
0x1b3: {  	v10 =	vadd.f32 v20, v10;
	v15 =	vpop (erf)  }
0x1b4: {  	v11 =	vmul.f32 v11, v28;
	v22 =	vpop (erf)  }
0x1b5: {  	s19 =	simm.s32 $0x0;
	v20 =	vpop (erf)  }
0x1b6: {  	v4 =	vmul.f32 v6, v4;
	s20 =	sand.u32 $0x40, s19;
	s19 =	sand.u32 $0x3C00, s19;
	v2 =	vmul.f32 v18, v2;
	v0 =	vadd.f32 v11, v0;
	v6 =	vpop (erf)  }
0x1b7: {  	s19 =	sor.u32 s20, s19;
	v3 =	vmul.f32 v3, v10;
	v10 =	vpop (erf)  }
0x1b8: {  	v4 =	vadd.f32 v4, v16;
	v7 =	vadd.f32 v2, v7;
	v11 =	vld [tilespmem:s19+$0x130];
	v0 =	vmul.f32 v6, v0;
	v6 =	vpop (erf)  }
0x1b9: {  	v2 =	vld [tilespmem:s19+$0x120];
	v3 =	vadd.f32 v3, v8;
	v8 =	vpop (erf)  }
0x1ba: {  	v4 =	vmul.f32 v22, v4;
	v7 =	vmul.f32 v20, v7;
	v13 =	vadd.f32 v0, v13;
	v0 =	vld [tilespmem:s19+$0x110];
	v16 =	vpop (erf)  }
0x1bb: {  	p1 =	por $0x1, $0x1;
	v3 =	vmul.f32 v16, v3;
	v16 =	vpop (erf)  }
.Ltmp5:
0x1bc: {  	[tilespmem:$0x1FDD0] =	vst v39;
	v18 =	vadd.f32 v4, v10;
	v10 =	vadd.f32 v7, v15;
	v4 =	vmul.f32 v16, v13;
	(pc) =	sbr.rel @!p1 .LBB2_7-.Ltmp5, $4  }
0x1bd: {  	[tilespmem:$0x1FDB0] =	vst v27;
	v22 =	vmax.f32 v56, v11;
	v6 =	vadd.f32 v3, v6  }
0x1be: {  	[tilespmem:$0x1FD90] =	vst v10;
	v28 =	vadd.f32 v4, v8;
	v4 =	vsub.f32 v56, v22  }
0x1bf: {  	s21 =	simm.s32 $0x200;
	v25 =	vmax.f32 v54, v2;
	v15 =	vsub.f32 v11, v22;
	[tilespmem:$0x1FDC0] =	vst v18;
	v16 =	vmax.f32 v58, v0  }
0x1c0: {  	p3 =	por $0x0, $0x0;
	p2 =	por $0x0, $0x0;
	v50 =	vmovc v1;
	s20 =	simm.s32 $0x40;
	v7 =	vsub.f32 v54, v25;
	v3 =	vld [tilespmem:s19+$0x100];
	v20 =	vsub.f32 v58, v16;
	[tilespmem:$0x1FDA0] =	vst v6;
	v4 =	vmul.f32 $1.442695020e+00, v4  }
0x1c1: {  	s22 =	sand.u32 $0x40, s20;
	s23 =	sand.u32 $0x3C00, s21  }
0x1c2: {  	s23 =	sor.u32 s22, s23  }
0x1c3: {  	v13 =	vld [tilespmem:s23+$0x130]  }
0x1c4: {  	v18 =	vmul.f32 $1.442695020e+00, v15;
	v6 =	vsub.f32 v0, v16;
	v11 =	vld [tilespmem:s23+$0x120]  }
0x1c5: {  	v2 =	vsub.f32 v2, v25;
	v10 =	vmul.f32 $1.442695020e+00, v20;
	v0 =	vld [tilespmem:s23+$0x110];
	v8 =	vmax.f32 v24, v3  }
0x1c6: {  	p0 =	por $0x1, $0x1;
	v32 =	vmul.f32 $1.442695020e+00, v7;
	v6 =	vmul.f32 $1.442695020e+00, v6;
	v15 =	vsub.f32 v24, v8  }
.Ltmp6:
0x1c7: {  	v29 =	vmul.f32 $1.442695020e+00, v2;
	(erf) = vpow2.f32 v10;
	v3 =	vsub.f32 v3, v8;
	(pc) =	sbr.rel @!p0 .LBB2_9-.Ltmp6, $4  }
0x1c8: {  	(erf) = vpow2.f32 v4;
	v20 =	vmul.f32 $1.442695020e+00, v15;
	v56 =	vmax.f32 v22, v13  }
0x1c9: {  	v10 =	vmul.f32 $1.442695020e+00, v3;
	v54 =	vmax.f32 v25, v11;
	v2 =	vsub.f32 v22, v56  }
0x1ca: {  	v1 =	vld [tilespmem:$0x1FC10];
	v58 =	vmax.f32 v16, v0;
	v15 =	vsub.f32 v13, v56;
	v7 =	vsub.f32 v25, v54  }
0x1cb: {  	p3 =	por $0x1, $0x1;
	s22 =	simm.s32 $0x80;
	v3 =	vld [tilespmem:s23+$0x100];
	s23 =	simm.s32 $0x400;
	(erf) = vpow2.f32 v20;
	v20 =	vsub.f32 v16, v58;
	v4 =	vmul.f32 $1.442695020e+00, v2  }
0x1cc: {  	_ =	sdelay $0x2  }
0x1cd: {  	(erf) = vpow2.f32 v18  }
0x1ce: {  	(erf) = vpow2.f32 v10;
	v24 =	vmax.f32 v8, v3  }
0x1cf: {  	v10 =	vmul.f32 $1.442695020e+00, v20;
	(erf) = vpow2.f32 v6;
	v3 =	vsub.f32 v3, v24  }
0x1d0: {  	v16 =	vmul.f32 $1.442695020e+00, v7;
	(erf) = vpow2.f32 v32  }
0x1d1: {  	s22 =	sand.u32 $0x40, s22;
	s23 =	sand.u32 $0x3C00, s23;
	v7 =	vpop (erf);
	(erf) = vpow2.f32 v10;
	v10 =	vmul.f32 $1.442695020e+00, v3;
	v3 =	vld [tilespmem:$0x1FD50]  }
0x1d2: {  	v0 =	vsub.f32 v0, v58;
	s22 =	sor.u32 s22, s23  }
0x1d3: {  	v18 =	vmul.f32 $1.442695020e+00, v15;
	v15 =	vld [tilespmem:s22+$0x130];
	v8 =	vsub.f32 v8, v24  }
0x1d4: {  	v2 =	vld [tilespmem:s22+$0x120];
	v6 =	vmul.f32 $1.442695020e+00, v0  }
0x1d5: {  	v0 =	vld [tilespmem:s22+$0x110];
	v13 =	vpop (erf);
	(erf) = vpow2.f32 v4;
	v8 =	vmul.f32 $1.442695020e+00, v8  }
0x1d6: {  	(erf) = vpow2.f32 v29;
	v13 =	vmul.f32 v13, v3;
	v3 =	vld [tilespmem:$0x1FD70]  }
0x1d7: {  	v11 =	vsub.f32 v11, v54;
	p0 =	por $0x1, $0x1;
	v22 =	vpop (erf);
	(erf) = vpow2.f32 v8;
	v8 =	vld [tilespmem:$0x1FD80]  }
.Ltmp7:
0x1d8: {  	v32 =	vmax.f32 v56, v15;
	(pc) =	sbr.rel @!p0 .LBB2_11-.Ltmp7, $4  }
0x1d9: {  	v40 =	vmul.f32 $1.442695020e+00, v11;
	v4 =	vsub.f32 v56, v32  }
0x1da: {  	v34 =	vmax.f32 v54, v2;
	v37 =	vmax.f32 v58, v0;
	v15 =	vsub.f32 v15, v32;
	v27 =	vpop (erf)  }
0x1db: {  	v20 =	vsub.f32 v58, v37;
	v36 =	vpop (erf);
	v4 =	vmul.f32 $1.442695020e+00, v4;
	v11 =	vmul.f32 v7, v3;
	v3 =	vld [tilespmem:s22+$0x100]  }
0x1dc: {  	p4 =	por $0x1, $0x1;
	s23 =	simm.s32 $0xC0;
	v25 =	vpop (erf);
	v39 =	vmul.f32 v22, v8;
	v8 =	vmov v24;
	v22 =	vld [tilespmem:$0x1FD60];
	v7 =	vsub.f32 v54, v34;
	s22 =	simm.s32 $0x600  }
.LBB2_12:
0x1dd: {  	(erf) = vpow2.f32 v18;
	v18 =	vmul.f32 $1.442695020e+00, v15;
	v15 =	vpop (erf);
	s26 =	smov.u32 s23  }
0x1de: {  	s24 =	sand.u32 $0x40, s23;
	s25 =	sand.u32 $0x3C00, s22;
	v13 =	vadd.f32 v13, v27;
	v27 =	vmovc v40;
	v29 =	vmovc v34;
	v42 =	vmov v32;
	v44 =	vmov v37;
	s26 =	sadd.s32 $0x40, s23  }
0x1df: {  	p0 =	sne.s32 s23, $0x7C0;
	s24 =	sor.u32 s24, s25;
	v20 =	vmul.f32 $1.442695020e+00, v20;
	v39 =	vadd.f32 v39, v36;
	(erf) = vpow2.f32 v10  }
0x1e0: {  	v24 =	vmax.f32 v24, v3;
	v10 =	vsub.f32 v0, v37;
	v36 =	vld [tilespmem:s24+$0x130];
	v47 =	vpop (erf);
	(erf) = vpow2.f32 v6  }
0x1e1: {  	v40 =	vsub.f32 v8, v24;
	v8 =	vmovc v24;
	v52 =	vld [tilespmem:s24+$0x120];
	(erf) = vpow2.f32 v16;
	v16 =	vmul.f32 $1.442695020e+00, v7  }
0x1e2: {  	v15 =	vmul.f32 v15, v22;
	v7 =	vsub.f32 v3, v24;
	v6 =	vmul.f32 $1.442695020e+00, v10;
	v0 =	vld [tilespmem:s24+$0x110];
	v54 =	vpop (erf)  }
0x1e3: {  	v57 =	vsub.f32 v2, v34;
	v56 =	vmul.f32 $1.442695020e+00, v40;
	v3 =	vld [tilespmem:s24+$0x100];
	(erf) = vpow2.f32 v20  }
0x1e4: {  	v10 =	vmul.f32 $1.442695020e+00, v7;
	v13 =	vmul.f32 v54, v13;
	v7 =	vadd.f32 v11, v25;
	v11 =	vpop (erf)  }
.Ltmp8:
0x1e5: {  	v40 =	vmul.f32 $1.442695020e+00, v57;
	(erf) = vpow2.f32 v4;
	v25 =	vpop (erf);
	v22 =	vadd.f32 v15, v11;
	(pc) =	sbr.rel @p0 .LBB2_12-.Ltmp8, $4  }
0x1e6: {  	v32 =	vmax.f32 v32, v36;
	v11 =	vmul.f32 v47, v7;
	v34 =	vmax.f32 v34, v52;
	v2 =	vmovc v52  }
0x1e7: {  	v4 =	vsub.f32 v42, v32;
	v15 =	vsub.f32 v36, v32;
	(erf) = vpow2.f32 v27;
	v27 =	vpop (erf)  }
0x1e8: {  	v37 =	vmax.f32 v37, v0;
	v7 =	vsub.f32 v29, v34;
	(erf) = vpow2.f32 v56;
	v36 =	vpop (erf)  }
0x1e9: {  	s22 =	sadd.s32 $0x200, s22;
	s23 =	smov.u32 s26;
	v39 =	vmul.f32 v25, v39;
	v20 =	vsub.f32 v44, v37;
	v4 =	vmul.f32 $1.442695020e+00, v4;
	v25 =	vpop (erf)  }
0x1ea: {  	v29 =	vmovc v40;
	v54 =	vmovc v34;
	v56 =	vmov v32;
	v58 =	vmov v37;
	v32 =	vmov v16  }
.LBB2_14:
0x1eb: {  	(erf) = vpow2.f32 @p3 v18  }
0x1ec: {  	(erf) = vpow2.f32 @p3 v10;
	v10 =	vmul.f32 $1.442695020e+00, v20  }
0x1ed: {  	v24 =	vmax.f32 v24, v3;
	(erf) = vpow2.f32 @p3 v6  }
0x1ee: {  	v6 =	vsub.f32 v8, v24;
	(erf) = vpow2.f32 @p3 v32  }
0x1ef: {  	v16 =	vmov @p3 v29;
	v8 =	vmul.f32 $1.442695020e+00, v15;
	v15 =	vpop @p4 (erf);
	(erf) = vpow2.f32 v10  }
0x1f0: {  	v3 =	vsub.f32 v3, v24;
	v6 =	vmul.f32 $1.442695020e+00, v6;
	v10 =	vpop @p3 (erf);
	(erf) = vpow2.f32 v4  }
0x1f1: {  	v4 =	vmul.f32 $1.442695020e+00, v7;
	v7 =	vpop @p3 (erf);
	(erf) = vpow2.f32 @p3 v16  }
0x1f2: {  	v3 =	vmul.f32 $1.442695020e+00, v3;
	v16 =	vpop @p4 (erf);
	(erf) = vpow2.f32 v6  }
0x1f3: {  	v18 =	vpop @p3 (erf);
	(erf) = vpow2.f32 v8;
	v8 =	vadd.f32 @p4 v11, v25;
	v25 =	vld [tilespmem:$0x1FD80]  }
0x1f4: {  	v0 =	vsub.f32 v0, v58;
	v11 =	vpop @p3 (erf);
	(erf) = vpow2.f32 v3;
	v3 =	vmul.f32 @p4 v15, v22;
	v22 =	vld [tilespmem:$0x1FD70];
	_ =	sdelay $0x1  }
0x1f5: {  	v2 =	vsub.f32 v2, v54;
	v20 =	vld [tilespmem:$0x1FD50];
	v0 =	vmul.f32 $1.442695020e+00, v0  }
0x1f6: {  	v6 =	vadd.f32 @p4 v39, v36  }
0x1f7: {  	v15 =	vpop @p3 (erf);
	(erf) = vpow2.f32 v0;
	v0 =	vmul.f32 $1.442695020e+00, v2  }
0x1f8: {  	v13 =	vadd.f32 @p4 v13, v27;
	v6 =	vpsel p4, v6, v25;
	v2 =	vpsel p4, v8, v22;
	v8 =	vpop @p3 (erf)  }
0x1f9: {  	(erf) = vpow2.f32 v4;
	v6 =	vmul.f32 @p3 v18, v6;
	v18 =	vld [tilespmem:$0x1FD60];
	v4 =	vpop @p3 (erf)  }
0x1fa: {  	v13 =	vpsel p4, v13, v20;
	v2 =	vmul.f32 @p3 v10, v2;
	v10 =	vpop (erf)  }
0x1fb: {  	v7 =	vmul.f32 @p3 v7, v13;
	(erf) = vpow2.f32 v0;
	v0 =	vpop (erf)  }
0x1fc: {  	v3 =	vadd.f32 @p4 v3, v16;
	v13 =	vpsel p3, v15, v0;
	v6 =	vpsel p3, v6, v0  }
0x1fd: {  	v11 =	vpsel p3, v11, v0;
	v7 =	vpsel p3, v7, v0;
	v6 =	vadd.f32 @p3 v6, v13  }
0x1fe: {  	v8 =	vpsel p3, v8, v0;
	v15 =	vpop @p3 (erf);
	v2 =	vpsel p3, v2, v0;
	v3 =	vpsel p4, v3, v18  }
0x1ff: {  	v8 =	vadd.f32 @p3 v2, v8;
	v3 =	vmul.f32 @p3 v4, v3;
	v4 =	vpop (erf);
	v6 =	vpsel p3, v6, v25  }
0x200: {  	v7 =	vadd.f32 @p3 v7, v11;
	v11 =	vpop (erf);
	v4 =	vmul.f32 v4, v6  }
0x201: {  	v8 =	vpsel p3, v8, v22;
	v3 =	vadd.f32 @p3 v3, v15;
	v15 =	vpop (erf)  }
0x202: {  	v8 =	vmul.f32 v10, v8;
	v4 =	vadd.f32 v4, v15  }
0x203: {  	v13 =	vld [tilespmem:s19+$0x1B0];
	v16 =	vpop (erf)  }
0x204: {  	v2 =	vld [tilespmem:s19+$0x1A0];
	v7 =	vpsel p3, v7, v20;
	[tilespmem:$0x1FD80] =	vst v4;
	v4 =	vadd.f32 v8, v16  }
0x205: {  	v7 =	vmul.f32 v0, v7;
	v0 =	vld [tilespmem:s19+$0x190]  }
0x206: {  	v3 =	vpsel p3, v3, v18;
	v6 =	vpop (erf)  }
.Ltmp9:
0x207: {  	v3 =	vmul.f32 v6, v3;
	(pc) =	sbr.rel @!p1 .LBB2_15-.Ltmp9, $4  }
0x208: {  	v7 =	vadd.f32 v7, v11;
	v25 =	vmax.f32 v33, v13;
	[tilespmem:$0x1FD70] =	vst v4;
	v4 =	vpop (erf)  }
0x209: {  	v3 =	vadd.f32 v3, v4;
	v4 =	vsub.f32 v33, v25  }
0x20a: {  	v22 =	vmax.f32 v35, v2;
	v13 =	vsub.f32 v13, v25;
	[tilespmem:$0x1FD50] =	vst v7;
	v16 =	vmax.f32 v41, v0  }
0x20b: {  	v7 =	vsub.f32 v35, v22;
	v20 =	vsub.f32 v41, v16;
	[tilespmem:$0x1FD60] =	vst v3;
	v3 =	vld [tilespmem:s19+$0x180];
	v4 =	vmul.f32 $1.442695020e+00, v4  }
0x20c: {  	s19 =	sand.u32 $0x40, s20;
	s26 =	sand.u32 $0x3C00, s21  }
0x20d: {  	s20 =	sor.u32 s19, s26  }
0x20e: {  	v15 =	vld [tilespmem:s20+$0x1B0]  }
0x20f: {  	v18 =	vmul.f32 $1.442695020e+00, v13;
	v6 =	vsub.f32 v0, v16;
	v11 =	vld [tilespmem:s20+$0x1A0]  }
0x210: {  	v2 =	vsub.f32 v2, v22;
	v10 =	vmul.f32 $1.442695020e+00, v20;
	v0 =	vld [tilespmem:s20+$0x190];
	v8 =	vmax.f32 v59, v3  }
0x211: {  	p0 =	por $0x1, $0x1;
	v29 =	vmul.f32 $1.442695020e+00, v7;
	v6 =	vmul.f32 $1.442695020e+00, v6;
	v13 =	vsub.f32 v59, v8  }
.Ltmp10:
0x212: {  	v34 =	vmul.f32 $1.442695020e+00, v2;
	(erf) = vpow2.f32 v10;
	v3 =	vsub.f32 v3, v8;
	(pc) =	sbr.rel @!p0 .LBB2_17-.Ltmp10, $4  }
0x213: {  	(erf) = vpow2.f32 v4;
	v20 =	vmul.f32 $1.442695020e+00, v13;
	v33 =	vmax.f32 v25, v15  }
0x214: {  	v10 =	vmul.f32 $1.442695020e+00, v3;
	v35 =	vmax.f32 v22, v11;
	v2 =	vsub.f32 v25, v33  }
0x215: {  	v41 =	vmax.f32 v16, v0;
	v13 =	vsub.f32 v15, v33;
	v7 =	vsub.f32 v22, v35  }
0x216: {  	p3 =	por $0x1, $0x1;
	s19 =	simm.s32 $0x80;
	v3 =	vld [tilespmem:s20+$0x180];
	s20 =	simm.s32 $0x400;
	(erf) = vpow2.f32 v20;
	v20 =	vsub.f32 v16, v41;
	v4 =	vmul.f32 $1.442695020e+00, v2  }
0x217: {  	_ =	sdelay $0x2  }
0x218: {  	(erf) = vpow2.f32 v18  }
0x219: {  	(erf) = vpow2.f32 v10;
	v59 =	vmax.f32 v8, v3  }
0x21a: {  	v10 =	vmul.f32 $1.442695020e+00, v20;
	(erf) = vpow2.f32 v6;
	v3 =	vsub.f32 v3, v59  }
0x21b: {  	v16 =	vmul.f32 $1.442695020e+00, v7;
	(erf) = vpow2.f32 v29  }
0x21c: {  	s19 =	sand.u32 $0x40, s19;
	s20 =	sand.u32 $0x3C00, s20;
	v7 =	vpop (erf);
	(erf) = vpow2.f32 v10;
	v10 =	vmul.f32 $1.442695020e+00, v3;
	v3 =	vld [tilespmem:$0x1FD10]  }
0x21d: {  	v0 =	vsub.f32 v0, v41;
	s19 =	sor.u32 s19, s20  }
0x21e: {  	v18 =	vmul.f32 $1.442695020e+00, v13;
	v13 =	vld [tilespmem:s19+$0x1B0];
	v8 =	vsub.f32 v8, v59  }
0x21f: {  	v2 =	vld [tilespmem:s19+$0x1A0];
	v6 =	vmul.f32 $1.442695020e+00, v0  }
0x220: {  	v0 =	vld [tilespmem:s19+$0x190];
	v15 =	vpop (erf);
	(erf) = vpow2.f32 v4;
	v8 =	vmul.f32 $1.442695020e+00, v8  }
0x221: {  	(erf) = vpow2.f32 v34;
	v15 =	vmul.f32 v15, v3;
	v3 =	vld [tilespmem:$0x1FD30]  }
0x222: {  	v11 =	vsub.f32 v11, v35;
	p0 =	por $0x1, $0x1;
	v22 =	vpop (erf);
	(erf) = vpow2.f32 v8;
	v8 =	vld [tilespmem:$0x1FD40]  }
.Ltmp11:
0x223: {  	v29 =	vmax.f32 v33, v13;
	(pc) =	sbr.rel @!p0 .LBB2_19-.Ltmp11, $4  }
0x224: {  	v40 =	vmul.f32 $1.442695020e+00, v11;
	v4 =	vsub.f32 v33, v29  }
0x225: {  	v32 =	vmax.f32 v35, v2;
	v37 =	vmax.f32 v41, v0;
	v13 =	vsub.f32 v13, v29;
	v27 =	vpop (erf)  }
0x226: {  	v20 =	vsub.f32 v41, v37;
	v36 =	vpop (erf);
	v4 =	vmul.f32 $1.442695020e+00, v4;
	v11 =	vmul.f32 v7, v3;
	v3 =	vld [tilespmem:s19+$0x180]  }
0x227: {  	p2 =	por $0x1, $0x1;
	v25 =	vld [tilespmem:$0x1FD20];
	s20 =	simm.s32 $0xC0;
	v39 =	vmul.f32 v22, v8;
	v22 =	vpop (erf);
	v8 =	vmov v59;
	v7 =	vsub.f32 v35, v32;
	s19 =	simm.s32 $0x600  }
.LBB2_20:
0x228: {  	(erf) = vpow2.f32 v18;
	v18 =	vmul.f32 $1.442695020e+00, v13;
	v13 =	vadd.f32 v15, v27;
	v15 =	vpop (erf);
	s23 =	smov.u32 s20  }
0x229: {  	s21 =	sand.u32 $0x40, s20;
	s22 =	sand.u32 $0x3C00, s19;
	v27 =	vmovc v40;
	v33 =	vmov v32;
	v34 =	vmov v29;
	v35 =	vmov v37;
	s23 =	sadd.s32 $0x40, s20  }
0x22a: {  	p0 =	sne.s32 s20, $0x7C0;
	s21 =	sor.u32 s21, s22;
	v20 =	vmul.f32 $1.442695020e+00, v20;
	v39 =	vadd.f32 v39, v36;
	(erf) = vpow2.f32 v10  }
0x22b: {  	v59 =	vmax.f32 v59, v3;
	v10 =	vsub.f32 v0, v37;
	v36 =	vld [tilespmem:s21+$0x1B0];
	v41 =	vpop (erf);
	(erf) = vpow2.f32 v6  }
0x22c: {  	v40 =	vsub.f32 v8, v59;
	v8 =	vmovc v59;
	v42 =	vld [tilespmem:s21+$0x1A0];
	(erf) = vpow2.f32 v16;
	v16 =	vmul.f32 $1.442695020e+00, v7  }
0x22d: {  	v25 =	vmul.f32 v15, v25;
	v7 =	vsub.f32 v3, v59;
	v6 =	vmul.f32 $1.442695020e+00, v10;
	v0 =	vld [tilespmem:s21+$0x190];
	v44 =	vpop (erf)  }
0x22e: {  	v52 =	vsub.f32 v2, v32;
	v47 =	vmul.f32 $1.442695020e+00, v40;
	v3 =	vld [tilespmem:s21+$0x180];
	(erf) = vpow2.f32 v20  }
0x22f: {  	v10 =	vmul.f32 $1.442695020e+00, v7;
	v15 =	vmul.f32 v44, v13;
	v7 =	vadd.f32 v11, v22;
	v11 =	vpop (erf)  }
.Ltmp12:
0x230: {  	v40 =	vmul.f32 $1.442695020e+00, v52;
	(erf) = vpow2.f32 v4;
	v22 =	vpop (erf);
	v25 =	vadd.f32 v25, v11;
	(pc) =	sbr.rel @p0 .LBB2_20-.Ltmp12, $4  }
0x231: {  	v29 =	vmax.f32 v29, v36;
	v11 =	vmul.f32 v41, v7;
	v32 =	vmax.f32 v32, v42;
	v2 =	vmovc v42  }
0x232: {  	v4 =	vsub.f32 v34, v29;
	v13 =	vsub.f32 v36, v29;
	(erf) = vpow2.f32 v27;
	v27 =	vpop (erf)  }
0x233: {  	v37 =	vmax.f32 v37, v0;
	v7 =	vsub.f32 v33, v32;
	(erf) = vpow2.f32 v47;
	v36 =	vpop (erf)  }
0x234: {  	s19 =	sadd.s32 $0x200, s19;
	s20 =	smov.u32 s23;
	v39 =	vmul.f32 v22, v39;
	v20 =	vsub.f32 v35, v37;
	v4 =	vmul.f32 $1.442695020e+00, v4;
	v22 =	vpop (erf)  }
0x235: {  	v34 =	vmovc v40;
	v35 =	vmovc v32;
	v33 =	vmov v29;
	v41 =	vmov v37;
	v29 =	vmov v16  }
.LBB2_22:
0x236: {  	(erf) = vpow2.f32 @p3 v18  }
0x237: {  	(erf) = vpow2.f32 @p3 v10;
	v10 =	vmul.f32 $1.442695020e+00, v20  }
0x238: {  	v59 =	vmax.f32 v59, v3;
	v0 =	vsub.f32 v0, v41;
	(erf) = vpow2.f32 @p3 v6  }
0x239: {  	v6 =	vsub.f32 v8, v59;
	(erf) = vpow2.f32 @p3 v29  }
0x23a: {  	v16 =	vmov @p3 v34;
	v8 =	vpop @p2 (erf);
	v0 =	vmul.f32 $1.442695020e+00, v0;
	(erf) = vpow2.f32 v10  }
0x23b: {  	v3 =	vsub.f32 v3, v59;
	v20 =	vld [tilespmem:$0x1FD10];
	v6 =	vmul.f32 $1.442695020e+00, v6;
	v10 =	vpop @p3 (erf);
	(erf) = vpow2.f32 v4  }
0x23c: {  	v15 =	vadd.f32 @p2 v15, v27;
	v4 =	vmul.f32 $1.442695020e+00, v13;
	v13 =	vpop @p3 (erf);
	(erf) = vpow2.f32 @p3 v16  }
0x23d: {  	v3 =	vmul.f32 $1.442695020e+00, v3;
	v16 =	vpop @p2 (erf);
	(erf) = vpow2.f32 v6  }
0x23e: {  	v18 =	vpop @p3 (erf);
	(erf) = vpow2.f32 v4;
	v4 =	vmul.f32 $1.442695020e+00, v7  }
0x23f: {  	v7 =	vpop @p3 (erf);
	(erf) = vpow2.f32 v3;
	v3 =	vmul.f32 @p2 v8, v25;
	v25 =	vld [tilespmem:$0x1FD40]  }
0x240: {  	v8 =	vpsel p2, v15, v20;
	v15 =	vpop @p3 (erf);
	(erf) = vpow2.f32 v0;
	v0 =	vadd.f32 @p2 v11, v22;
	v22 =	vld [tilespmem:$0x1FD30];
	_ =	sdelay $0x1  }
0x241: {  	v2 =	vsub.f32 v2, v35  }
0x242: {  	v6 =	vadd.f32 @p2 v39, v36  }
0x243: {  	v2 =	vmul.f32 $1.442695020e+00, v2  }
0x244: {  	v3 =	vadd.f32 @p2 v3, v16;
	v16 =	vld [tilespmem:$0x1FD20];
	v6 =	vpsel p2, v6, v25;
	v0 =	vpsel p2, v0, v22  }
0x245: {  	v11 =	vpop @p3 (erf);
	v6 =	vmul.f32 @p3 v18, v6;
	v0 =	vmul.f32 @p3 v10, v0  }
0x246: {  	v8 =	vmul.f32 @p3 v13, v8;
	(erf) = vpow2.f32 v4;
	v4 =	vpop @p3 (erf)  }
0x247: {  	v13 =	vpop (erf);
	(erf) = vpow2.f32 v2;
	v10 =	vpsel p3, v15, v0;
	v6 =	vpsel p3, v6, v0  }
0x248: {  	v2 =	vpop (erf);
	v7 =	vpsel p3, v7, v0;
	v8 =	vpsel p3, v8, v0;
	v6 =	vadd.f32 @p3 v6, v10  }
0x249: {  	p1 =	por $0x0, $0x0;
	s19 =	simm.s32 $0x1;
	v3 =	vpsel p2, v3, v16;
	v15 =	vpop @p3 (erf);
	v7 =	vadd.f32 @p3 v8, v7;
	v8 =	vpsel p3, v11, v0  }
0x24a: {  	s19 =	simm.s32 @!p1 $0x0;
	v3 =	vmul.f32 @p3 v4, v3;
	v4 =	vpop (erf);
	v0 =	vpsel p3, v0, v0;
	v6 =	vpsel p3, v6, v25  }
0x24b: {  	s19 =	sshll.u32 s19, $0x6;
	v0 =	vadd.f32 @p3 v0, v8;
	v10 =	vpop (erf);
	v4 =	vmul.f32 v4, v6  }
0x24c: {  	s19 =	sadd.s32 $0x0, s19;
	v8 =	vpop (erf)  }
0x24d: {  	s20 =	sor.u32 $0x230, s19;
	v3 =	vadd.f32 @p3 v3, v15;
	v0 =	vpsel p3, v0, v22;
	v4 =	vadd.f32 v4, v8  }
0x24e: {  	s21 =	sor.u32 $0x220, s19;
	v15 =	vld [tilespmem:s20+$0x0];
	v7 =	vpsel p3, v7, v20;
	v11 =	vpop (erf);
	v0 =	vmul.f32 v13, v0  }
0x24f: {  	p6 =	por $0x1, $0x1;
	v3 =	vpsel p3, v3, v16;
	v7 =	vmul.f32 v2, v7;
	v2 =	vld [tilespmem:s21+$0x0];
	v6 =	vpop (erf)  }
.Ltmp13:
0x250: {  	v3 =	vmul.f32 v6, v3;
	v0 =	vadd.f32 v0, v11;
	(pc) =	sbr.rel @!p6 .LBB2_23-.Ltmp13, $4  }
0x251: {  	v6 =	vadd.f32 v7, v10;
	[tilespmem:$0x1FD40] =	vst v4;
	v4 =	vpop (erf)  }
0x252: {  	s25 =	sor.u32 $0x210, s19;
	[tilespmem:$0x1FD30] =	vst v0;
	v0 =	vadd.f32 v3, v4  }
0x253: {  	s26 =	sor.u32 $0x200, s19;
	v7 =	vld [tilespmem:s25+$0x0];
	v11 =	vmax.f32 v19, v15;
	[tilespmem:$0x1FD10] =	vst v6  }
0x254: {  	p2 =	por !p1, !p1;
	v27 =	vsub.f32 v19, v11;
	v18 =	vsub.f32 v15, v11;
	v3 =	vmax.f32 v53, v2;
	[tilespmem:$0x1FD20] =	vst v0;
	v0 =	vld [tilespmem:s26+$0x0]  }
0x255: {  	s20 =	simm.s32 $0x1  }
0x256: {  	s20 =	simm.s32 @!p2 $0x0  }
0x257: {  	s20 =	sshll.u32 s20, $0x6  }
0x258: {  	v2 =	vsub.f32 v2, v3;
	s20 =	sadd.s32 $0x200, s20  }
0x259: {  	v6 =	vmul.f32 $1.442695020e+00, v27;
	s21 =	sor.u32 $0x230, s20  }
0x25a: {  	v4 =	vsub.f32 v53, v3;
	v13 =	vmul.f32 $1.442695020e+00, v2;
	v8 =	vmax.f32 v48, v0;
	s22 =	sor.u32 $0x220, s20;
	v16 =	vld [tilespmem:s21+$0x0]  }
0x25b: {  	v15 =	vmul.f32 $1.442695020e+00, v18;
	(erf) = vpow2.f32 v6;
	v10 =	vsub.f32 v48, v8;
	v2 =	vld [tilespmem:s22+$0x0]  }
0x25c: {  	p3 =	por $0x1, $0x1;
	v4 =	vmul.f32 $1.442695020e+00, v4;
	v6 =	vmax.f32 v51, v7;
	(erf) = vpow2.f32 v13  }
.Ltmp14:
0x25d: {  	v0 =	vsub.f32 v0, v8;
	(erf) = vpow2.f32 v15;
	v10 =	vmul.f32 $1.442695020e+00, v10;
	(pc) =	sbr.rel @!p3 .LBB2_25-.Ltmp14, $4  }
0x25e: {  	(erf) = vpow2.f32 v4;
	v4 =	vsub.f32 v7, v6  }
0x25f: {  	s26 =	sor.u32 $0x210, s20;
	v20 =	vsub.f32 v51, v6;
	(erf) = vpow2.f32 v10;
	v10 =	vmul.f32 $1.442695020e+00, v0  }
0x260: {  	s20 =	sor.u32 $0x200, s20;
	v7 =	vld [tilespmem:s26+$0x0];
	v29 =	vmul.f32 $1.442695020e+00, v4;
	v53 =	vmax.f32 v3, v2;
	v19 =	vmax.f32 v11, v16  }
0x261: {  	p0 =	por !p2, !p2;
	p4 =	por $0x1, $0x1;
	v0 =	vld [tilespmem:s20+$0x0];
	v27 =	vsub.f32 v11, v19;
	v18 =	vsub.f32 v16, v19;
	(erf) = vpow2.f32 v10  }
0x262: {  	s20 =	simm.s32 $0x1  }
0x263: {  	v2 =	vsub.f32 v2, v53;
	s20 =	simm.s32 @!p0 $0x0  }
0x264: {  	v4 =	vmul.f32 $1.442695020e+00, v27;
	s20 =	sshll.u32 s20, $0x6  }
0x265: {  	(erf) = vpow2.f32 v29;
	v2 =	vmul.f32 $1.442695020e+00, v2;
	s21 =	sadd.s32 $0x400, s20  }
0x266: {  	v10 =	vsub.f32 v3, v53;
	v13 =	vmul.f32 $1.442695020e+00, v20;
	v11 =	vpop (erf);
	(erf) = vpow2.f32 v4;
	s20 =	sor.u32 $0x230, s21  }
0x267: {  	v15 =	vmul.f32 $1.442695020e+00, v18;
	v3 =	vpop (erf);
	v48 =	vmax.f32 v8, v0;
	(erf) = vpow2.f32 v2;
	v18 =	vld [tilespmem:s20+$0x0]  }
0x268: {  	s22 =	sor.u32 $0x220, s21;
	(erf) = vpow2.f32 v13;
	v0 =	vsub.f32 v0, v48;
	v13 =	vld [tilespmem:$0x1FCD0]  }
0x269: {  	v51 =	vmax.f32 v6, v7;
	v2 =	vld [tilespmem:s22+$0x0]  }
0x26a: {  	v20 =	vsub.f32 v6, v51;
	v8 =	vsub.f32 v8, v48;
	v6 =	vmul.f32 $1.442695020e+00, v0;
	v0 =	vld [tilespmem:$0x1FD00]  }
0x26b: {  	v16 =	vmul.f32 $1.442695020e+00, v10  }
0x26c: {  	p3 =	por $0x1, $0x1;
	v4 =	vpop (erf);
	(erf) = vpow2.f32 v15;
	v8 =	vmul.f32 $1.442695020e+00, v8  }
.Ltmp15:
0x26d: {  	v10 =	vpop (erf);
	(erf) = vpow2.f32 v16;
	v13 =	vmul.f32 v11, v13;
	v11 =	vsub.f32 v7, v51;
	(pc) =	sbr.rel @!p3 .LBB2_27-.Ltmp15, $4  }
0x26e: {  	v25 =	vld [tilespmem:$0x1FCE0];
	s23 =	sor.u32 $0x200, s21;
	v15 =	vpop (erf);
	(erf) = vpow2.f32 v8  }
0x26f: {  	v34 =	vmax.f32 v53, v2;
	v32 =	vmax.f32 v19, v18;
	v16 =	vmul.f32 v15, v0;
	v0 =	vld [tilespmem:s23+$0x0]  }
0x270: {  	p6 =	por !p0, !p0;
	v22 =	vld [tilespmem:$0x1FCF0];
	s26 =	sor.u32 $0x210, s21;
	v27 =	vsub.f32 v19, v32;
	v18 =	vsub.f32 v18, v32;
	v8 =	vmov v48;
	v15 =	vpop (erf)  }
0x271: {  	p5 =	por $0x1, $0x1;
	s21 =	simm.s32 $0x400;
	s20 =	simm.s32 $0xC0;
	v7 =	vld [tilespmem:s26+$0x0];
	v29 =	vmul.f32 $1.442695020e+00, v11;
	(erf) = vpow2.f32 v6;
	v6 =	vmov v51;
	v11 =	vpop (erf)  }
.LBB2_28:
0x272: {  	s22 =	simm.s32 $0x1  }
0x273: {  	p0 =	sne.s32 s20, $0x7C0;
	s20 =	sadd.s32 $0x40, s20;
	v19 =	vsub.f32 v53, v34;
	v2 =	vsub.f32 v2, v34;
	v20 =	vmul.f32 $1.442695020e+00, v20;
	v36 =	vpop (erf);
	s22 =	simm.s32 @!p6 $0x0  }
0x274: {  	v48 =	vmax.f32 v48, v0;
	s21 =	sadd.s32 $0x200, s21;
	v27 =	vmul.f32 $1.442695020e+00, v27;
	s22 =	sshll.u32 s22, $0x6;
	(erf) = vpow2.f32 v29;
	v29 =	vpop (erf)  }
0x275: {  	v8 =	vsub.f32 v8, v48;
	v18 =	vmul.f32 $1.442695020e+00, v18;
	v2 =	vmul.f32 $1.442695020e+00, v2;
	s22 =	sadd.s32 s22, s21;
	v37 =	vpop (erf)  }
0x276: {  	v13 =	vadd.f32 v13, v4;
	v19 =	vmul.f32 $1.442695020e+00, v19;
	s23 =	sor.u32 $0x200, s22;
	s24 =	sor.u32 $0x210, s22;
	s25 =	sor.u32 $0x230, s22;
	(erf) = vpow2.f32 v27;
	v4 =	vpop (erf)  }
0x277: {  	v16 =	vadd.f32 v16, v15;
	v15 =	vmul.f32 v10, v25;
	s22 =	sor.u32 $0x220, s22;
	v39 =	vld [tilespmem:s25+$0x0];
	(erf) = vpow2.f32 v2;
	v10 =	vpop (erf)  }
0x278: {  	v40 =	vsub.f32 v0, v48;
	v27 =	vmul.f32 $1.442695020e+00, v8;
	v2 =	vld [tilespmem:s22+$0x0];
	v42 =	vpop (erf);
	(erf) = vpow2.f32 v20  }
0x279: {  	v25 =	vadd.f32 v15, v3;
	v3 =	vmovc v29;
	v8 =	vmovc v48;
	v44 =	vld [tilespmem:s24+$0x0];
	(erf) = vpow2.f32 v18;
	v18 =	vmul.f32 v37, v22  }
.Ltmp16:
0x27a: {  	v51 =	vmax.f32 v51, v7;
	v53 =	vmovc v34;
	v13 =	vmul.f32 v36, v13;
	v0 =	vld [tilespmem:s23+$0x0];
	(erf) = vpow2.f32 v19;
	v19 =	vmovc v32;
	(pc) =	sbr.rel @p0 .LBB2_28-.Ltmp16, $4  }
0x27b: {  	v20 =	vsub.f32 v6, v51;
	v37 =	vsub.f32 v7, v51;
	(erf) = vpow2.f32 v27;
	v15 =	vpop (erf)  }
0x27c: {  	v36 =	vmul.f32 $1.442695020e+00, v40;
	v6 =	vmovc v51;
	v16 =	vmul.f32 v42, v16;
	v22 =	vadd.f32 v18, v11  }
0x27d: {  	v29 =	vmul.f32 $1.442695020e+00, v37;
	v32 =	vmax.f32 v32, v39;
	v34 =	vmax.f32 v34, v2;
	v11 =	vpop (erf)  }
0x27e: {  	p6 =	por !p6, !p6;
	v27 =	vsub.f32 v19, v32;
	v18 =	vsub.f32 v39, v32;
	(erf) = vpow2.f32 v36;
	v7 =	vmovc v44  }
0x27f: {  	v36 =	vmov v53;
	v53 =	vmov v34;
	v19 =	vmov v32;
	p6 =	por $0x1, $0x1  }
.LBB2_30:
0x280: {  	v2 =	vsub.f32 v2, v53;
	v27 =	vmul.f32 $1.442695020e+00, v27  }
0x281: {  	v20 =	vmul.f32 @p4 $1.442695020e+00, v20  }
0x282: {  	v32 =	vsub.f32 v36, v53;
	(erf) = vpow2.f32 @p4 v29;
	v2 =	vmul.f32 $1.442695020e+00, v2  }
0x283: {  	v18 =	vmul.f32 $1.442695020e+00, v18;
	v48 =	vmax.f32 v48, v0;
	(erf) = vpow2.f32 v27  }
0x284: {  	v8 =	vsub.f32 v8, v48;
	v29 =	vmul.f32 $1.442695020e+00, v32;
	v27 =	vpop @p4 (erf);
	(erf) = vpow2.f32 v2  }
0x285: {  	v0 =	vsub.f32 v0, v48;
	v2 =	vmul.f32 @p5 v10, v25;
	v10 =	vpop @p4 (erf);
	(erf) = vpow2.f32 @p4 v20  }
0x286: {  	v8 =	vmul.f32 $1.442695020e+00, v8;
	v20 =	vpop @p5 (erf);
	(erf) = vpow2.f32 v18  }
0x287: {  	v51 =	vmax.f32 v51, v7;
	v0 =	vmul.f32 $1.442695020e+00, v0;
	v18 =	vpop @p4 (erf);
	(erf) = vpow2.f32 v29  }
0x288: {  	v4 =	vadd.f32 @p5 v13, v4;
	v6 =	vsub.f32 v6, v51;
	v13 =	vpop @p4 (erf);
	(erf) = vpow2.f32 v8  }
0x289: {  	v29 =	vld [tilespmem:$0x1FD00];
	v8 =	vadd.f32 @p5 v16, v15;
	v15 =	vpop @p4 (erf);
	(erf) = vpow2.f32 v0  }
0x28a: {  	v7 =	vsub.f32 v7, v51;
	v0 =	vmul.f32 $1.442695020e+00, v6;
	v6 =	vmul.f32 @p5 v20, v22;
	v22 =	vld [tilespmem:$0x1FCD0]  }
0x28b: {  	v20 =	vld [tilespmem:$0x1FCE0]  }
0x28c: {  	v7 =	vmul.f32 $1.442695020e+00, v7  }
0x28d: {  	v16 =	vpop @p4 (erf)  }
0x28e: {  	v25 =	vld [tilespmem:$0x1FCF0];
	v2 =	vadd.f32 @p5 v2, v3;
	(erf) = vpow2.f32 v7;
	v7 =	vpsel p5, v8, v29;
	v8 =	vpop @p4 (erf)  }
0x28f: {  	(erf) = vpow2.f32 v0;
	v0 =	vpop (erf);
	v4 =	vpsel p5, v4, v22  }
0x290: {  	v6 =	vadd.f32 @p5 v6, v11;
	v11 =	vpop (erf);
	v2 =	vpsel p5, v2, v20;
	v3 =	vmul.f32 @p4 v27, v4  }
0x291: {  	v13 =	vpsel p4, v13, v0;
	v4 =	vmul.f32 @p4 v15, v7;
	v7 =	vmovc @p4 v10;
	v10 =	vpsel p4, v18, v0  }
0x292: {  	v15 =	vpsel p4, v16, v0;
	v16 =	vpop @p4 (erf);
	v2 =	vmul.f32 @p4 v13, v2;
	v3 =	vpsel p4, v3, v0  }
0x293: {  	v6 =	vpsel p5, v6, v25;
	v18 =	vpop (erf);
	v7 =	vpsel p4, v7, v0;
	v3 =	vadd.f32 @p4 v3, v10  }
0x294: {  	v6 =	vmul.f32 @p4 v16, v6;
	v4 =	vpsel p4, v4, v0;
	v2 =	vadd.f32 @p4 v2, v7;
	v10 =	vpop (erf)  }
0x295: {  	v8 =	vpsel p4, v8, v0;
	v4 =	vadd.f32 @p4 v4, v15;
	v13 =	vpop (erf);
	v3 =	vpsel p4, v3, v22  }
0x296: {  	s20 =	sor.u32 $0x2B0, s19;
	v6 =	vadd.f32 @p4 v6, v8;
	v2 =	vpsel p4, v2, v20;
	v7 =	vpop (erf);
	v3 =	vmul.f32 v0, v3  }
0x297: {  	s21 =	sor.u32 $0x2A0, s19;
	v8 =	vld [tilespmem:s20+$0x0];
	v4 =	vpsel p4, v4, v29;
	v2 =	vmul.f32 v10, v2;
	v15 =	vpop (erf)  }
0x298: {  	v6 =	vpsel p4, v6, v25;
	v0 =	vld [tilespmem:s21+$0x0];
	v4 =	vmul.f32 v13, v4;
	v13 =	vpop (erf);
	v3 =	vadd.f32 v3, v18  }
.Ltmp17:
0x299: {  	v2 =	vadd.f32 v2, v11;
	v6 =	vmul.f32 v13, v6;
	(pc) =	sbr.rel @!p6 .LBB2_31-.Ltmp17, $4  }
0x29a: {  	[tilespmem:$0x1FCD0] =	vst v3;
	v3 =	vadd.f32 v4, v7  }
0x29b: {  	[tilespmem:$0x1FCE0] =	vst v2;
	v2 =	vadd.f32 v6, v15  }
0x29c: {  	s26 =	sor.u32 $0x290, s19;
	v4 =	vmax.f32 v45, v8;
	[tilespmem:$0x1FD00] =	vst v3  }
0x29d: {  	s19 =	sor.u32 $0x280, s19;
	v34 =	vsub.f32 v45, v4;
	v20 =	vsub.f32 v8, v4;
	[tilespmem:$0x1FCF0] =	vst v2;
	v2 =	vld [tilespmem:s26+$0x0];
	v3 =	vmax.f32 v38, v0  }
0x29e: {  	s20 =	simm.s32 $0x1  }
0x29f: {  	s20 =	simm.s32 @!p2 $0x0  }
0x2a0: {  	s20 =	sshll.u32 s20, $0x6  }
0x2a1: {  	v6 =	vld [tilespmem:s19+$0x0];
	v7 =	vsub.f32 v38, v3;
	s20 =	sadd.s32 $0x200, s20  }
0x2a2: {  	v8 =	vmul.f32 $1.442695020e+00, v34;
	s25 =	sor.u32 $0x2B0, s20  }
0x2a3: {  	v13 =	vsub.f32 v0, v3;
	v7 =	vmul.f32 $1.442695020e+00, v7;
	v27 =	vmax.f32 v5, v2;
	s21 =	sor.u32 $0x2A0, s20;
	v11 =	vld [tilespmem:s25+$0x0]  }
0x2a4: {  	p3 =	por $0x1, $0x1;
	v10 =	vmul.f32 $1.442695020e+00, v20;
	(erf) = vpow2.f32 v8;
	v5 =	vsub.f32 v5, v27;
	v0 =	vld [tilespmem:s21+$0x0]  }
.Ltmp18:
0x2a5: {  	v15 =	vmul.f32 $1.442695020e+00, v13;
	(erf) = vpow2.f32 v7;
	(pc) =	sbr.rel @!p3 .LBB2_33-.Ltmp18, $4  }
0x2a6: {  	v2 =	vsub.f32 v2, v27;
	v18 =	vmax.f32 v17, v6;
	v5 =	vmul.f32 $1.442695020e+00, v5  }
0x2a7: {  	(erf) = vpow2.f32 v15;
	v13 =	vsub.f32 v17, v18;
	v22 =	vsub.f32 v6, v18  }
0x2a8: {  	s26 =	sor.u32 $0x290, s20;
	v29 =	vmul.f32 $1.442695020e+00, v2;
	(erf) = vpow2.f32 v5;
	v45 =	vmax.f32 v4, v11  }
0x2a9: {  	p0 =	por !p2, !p2;
	p2 =	por $0x1, $0x1;
	s19 =	sor.u32 $0x280, s20;
	v2 =	vld [tilespmem:s26+$0x0];
	v38 =	vmax.f32 v3, v0;
	v34 =	vsub.f32 v4, v45;
	v20 =	vsub.f32 v11, v45  }
0x2aa: {  	s20 =	simm.s32 $0x1  }
0x2ab: {  	s20 =	simm.s32 @!p0 $0x0  }
0x2ac: {  	(erf) = vpow2.f32 v29;
	v6 =	vmul.f32 $1.442695020e+00, v22;
	s20 =	sshll.u32 s20, $0x6  }
0x2ad: {  	v3 =	vsub.f32 v3, v38;
	v11 =	vmul.f32 $1.442695020e+00, v13;
	v7 =	vld [tilespmem:s19+$0x0];
	(erf) = vpow2.f32 v10;
	s20 =	sadd.s32 $0x400, s20  }
0x2ae: {  	v8 =	vsub.f32 v0, v38;
	(erf) = vpow2.f32 v6;
	v6 =	vld [tilespmem:$0x1FC90];
	v5 =	vmax.f32 v27, v2;
	s25 =	sor.u32 $0x2B0, s20  }
0x2af: {  	v4 =	vmul.f32 $1.442695020e+00, v34;
	v15 =	vmul.f32 $1.442695020e+00, v20;
	s21 =	sor.u32 $0x2A0, s20;
	v10 =	vld [tilespmem:s25+$0x0];
	v2 =	vsub.f32 v2, v5  }
0x2b0: {  	v13 =	vmul.f32 $1.442695020e+00, v3;
	v8 =	vmul.f32 $1.442695020e+00, v8;
	v20 =	vsub.f32 v27, v5;
	v0 =	vld [tilespmem:s21+$0x0]  }
0x2b1: {  	p4 =	por $0x1, $0x1;
	v16 =	vpop (erf);
	(erf) = vpow2.f32 v4;
	v29 =	vmul.f32 $1.442695020e+00, v2;
	v2 =	vld [tilespmem:$0x1FCB0]  }
.Ltmp19:
0x2b2: {  	v3 =	vpop (erf);
	(erf) = vpow2.f32 v13;
	v17 =	vmax.f32 v18, v7;
	v20 =	vmul.f32 $1.442695020e+00, v20;
	(pc) =	sbr.rel @!p4 .LBB2_35-.Ltmp19, $4  }
0x2b3: {  	v4 =	vpop (erf);
	v13 =	vsub.f32 v18, v17;
	(erf) = vpow2.f32 v8  }
0x2b4: {  	v22 =	vsub.f32 v7, v17;
	v6 =	vmul.f32 v16, v6;
	v16 =	vpop (erf);
	(erf) = vpow2.f32 v20  }
0x2b5: {  	s26 =	sor.u32 $0x290, s20;
	v8 =	vpop (erf);
	v36 =	vmax.f32 v38, v0;
	v18 =	vmax.f32 v45, v10;
	(erf) = vpow2.f32 v11  }
0x2b6: {  	p3 =	por $0x1, $0x1;
	p0 =	por !p0, !p0;
	s19 =	sor.u32 $0x280, s20;
	v34 =	vsub.f32 v45, v18;
	v20 =	vsub.f32 v10, v18;
	v7 =	vmul.f32 v16, v2;
	v2 =	vld [tilespmem:s26+$0x0]  }
0x2b7: {  	_ =	sdelay $0x1  }
0x2b8: {  	v16 =	vsub.f32 v38, v36;
	v27 =	vmul.f32 $1.442695020e+00, v13;
	(erf) = vpow2.f32 v29  }
0x2b9: {  	s20 =	simm.s32 $0x1;
	v29 =	vsub.f32 v0, v36;
	v10 =	vmul.f32 $1.442695020e+00, v20;
	v20 =	vmul.f32 $1.442695020e+00, v22  }
0x2ba: {  	v25 =	vpop (erf);
	s20 =	simm.s32 @!p0 $0x0;
	v13 =	vmul.f32 $1.442695020e+00, v34;
	(erf) = vpow2.f32 v15;
	v37 =	vmax.f32 v5, v2  }
0x2bb: {  	v0 =	vld [tilespmem:$0x1FCA0];
	v11 =	vpop (erf);
	s20 =	sshll.u32 s20, $0x6;
	v22 =	vmul.f32 $1.442695020e+00, v16;
	(erf) = vpow2.f32 v20;
	v5 =	vsub.f32 v5, v37  }
0x2bc: {  	v15 =	vadd.f32 v6, v25;
	s22 =	sadd.s32 $0x600, s20;
	v25 =	vpop (erf);
	v20 =	vmul.f32 $1.442695020e+00, v29;
	(erf) = vpow2.f32 v13  }
0x2bd: {  	v61 =	vld [tilespmem:s19+$0x0];
	s26 =	sor.u32 $0x2B0, s22;
	v16 =	vpop (erf);
	(erf) = vpow2.f32 v22;
	v5 =	vmul.f32 $1.442695020e+00, v5  }
0x2be: {  	v15 =	vmul.f32 v25, v15;
	v47 =	vld [tilespmem:s26+$0x0];
	v25 =	vpop (erf);
	(erf) = vpow2.f32 v20  }
0x2bf: {  	s20 =	sor.u32 $0x2A0, s22;
	v2 =	vsub.f32 v2, v37;
	v42 =	vpop (erf);
	(erf) = vpow2.f32 v5;
	v5 =	vld [tilespmem:$0x1FCC0]  }
0x2c0: {  	v32 =	vmul.f32 v3, v0;
	v0 =	vld [tilespmem:s20+$0x0]  }
0x2c1: {  	p5 =	por $0x1, $0x1;
	v39 =	vadd.f32 v7, v8  }
.Ltmp20:
0x2c2: {  	v44 =	vmax.f32 v17, v61;
	(pc) =	sbr.rel @!p5 .LBB2_37-.Ltmp20, $4  }
0x2c3: {  	s23 =	sor.u32 $0x290, s22;
	v13 =	vsub.f32 v17, v44;
	v29 =	vmul.f32 $1.442695020e+00, v2;
	v2 =	vpop (erf)  }
0x2c4: {  	v22 =	vsub.f32 v61, v44;
	v32 =	vadd.f32 v32, v4;
	v40 =	vmul.f32 v2, v5;
	v2 =	vld [tilespmem:s23+$0x0]  }
0x2c5: {  	s21 =	simm.s32 $0x600;
	p4 =	por !p0, !p0;
	v42 =	vmul.f32 v42, v39;
	v38 =	vmax.f32 v36, v0;
	v45 =	vmax.f32 v18, v47;
	v39 =	vpop (erf)  }
0x2c6: {  	p1 =	por $0x1, $0x1;
	s19 =	sor.u32 $0x280, s22;
	s20 =	simm.s32 $0x100;
	(erf) = vpow2.f32 v27;
	v27 =	vmovc v37;
	v34 =	vsub.f32 v18, v45;
	v20 =	vsub.f32 v47, v45;
	v18 =	vmovc v44  }
.LBB2_38:
0x2c7: {  	s22 =	simm.s32 $0x1  }
0x2c8: {  	p0 =	sne.s32 s20, $0x7C0;
	s20 =	sadd.s32 $0x40, s20;
	v5 =	vsub.f32 v36, v38;
	v17 =	vmul.f32 $1.442695020e+00, v13;
	(erf) = vpow2.f32 v29;
	v13 =	vpop (erf);
	s22 =	simm.s32 @!p4 $0x0  }
0x2c9: {  	v37 =	vmax.f32 v37, v2;
	s21 =	sadd.s32 $0x200, s21;
	v36 =	vmovc v38;
	v47 =	vmovc v45;
	v29 =	vmul.f32 $1.442695020e+00, v34;
	v34 =	vadd.f32 v40, v11;
	s22 =	sshll.u32 s22, $0x6  }
0x2ca: {  	v22 =	vmul.f32 $1.442695020e+00, v22;
	v42 =	vadd.f32 v42, v39;
	v20 =	vmul.f32 $1.442695020e+00, v20;
	s22 =	sadd.s32 s22, s21;
	v40 =	vld [tilespmem:s19+$0x0];
	v11 =	vpop (erf)  }
0x2cb: {  	v39 =	vpop (erf);
	(erf) = vpow2.f32 v10;
	v10 =	vadd.f32 v15, v13  }
0x2cc: {  	v5 =	vmul.f32 $1.442695020e+00, v5;
	s19 =	sor.u32 $0x280, s22;
	s23 =	sor.u32 $0x290, s22;
	s24 =	sor.u32 $0x2B0, s22;
	v13 =	vsub.f32 v27, v37;
	v27 =	vsub.f32 v0, v38  }
0x2cd: {  	v32 =	vmul.f32 v16, v32;
	s22 =	sor.u32 $0x2A0, s22;
	v52 =	vld [tilespmem:s24+$0x0];
	v16 =	vpop (erf);
	v15 =	vmul.f32 v39, v10  }
0x2ce: {  	v57 =	vsub.f32 v2, v37;
	v0 =	vld [tilespmem:s22+$0x0];
	(erf) = vpow2.f32 v22;
	v60 =	vpop (erf);
	v22 =	vmul.f32 $1.442695020e+00, v27  }
0x2cf: {  	v32 =	vadd.f32 v32, v25;
	v25 =	vmul.f32 $1.442695020e+00, v13;
	v2 =	vld [tilespmem:s23+$0x0];
	(erf) = vpow2.f32 v29;
	v61 =	vpop (erf)  }
.Ltmp21:
0x2d0: {  	v44 =	vmax.f32 v44, v40;
	(erf) = vpow2.f32 v5;
	v27 =	vmovc v37;
	v10 =	vmov v20;
	(pc) =	sbr.rel @p0 .LBB2_38-.Ltmp21, $4  }
0x2d1: {  	v29 =	vmul.f32 $1.442695020e+00, v57;
	v13 =	vsub.f32 v18, v44;
	(erf) = vpow2.f32 v22;
	v5 =	vpop (erf)  }
0x2d2: {  	v22 =	vsub.f32 v40, v44;
	(erf) = vpow2.f32 v25;
	v39 =	vpop (erf);
	v40 =	vmul.f32 v5, v34  }
0x2d3: {  	v42 =	vmul.f32 v61, v42;
	v45 =	vmax.f32 v45, v52;
	v25 =	vmovc v60;
	v38 =	vmax.f32 v38, v0  }
0x2d4: {  	p4 =	por !p4, !p4;
	v18 =	vmovc v44;
	v34 =	vsub.f32 v47, v45;
	v20 =	vsub.f32 v52, v45;
	(erf) = vpow2.f32 v17  }
0x2d5: {  	v47 =	vmov v36;
	v5 =	vmov v37;
	v17 =	vmov v44  }
.LBB2_40:
0x2d6: {  	v36 =	vsub.f32 v47, v38;
	v22 =	vmul.f32 @p2 $1.442695020e+00, v22  }
0x2d7: {  	(erf) = vpow2.f32 @p2 v29;
	v5 =	vmax.f32 v5, v2;
	v29 =	vmul.f32 $1.442695020e+00, v34  }
0x2d8: {  	v0 =	vsub.f32 v0, v38;
	v52 =	vld [tilespmem:s19+$0x0];
	(erf) = vpow2.f32 @p2 v10;
	v36 =	vmul.f32 $1.442695020e+00, v36  }
0x2d9: {  	v13 =	vmul.f32 @p2 $1.442695020e+00, v13;
	v10 =	vpop @p3 (erf);
	v27 =	vsub.f32 v27, v5;
	(erf) = vpow2.f32 @p2 v22  }
0x2da: {  	v16 =	vmul.f32 @p3 v16, v32;
	v2 =	vsub.f32 v2, v5;
	v22 =	vpop @p3 (erf);
	(erf) = vpow2.f32 v29  }
0x2db: {  	v57 =	vld [tilespmem:$0x1FCC0];
	v0 =	vmul.f32 $1.442695020e+00, v0;
	v27 =	vmul.f32 $1.442695020e+00, v27;
	v29 =	vpop @p2 (erf)  }
0x2dc: {  	v11 =	vadd.f32 @p1 v40, v11;
	v60 =	vld [tilespmem:$0x1FC90];
	v2 =	vmul.f32 $1.442695020e+00, v2;
	(erf) = vpow2.f32 v36;
	v36 =	vpop @p2 (erf)  }
0x2dd: {  	v61 =	vld [tilespmem:$0x1FCB0];
	v17 =	vmax.f32 v17, v52;
	(erf) = vpow2.f32 v0;
	v0 =	vmul.f32 $1.442695020e+00, v20;
	v20 =	vpop @p2 (erf)  }
0x2de: {  	v10 =	vadd.f32 @p3 v15, v10;
	v18 =	vsub.f32 v18, v17;
	(erf) = vpow2.f32 v27;
	v37 =	vpop @p2 (erf)  }
0x2df: {  	v34 =	vsub.f32 v52, v17;
	v27 =	vadd.f32 @p3 v42, v39;
	(erf) = vpow2.f32 @p2 v13;
	v13 =	vpop @p3 (erf)  }
0x2e0: {  	v11 =	vpsel p1, v11, v57;
	v15 =	vmul.f32 $1.442695020e+00, v18;
	(erf) = vpow2.f32 v2;
	v32 =	vpop @p2 (erf)  }
0x2e1: {  	v11 =	vmul.f32 @p3 v13, v11;
	v13 =	vmul.f32 $1.442695020e+00, v34;
	v2 =	vpop @p2 (erf)  }
0x2e2: {  	v18 =	vpop @p2 (erf);
	(erf) = vpow2.f32 v0;
	v0 =	vpsel p3, v10, v60;
	v10 =	vpsel p3, v27, v61  }
0x2e3: {  	v27 =	vpop (erf);
	(erf) = vpow2.f32 v13;
	v13 =	vpsel p3, v22, v0;
	v11 =	vpsel p3, v11, v0  }
0x2e4: {  	v11 =	vadd.f32 @p3 v11, v13;
	_ =	sdelay $0x1  }
0x2e5: {  	v10 =	vmul.f32 @p2 v37, v10;
	_ =	sdelay $0x1  }
0x2e6: {  	v7 =	vpsel p2, v10, v7;
	v10 =	vpsel p3, v11, v57;
	v11 =	vmov @p2 v20;
	v20 =	vld [tilespmem:$0x1FCA0]  }
0x2e7: {  	v22 =	vpop (erf)  }
0x2e8: {  	v0 =	vmul.f32 @p2 v29, v0;
	v13 =	vpop (erf)  }
0x2e9: {  	(erf) = vpow2.f32 v15;
	v15 =	vadd.f32 @p3 v16, v25;
	v16 =	vpop (erf)  }
0x2ea: {  	v3 =	vpsel p2, v36, v3;
	v0 =	vpsel p2, v0, v6;
	v6 =	vpop @p2 (erf)  }
0x2eb: {  	v0 =	vadd.f32 @p2 v0, v2;
	v6 =	vmul.f32 @p2 v6, v10;
	v15 =	vpsel p3, v15, v20  }
0x2ec: {  	v8 =	vpsel p2, v32, v8;
	v2 =	vmul.f32 @p2 v3, v15  }
0x2ed: {  	s19 =	simm.s32 $0x1;
	p1 =	por $0x0, $0x0;
	v4 =	vpsel p2, v11, v4;
	v6 =	vpsel p2, v6, v0;
	v3 =	vadd.f32 @p2 v7, v8  }
0x2ee: {  	s19 =	simm.s32 @!p1 $0x0;
	v8 =	vpsel p2, v18, v0;
	v0 =	vpsel p2, v0, v60;
	v4 =	vadd.f32 @p2 v2, v4  }
0x2ef: {  	s19 =	sshll.u32 s19, $0x6;
	v7 =	vpop (erf);
	v0 =	vmul.f32 v27, v0  }
0x2f0: {  	s19 =	sadd.s32 $0x0, s19;
	v10 =	vpop (erf);
	v4 =	vpsel p2, v4, v20  }
0x2f1: {  	s20 =	sor.u32 $0x330, s19;
	v0 =	vadd.f32 v0, v10;
	v4 =	vmul.f32 v22, v4  }
0x2f2: {  	v6 =	vadd.f32 @p2 v6, v8;
	v8 =	vld [tilespmem:s20+$0x0]  }
0x2f3: {  	s21 =	sor.u32 $0x320, s19;
	v3 =	vpsel p2, v3, v61;
	v11 =	vpop (erf);
	[tilespmem:$0x1FC90] =	vst v0;
	v0 =	vadd.f32 v4, v13;
	v4 =	vld [tilespmem:$0x1FC50]  }
0x2f4: {  	p6 =	por $0x1, $0x1;
	v2 =	vld [tilespmem:s21+$0x0];
	v3 =	vmul.f32 v16, v3;
	v15 =	vpop (erf);
	v6 =	vpsel p2, v6, v57  }
.Ltmp22:
0x2f5: {  	v6 =	vmul.f32 v15, v6;
	(pc) =	sbr.rel @!p6 .LBB2_41-.Ltmp22, $4  }
0x2f6: {  	v3 =	vadd.f32 v3, v7  }
0x2f7: {  	s25 =	sor.u32 $0x310, s19;
	[tilespmem:$0x1FCA0] =	vst v0;
	v0 =	vadd.f32 v6, v11  }
0x2f8: {  	s26 =	sor.u32 $0x300, s19;
	v7 =	vld [tilespmem:s25+$0x0];
	[tilespmem:$0x1FCB0] =	vst v3;
	v11 =	vmax.f32 v4, v8  }
0x2f9: {  	p2 =	por !p1, !p1;
	v3 =	vmax.f32 v26, v2;
	[tilespmem:$0x1FCC0] =	vst v0;
	v0 =	vld [tilespmem:s26+$0x0];
	v27 =	vsub.f32 v4, v11;
	v18 =	vsub.f32 v8, v11  }
0x2fa: {  	s20 =	simm.s32 $0x1  }
0x2fb: {  	s20 =	simm.s32 @!p2 $0x0  }
0x2fc: {  	s20 =	sshll.u32 s20, $0x6  }
0x2fd: {  	v2 =	vsub.f32 v2, v3;
	s20 =	sadd.s32 $0x200, s20  }
0x2fe: {  	v6 =	vmul.f32 $1.442695020e+00, v27;
	s21 =	sor.u32 $0x330, s20  }
0x2ff: {  	v4 =	vsub.f32 v26, v3;
	v13 =	vmul.f32 $1.442695020e+00, v2;
	v8 =	vmax.f32 v21, v0;
	s22 =	sor.u32 $0x320, s20;
	v16 =	vld [tilespmem:s21+$0x0]  }
0x300: {  	v15 =	vmul.f32 $1.442695020e+00, v18;
	(erf) = vpow2.f32 v6;
	v10 =	vsub.f32 v21, v8;
	v2 =	vld [tilespmem:s22+$0x0]  }
0x301: {  	p3 =	por $0x1, $0x1;
	v4 =	vmul.f32 $1.442695020e+00, v4;
	v6 =	vmax.f32 v23, v7;
	(erf) = vpow2.f32 v13  }
.Ltmp23:
0x302: {  	v0 =	vsub.f32 v0, v8;
	(erf) = vpow2.f32 v15;
	v10 =	vmul.f32 $1.442695020e+00, v10;
	(pc) =	sbr.rel @!p3 .LBB2_43-.Ltmp23, $4  }
0x303: {  	(erf) = vpow2.f32 v4;
	v4 =	vsub.f32 v7, v6  }
0x304: {  	v47 =	vld [tilespmem:$0x1FC20];
	s26 =	sor.u32 $0x310, s20;
	v20 =	vsub.f32 v23, v6;
	(erf) = vpow2.f32 v10;
	v10 =	vmul.f32 $1.442695020e+00, v0  }
0x305: {  	s20 =	sor.u32 $0x300, s20;
	v7 =	vld [tilespmem:s26+$0x0];
	v29 =	vmul.f32 $1.442695020e+00, v4;
	v26 =	vmax.f32 v3, v2;
	v22 =	vmax.f32 v11, v16  }
0x306: {  	p0 =	por !p2, !p2;
	p4 =	por $0x1, $0x1;
	v0 =	vld [tilespmem:s20+$0x0];
	v27 =	vsub.f32 v11, v22;
	v18 =	vsub.f32 v16, v22;
	(erf) = vpow2.f32 v10  }
0x307: {  	s20 =	simm.s32 $0x1  }
0x308: {  	v2 =	vsub.f32 v2, v26;
	s20 =	simm.s32 @!p0 $0x0  }
0x309: {  	v4 =	vmul.f32 $1.442695020e+00, v27;
	s20 =	sshll.u32 s20, $0x6  }
0x30a: {  	(erf) = vpow2.f32 v29;
	v2 =	vmul.f32 $1.442695020e+00, v2;
	s21 =	sadd.s32 $0x400, s20  }
0x30b: {  	v10 =	vsub.f32 v3, v26;
	v13 =	vmul.f32 $1.442695020e+00, v20;
	v11 =	vpop (erf);
	(erf) = vpow2.f32 v4;
	s20 =	sor.u32 $0x330, s21  }
0x30c: {  	v15 =	vmul.f32 $1.442695020e+00, v18;
	v3 =	vpop (erf);
	v21 =	vmax.f32 v8, v0;
	(erf) = vpow2.f32 v2;
	v18 =	vld [tilespmem:s20+$0x0]  }
0x30d: {  	s22 =	sor.u32 $0x320, s21;
	(erf) = vpow2.f32 v13;
	v0 =	vsub.f32 v0, v21;
	v13 =	vld [tilespmem:$0x1FC40]  }
0x30e: {  	v23 =	vmax.f32 v6, v7;
	v2 =	vld [tilespmem:s22+$0x0]  }
0x30f: {  	v20 =	vsub.f32 v6, v23;
	v8 =	vsub.f32 v8, v21;
	v6 =	vmul.f32 $1.442695020e+00, v0;
	v0 =	vld [tilespmem:$0x1FC80]  }
0x310: {  	v16 =	vmul.f32 $1.442695020e+00, v10  }
0x311: {  	p3 =	por $0x1, $0x1;
	v4 =	vpop (erf);
	(erf) = vpow2.f32 v15;
	v8 =	vmul.f32 $1.442695020e+00, v8  }
.Ltmp24:
0x312: {  	v10 =	vpop (erf);
	(erf) = vpow2.f32 v16;
	v13 =	vmul.f32 v11, v13;
	v11 =	vsub.f32 v7, v23;
	(pc) =	sbr.rel @!p3 .LBB2_45-.Ltmp24, $4  }
0x313: {  	v25 =	vld [tilespmem:$0x1FC60];
	s23 =	sor.u32 $0x300, s21;
	v15 =	vpop (erf);
	(erf) = vpow2.f32 v8  }
0x314: {  	s26 =	sor.u32 $0x310, s21;
	v34 =	vmax.f32 v26, v2;
	v32 =	vmax.f32 v22, v18;
	v16 =	vmul.f32 v15, v0;
	v0 =	vld [tilespmem:s23+$0x0]  }
0x315: {  	p6 =	por !p0, !p0;
	v7 =	vld [tilespmem:s26+$0x0];
	v27 =	vsub.f32 v22, v32;
	v18 =	vsub.f32 v18, v32;
	v8 =	vmov v21;
	v15 =	vpop (erf)  }
0x316: {  	p5 =	por $0x1, $0x1;
	s21 =	simm.s32 $0x400;
	s20 =	simm.s32 $0xC0;
	v22 =	vld [tilespmem:$0x1FC70];
	v29 =	vmul.f32 $1.442695020e+00, v11;
	(erf) = vpow2.f32 v6;
	v6 =	vmov v23;
	v11 =	vpop (erf)  }
.LBB2_46:
0x317: {  	s22 =	simm.s32 $0x1  }
0x318: {  	p0 =	sne.s32 s20, $0x7C0;
	s20 =	sadd.s32 $0x40, s20;
	v26 =	vsub.f32 v26, v34;
	v2 =	vsub.f32 v2, v34;
	v20 =	vmul.f32 $1.442695020e+00, v20;
	v36 =	vpop (erf);
	s22 =	simm.s32 @!p6 $0x0  }
0x319: {  	v21 =	vmax.f32 v21, v0;
	s21 =	sadd.s32 $0x200, s21;
	v27 =	vmul.f32 $1.442695020e+00, v27;
	s22 =	sshll.u32 s22, $0x6;
	(erf) = vpow2.f32 v29;
	v29 =	vpop (erf)  }
0x31a: {  	v8 =	vsub.f32 v8, v21;
	v18 =	vmul.f32 $1.442695020e+00, v18;
	v2 =	vmul.f32 $1.442695020e+00, v2;
	s22 =	sadd.s32 s22, s21;
	v37 =	vpop (erf)  }
0x31b: {  	v13 =	vadd.f32 v13, v4;
	v26 =	vmul.f32 $1.442695020e+00, v26;
	s23 =	sor.u32 $0x300, s22;
	s24 =	sor.u32 $0x310, s22;
	s25 =	sor.u32 $0x330, s22;
	(erf) = vpow2.f32 v27;
	v4 =	vpop (erf)  }
0x31c: {  	v16 =	vadd.f32 v16, v15;
	v15 =	vmul.f32 v10, v25;
	s22 =	sor.u32 $0x320, s22;
	v39 =	vld [tilespmem:s25+$0x0];
	(erf) = vpow2.f32 v2;
	v10 =	vpop (erf)  }
0x31d: {  	v40 =	vsub.f32 v0, v21;
	v27 =	vmul.f32 $1.442695020e+00, v8;
	v2 =	vld [tilespmem:s22+$0x0];
	v42 =	vpop (erf);
	(erf) = vpow2.f32 v20  }
0x31e: {  	v25 =	vadd.f32 v15, v3;
	v3 =	vmovc v29;
	v8 =	vmovc v21;
	v44 =	vld [tilespmem:s24+$0x0];
	(erf) = vpow2.f32 v18;
	v18 =	vmul.f32 v37, v22  }
.Ltmp25:
0x31f: {  	v23 =	vmax.f32 v23, v7;
	v13 =	vmul.f32 v36, v13;
	v36 =	vmovc v32;
	v0 =	vld [tilespmem:s23+$0x0];
	(erf) = vpow2.f32 v26;
	v26 =	vmovc v34;
	(pc) =	sbr.rel @p0 .LBB2_46-.Ltmp25, $4  }
0x320: {  	v52 =	vsub.f32 v7, v23;
	v20 =	vsub.f32 v6, v23;
	(erf) = vpow2.f32 v27;
	v15 =	vpop (erf)  }
0x321: {  	v6 =	vmovc v23;
	v37 =	vmul.f32 $1.442695020e+00, v40;
	v16 =	vmul.f32 v42, v16;
	v22 =	vadd.f32 v18, v11  }
0x322: {  	v29 =	vmul.f32 $1.442695020e+00, v52;
	v32 =	vmax.f32 v32, v39;
	v34 =	vmax.f32 v34, v2;
	v11 =	vpop (erf)  }
0x323: {  	p6 =	por !p6, !p6;
	v27 =	vsub.f32 v36, v32;
	v18 =	vsub.f32 v39, v32;
	(erf) = vpow2.f32 v37;
	v7 =	vmovc v44  }
0x324: {  	v36 =	vmov v26;
	v26 =	vmov v34;
	[tilespmem:$0x1FC50] =	vst v32;
	p6 =	por $0x1, $0x1  }
.LBB2_48:
0x325: {  	v2 =	vsub.f32 v2, v26;
	v27 =	vmul.f32 $1.442695020e+00, v27  }
0x326: {  	v20 =	vmul.f32 @p4 $1.442695020e+00, v20  }
0x327: {  	v32 =	vsub.f32 v36, v26;
	(erf) = vpow2.f32 @p4 v29;
	v2 =	vmul.f32 $1.442695020e+00, v2  }
0x328: {  	v18 =	vmul.f32 $1.442695020e+00, v18;
	v21 =	vmax.f32 v21, v0;
	(erf) = vpow2.f32 v27  }
0x329: {  	v8 =	vsub.f32 v8, v21;
	v29 =	vmul.f32 $1.442695020e+00, v32;
	v27 =	vpop @p4 (erf);
	(erf) = vpow2.f32 v2  }
0x32a: {  	v0 =	vsub.f32 v0, v21;
	v2 =	vmul.f32 @p5 v10, v25;
	v10 =	vpop @p4 (erf);
	(erf) = vpow2.f32 @p4 v20  }
0x32b: {  	v8 =	vmul.f32 $1.442695020e+00, v8;
	v20 =	vpop @p5 (erf);
	(erf) = vpow2.f32 v18  }
0x32c: {  	v23 =	vmax.f32 v23, v7;
	v0 =	vmul.f32 $1.442695020e+00, v0;
	v18 =	vpop @p4 (erf);
	(erf) = vpow2.f32 v29  }
0x32d: {  	v4 =	vadd.f32 @p5 v13, v4;
	v6 =	vsub.f32 v6, v23;
	v13 =	vpop @p4 (erf);
	(erf) = vpow2.f32 v8  }
0x32e: {  	v29 =	vld [tilespmem:$0x1FC80];
	v8 =	vadd.f32 @p5 v16, v15;
	v15 =	vpop @p4 (erf);
	(erf) = vpow2.f32 v0  }
0x32f: {  	v0 =	vmul.f32 $1.442695020e+00, v6;
	v6 =	vmul.f32 @p5 v20, v22;
	v22 =	vld [tilespmem:$0x1FC40]  }
0x330: {  	v7 =	vsub.f32 v7, v23  }
0x331: {  	v20 =	vld [tilespmem:$0x1FC60]  }
0x332: {  	v7 =	vmul.f32 $1.442695020e+00, v7  }
0x333: {  	v2 =	vadd.f32 @p5 v2, v3;
	v16 =	vpop @p4 (erf)  }
0x334: {  	(erf) = vpow2.f32 v7;
	v7 =	vpsel p5, v8, v29;
	v8 =	vpop @p4 (erf);
	v4 =	vpsel p5, v4, v22  }
0x335: {  	(erf) = vpow2.f32 v0;
	v0 =	vpop (erf);
	v3 =	vmul.f32 @p4 v27, v4  }
0x336: {  	v25 =	vld [tilespmem:$0x1FC70];
	v2 =	vpsel p5, v2, v20;
	v13 =	vpsel p4, v13, v0  }
0x337: {  	v4 =	vmul.f32 @p4 v15, v7;
	v7 =	vmovc @p4 v10;
	v10 =	vpsel p4, v18, v0;
	v3 =	vpsel p4, v3, v0  }
0x338: {  	v6 =	vadd.f32 @p5 v6, v11;
	v11 =	vpop (erf);
	v2 =	vmul.f32 @p4 v13, v2;
	v3 =	vadd.f32 @p4 v3, v10  }
0x339: {  	v15 =	vpsel p4, v16, v0;
	v16 =	vpop @p4 (erf);
	v7 =	vpsel p4, v7, v0;
	v4 =	vpsel p4, v4, v0  }
0x33a: {  	v18 =	vpop (erf);
	v7 =	vadd.f32 @p4 v2, v7;
	v4 =	vadd.f32 @p4 v4, v15;
	v2 =	vpsel p4, v3, v22  }
0x33b: {  	v6 =	vpsel p5, v6, v25;
	v8 =	vpsel p4, v8, v0;
	v10 =	vpop (erf);
	v0 =	vmul.f32 v0, v2  }
0x33c: {  	v6 =	vmul.f32 @p4 v16, v6;
	v13 =	vpop (erf);
	v4 =	vpsel p4, v4, v29  }
0x33d: {  	v4 =	vmul.f32 v13, v4;
	v0 =	vadd.f32 v0, v18  }
0x33e: {  	s20 =	sor.u32 $0x3B0, s19;
	v6 =	vadd.f32 @p4 v6, v8;
	v7 =	vpsel p4, v7, v20;
	v3 =	vpop (erf)  }
0x33f: {  	s21 =	sor.u32 $0x3A0, s19;
	v8 =	vld [tilespmem:s20+$0x0];
	v7 =	vmul.f32 v10, v7;
	v15 =	vpop (erf);
	[tilespmem:$0x1FC40] =	vst v0;
	v0 =	vadd.f32 v4, v3  }
0x340: {  	v6 =	vpsel p4, v6, v25;
	v2 =	vld [tilespmem:s21+$0x0];
	v13 =	vpop (erf)  }
.Ltmp26:
0x341: {  	v6 =	vmul.f32 v13, v6;
	[tilespmem:$0x1FC80] =	vst v0;
	v0 =	vadd.f32 v7, v11;
	(pc) =	sbr.rel @!p6 .LBB2_49-.Ltmp26, $4  }
0x342: {  	_ = 	snop  }
0x343: {  	s25 =	sor.u32 $0x390, s19;
	[tilespmem:$0x1FC60] =	vst v0;
	v0 =	vadd.f32 v6, v15  }
0x344: {  	s26 =	sor.u32 $0x380, s19;
	v7 =	vld [tilespmem:s25+$0x0];
	v11 =	vmax.f32 v1, v8  }
0x345: {  	v3 =	vmax.f32 v14, v2;
	v27 =	vsub.f32 v1, v11;
	v20 =	vsub.f32 v8, v11;
	[tilespmem:$0x1FC70] =	vst v0;
	v0 =	vld [tilespmem:s26+$0x0]  }
0x346: {  	s19 =	simm.s32 $0x1  }
0x347: {  	s19 =	simm.s32 @!p2 $0x0  }
0x348: {  	s19 =	sshll.u32 s19, $0x6  }
0x349: {  	v1 =	vsub.f32 v2, v3;
	v2 =	vsub.f32 v14, v3;
	s19 =	sadd.s32 $0x200, s19  }
0x34a: {  	v4 =	vmul.f32 $1.442695020e+00, v27;
	s20 =	sor.u32 $0x3B0, s19  }
0x34b: {  	v1 =	vmul.f32 $1.442695020e+00, v1;
	v13 =	vmul.f32 $1.442695020e+00, v2;
	v8 =	vmax.f32 v9, v0;
	s21 =	sor.u32 $0x3A0, s19;
	v10 =	vld [tilespmem:s20+$0x0]  }
0x34c: {  	(erf) = vpow2.f32 v4;
	v6 =	vsub.f32 v9, v8;
	v9 =	vmul.f32 $1.442695020e+00, v20;
	v2 =	vld [tilespmem:s21+$0x0]  }
0x34d: {  	p3 =	por $0x1, $0x1;
	(erf) = vpow2.f32 v1;
	v0 =	vsub.f32 v0, v8  }
.Ltmp27:
0x34e: {  	v1 =	vmul.f32 $1.442695020e+00, v6;
	(erf) = vpow2.f32 v9;
	v6 =	vmax.f32 v12, v7;
	(pc) =	sbr.rel @!p3 .LBB2_51-.Ltmp27, $4  }
0x34f: {  	(erf) = vpow2.f32 v13;
	v4 =	vsub.f32 v7, v6  }
0x350: {  	s26 =	sor.u32 $0x390, s19;
	s19 =	sor.u32 $0x380, s19;
	v9 =	vmul.f32 $1.442695020e+00, v0;
	v18 =	vsub.f32 v12, v6;
	(erf) = vpow2.f32 v1  }
0x351: {  	v0 =	vld [tilespmem:s19+$0x0];
	v14 =	vmax.f32 v3, v2;
	v1 =	vmax.f32 v11, v10;
	v29 =	vmul.f32 $1.442695020e+00, v4  }
0x352: {  	p0 =	por !p2, !p2;
	p2 =	por $0x1, $0x1;
	v7 =	vld [tilespmem:s26+$0x0];
	(erf) = vpow2.f32 v9;
	v27 =	vsub.f32 v11, v1;
	v20 =	vsub.f32 v10, v1  }
0x353: {  	s19 =	simm.s32 $0x1;
	v2 =	vsub.f32 v2, v14  }
0x354: {  	s19 =	simm.s32 @!p0 $0x0;
	v4 =	vmul.f32 $1.442695020e+00, v27  }
0x355: {  	(erf) = vpow2.f32 v29;
	s19 =	sshll.u32 s19, $0x6;
	v2 =	vmul.f32 $1.442695020e+00, v2  }
0x356: {  	v12 =	vmul.f32 $1.442695020e+00, v18;
	v11 =	vpop (erf);
	s20 =	sadd.s32 $0x400, s19;
	v9 =	vmax.f32 v8, v0;
	(erf) = vpow2.f32 v4  }
0x357: {  	v10 =	vsub.f32 v3, v14;
	v3 =	vpop (erf);
	s19 =	sor.u32 $0x3B0, s20;
	(erf) = vpow2.f32 v2;
	v0 =	vsub.f32 v0, v9  }
0x358: {  	v13 =	vmul.f32 $1.442695020e+00, v20;
	v20 =	vld [tilespmem:s19+$0x0];
	(erf) = vpow2.f32 v12;
	v12 =	vmax.f32 v6, v7  }
0x359: {  	s21 =	sor.u32 $0x3A0, s20;
	v18 =	vsub.f32 v6, v12;
	v6 =	vmul.f32 $1.442695020e+00, v0;
	v0 =	vld [tilespmem:$0x1FC30]  }
0x35a: {  	v15 =	vmul.f32 $1.442695020e+00, v10;
	v8 =	vsub.f32 v8, v9;
	v2 =	vld [tilespmem:s21+$0x0]  }
0x35b: {  	p4 =	por $0x1, $0x1;
	v4 =	vpop (erf);
	(erf) = vpow2.f32 v13;
	v13 =	vmul.f32 v11, v47;
	v11 =	vsub.f32 v7, v12  }
.Ltmp28:
0x35c: {  	v10 =	vpop (erf);
	v8 =	vmul.f32 $1.442695020e+00, v8;
	(pc) =	sbr.rel @!p4 .LBB2_53-.Ltmp28, $4  }
0x35d: {  	v25 =	vmov v62;
	s22 =	sor.u32 $0x380, s20;
	v16 =	vpop (erf);
	(erf) = vpow2.f32 v15  }
0x35e: {  	v22 =	vmov v50;
	(erf) = vpow2.f32 v8;
	v15 =	vpop (erf);
	v16 =	vmul.f32 v16, v0;
	v0 =	vld [tilespmem:s22+$0x0]  }
0x35f: {  	p3 =	por !p0, !p0;
	s26 =	sor.u32 $0x390, s20;
	v29 =	vmul.f32 $1.442695020e+00, v11;
	v34 =	vmax.f32 v14, v2;
	v32 =	vmax.f32 v1, v20;
	v11 =	vpop (erf)  }
0x360: {  	p1 =	por $0x1, $0x1;
	s20 =	simm.s32 $0x400;
	s19 =	simm.s32 $0xC0;
	v7 =	vld [tilespmem:s26+$0x0];
	(erf) = vpow2.f32 v6;
	v8 =	vmovc v9;
	v6 =	vmovc v12;
	v27 =	vsub.f32 v1, v32;
	v20 =	vsub.f32 v20, v32  }
.LBB2_54:
0x361: {  	s21 =	simm.s32 $0x1  }
0x362: {  	p0 =	sne.s32 s19, $0x7C0;
	s19 =	sadd.s32 $0x40, s19;
	v1 =	vsub.f32 v14, v34;
	v2 =	vsub.f32 v2, v34;
	v14 =	vmul.f32 $1.442695020e+00, v18;
	v18 =	vpop (erf);
	s21 =	simm.s32 @!p3 $0x0  }
0x363: {  	v9 =	vmax.f32 v9, v0;
	s20 =	sadd.s32 $0x200, s20;
	v27 =	vmul.f32 $1.442695020e+00, v27;
	s21 =	sshll.u32 s21, $0x6;
	(erf) = vpow2.f32 v29;
	v29 =	vpop (erf)  }
0x364: {  	v8 =	vsub.f32 v8, v9;
	v20 =	vmul.f32 $1.442695020e+00, v20;
	v2 =	vmul.f32 $1.442695020e+00, v2;
	s21 =	sadd.s32 s21, s20;
	v36 =	vpop (erf)  }
0x365: {  	v13 =	vadd.f32 v13, v4;
	v1 =	vmul.f32 $1.442695020e+00, v1;
	s22 =	sor.u32 $0x380, s21;
	s23 =	sor.u32 $0x390, s21;
	s24 =	sor.u32 $0x3B0, s21;
	(erf) = vpow2.f32 v27;
	v4 =	vpop (erf)  }
0x366: {  	v16 =	vadd.f32 v16, v15;
	v15 =	vmul.f32 v10, v25;
	s21 =	sor.u32 $0x3A0, s21;
	v37 =	vld [tilespmem:s24+$0x0];
	(erf) = vpow2.f32 v2;
	v10 =	vpop (erf)  }
0x367: {  	v39 =	vsub.f32 v0, v9;
	v27 =	vmul.f32 $1.442695020e+00, v8;
	v2 =	vld [tilespmem:s21+$0x0];
	v40 =	vpop (erf);
	(erf) = vpow2.f32 v14  }
0x368: {  	v25 =	vadd.f32 v15, v3;
	v3 =	vmovc v29;
	v8 =	vmovc v9;
	v42 =	vld [tilespmem:s23+$0x0];
	(erf) = vpow2.f32 v20;
	v20 =	vmul.f32 v36, v22  }
.Ltmp29:
0x369: {  	v12 =	vmax.f32 v12, v7;
	v13 =	vmul.f32 v18, v13;
	v14 =	vmovc v34;
	v0 =	vld [tilespmem:s22+$0x0];
	(erf) = vpow2.f32 v1;
	v1 =	vmovc v32;
	(pc) =	sbr.rel @p0 .LBB2_54-.Ltmp29, $4  }
0x36a: {  	v44 =	vsub.f32 v7, v12;
	v18 =	vsub.f32 v6, v12;
	(erf) = vpow2.f32 v27;
	v15 =	vpop (erf)  }
0x36b: {  	v6 =	vmovc v12;
	v36 =	vmul.f32 $1.442695020e+00, v39;
	v16 =	vmul.f32 v40, v16;
	v22 =	vadd.f32 v20, v11  }
0x36c: {  	v29 =	vmul.f32 $1.442695020e+00, v44;
	v32 =	vmax.f32 v32, v37;
	v34 =	vmax.f32 v34, v2;
	v11 =	vpop (erf)  }
0x36d: {  	p3 =	por !p3, !p3;
	v27 =	vsub.f32 v1, v32;
	v20 =	vsub.f32 v37, v32;
	(erf) = vpow2.f32 v36;
	v7 =	vmovc v42  }
0x36e: {  	v36 =	vmov v14;
	v14 =	vmov v34;
	[tilespmem:$0x1FC10] =	vst v32  }
.LBB2_56:
0x36f: {  	v2 =	vsub.f32 v2, v14;
	v27 =	vmul.f32 $1.442695020e+00, v27  }
0x370: {  	v18 =	vmul.f32 @p2 $1.442695020e+00, v18;
	v32 =	vsub.f32 v36, v14;
	(erf) = vpow2.f32 @p2 v29  }
0x371: {  	v20 =	vmul.f32 $1.442695020e+00, v20;
	v9 =	vmax.f32 v9, v0;
	v2 =	vmul.f32 $1.442695020e+00, v2  }
0x372: {  	v12 =	vmax.f32 v12, v7;
	v4 =	vadd.f32 @p1 v13, v4;
	(erf) = vpow2.f32 v27  }
0x373: {  	v8 =	vsub.f32 v8, v9;
	v29 =	vmul.f32 $1.442695020e+00, v32;
	v27 =	vpop @p2 (erf);
	(erf) = vpow2.f32 v2  }
0x374: {  	v1 =	vld [tilespmem:$0x1FC30];
	v0 =	vsub.f32 v0, v9;
	v2 =	vmul.f32 @p1 v10, v25;
	v10 =	vpop @p2 (erf);
	(erf) = vpow2.f32 @p2 v18  }
0x375: {  	v7 =	vsub.f32 v7, v12;
	v8 =	vmul.f32 $1.442695020e+00, v8;
	v18 =	vpop @p1 (erf);
	(erf) = vpow2.f32 v20  }
0x376: {  	v6 =	vsub.f32 v6, v12;
	v0 =	vmul.f32 $1.442695020e+00, v0;
	v20 =	vpop @p2 (erf);
	(erf) = vpow2.f32 v29  }
0x377: {  	v7 =	vmul.f32 $1.442695020e+00, v7;
	v13 =	vpop @p2 (erf);
	(erf) = vpow2.f32 v8;
	v8 =	vadd.f32 @p1 v16, v15  }
0x378: {  	v15 =	vpop @p2 (erf);
	(erf) = vpow2.f32 v0;
	v0 =	vmul.f32 $1.442695020e+00, v6  }
0x379: {  	v2 =	vadd.f32 @p1 v2, v3;
	v16 =	vpop @p2 (erf);
	(erf) = vpow2.f32 v7;
	v7 =	vpsel p1, v8, v1  }
0x37a: {  	v4 =	vpsel p1, v4, v47;
	v6 =	vmul.f32 @p1 v18, v22  }
0x37b: {  	v3 =	vmul.f32 @p2 v27, v4;
	v2 =	vpsel p1, v2, v62;
	v8 =	vpop @p2 (erf);
	(erf) = vpow2.f32 v0  }
0x37c: {  	v4 =	vmul.f32 @p2 v15, v7;
	v6 =	vadd.f32 @p1 v6, v11;
	v0 =	vpop (erf);
	v7 =	vmov @p2 v10  }
0x37d: {  	v10 =	vpsel p2, v20, v0;
	v11 =	vpop (erf);
	v3 =	vpsel p2, v3, v0;
	v15 =	vpsel p2, v16, v0  }
0x37e: {  	v4 =	vpsel p2, v4, v0;
	v13 =	vpsel p2, v13, v0;
	v16 =	vpop @p2 (erf);
	v3 =	vadd.f32 @p2 v3, v10  }
0x37f: {  	v6 =	vpsel p1, v6, v50;
	v7 =	vpsel p2, v7, v0;
	v4 =	vadd.f32 @p2 v4, v15;
	v18 =	vpop (erf)  }
0x380: {  	v2 =	vmul.f32 @p2 v13, v2;
	v6 =	vmul.f32 @p2 v16, v6;
	v10 =	vpop (erf);
	v3 =	vpsel p2, v3, v47  }
0x381: {  	s18 =	sadd.s32 $0x1, s18;
	v8 =	vpsel p2, v8, v0;
	v13 =	vpop (erf);
	v0 =	vmul.f32 v0, v3  }
0x382: {  	p0 =	sne.s32 s18, $0x6;
	v2 =	vadd.f32 @p2 v2, v7;
	v6 =	vadd.f32 @p2 v6, v8;
	v3 =	vpsel p2, v4, v1;
	v7 =	vpop (erf)  }
.Ltmp30:
0x383: {  	v3 =	vmul.f32 v13, v3;
	v4 =	vpop (erf);
	v0 =	vadd.f32 v0, v18;
	(pc) =	sbr.rel @p0 .LBB2_2-.Ltmp30, $4  }
.Ltmp31:
0x384: {  	v2 =	vpsel p2, v2, v62;
	v6 =	vpsel p2, v6, v50;
	v8 =	vpop (erf);
	(pc) =	sbr.rel @!p0 .LBB2_57-.Ltmp31, $4  }
0x385: {  	v2 =	vmul.f32 v10, v2;
	v6 =	vmul.f32 v8, v6;
	[tilespmem:$0x1FC20] =	vst v0;
	v0 =	vadd.f32 v3, v7  }
0x386: {  	_ = 	snop  }
0x387: {  	v50 =	vadd.f32 v2, v11;
	[tilespmem:$0x1FC30] =	vst v0;
	v1 =	vadd.f32 v6, v4  }
0x388: {  	_ = 	snop  }
.LBB2_7:
.Ltmp32:
0x389: {  	(pc) =	sbr.rel .LBB2_14-.Ltmp32, $3  }
0x38a: {  	_ =	sdelay $0x1  }
0x38b: {  	v56 =	vmov v22;
	v22 =	vld [tilespmem:$0x1FD60]  }
0x38c: {  	v54 =	vmov v25;
	v58 =	vmov v16;
	v8 =	vmov v24;
	p4 =	por $0x0, $0x0;
	v1 =	vld [tilespmem:$0x1FC10]  }
.LBB2_15:
.Ltmp33:
0x38d: {  	(pc) =	sbr.rel .LBB2_22-.Ltmp33, $2  }
0x38e: {  	_ =	sdelay $0x2  }
0x38f: {  	v35 =	vmovc v22;
	v33 =	vmov v25;
	v41 =	vmov v16;
	v8 =	vmov v59;
	v25 =	vld [tilespmem:$0x1FD20];
	p3 =	por $0x0, $0x0  }
.LBB2_23:
.Ltmp34:
0x390: {  	(pc) =	sbr.rel .LBB2_30-.Ltmp34, $3  }
0x391: {  	_ =	sdelay $0x1  }
0x392: {  	v25 =	vld [tilespmem:$0x1FCE0]  }
0x393: {  	v36 =	vmovc v53;
	v53 =	vmovc v3;
	v8 =	vmov v48;
	v22 =	vld [tilespmem:$0x1FCF0];
	v19 =	vmov v11;
	v6 =	vmov v51;
	p4 =	por $0x0, $0x0;
	p5 =	por $0x0, $0x0  }
.LBB2_31:
.Ltmp35:
0x394: {  	(pc) =	sbr.rel .LBB2_40-.Ltmp35, $2  }
0x395: {  	_ =	sdelay $0x2  }
0x396: {  	v47 =	vmovc v38;
	v38 =	vmovc v3;
	v45 =	vmov v4;
	v27 =	vmov v5;
	v32 =	vld [tilespmem:$0x1FCA0];
	v18 =	vmov v17;
	p2 =	por $0x0, $0x0;
	p3 =	por $0x0, $0x0  }
.LBB2_41:
.Ltmp36:
0x397: {  	(pc) =	sbr.rel .LBB2_48-.Ltmp36, $4  }
0x398: {  	_ = 	snop  }
0x399: {  	v25 =	vld [tilespmem:$0x1FC60]  }
0x39a: {  	v22 =	vld [tilespmem:$0x1FC70]  }
0x39b: {  	v36 =	vmovc v26;
	v26 =	vmov v3;
	v8 =	vmov v21;
	[tilespmem:$0x1FC50] =	vst v11;
	v6 =	vmov v23;
	p4 =	por $0x0, $0x0;
	p5 =	por $0x0, $0x0;
	v47 =	vld [tilespmem:$0x1FC20]  }
.LBB2_49:
.Ltmp37:
0x39c: {  	(pc) =	sbr.rel .LBB2_56-.Ltmp37, $3  }
0x39d: {  	_ =	sdelay $0x1  }
0x39e: {  	v36 =	vmov v14  }
0x39f: {  	v14 =	vmovc v3;
	v8 =	vmovc v9;
	v25 =	vmov v62;
	v22 =	vmov v50;
	[tilespmem:$0x1FC10] =	vst v11;
	v6 =	vmov v12;
	p2 =	por $0x0, $0x0  }
.LBB2_9:
.Ltmp38:
0x3a0: {  	(pc) =	sbr.rel .LBB2_14-.Ltmp38, $2  }
0x3a1: {  	_ =	sdelay $0x2  }
0x3a2: {  	v24 =	vmov v8;
	v22 =	vld [tilespmem:$0x1FD60];
	v2 =	vmov v11;
	p4 =	por $0x0, $0x0  }
.LBB2_17:
.Ltmp39:
0x3a3: {  	(pc) =	sbr.rel .LBB2_22-.Ltmp39, $2  }
0x3a4: {  	_ =	sdelay $0x2  }
0x3a5: {  	v59 =	vmov v8;
	v25 =	vld [tilespmem:$0x1FD20];
	v2 =	vmov v11  }
.LBB2_25:
.Ltmp40:
0x3a6: {  	(pc) =	sbr.rel .LBB2_30-.Ltmp40, $3  }
0x3a7: {  	_ =	sdelay $0x1  }
0x3a8: {  	v25 =	vld [tilespmem:$0x1FCE0]  }
0x3a9: {  	v36 =	vmov v3;
	v48 =	vmov v8;
	v22 =	vld [tilespmem:$0x1FCF0];
	v51 =	vmov v6;
	p5 =	por $0x0, $0x0  }
.LBB2_33:
.Ltmp41:
0x3aa: {  	(pc) =	sbr.rel .LBB2_40-.Ltmp41, $2  }
0x3ab: {  	_ =	sdelay $0x2  }
0x3ac: {  	v47 =	vmov v3;
	v5 =	vmov v27;
	v32 =	vld [tilespmem:$0x1FCA0];
	v17 =	vmov v18;
	p3 =	por $0x0, $0x0  }
.LBB2_43:
.Ltmp42:
0x3ad: {  	(pc) =	sbr.rel .LBB2_48-.Ltmp42, $3  }
0x3ae: {  	_ =	sdelay $0x1  }
0x3af: {  	v25 =	vld [tilespmem:$0x1FC60]  }
0x3b0: {  	[tilespmem:$0x1FC50] =	vst v22;
	v36 =	vmov v3;
	v21 =	vmov v8;
	v22 =	vld [tilespmem:$0x1FC70];
	v23 =	vmov v6;
	p5 =	por $0x0, $0x0  }
.LBB2_51:
.Ltmp43:
0x3b1: {  	(pc) =	sbr.rel .LBB2_56-.Ltmp43, $2  }
0x3b2: {  	_ =	sdelay $0x2  }
0x3b3: {  	[tilespmem:$0x1FC10] =	vst v1;
	v36 =	vmovc v3;
	v9 =	vmovc v8;
	v25 =	vmov v62;
	v22 =	vmov v50;
	v12 =	vmov v6  }
.LBB2_11:
.Ltmp44:
0x3b4: {  	(pc) =	sbr.rel .LBB2_14-.Ltmp44, $3  }
0x3b5: {  	_ =	sdelay $0x1  }
0x3b6: {  	v29 =	vmov v40  }
0x3b7: {  	v54 =	vmovc v34;
	v56 =	vmovc v32;
	v58 =	vmov v37;
	v8 =	vmov v24;
	v32 =	vmov v16;
	v22 =	vld [tilespmem:$0x1FD60]  }
.LBB2_19:
.Ltmp45:
0x3b8: {  	(pc) =	sbr.rel .LBB2_22-.Ltmp45, $3  }
0x3b9: {  	_ =	sdelay $0x1  }
0x3ba: {  	v34 =	vmov v40  }
0x3bb: {  	v35 =	vmovc v32;
	v33 =	vmovc v29;
	v41 =	vmov v37;
	v8 =	vmov v59;
	v29 =	vmov v16;
	v25 =	vld [tilespmem:$0x1FD20]  }
.LBB2_27:
.Ltmp46:
0x3bc: {  	(pc) =	sbr.rel .LBB2_30-.Ltmp46, $3  }
0x3bd: {  	_ =	sdelay $0x1  }
0x3be: {  	v25 =	vld [tilespmem:$0x1FCE0]  }
0x3bf: {  	v36 =	vmovc v53;
	v53 =	vmovc v34;
	v8 =	vmov v48;
	v22 =	vld [tilespmem:$0x1FCF0];
	v19 =	vmov v32;
	v6 =	vmov v51;
	p6 =	por $0x1, $0x1  }
.LBB2_35:
.Ltmp47:
0x3c0: {  	(pc) =	sbr.rel .LBB2_40-.Ltmp47, $4  }
0x3c1: {  	_ = 	snop  }
0x3c2: {  	v47 =	vmov v38  }
0x3c3: {  	v38 =	vmovc v36;
	v45 =	vmovc v18;
	v39 =	vmov v8;
	v10 =	vmov v15;
	v15 =	vmov v6  }
0x3c4: {  	v27 =	vmovc v5;
	v32 =	vld [tilespmem:$0x1FCA0];
	v16 =	vmovc v3;
	v25 =	vmov v4;
	v18 =	vmov v17;
	v42 =	vmov v7  }
.LBB2_45:
.Ltmp48:
0x3c5: {  	(pc) =	sbr.rel .LBB2_48-.Ltmp48, $3  }
0x3c6: {  	_ =	sdelay $0x1  }
0x3c7: {  	v25 =	vld [tilespmem:$0x1FC60]  }
0x3c8: {  	v36 =	vmovc v26;
	v26 =	vmov v34;
	v8 =	vmov v21;
	v22 =	vld [tilespmem:$0x1FC70];
	[tilespmem:$0x1FC50] =	vst v32;
	v6 =	vmov v23;
	p6 =	por $0x1, $0x1  }
.LBB2_53:
.Ltmp49:
0x3c9: {  	(pc) =	sbr.rel .LBB2_56-.Ltmp49, $3  }
0x3ca: {  	_ =	sdelay $0x1  }
0x3cb: {  	v36 =	vmov v14  }
0x3cc: {  	v14 =	vmovc v34;
	v8 =	vmovc v9;
	v25 =	vmov v62;
	v22 =	vmov v50;
	[tilespmem:$0x1FC10] =	vst v32;
	v6 =	vmov v12  }
.LBB2_37:
.Ltmp50:
0x3cd: {  	(pc) =	sbr.rel .LBB2_40-.Ltmp50, $2  }
0x3ce: {  	_ =	sdelay $0x2  }
0x3cf: {  	v47 =	vmovc v36;
	v5 =	vmovc v37;
	v27 =	vmov v37;
	v17 =	vmov v44;
	v18 =	vmov v44  }
.LBB2_58:
0x3d0: {  	s18 =	sshll.u32 s19, $0xE  }
0x3d1: {  	s18 =	sadd.s32 s18, s7  }
0x3d2: {  	s18 =	sshrl.u32 s18, $0x3  }
0x3d3: {  	s20 =	simm.s32 $0x0;
	s18 =	sadd.s32 s2, s18  }
0x3d4: {  	[tilespmem:s20], [sflag:$0x1] =	stream.linear.gather [hbm4b:s18+s20], $0x4000, $0x38;
	[tilespmem:$0x4100] =	vst v63  }
0x3d5: {  	_ =	swait.ge [sflag:s14], $0x4000  }
0x3d6: {  	s23 =	sand.u32 $0x40, s20;
	s20 =	sand.u32 $0x3C00, s20;
	[sflag:s14] =	ssyncset.done $0x0  }
0x3d7: {  	s21 =	sor.u32 s23, s20;
	v1 =	vld [tilespmem:$0x1FFF0];
	[sflag:s14] =	ssyncadd.s32 $0xFFFFC000  }
0x3d8: {  	v9 =	vld [tilespmem:s21+$0x10]  }
0x3d9: {  	v5 =	vld [tilespmem:s21+$0x30]  }
0x3da: {  	v12 =	vld [tilespmem:s21+$0x20]  }
0x3db: {  	s24 =	simm.s32 $0x40;
	s25 =	simm.s32 $0x200;
	v14 =	vld [tilespmem:s21+$0x0]  }
0x3dc: {  	s18 =	sand.u32 $0x40, s24;
	s20 =	sand.u32 $0x3C00, s25  }
0x3dd: {  	s20 =	sor.u32 s18, s20;
	v19 =	vmax.f32 v10, v9  }
0x3de: {  	v26 =	vld [tilespmem:s20+$0x20];
	v17 =	vmax.f32 v0, v5;
	v10 =	vsub.f32 v10, v19  }
0x3df: {  	v0 =	vsub.f32 v0, v17  }
0x3e0: {  	v30 =	vld [tilespmem:s20+$0x10];
	v21 =	vmax.f32 v13, v12;
	v24 =	vmax.f32 v1, v14;
	v10 =	vmul.f32 $1.442695020e+00, v10  }
0x3e1: {  	v23 =	vld [tilespmem:s20+$0x30];
	v5 =	vsub.f32 v5, v17;
	v13 =	vsub.f32 v13, v21;
	v0 =	vmul.f32 $1.442695020e+00, v0  }
0x3e2: {  	v9 =	vsub.f32 v9, v19;
	v28 =	vsub.f32 v1, v24;
	(erf) = vpow2.f32 v10  }
0x3e3: {  	v14 =	vsub.f32 v14, v24;
	v35 =	vmax.f32 v21, v26;
	(erf) = vpow2.f32 v0;
	v0 =	vld [tilespmem:s20+$0x0]  }
0x3e4: {  	v5 =	vmul.f32 $1.442695020e+00, v5;
	v10 =	vmul.f32 $1.442695020e+00, v9;
	v9 =	vsub.f32 v12, v21  }
0x3e5: {  	v43 =	vmax.f32 v19, v30;
	v13 =	vmul.f32 $1.442695020e+00, v13;
	v12 =	vmul.f32 $1.442695020e+00, v28  }
0x3e6: {  	s26 =	simm.s32 $0x80;
	s22 =	simm.s32 $0x400;
	v14 =	vmul.f32 $1.442695020e+00, v14;
	v28 =	vmax.f32 v17, v23;
	v31 =	vmul.f32 $1.442695020e+00, v9  }
0x3e7: {  	s22 =	sand.u32 $0x3C00, s22;
	s18 =	sand.u32 $0x40, s26;
	v9 =	vsub.f32 v17, v28;
	v17 =	vsub.f32 v23, v28;
	(erf) = vpow2.f32 v12  }
0x3e8: {  	s18 =	sor.u32 s18, s22;
	v21 =	vsub.f32 v21, v35;
	(erf) = vpow2.f32 v5;
	v12 =	vmax.f32 v24, v0  }
0x3e9: {  	v41 =	vld [tilespmem:s18+$0x30];
	v38 =	vmul.f32 $1.442695020e+00, v9;
	v9 =	vmul.f32 $1.442695020e+00, v17;
	v0 =	vsub.f32 v0, v12  }
0x3ea: {  	v1 =	vld [tilespmem:$0x1FFC0];
	v5 =	vsub.f32 v19, v43;
	(erf) = vpow2.f32 v14;
	v17 =	vmul.f32 $1.442695020e+00, v21  }
0x3eb: {  	v14 =	vsub.f32 v30, v43;
	(erf) = vpow2.f32 v10;
	v30 =	vmul.f32 $1.442695020e+00, v0;
	v0 =	vld [tilespmem:$0x1FFB0]  }
0x3ec: {  	v10 =	vmul.f32 $1.442695020e+00, v5;
	(erf) = vpow2.f32 v13  }
0x3ed: {  	v19 =	vld [tilespmem:s18+$0x10];
	v21 =	vmul.f32 $1.442695020e+00, v14;
	v14 =	vsub.f32 v26, v35;
	v23 =	vsub.f32 v24, v12  }
0x3ee: {  	v5 =	vld [tilespmem:s18+$0x20];
	(erf) = vpow2.f32 v10;
	v24 =	vpop (erf)  }
0x3ef: {  	v33 =	vmul.f32 $1.442695020e+00, v14;
	v46 =	vmul.f32 $1.442695020e+00, v23;
	v13 =	vpop (erf)  }
0x3f0: {  	v14 =	vmul.f32 v24, v1;
	v1 =	vld [tilespmem:$0x1FFD0];
	v23 =	vmul.f32 v13, v0;
	v0 =	vmax.f32 v28, v41  }
0x3f1: {  	v28 =	vsub.f32 v28, v0  }
0x3f2: {  	v10 =	vmax.f32 v43, v19;
	(erf) = vpow2.f32 v38;
	v26 =	vpop (erf)  }
0x3f3: {  	(erf) = vpow2.f32 v31;
	v13 =	vmax.f32 v35, v5;
	v45 =	vsub.f32 v41, v0;
	v41 =	vpop (erf)  }
0x3f4: {  	v24 =	vld [tilespmem:s18+$0x0];
	(erf) = vpow2.f32 v46;
	v46 =	vsub.f32 v43, v10;
	v31 =	vsub.f32 v35, v13;
	v38 =	vpop (erf)  }
0x3f5: {  	s23 =	simm.s32 $0xC0;
	s22 =	simm.s32 $0x600;
	v43 =	vmul.f32 v26, v1;
	v35 =	vmul.f32 $1.442695020e+00, v28;
	v26 =	vpop (erf);
	v28 =	vmov v12  }
.LBB2_59:
0x3f6: {  	(erf) = vpow2.f32 v9;
	v23 =	vadd.f32 v23, v41;
	v41 =	vpop (erf);
	s26 =	smov.u32 s23  }
0x3f7: {  	s24 =	sand.u32 $0x40, s23;
	s25 =	sand.u32 $0x3C00, s22;
	v9 =	vmul.f32 $1.442695020e+00, v45;
	v48 =	vmovc v33;
	v49 =	vmovc v13;
	v45 =	vmov v0;
	v50 =	vmov v10;
	s26 =	sadd.s32 $0x40, s23  }
0x3f8: {  	p0 =	sne.s32 s23, $0x7C0;
	s24 =	sor.u32 s24, s25;
	v33 =	vmul.f32 $1.442695020e+00, v46;
	v43 =	vadd.f32 v43, v38;
	(erf) = vpow2.f32 v30  }
0x3f9: {  	v12 =	vmax.f32 v12, v24;
	v30 =	vsub.f32 v19, v10;
	v38 =	vld [tilespmem:s24+$0x30];
	v46 =	vpop (erf);
	(erf) = vpow2.f32 v21  }
0x3fa: {  	v53 =	vsub.f32 v28, v12;
	v28 =	vmovc v12;
	v51 =	vld [tilespmem:s24+$0x20];
	(erf) = vpow2.f32 v17;
	v17 =	vmul.f32 $1.442695020e+00, v31  }
0x3fb: {  	v4 =	vmul.f32 v41, v4;
	v31 =	vsub.f32 v24, v12;
	v21 =	vmul.f32 $1.442695020e+00, v30;
	v19 =	vld [tilespmem:s24+$0x10];
	v54 =	vpop (erf)  }
0x3fc: {  	v1 =	vsub.f32 v5, v13;
	v53 =	vmul.f32 $1.442695020e+00, v53;
	v24 =	vld [tilespmem:s24+$0x0];
	(erf) = vpow2.f32 v33  }
0x3fd: {  	v14 =	vadd.f32 v14, v26;
	v30 =	vmul.f32 $1.442695020e+00, v31;
	v23 =	vmul.f32 v54, v23;
	v26 =	vpop (erf)  }
.Ltmp51:
0x3fe: {  	v33 =	vmul.f32 $1.442695020e+00, v1;
	(erf) = vpow2.f32 v35;
	v54 =	vpop (erf);
	v4 =	vadd.f32 v4, v26;
	(pc) =	sbr.rel @p0 .LBB2_59-.Ltmp51, $4  }
0x3ff: {  	v14 =	vmul.f32 v46, v14;
	v0 =	vmax.f32 v0, v38;
	v13 =	vmax.f32 v13, v51;
	v5 =	vmovc v51  }
0x400: {  	v1 =	vsub.f32 v45, v0;
	v45 =	vsub.f32 v38, v0;
	(erf) = vpow2.f32 v48;
	v41 =	vpop (erf)  }
0x401: {  	v10 =	vmax.f32 v10, v19;
	v31 =	vsub.f32 v49, v13;
	(erf) = vpow2.f32 v53;
	v38 =	vpop (erf)  }
0x402: {  	s22 =	sadd.s32 $0x200, s22;
	s23 =	smov.u32 s26;
	v43 =	vmul.f32 v54, v43;
	v46 =	vsub.f32 v50, v10;
	v35 =	vmul.f32 $1.442695020e+00, v1;
	v26 =	vpop (erf)  }
0x403: {  	(erf) = vpow2.f32 v9  }
0x404: {  	(erf) = vpow2.f32 v30;
	v9 =	vmul.f32 $1.442695020e+00, v46  }
0x405: {  	v1 =	vmax.f32 v12, v24;
	(erf) = vpow2.f32 v21  }
0x406: {  	v19 =	vsub.f32 v19, v10;
	v12 =	vsub.f32 v28, v1;
	(erf) = vpow2.f32 v17  }
0x407: {  	v21 =	vsub.f32 v24, v1;
	v24 =	vmul.f32 $1.442695020e+00, v45;
	v17 =	vpop (erf);
	(erf) = vpow2.f32 v9  }
0x408: {  	v12 =	vmul.f32 $1.442695020e+00, v12;
	v9 =	vpop (erf);
	(erf) = vpow2.f32 v35  }
0x409: {  	v21 =	vmul.f32 $1.442695020e+00, v21;
	v28 =	vpop (erf);
	(erf) = vpow2.f32 v33  }
0x40a: {  	v30 =	vpop (erf);
	(erf) = vpow2.f32 v12;
	v12 =	vmul.f32 $1.442695020e+00, v19  }
0x40b: {  	v19 =	vpop (erf);
	(erf) = vpow2.f32 v24;
	v24 =	vmul.f32 $1.442695020e+00, v31  }
0x40c: {  	v31 =	vpop (erf);
	(erf) = vpow2.f32 v21  }
0x40d: {  	v55 =	vadd.f32 v43, v38;
	v21 =	vpop (erf);
	(erf) = vpow2.f32 v12;
	v12 =	vadd.f32 v23, v41  }
0x40e: {  	v14 =	vadd.f32 v14, v26;
	v4 =	vmul.f32 v17, v4;
	v23 =	vpop (erf);
	(erf) = vpow2.f32 v24  }
0x40f: {  	v5 =	vsub.f32 v5, v13;
	v19 =	vmul.f32 v19, v55;
	v24 =	vpop (erf);
	v12 =	vmul.f32 v28, v12  }
0x410: {  	v26 =	vld [tilespmem:s21+$0xB0];
	v4 =	vadd.f32 v4, v30;
	v17 =	vpop (erf)  }
0x411: {  	v5 =	vmul.f32 $1.442695020e+00, v5;
	v28 =	vpop (erf);
	v12 =	vadd.f32 v12, v31  }
0x412: {  	v9 =	vmul.f32 v9, v14;
	v30 =	vld [tilespmem:s21+$0x80];
	v4 =	vmul.f32 v24, v4;
	v14 =	vpop (erf)  }
0x413: {  	(erf) = vpow2.f32 v5;
	v5 =	vadd.f32 v19, v21;
	v19 =	vpop (erf);
	v12 =	vmul.f32 v28, v12  }
0x414: {  	v9 =	vadd.f32 v9, v23;
	v4 =	vadd.f32 v4, v14;
	v21 =	vpop (erf)  }
0x415: {  	[tilespmem:$0x1FFF0] =	vst v1;
	v5 =	vmul.f32 v19, v5;
	v19 =	vmax.f32 v29, v26;
	v14 =	vpop (erf);
	v1 =	vadd.f32 v12, v21  }
0x416: {  	v23 =	vld [tilespmem:s21+$0xA0];
	v21 =	vsub.f32 v26, v19;
	v24 =	vpop (erf)  }
0x417: {  	v9 =	vmul.f32 v17, v9;
	v26 =	vmax.f32 v36, v30;
	[tilespmem:$0x1FFB0] =	vst v1;
	v17 =	vpop (erf);
	v1 =	vadd.f32 v5, v14  }
0x418: {  	v5 =	vsub.f32 v36, v26;
	v4 =	vmul.f32 v17, v4;
	v17 =	vmul.f32 $1.442695020e+00, v21  }
0x419: {  	v12 =	vld [tilespmem:s21+$0x90];
	[tilespmem:$0x1FFD0] =	vst v1;
	v1 =	vadd.f32 v9, v24  }
0x41a: {  	v14 =	vsub.f32 v29, v19;
	v21 =	vld [tilespmem:s20+$0xB0];
	v5 =	vmul.f32 $1.442695020e+00, v5  }
0x41b: {  	v9 =	vmax.f32 v60, v23;
	v24 =	vsub.f32 v30, v26;
	(erf) = vpow2.f32 v17;
	[tilespmem:$0x1FFC0] =	vst v1;
	v1 =	vld [tilespmem:$0x1FF90]  }
0x41c: {  	v14 =	vmul.f32 $1.442695020e+00, v14;
	v23 =	vsub.f32 v23, v9;
	(erf) = vpow2.f32 v5;
	v5 =	vld [tilespmem:s20+$0x80];
	v17 =	vpop (erf)  }
0x41d: {  	v4 =	vadd.f32 v4, v17;
	v17 =	vmul.f32 $1.442695020e+00, v24  }
0x41e: {  	(erf) = vpow2.f32 v14;
	v14 =	vmul.f32 $1.442695020e+00, v23  }
0x41f: {  	(erf) = vpow2.f32 v17  }
0x420: {  	v29 =	vld [tilespmem:s20+$0xA0];
	v30 =	vmax.f32 v19, v21;
	v28 =	vmax.f32 v1, v12;
	(erf) = vpow2.f32 v14  }
0x421: {  	v14 =	vsub.f32 v19, v30;
	v31 =	vmax.f32 v26, v5;
	v12 =	vsub.f32 v12, v28  }
0x422: {  	v19 =	vsub.f32 v21, v30;
	v21 =	vsub.f32 v26, v31  }
0x423: {  	v23 =	vsub.f32 v60, v9;
	v24 =	vsub.f32 v1, v28;
	v1 =	vld [tilespmem:$0x1FFA0];
	v12 =	vmul.f32 $1.442695020e+00, v12  }
0x424: {  	v17 =	vld [tilespmem:s20+$0x90];
	v21 =	vmul.f32 $1.442695020e+00, v21  }
0x425: {  	v56 =	vmax.f32 v9, v29;
	(erf) = vpow2.f32 v12;
	v12 =	vmul.f32 $1.442695020e+00, v23  }
0x426: {  	v58 =	vsub.f32 v9, v56;
	v14 =	vmul.f32 $1.442695020e+00, v14;
	v19 =	vmul.f32 $1.442695020e+00, v19;
	v9 =	vpop (erf)  }
0x427: {  	v59 =	vld [tilespmem:s18+$0xB0];
	v5 =	vsub.f32 v5, v31;
	v24 =	vmul.f32 $1.442695020e+00, v24;
	v23 =	vpop (erf);
	(erf) = vpow2.f32 v12  }
0x428: {  	v29 =	vsub.f32 v29, v56;
	(erf) = vpow2.f32 v19;
	v19 =	vmul.f32 v23, v1;
	v1 =	vld [tilespmem:$0x1FF70]  }
0x429: {  	v5 =	vmul.f32 $1.442695020e+00, v5;
	v12 =	vmax.f32 v28, v17;
	(erf) = vpow2.f32 v21;
	v21 =	vpop (erf)  }
0x42a: {  	v26 =	vld [tilespmem:s18+$0x80];
	v23 =	vsub.f32 v17, v12;
	v28 =	vsub.f32 v28, v12;
	(erf) = vpow2.f32 v14;
	v14 =	vpop (erf)  }
0x42b: {  	v17 =	vld [tilespmem:s18+$0xA0];
	(erf) = vpow2.f32 v24;
	v14 =	vadd.f32 v19, v14;
	v19 =	vmul.f32 $1.442695020e+00, v29  }
0x42c: {  	v24 =	vmul.f32 $1.442695020e+00, v28;
	v28 =	vmul.f32 $1.442695020e+00, v23  }
0x42d: {  	v29 =	vmax.f32 v30, v59;
	(erf) = vpow2.f32 v5;
	v21 =	vmul.f32 v21, v1;
	v1 =	vld [tilespmem:$0x1FF80]  }
0x42e: {  	(erf) = vpow2.f32 v19;
	v19 =	vsub.f32 v30, v29;
	v30 =	vld [tilespmem:s18+$0x90]  }
0x42f: {  	v41 =	vmul.f32 $1.442695020e+00, v58;
	v36 =	vmax.f32 v31, v26;
	v23 =	vpop (erf)  }
0x430: {  	v38 =	vsub.f32 v31, v36;
	v35 =	vsub.f32 v59, v29;
	v60 =	vmax.f32 v56, v17;
	v5 =	vpop (erf)  }
0x431: {  	(erf) = vpow2.f32 v28;
	v9 =	vadd.f32 v21, v9;
	v21 =	vsub.f32 v56, v60;
	v28 =	vpop (erf)  }
0x432: {  	s20 =	simm.s32 $0xC0;
	s18 =	simm.s32 $0x600;
	v31 =	vmul.f32 $1.442695020e+00, v19;
	v19 =	vpop (erf);
	v33 =	vmul.f32 v28, v1;
	v28 =	vmov v12;
	v1 =	vld [tilespmem:$0x1FC10]  }
.LBB2_61:
0x433: {  	v12 =	vmax.f32 v12, v30;
	v43 =	vpop (erf);
	s23 =	smov.u32 s20  }
0x434: {  	s21 =	sand.u32 $0x40, s20;
	s22 =	sand.u32 $0x3C00, s18;
	v35 =	vmul.f32 $1.442695020e+00, v35;
	(erf) = vpow2.f32 v41;
	v45 =	vmovc v60;
	v41 =	vmovc v29;
	v46 =	vmov v36;
	s23 =	sadd.s32 $0x40, s20  }
0x435: {  	p0 =	sne.s32 s20, $0x7C0;
	s21 =	sor.u32 s21, s22;
	v38 =	vmul.f32 $1.442695020e+00, v38;
	v14 =	vmul.f32 v43, v14;
	v33 =	vadd.f32 v33, v23;
	v43 =	vpop (erf)  }
0x436: {  	v11 =	vsub.f32 v26, v36;
	v49 =	vsub.f32 v30, v12;
	v48 =	vld [tilespmem:s21+$0xB0];
	(erf) = vpow2.f32 v35;
	v26 =	vpop (erf)  }
0x437: {  	v35 =	vsub.f32 v17, v60;
	v17 =	vld [tilespmem:s21+$0xA0];
	(erf) = vpow2.f32 v38;
	v30 =	vpop (erf);
	v38 =	vmul.f32 v26, v62  }
0x438: {  	v50 =	vmul.f32 $1.442695020e+00, v11;
	v26 =	vld [tilespmem:s21+$0x80];
	(erf) = vpow2.f32 v31;
	v14 =	vadd.f32 v14, v30  }
0x439: {  	v11 =	vsub.f32 v28, v12;
	v9 =	vmul.f32 v43, v9;
	v30 =	vld [tilespmem:s21+$0x90];
	(erf) = vpow2.f32 v24;
	v23 =	vpop (erf)  }
0x43a: {  	v31 =	vmul.f32 $1.442695020e+00, v35;
	v62 =	vadd.f32 v38, v5;
	(erf) = vpow2.f32 v50;
	v5 =	vpop (erf)  }
.Ltmp52:
0x43b: {  	v28 =	vmovc v12;
	v9 =	vadd.f32 v9, v19;
	v24 =	vmul.f32 $1.442695020e+00, v11;
	v38 =	vmul.f32 $1.442695020e+00, v49;
	(pc) =	sbr.rel @p0 .LBB2_61-.Ltmp52, $4  }
0x43c: {  	v29 =	vmax.f32 v29, v48;
	v60 =	vmax.f32 v60, v17;
	(erf) = vpow2.f32 v31  }
0x43d: {  	v11 =	vsub.f32 v41, v29;
	v35 =	vsub.f32 v48, v29;
	(erf) = vpow2.f32 v38;
	v43 =	vpop (erf)  }
0x43e: {  	v41 =	vmul.f32 $1.442695020e+00, v21;
	v36 =	vmax.f32 v36, v26;
	v21 =	vsub.f32 v45, v60  }
0x43f: {  	s18 =	sadd.s32 $0x200, s18;
	s20 =	smov.u32 s23;
	v38 =	vsub.f32 v46, v36;
	v31 =	vmul.f32 $1.442695020e+00, v11;
	v33 =	vmul.f32 v43, v33;
	v19 =	vpop (erf)  }
0x440: {  	v35 =	vmul.f32 $1.442695020e+00, v35  }
0x441: {  	(erf) = vpow2.f32 v41;
	v38 =	vmul.f32 $1.442695020e+00, v38  }
0x442: {  	v26 =	vsub.f32 v26, v36;
	v59 =	vmax.f32 v12, v30;
	(erf) = vpow2.f32 v35  }
0x443: {  	v12 =	vsub.f32 v17, v60;
	v30 =	vsub.f32 v30, v59;
	(erf) = vpow2.f32 v38  }
0x444: {  	v17 =	vpop (erf);
	v26 =	vmul.f32 $1.442695020e+00, v26;
	(erf) = vpow2.f32 v31  }
0x445: {  	v12 =	vmul.f32 $1.442695020e+00, v12;
	v31 =	vpop (erf);
	(erf) = vpow2.f32 v24  }
0x446: {  	v28 =	vsub.f32 v28, v59;
	v24 =	vpop (erf);
	(erf) = vpow2.f32 v26;
	v26 =	vmul.f32 $1.442695020e+00, v30  }
0x447: {  	v30 =	vpop (erf);
	(erf) = vpow2.f32 v12;
	v12 =	vmul.f32 $1.442695020e+00, v21  }
0x448: {  	v28 =	vmul.f32 $1.442695020e+00, v28  }
0x449: {  	v21 =	vpop (erf);
	(erf) = vpow2.f32 v26  }
0x44a: {  	v26 =	vpop (erf);
	(erf) = vpow2.f32 v12  }
0x44b: {  	v12 =	vpop (erf)  }
0x44c: {  	s18 =	simm.s32 $0x0;
	v23 =	vadd.f32 v33, v23;
	v24 =	vmul.f32 v24, v62;
	(erf) = vpow2.f32 v28;
	v28 =	vpop (erf)  }
0x44d: {  	s20 =	sand.u32 $0x40, s18;
	s18 =	sand.u32 $0x3C00, s18;
	v9 =	vmul.f32 v31, v9;
	v62 =	vpop (erf)  }
0x44e: {  	v14 =	vmul.f32 v17, v14;
	s18 =	sor.u32 s20, s18;
	v5 =	vadd.f32 v24, v5;
	v63 =	vpop (erf)  }
0x44f: {  	v19 =	vadd.f32 v9, v19;
	v9 =	vld [tilespmem:s18+$0x120];
	v12 =	vmul.f32 v12, v23;
	v17 =	vpop (erf)  }
0x450: {  	v14 =	vadd.f32 v14, v30;
	v24 =	vld [tilespmem:s18+$0x130];
	v23 =	vpop (erf);
	v5 =	vmul.f32 v17, v5  }
0x451: {  	v12 =	vadd.f32 v12, v21;
	v17 =	vpop (erf)  }
0x452: {  	v14 =	vmul.f32 v62, v14;
	v19 =	vmul.f32 v63, v19;
	v21 =	vpop (erf);
	v26 =	vadd.f32 v5, v26;
	v5 =	vld [tilespmem:s18+$0x110]  }
0x453: {  	p1 =	por $0x1, $0x1;
	v30 =	vpop (erf)  }
.Ltmp53:
0x454: {  	v31 =	vadd.f32 v14, v23;
	v23 =	vadd.f32 v19, v28;
	v12 =	vmul.f32 v30, v12;
	(pc) =	sbr.rel @!p1 .LBB2_63-.Ltmp53, $4  }
0x455: {  	[tilespmem:$0x1FF90] =	vst v59;
	v38 =	vmax.f32 v18, v9;
	v35 =	vmax.f32 v2, v24;
	v30 =	vpop (erf)  }
0x456: {  	v2 =	vsub.f32 v2, v35;
	[tilespmem:$0x1FF70] =	vst v23;
	v14 =	vmul.f32 v30, v26;
	v17 =	vadd.f32 v12, v17  }
0x457: {  	s21 =	simm.s32 $0x200;
	v28 =	vsub.f32 v24, v35;
	v19 =	vsub.f32 v18, v38;
	[tilespmem:$0x1FFA0] =	vst v31;
	v30 =	vmax.f32 v3, v5  }
0x458: {  	p3 =	por $0x0, $0x0;
	p2 =	por $0x0, $0x0;
	s20 =	simm.s32 $0x40;
	v12 =	vld [tilespmem:s18+$0x100];
	v62 =	vadd.f32 v14, v21;
	v14 =	vmul.f32 $1.442695020e+00, v2;
	v33 =	vsub.f32 v3, v30;
	[tilespmem:$0x1FF80] =	vst v17  }
0x459: {  	s22 =	sand.u32 $0x40, s20;
	s23 =	sand.u32 $0x3C00, s21  }
0x45a: {  	s23 =	sor.u32 s22, s23  }
0x45b: {  	v2 =	vsub.f32 v5, v30;
	v3 =	vld [tilespmem:s23+$0x130]  }
0x45c: {  	v18 =	vmul.f32 $1.442695020e+00, v33;
	v24 =	vld [tilespmem:s23+$0x120]  }
0x45d: {  	v5 =	vld [tilespmem:s23+$0x110];
	v17 =	vmul.f32 $1.442695020e+00, v2;
	v2 =	vsub.f32 v9, v38;
	v21 =	vmax.f32 v52, v12  }
0x45e: {  	v31 =	vmul.f32 $1.442695020e+00, v28;
	v45 =	vmul.f32 $1.442695020e+00, v19;
	p0 =	por $0x1, $0x1;
	v23 =	vsub.f32 v52, v21  }
.Ltmp54:
0x45f: {  	(erf) = vpow2.f32 v18;
	v43 =	vmul.f32 $1.442695020e+00, v2;
	v12 =	vsub.f32 v12, v21;
	(pc) =	sbr.rel @!p0 .LBB2_65-.Ltmp54, $4  }
0x460: {  	(erf) = vpow2.f32 v14;
	v9 =	vmul.f32 $1.442695020e+00, v23;
	v2 =	vmax.f32 v35, v3  }
0x461: {  	v23 =	vmul.f32 $1.442695020e+00, v12;
	v18 =	vmax.f32 v38, v24;
	v14 =	vsub.f32 v35, v2  }
0x462: {  	v28 =	vsub.f32 v3, v2;
	v3 =	vmax.f32 v30, v5;
	v19 =	vsub.f32 v38, v18  }
0x463: {  	p3 =	por $0x1, $0x1;
	s22 =	simm.s32 $0x80;
	v12 =	vld [tilespmem:s23+$0x100];
	s23 =	simm.s32 $0x400;
	(erf) = vpow2.f32 v9;
	v33 =	vsub.f32 v30, v3;
	v14 =	vmul.f32 $1.442695020e+00, v14  }
0x464: {  	_ =	sdelay $0x2  }
0x465: {  	s22 =	sand.u32 $0x40, s22;
	s23 =	sand.u32 $0x3C00, s23;
	(erf) = vpow2.f32 v31  }
0x466: {  	v31 =	vmul.f32 $1.442695020e+00, v28;
	s22 =	sor.u32 s22, s23;
	(erf) = vpow2.f32 v23;
	v52 =	vmax.f32 v21, v12  }
0x467: {  	v23 =	vmul.f32 $1.442695020e+00, v33;
	v28 =	vld [tilespmem:s22+$0x130];
	(erf) = vpow2.f32 v17;
	v12 =	vsub.f32 v12, v52  }
0x468: {  	v30 =	vmul.f32 $1.442695020e+00, v19;
	(erf) = vpow2.f32 v45  }
0x469: {  	v19 =	vpop (erf);
	(erf) = vpow2.f32 v23;
	v23 =	vmul.f32 $1.442695020e+00, v12;
	v12 =	vld [tilespmem:$0x1FF30];
	_ =	sdelay $0x1  }
0x46a: {  	v5 =	vsub.f32 v5, v3  }
0x46b: {  	v9 =	vld [tilespmem:s22+$0x120];
	v45 =	vmax.f32 v2, v28  }
0x46c: {  	v17 =	vmul.f32 $1.442695020e+00, v5;
	v5 =	vld [tilespmem:s22+$0x110];
	v26 =	vpop (erf);
	v2 =	vsub.f32 v2, v45  }
0x46d: {  	v21 =	vsub.f32 v21, v52;
	v26 =	vmul.f32 v26, v12;
	v12 =	vld [tilespmem:$0x1FF50]  }
0x46e: {  	v24 =	vsub.f32 v24, v18;
	p0 =	por $0x1, $0x1;
	(erf) = vpow2.f32 v14;
	v14 =	vmul.f32 $1.442695020e+00, v2;
	v2 =	vld [tilespmem:$0x1FF60]  }
.Ltmp55:
0x46f: {  	v21 =	vmul.f32 $1.442695020e+00, v21;
	(pc) =	sbr.rel @!p0 .LBB2_67-.Ltmp55, $4  }
0x470: {  	v51 =	vmul.f32 $1.442695020e+00, v24;
	(erf) = vpow2.f32 v43;
	v35 =	vpop (erf)  }
0x471: {  	v46 =	vmax.f32 v18, v9;
	v49 =	vmax.f32 v3, v5;
	v28 =	vsub.f32 v28, v45;
	v41 =	vpop (erf)  }
0x472: {  	v33 =	vsub.f32 v3, v49;
	(erf) = vpow2.f32 v21;
	v48 =	vpop (erf);
	v24 =	vmul.f32 v19, v12;
	v12 =	vld [tilespmem:s22+$0x100]  }
0x473: {  	p4 =	por $0x1, $0x1;
	s23 =	simm.s32 $0xC0;
	v38 =	vpop (erf);
	v21 =	vmov v52;
	v50 =	vmul.f32 v35, v2;
	v35 =	vld [tilespmem:$0x1FF40];
	v19 =	vsub.f32 v18, v46;
	s22 =	simm.s32 $0x600  }
.LBB2_68:
0x474: {  	(erf) = vpow2.f32 v31;
	v31 =	vmul.f32 $1.442695020e+00, v28;
	v3 =	vpop (erf);
	s26 =	smov.u32 s23  }
0x475: {  	s24 =	sand.u32 $0x40, s23;
	s25 =	sand.u32 $0x3C00, s22;
	v2 =	vadd.f32 v26, v41;
	v18 =	vmovc v51;
	v43 =	vmovc v46;
	v28 =	vmov v45;
	v53 =	vmov v49;
	s26 =	sadd.s32 $0x40, s23  }
0x476: {  	p0 =	sne.s32 s23, $0x7C0;
	s24 =	sor.u32 s24, s25;
	v26 =	vmul.f32 $1.442695020e+00, v33;
	v50 =	vadd.f32 v50, v48;
	(erf) = vpow2.f32 v23  }
0x477: {  	v52 =	vmax.f32 v52, v12;
	v23 =	vsub.f32 v5, v49;
	v33 =	vld [tilespmem:s24+$0x130];
	v41 =	vpop (erf);
	(erf) = vpow2.f32 v17  }
0x478: {  	v51 =	vsub.f32 v21, v52;
	v21 =	vmovc v52;
	v48 =	vld [tilespmem:s24+$0x120];
	(erf) = vpow2.f32 v30;
	v30 =	vmul.f32 $1.442695020e+00, v19  }
0x479: {  	v11 =	vsub.f32 v12, v52;
	v3 =	vmul.f32 v3, v35;
	v17 =	vmul.f32 $1.442695020e+00, v23;
	v5 =	vld [tilespmem:s24+$0x110];
	v54 =	vpop (erf)  }
0x47a: {  	v56 =	vsub.f32 v9, v46;
	v55 =	vmul.f32 $1.442695020e+00, v51;
	v12 =	vld [tilespmem:s24+$0x100];
	(erf) = vpow2.f32 v26  }
0x47b: {  	v23 =	vmul.f32 $1.442695020e+00, v11;
	v26 =	vmul.f32 v54, v2;
	v2 =	vadd.f32 v24, v38;
	v19 =	vpop (erf)  }
.Ltmp56:
0x47c: {  	v51 =	vmul.f32 $1.442695020e+00, v56;
	(erf) = vpow2.f32 v14;
	v38 =	vpop (erf);
	v35 =	vadd.f32 v3, v19;
	(pc) =	sbr.rel @p0 .LBB2_68-.Ltmp56, $4  }
0x47d: {  	v45 =	vmax.f32 v45, v33;
	v24 =	vmul.f32 v41, v2;
	v46 =	vmax.f32 v46, v48;
	v9 =	vmovc v48  }
0x47e: {  	v2 =	vsub.f32 v28, v45;
	v28 =	vsub.f32 v33, v45;
	(erf) = vpow2.f32 v18;
	v41 =	vpop (erf)  }
0x47f: {  	v49 =	vmax.f32 v49, v5;
	v19 =	vsub.f32 v43, v46;
	(erf) = vpow2.f32 v55;
	v48 =	vpop (erf)  }
0x480: {  	s22 =	sadd.s32 $0x200, s22;
	s23 =	smov.u32 s26;
	v50 =	vmul.f32 v38, v50;
	v33 =	vsub.f32 v53, v49;
	v14 =	vmul.f32 $1.442695020e+00, v2;
	v38 =	vpop (erf)  }
0x481: {  	v43 =	vmovc v51;
	v18 =	vmovc v46;
	v2 =	vmov v45;
	v3 =	vmov v49;
	v45 =	vmov v30  }
.LBB2_70:
0x482: {  	(erf) = vpow2.f32 @p3 v31  }
0x483: {  	(erf) = vpow2.f32 @p3 v23;
	v23 =	vmul.f32 $1.442695020e+00, v33  }
0x484: {  	v52 =	vmax.f32 v52, v12;
	v5 =	vsub.f32 v5, v3;
	v58 =	vld [tilespmem:$0x1FF30];
	(erf) = vpow2.f32 @p3 v17  }
0x485: {  	v30 =	vmovc @p3 v43;
	v17 =	vsub.f32 v21, v52;
	v21 =	vmul.f32 $1.442695020e+00, v28;
	(erf) = vpow2.f32 @p3 v45  }
0x486: {  	v26 =	vadd.f32 @p4 v26, v41;
	v28 =	vpop @p4 (erf);
	v5 =	vmul.f32 $1.442695020e+00, v5;
	(erf) = vpow2.f32 v23  }
0x487: {  	v63 =	vld [tilespmem:$0x1FF60];
	v12 =	vsub.f32 v12, v52;
	v17 =	vmul.f32 $1.442695020e+00, v17;
	v23 =	vpop @p3 (erf);
	(erf) = vpow2.f32 v14  }
0x488: {  	v14 =	vmul.f32 $1.442695020e+00, v19;
	v19 =	vpop @p3 (erf);
	(erf) = vpow2.f32 @p3 v30  }
0x489: {  	v59 =	vld [tilespmem:$0x1FF50];
	v12 =	vmul.f32 $1.442695020e+00, v12;
	v26 =	vpsel p4, v26, v58;
	v30 =	vpop @p4 (erf);
	(erf) = vpow2.f32 v17  }
0x48a: {  	v17 =	vadd.f32 @p4 v50, v48;
	v31 =	vpop @p3 (erf);
	(erf) = vpow2.f32 v21;
	v21 =	vadd.f32 @p4 v24, v38  }
0x48b: {  	v9 =	vsub.f32 v9, v18;
	v19 =	vmul.f32 @p3 v19, v26;
	v24 =	vpop @p3 (erf);
	(erf) = vpow2.f32 v12  }
0x48c: {  	v12 =	vmul.f32 @p4 v28, v35;
	v17 =	vpsel p4, v17, v63;
	v28 =	vpop @p3 (erf);
	(erf) = vpow2.f32 v5  }
0x48d: {  	v5 =	vmul.f32 $1.442695020e+00, v9;
	v17 =	vmul.f32 @p3 v31, v17;
	v31 =	vld [tilespmem:$0x1FF40]  }
0x48e: {  	v9 =	vpsel p4, v21, v59;
	v21 =	vpop @p3 (erf)  }
0x48f: {  	v19 =	vpsel p3, v19, v0;
	v9 =	vmul.f32 @p3 v23, v9;
	(erf) = vpow2.f32 v14;
	v14 =	vpop @p3 (erf)  }
0x490: {  	v12 =	vadd.f32 @p4 v12, v30;
	v26 =	vpsel p3, v28, v0;
	v17 =	vpsel p3, v17, v0;
	v23 =	vpop (erf)  }
0x491: {  	v24 =	vpsel p3, v24, v0;
	v17 =	vadd.f32 @p3 v17, v26;
	(erf) = vpow2.f32 v5;
	v5 =	vpop (erf)  }
0x492: {  	v21 =	vpsel p3, v21, v0;
	v9 =	vpsel p3, v9, v0;
	v12 =	vpsel p4, v12, v31;
	v28 =	vpop @p3 (erf)  }
0x493: {  	v21 =	vadd.f32 @p3 v9, v21;
	v17 =	vpsel p3, v17, v63;
	v12 =	vmul.f32 @p3 v14, v12;
	v14 =	vpop (erf)  }
0x494: {  	v19 =	vadd.f32 @p3 v19, v24;
	v24 =	vpop (erf);
	v14 =	vmul.f32 v14, v17  }
0x495: {  	v21 =	vpsel p3, v21, v59;
	v12 =	vadd.f32 @p3 v12, v28;
	v28 =	vpop (erf)  }
0x496: {  	v21 =	vmul.f32 v23, v21;
	v14 =	vadd.f32 v14, v28  }
0x497: {  	v26 =	vld [tilespmem:s18+$0x1B0];
	v30 =	vpop (erf)  }
0x498: {  	v19 =	vpsel p3, v19, v58;
	v9 =	vld [tilespmem:s18+$0x1A0];
	[tilespmem:$0x1FF60] =	vst v14;
	v14 =	vadd.f32 v21, v30  }
0x499: {  	v19 =	vmul.f32 v5, v19;
	v5 =	vld [tilespmem:s18+$0x190]  }
0x49a: {  	v12 =	vpsel p3, v12, v31;
	v17 =	vpop (erf)  }
.Ltmp57:
0x49b: {  	v12 =	vmul.f32 v17, v12;
	(pc) =	sbr.rel @!p1 .LBB2_71-.Ltmp57, $4  }
0x49c: {  	v38 =	vmax.f32 v15, v26;
	v19 =	vadd.f32 v19, v24;
	[tilespmem:$0x1FF50] =	vst v14;
	v14 =	vpop (erf)  }
0x49d: {  	v12 =	vadd.f32 v12, v14;
	v14 =	vsub.f32 v15, v38  }
0x49e: {  	v35 =	vmax.f32 v61, v9;
	v26 =	vsub.f32 v26, v38;
	[tilespmem:$0x1FF30] =	vst v19;
	v30 =	vmax.f32 v22, v5  }
0x49f: {  	v19 =	vsub.f32 v61, v35;
	v33 =	vsub.f32 v22, v30;
	[tilespmem:$0x1FF40] =	vst v12;
	v12 =	vld [tilespmem:s18+$0x180];
	v14 =	vmul.f32 $1.442695020e+00, v14  }
0x4a0: {  	s18 =	sand.u32 $0x40, s20;
	s26 =	sand.u32 $0x3C00, s21  }
0x4a1: {  	s20 =	sor.u32 s18, s26  }
0x4a2: {  	v22 =	vld [tilespmem:s20+$0x1B0]  }
0x4a3: {  	v31 =	vmul.f32 $1.442695020e+00, v26;
	v15 =	vsub.f32 v5, v30;
	v24 =	vld [tilespmem:s20+$0x1A0]  }
0x4a4: {  	v9 =	vsub.f32 v9, v35;
	v23 =	vmul.f32 $1.442695020e+00, v33;
	v5 =	vld [tilespmem:s20+$0x190];
	v21 =	vmax.f32 v34, v12  }
0x4a5: {  	p0 =	por $0x1, $0x1;
	v43 =	vmul.f32 $1.442695020e+00, v19;
	v17 =	vmul.f32 $1.442695020e+00, v15;
	v26 =	vsub.f32 v34, v21  }
.Ltmp58:
0x4a6: {  	v46 =	vmul.f32 $1.442695020e+00, v9;
	(erf) = vpow2.f32 v23;
	v12 =	vsub.f32 v12, v21;
	(pc) =	sbr.rel @!p0 .LBB2_73-.Ltmp58, $4  }
0x4a7: {  	(erf) = vpow2.f32 v14;
	v28 =	vmul.f32 $1.442695020e+00, v26;
	v15 =	vmax.f32 v38, v22  }
0x4a8: {  	v23 =	vmul.f32 $1.442695020e+00, v12;
	v61 =	vmax.f32 v35, v24;
	v9 =	vsub.f32 v38, v15  }
0x4a9: {  	v26 =	vsub.f32 v22, v15;
	v22 =	vmax.f32 v30, v5;
	v19 =	vsub.f32 v35, v61  }
0x4aa: {  	p3 =	por $0x1, $0x1;
	s18 =	simm.s32 $0x80;
	v12 =	vld [tilespmem:s20+$0x180];
	s20 =	simm.s32 $0x400;
	(erf) = vpow2.f32 v28;
	v33 =	vsub.f32 v30, v22;
	v14 =	vmul.f32 $1.442695020e+00, v9  }
0x4ab: {  	_ =	sdelay $0x2  }
0x4ac: {  	(erf) = vpow2.f32 v31  }
0x4ad: {  	s18 =	sand.u32 $0x40, s18;
	s20 =	sand.u32 $0x3C00, s20;
	v31 =	vmul.f32 $1.442695020e+00, v26;
	(erf) = vpow2.f32 v23;
	v34 =	vmax.f32 v21, v12  }
0x4ae: {  	s18 =	sor.u32 s18, s20;
	v23 =	vmul.f32 $1.442695020e+00, v33;
	(erf) = vpow2.f32 v17;
	v12 =	vsub.f32 v12, v34  }
0x4af: {  	v30 =	vmul.f32 $1.442695020e+00, v19;
	v26 =	vld [tilespmem:s18+$0x1B0];
	(erf) = vpow2.f32 v43  }
0x4b0: {  	v19 =	vpop (erf);
	(erf) = vpow2.f32 v23;
	v23 =	vmul.f32 $1.442695020e+00, v12;
	v12 =	vld [tilespmem:$0x1FEF0];
	_ =	sdelay $0x1  }
0x4b1: {  	v5 =	vsub.f32 v5, v22  }
0x4b2: {  	v9 =	vld [tilespmem:s18+$0x1A0]  }
0x4b3: {  	v17 =	vmul.f32 $1.442695020e+00, v5;
	v5 =	vld [tilespmem:s18+$0x190];
	v28 =	vpop (erf)  }
0x4b4: {  	v21 =	vsub.f32 v21, v34;
	v43 =	vmax.f32 v15, v26;
	v28 =	vmul.f32 v28, v12;
	v12 =	vld [tilespmem:$0x1FF10]  }
0x4b5: {  	v24 =	vsub.f32 v24, v61;
	p0 =	por $0x1, $0x1;
	(erf) = vpow2.f32 v14;
	v14 =	vsub.f32 v15, v43;
	v15 =	vld [tilespmem:$0x1FF20]  }
.Ltmp59:
0x4b6: {  	v21 =	vmul.f32 $1.442695020e+00, v21;
	(pc) =	sbr.rel @!p0 .LBB2_75-.Ltmp59, $4  }
0x4b7: {  	v51 =	vmul.f32 $1.442695020e+00, v24;
	(erf) = vpow2.f32 v46;
	v45 =	vmax.f32 v61, v9;
	v35 =	vpop (erf)  }
0x4b8: {  	v49 =	vmax.f32 v22, v5;
	v26 =	vsub.f32 v26, v43;
	v41 =	vpop (erf);
	(erf) = vpow2.f32 v21  }
0x4b9: {  	v33 =	vsub.f32 v22, v49;
	v48 =	vpop (erf);
	v14 =	vmul.f32 $1.442695020e+00, v14;
	v24 =	vmul.f32 v19, v12;
	v12 =	vld [tilespmem:s18+$0x180]  }
0x4ba: {  	p2 =	por $0x1, $0x1;
	v38 =	vld [tilespmem:$0x1FF00];
	s20 =	simm.s32 $0xC0;
	v21 =	vmov v34;
	v50 =	vmul.f32 v35, v15;
	v35 =	vpop (erf);
	v19 =	vsub.f32 v61, v45;
	s18 =	simm.s32 $0x600  }
.LBB2_76:
0x4bb: {  	(erf) = vpow2.f32 v31;
	v31 =	vmul.f32 $1.442695020e+00, v26;
	v22 =	vpop (erf);
	s23 =	smov.u32 s20  }
0x4bc: {  	s21 =	sand.u32 $0x40, s20;
	s22 =	sand.u32 $0x3C00, s18;
	v15 =	vadd.f32 v28, v41;
	v41 =	vmovc v51;
	v46 =	vmovc v45;
	v26 =	vmov v43;
	v53 =	vmov v49;
	s23 =	sadd.s32 $0x40, s20  }
0x4bd: {  	p0 =	sne.s32 s20, $0x7C0;
	s21 =	sor.u32 s21, s22;
	v28 =	vmul.f32 $1.442695020e+00, v33;
	v50 =	vadd.f32 v50, v48;
	(erf) = vpow2.f32 v23  }
0x4be: {  	v34 =	vmax.f32 v34, v12;
	v23 =	vsub.f32 v5, v49;
	v33 =	vld [tilespmem:s21+$0x1B0];
	v48 =	vpop (erf);
	(erf) = vpow2.f32 v17  }
0x4bf: {  	v51 =	vsub.f32 v21, v34;
	v21 =	vmovc v34;
	v54 =	vld [tilespmem:s21+$0x1A0];
	(erf) = vpow2.f32 v30;
	v30 =	vmul.f32 $1.442695020e+00, v19  }
0x4c0: {  	v11 =	vsub.f32 v12, v34;
	v22 =	vmul.f32 v22, v38;
	v17 =	vmul.f32 $1.442695020e+00, v23;
	v5 =	vld [tilespmem:s21+$0x190];
	v55 =	vpop (erf)  }
0x4c1: {  	v58 =	vsub.f32 v9, v45;
	v56 =	vmul.f32 $1.442695020e+00, v51;
	v12 =	vld [tilespmem:s21+$0x180];
	(erf) = vpow2.f32 v28  }
0x4c2: {  	v23 =	vmul.f32 $1.442695020e+00, v11;
	v28 =	vmul.f32 v55, v15;
	v15 =	vadd.f32 v24, v35;
	v19 =	vpop (erf)  }
.Ltmp60:
0x4c3: {  	v51 =	vmul.f32 $1.442695020e+00, v58;
	(erf) = vpow2.f32 v14;
	v35 =	vpop (erf);
	v38 =	vadd.f32 v22, v19;
	(pc) =	sbr.rel @p0 .LBB2_76-.Ltmp60, $4  }
0x4c4: {  	v43 =	vmax.f32 v43, v33;
	v24 =	vmul.f32 v48, v15;
	v45 =	vmax.f32 v45, v54;
	v9 =	vmovc v54  }
0x4c5: {  	v14 =	vsub.f32 v26, v43;
	v26 =	vsub.f32 v33, v43;
	(erf) = vpow2.f32 v41;
	v41 =	vpop (erf)  }
0x4c6: {  	v49 =	vmax.f32 v49, v5;
	v19 =	vsub.f32 v46, v45;
	(erf) = vpow2.f32 v56;
	v48 =	vpop (erf)  }
0x4c7: {  	s18 =	sadd.s32 $0x200, s18;
	s20 =	smov.u32 s23;
	v50 =	vmul.f32 v35, v50;
	v33 =	vsub.f32 v53, v49;
	v14 =	vmul.f32 $1.442695020e+00, v14;
	v35 =	vpop (erf)  }
0x4c8: {  	v46 =	vmovc v51;
	v61 =	vmovc v45;
	v15 =	vmov v43;
	v22 =	vmov v49;
	v43 =	vmov v30  }
.LBB2_78:
0x4c9: {  	(erf) = vpow2.f32 @p3 v31  }
0x4ca: {  	(erf) = vpow2.f32 @p3 v23;
	v23 =	vmul.f32 $1.442695020e+00, v33  }
0x4cb: {  	v34 =	vmax.f32 v34, v12;
	v5 =	vsub.f32 v5, v22;
	(erf) = vpow2.f32 @p3 v17  }
0x4cc: {  	v17 =	vsub.f32 v21, v34;
	(erf) = vpow2.f32 @p3 v43  }
0x4cd: {  	v30 =	vmov @p3 v46;
	v58 =	vld [tilespmem:$0x1FEF0];
	v21 =	vpop @p2 (erf);
	v5 =	vmul.f32 $1.442695020e+00, v5;
	(erf) = vpow2.f32 v23  }
0x4ce: {  	v63 =	vld [tilespmem:$0x1FF20];
	v12 =	vsub.f32 v12, v34;
	v17 =	vmul.f32 $1.442695020e+00, v17;
	v23 =	vpop @p3 (erf);
	(erf) = vpow2.f32 v14  }
0x4cf: {  	v28 =	vadd.f32 @p2 v28, v41;
	v14 =	vmul.f32 $1.442695020e+00, v26;
	v26 =	vpop @p3 (erf);
	(erf) = vpow2.f32 @p3 v30  }
0x4d0: {  	v9 =	vsub.f32 v9, v61;
	v12 =	vmul.f32 $1.442695020e+00, v12;
	v30 =	vpop @p2 (erf);
	(erf) = vpow2.f32 v17  }
0x4d1: {  	v59 =	vld [tilespmem:$0x1FF10];
	v17 =	vadd.f32 @p2 v50, v48;
	v31 =	vpop @p3 (erf);
	(erf) = vpow2.f32 v14;
	v14 =	vmul.f32 $1.442695020e+00, v19  }
0x4d2: {  	v19 =	vpop @p3 (erf);
	(erf) = vpow2.f32 v12;
	v12 =	vmul.f32 @p2 v21, v38  }
0x4d3: {  	v9 =	vmul.f32 $1.442695020e+00, v9;
	v21 =	vpsel p2, v28, v58;
	v17 =	vpsel p2, v17, v63  }
0x4d4: {  	v28 =	vpop @p3 (erf);
	(erf) = vpow2.f32 v5;
	v5 =	vadd.f32 @p2 v24, v35;
	v12 =	vadd.f32 @p2 v12, v30;
	v30 =	vld [tilespmem:$0x1FF00]  }
0x4d5: {  	v21 =	vmul.f32 @p3 v26, v21;
	v17 =	vmul.f32 @p3 v31, v17;
	v24 =	vpop @p3 (erf)  }
0x4d6: {  	v19 =	vpsel p3, v19, v0;
	(erf) = vpow2.f32 v14;
	v14 =	vpop @p3 (erf);
	v5 =	vpsel p2, v5, v59  }
0x4d7: {  	v17 =	vpsel p3, v17, v0;
	v26 =	vpop (erf);
	v5 =	vmul.f32 @p3 v23, v5;
	v23 =	vpsel p3, v28, v0  }
0x4d8: {  	v21 =	vpsel p3, v21, v0;
	(erf) = vpow2.f32 v9;
	v9 =	vpop (erf);
	v17 =	vadd.f32 @p3 v17, v23  }
0x4d9: {  	p1 =	por $0x0, $0x0;
	s18 =	simm.s32 $0x1;
	v19 =	vadd.f32 @p3 v21, v19;
	v21 =	vpsel p3, v24, v0;
	v28 =	vpop @p3 (erf);
	v12 =	vpsel p2, v12, v30  }
0x4da: {  	s18 =	simm.s32 @!p1 $0x0;
	v5 =	vpsel p3, v5, v0;
	v17 =	vpsel p3, v17, v63;
	v12 =	vmul.f32 @p3 v14, v12;
	v14 =	vpop (erf)  }
0x4db: {  	s18 =	sshll.u32 s18, $0x6;
	v5 =	vadd.f32 @p3 v5, v21;
	v23 =	vpop (erf);
	v14 =	vmul.f32 v14, v17  }
0x4dc: {  	s18 =	sadd.s32 $0x0, s18;
	v21 =	vpop (erf)  }
0x4dd: {  	s20 =	sor.u32 $0x230, s18;
	v5 =	vpsel p3, v5, v59;
	v12 =	vadd.f32 @p3 v12, v28;
	v14 =	vadd.f32 v14, v21  }
0x4de: {  	s21 =	sor.u32 $0x220, s18;
	v19 =	vpsel p3, v19, v58;
	v28 =	vld [tilespmem:s20+$0x0];
	v5 =	vmul.f32 v26, v5;
	v24 =	vpop (erf)  }
0x4df: {  	p6 =	por $0x1, $0x1;
	v19 =	vmul.f32 v9, v19;
	v9 =	vld [tilespmem:s21+$0x0];
	v12 =	vpsel p3, v12, v30;
	v17 =	vpop (erf)  }
.Ltmp61:
0x4e0: {  	v5 =	vadd.f32 v5, v24;
	v12 =	vmul.f32 v17, v12;
	(pc) =	sbr.rel @!p6 .LBB2_79-.Ltmp61, $4  }
0x4e1: {  	v17 =	vadd.f32 v19, v23;
	[tilespmem:$0x1FF20] =	vst v14;
	v14 =	vpop (erf)  }
0x4e2: {  	s25 =	sor.u32 $0x210, s18;
	[tilespmem:$0x1FF10] =	vst v5;
	v5 =	vadd.f32 v12, v14  }
0x4e3: {  	s26 =	sor.u32 $0x200, s18;
	v19 =	vld [tilespmem:s25+$0x0];
	[tilespmem:$0x1FEF0] =	vst v17;
	v24 =	vmax.f32 v40, v28  }
0x4e4: {  	p2 =	por !p1, !p1;
	v12 =	vmax.f32 v20, v9;
	v41 =	vsub.f32 v40, v24;
	v31 =	vsub.f32 v28, v24;
	[tilespmem:$0x1FF00] =	vst v5;
	v5 =	vld [tilespmem:s26+$0x0]  }
0x4e5: {  	s20 =	simm.s32 $0x1  }
0x4e6: {  	s20 =	simm.s32 @!p2 $0x0  }
0x4e7: {  	s20 =	sshll.u32 s20, $0x6  }
0x4e8: {  	v9 =	vsub.f32 v9, v12;
	s20 =	sadd.s32 $0x200, s20  }
0x4e9: {  	v17 =	vmul.f32 $1.442695020e+00, v41;
	s21 =	sor.u32 $0x230, s20  }
0x4ea: {  	v14 =	vsub.f32 v20, v12;
	v20 =	vmul.f32 $1.442695020e+00, v9;
	v21 =	vmax.f32 v8, v5;
	s22 =	sor.u32 $0x220, s20;
	v26 =	vld [tilespmem:s21+$0x0]  }
0x4eb: {  	v23 =	vmul.f32 $1.442695020e+00, v31;
	(erf) = vpow2.f32 v17;
	v8 =	vsub.f32 v8, v21;
	v9 =	vld [tilespmem:s22+$0x0]  }
0x4ec: {  	p3 =	por $0x1, $0x1;
	v14 =	vmul.f32 $1.442695020e+00, v14;
	v17 =	vmax.f32 v16, v19;
	(erf) = vpow2.f32 v20  }
.Ltmp62:
0x4ed: {  	v5 =	vsub.f32 v5, v21;
	(erf) = vpow2.f32 v23;
	v8 =	vmul.f32 $1.442695020e+00, v8;
	(pc) =	sbr.rel @!p3 .LBB2_81-.Ltmp62, $4  }
0x4ee: {  	(erf) = vpow2.f32 v14;
	v14 =	vsub.f32 v19, v17  }
0x4ef: {  	s26 =	sor.u32 $0x210, s20;
	v33 =	vsub.f32 v16, v17;
	(erf) = vpow2.f32 v8;
	v8 =	vmul.f32 $1.442695020e+00, v5  }
0x4f0: {  	s20 =	sor.u32 $0x200, s20;
	v19 =	vld [tilespmem:s26+$0x0];
	v43 =	vmul.f32 $1.442695020e+00, v14;
	v20 =	vmax.f32 v12, v9;
	v40 =	vmax.f32 v24, v26  }
0x4f1: {  	p0 =	por !p2, !p2;
	p4 =	por $0x1, $0x1;
	v5 =	vld [tilespmem:s20+$0x0];
	v41 =	vsub.f32 v24, v40;
	v31 =	vsub.f32 v26, v40;
	(erf) = vpow2.f32 v8  }
0x4f2: {  	s20 =	simm.s32 $0x1;
	v8 =	vsub.f32 v9, v20  }
0x4f3: {  	s20 =	simm.s32 @!p0 $0x0;
	v9 =	vmul.f32 $1.442695020e+00, v41  }
0x4f4: {  	v14 =	vsub.f32 v12, v20;
	(erf) = vpow2.f32 v43;
	s20 =	sshll.u32 s20, $0x6;
	v16 =	vmul.f32 $1.442695020e+00, v8  }
0x4f5: {  	v23 =	vmul.f32 $1.442695020e+00, v33;
	v24 =	vpop (erf);
	s21 =	sadd.s32 $0x400, s20;
	(erf) = vpow2.f32 v9  }
0x4f6: {  	v26 =	vmul.f32 $1.442695020e+00, v31;
	v12 =	vpop (erf);
	s20 =	sor.u32 $0x230, s21;
	(erf) = vpow2.f32 v16  }
0x4f7: {  	v8 =	vmax.f32 v21, v5;
	v31 =	vld [tilespmem:s20+$0x0];
	(erf) = vpow2.f32 v23  }
0x4f8: {  	v28 =	vmul.f32 $1.442695020e+00, v14;
	s22 =	sor.u32 $0x220, s21;
	v14 =	vpop (erf);
	v5 =	vsub.f32 v5, v8;
	(erf) = vpow2.f32 v26;
	v26 =	vld [tilespmem:$0x1FEB0]  }
0x4f9: {  	v16 =	vmax.f32 v17, v19;
	v9 =	vld [tilespmem:s22+$0x0]  }
0x4fa: {  	v21 =	vsub.f32 v21, v8;
	v33 =	vsub.f32 v17, v16;
	v17 =	vmul.f32 $1.442695020e+00, v5;
	v5 =	vld [tilespmem:$0x1FEE0];
	_ =	sdelay $0x1  }
0x4fb: {  	p3 =	por $0x1, $0x1;
	v21 =	vmul.f32 $1.442695020e+00, v21  }
.Ltmp63:
0x4fc: {  	v23 =	vpop (erf);
	(erf) = vpow2.f32 v28;
	v26 =	vmul.f32 v24, v26;
	v24 =	vsub.f32 v19, v16;
	(pc) =	sbr.rel @!p3 .LBB2_83-.Ltmp63, $4  }
0x4fd: {  	v38 =	vld [tilespmem:$0x1FEC0];
	s23 =	sor.u32 $0x200, s21;
	v30 =	vpop (erf);
	(erf) = vpow2.f32 v21  }
0x4fe: {  	v46 =	vmax.f32 v20, v9;
	v45 =	vmax.f32 v40, v31;
	v30 =	vmul.f32 v30, v5;
	v5 =	vld [tilespmem:s23+$0x0]  }
0x4ff: {  	p6 =	por !p0, !p0;
	v35 =	vld [tilespmem:$0x1FED0];
	s26 =	sor.u32 $0x210, s21;
	v28 =	vpop (erf);
	(erf) = vpow2.f32 v17;
	v41 =	vsub.f32 v40, v45;
	v31 =	vsub.f32 v31, v45  }
0x500: {  	p5 =	por $0x1, $0x1;
	s21 =	simm.s32 $0x400;
	s20 =	simm.s32 $0xC0;
	v19 =	vld [tilespmem:s26+$0x0];
	v21 =	vmov v8;
	v17 =	vmov v16;
	v43 =	vmul.f32 $1.442695020e+00, v24;
	v24 =	vpop (erf)  }
.LBB2_84:
0x501: {  	s22 =	simm.s32 $0x1  }
0x502: {  	p0 =	sne.s32 s20, $0x7C0;
	s20 =	sadd.s32 $0x40, s20;
	v20 =	vsub.f32 v20, v46;
	v9 =	vsub.f32 v9, v46;
	v33 =	vmul.f32 $1.442695020e+00, v33;
	v40 =	vpop (erf);
	s22 =	simm.s32 @!p6 $0x0  }
0x503: {  	v8 =	vmax.f32 v8, v5;
	s21 =	sadd.s32 $0x200, s21;
	v41 =	vmul.f32 $1.442695020e+00, v41;
	s22 =	sshll.u32 s22, $0x6;
	(erf) = vpow2.f32 v43;
	v43 =	vpop (erf)  }
0x504: {  	v21 =	vsub.f32 v21, v8;
	v31 =	vmul.f32 $1.442695020e+00, v31;
	v9 =	vmul.f32 $1.442695020e+00, v9;
	s22 =	sadd.s32 s22, s21;
	v48 =	vpop (erf)  }
0x505: {  	v26 =	vadd.f32 v26, v14;
	v20 =	vmul.f32 $1.442695020e+00, v20;
	s23 =	sor.u32 $0x200, s22;
	s24 =	sor.u32 $0x210, s22;
	s25 =	sor.u32 $0x230, s22;
	(erf) = vpow2.f32 v41;
	v14 =	vpop (erf)  }
0x506: {  	v30 =	vadd.f32 v30, v28;
	v28 =	vmul.f32 v23, v38;
	s22 =	sor.u32 $0x220, s22;
	v49 =	vld [tilespmem:s25+$0x0];
	(erf) = vpow2.f32 v9;
	v23 =	vpop (erf)  }
0x507: {  	v50 =	vsub.f32 v5, v8;
	v41 =	vmul.f32 $1.442695020e+00, v21;
	v9 =	vld [tilespmem:s22+$0x0];
	v51 =	vpop (erf);
	(erf) = vpow2.f32 v33  }
0x508: {  	v38 =	vadd.f32 v28, v12;
	v12 =	vmovc v43;
	v21 =	vmovc v8;
	v53 =	vld [tilespmem:s24+$0x0];
	(erf) = vpow2.f32 v31;
	v31 =	vmul.f32 v48, v35  }
.Ltmp64:
0x509: {  	v16 =	vmax.f32 v16, v19;
	v26 =	vmul.f32 v40, v26;
	v40 =	vmovc v45;
	v5 =	vld [tilespmem:s23+$0x0];
	(erf) = vpow2.f32 v20;
	v20 =	vmovc v46;
	(pc) =	sbr.rel @p0 .LBB2_84-.Ltmp64, $4  }
0x50a: {  	v11 =	vsub.f32 v19, v16;
	v33 =	vsub.f32 v17, v16;
	(erf) = vpow2.f32 v41;
	v28 =	vpop (erf)  }
0x50b: {  	v17 =	vmovc v16;
	v48 =	vmul.f32 $1.442695020e+00, v50;
	v30 =	vmul.f32 v51, v30;
	v35 =	vadd.f32 v31, v24  }
0x50c: {  	v43 =	vmul.f32 $1.442695020e+00, v11;
	v45 =	vmax.f32 v45, v49;
	v46 =	vmax.f32 v46, v9;
	v24 =	vpop (erf)  }
0x50d: {  	p6 =	por !p6, !p6;
	v41 =	vsub.f32 v40, v45;
	v31 =	vsub.f32 v49, v45;
	(erf) = vpow2.f32 v48;
	v19 =	vmovc v53  }
0x50e: {  	v48 =	vmov v20;
	v20 =	vmov v46;
	v40 =	vmov v45;
	p6 =	por $0x1, $0x1  }
.LBB2_86:
0x50f: {  	v9 =	vsub.f32 v9, v20;
	v41 =	vmul.f32 $1.442695020e+00, v41  }
0x510: {  	v33 =	vmul.f32 @p4 $1.442695020e+00, v33;
	v45 =	vsub.f32 v48, v20;
	(erf) = vpow2.f32 @p4 v43  }
0x511: {  	v31 =	vmul.f32 $1.442695020e+00, v31;
	v8 =	vmax.f32 v8, v5;
	v9 =	vmul.f32 $1.442695020e+00, v9  }
0x512: {  	v16 =	vmax.f32 v16, v19;
	v14 =	vadd.f32 @p5 v26, v14;
	(erf) = vpow2.f32 v41  }
0x513: {  	v21 =	vsub.f32 v21, v8;
	v55 =	vmul.f32 $1.442695020e+00, v45;
	v41 =	vpop @p4 (erf);
	(erf) = vpow2.f32 v9  }
0x514: {  	v56 =	vld [tilespmem:$0x1FEB0];
	v5 =	vsub.f32 v5, v8;
	v9 =	vmul.f32 @p5 v23, v38;
	v23 =	vpop @p4 (erf);
	(erf) = vpow2.f32 @p4 v33  }
0x515: {  	v58 =	vld [tilespmem:$0x1FEE0];
	v19 =	vsub.f32 v19, v16;
	v21 =	vmul.f32 $1.442695020e+00, v21;
	v33 =	vpop @p5 (erf);
	(erf) = vpow2.f32 v31  }
0x516: {  	v17 =	vsub.f32 v17, v16;
	v5 =	vmul.f32 $1.442695020e+00, v5;
	v31 =	vpop @p4 (erf);
	(erf) = vpow2.f32 v55  }
0x517: {  	v59 =	vld [tilespmem:$0x1FEC0];
	v19 =	vmul.f32 $1.442695020e+00, v19;
	v26 =	vpop @p4 (erf);
	(erf) = vpow2.f32 v21;
	v21 =	vadd.f32 @p5 v30, v28  }
0x518: {  	v28 =	vpop @p4 (erf);
	(erf) = vpow2.f32 v5;
	v5 =	vmul.f32 $1.442695020e+00, v17  }
0x519: {  	v14 =	vpsel p5, v14, v56;
	v9 =	vadd.f32 @p5 v9, v12  }
0x51a: {  	v63 =	vld [tilespmem:$0x1FED0];
	v12 =	vmul.f32 @p4 v41, v14;
	v30 =	vpop @p4 (erf);
	(erf) = vpow2.f32 v19;
	v19 =	vpsel p5, v21, v58  }
0x51b: {  	v17 =	vmul.f32 @p5 v33, v35;
	v21 =	vpop @p4 (erf);
	(erf) = vpow2.f32 v5  }
0x51c: {  	v9 =	vpsel p5, v9, v59;
	v26 =	vpsel p4, v26, v0;
	v14 =	vmul.f32 @p4 v28, v19;
	v5 =	vpop (erf)  }
0x51d: {  	v17 =	vadd.f32 @p5 v17, v24;
	v19 =	vmov @p4 v23;
	v23 =	vpsel p4, v31, v0;
	v24 =	vpop (erf)  }
0x51e: {  	v12 =	vpsel p4, v12, v0;
	v9 =	vmul.f32 @p4 v26, v9;
	v28 =	vpsel p4, v30, v0;
	v30 =	vpop @p4 (erf)  }
0x51f: {  	v17 =	vpsel p5, v17, v63;
	v12 =	vadd.f32 @p4 v12, v23;
	v19 =	vpsel p4, v19, v0;
	v31 =	vpop (erf)  }
0x520: {  	v14 =	vpsel p4, v14, v0;
	v9 =	vadd.f32 @p4 v9, v19;
	v17 =	vmul.f32 @p4 v30, v17;
	v23 =	vpop (erf)  }
0x521: {  	v21 =	vpsel p4, v21, v0;
	v14 =	vadd.f32 @p4 v14, v28;
	v12 =	vpsel p4, v12, v56;
	v26 =	vpop (erf)  }
0x522: {  	s20 =	sor.u32 $0x2B0, s18;
	v12 =	vmul.f32 v5, v12;
	v9 =	vpsel p4, v9, v59;
	v17 =	vadd.f32 @p4 v17, v21;
	v19 =	vpop (erf)  }
0x523: {  	s21 =	sor.u32 $0x2A0, s18;
	v14 =	vpsel p4, v14, v58;
	v21 =	vld [tilespmem:s20+$0x0];
	v9 =	vmul.f32 v23, v9;
	v28 =	vpop (erf)  }
0x524: {  	v5 =	vld [tilespmem:s21+$0x0];
	v14 =	vmul.f32 v26, v14;
	v12 =	vadd.f32 v12, v31;
	v17 =	vpsel p4, v17, v63;
	v26 =	vpop (erf)  }
.Ltmp65:
0x525: {  	v9 =	vadd.f32 v9, v24;
	v17 =	vmul.f32 v26, v17;
	(pc) =	sbr.rel @!p6 .LBB2_87-.Ltmp65, $4  }
0x526: {  	[tilespmem:$0x1FEB0] =	vst v12;
	v12 =	vadd.f32 v14, v19  }
0x527: {  	[tilespmem:$0x1FEC0] =	vst v9;
	v9 =	vadd.f32 v17, v28  }
0x528: {  	s26 =	sor.u32 $0x290, s18;
	[tilespmem:$0x1FEE0] =	vst v12;
	v14 =	vmax.f32 v6, v21  }
0x529: {  	s18 =	sor.u32 $0x280, s18;
	v12 =	vmax.f32 v57, v5;
	v46 =	vsub.f32 v6, v14;
	v33 =	vsub.f32 v21, v14;
	[tilespmem:$0x1FED0] =	vst v9;
	v9 =	vld [tilespmem:s26+$0x0]  }
0x52a: {  	s20 =	simm.s32 $0x1  }
0x52b: {  	s20 =	simm.s32 @!p2 $0x0  }
0x52c: {  	s20 =	sshll.u32 s20, $0x6  }
0x52d: {  	v6 =	vld [tilespmem:s18+$0x0];
	v17 =	vsub.f32 v57, v12;
	s20 =	sadd.s32 $0x200, s20  }
0x52e: {  	v19 =	vmul.f32 $1.442695020e+00, v46;
	s25 =	sor.u32 $0x2B0, s20  }
0x52f: {  	v24 =	vsub.f32 v5, v12;
	v17 =	vmul.f32 $1.442695020e+00, v17;
	v41 =	vmax.f32 v42, v9;
	s21 =	sor.u32 $0x2A0, s20;
	v21 =	vld [tilespmem:s25+$0x0]  }
0x530: {  	p3 =	por $0x1, $0x1;
	v23 =	vmul.f32 $1.442695020e+00, v33;
	(erf) = vpow2.f32 v19;
	v26 =	vsub.f32 v42, v41;
	v5 =	vld [tilespmem:s21+$0x0]  }
.Ltmp66:
0x531: {  	v24 =	vmul.f32 $1.442695020e+00, v24;
	(erf) = vpow2.f32 v17;
	(pc) =	sbr.rel @!p3 .LBB2_89-.Ltmp66, $4  }
0x532: {  	v9 =	vsub.f32 v9, v41;
	v31 =	vmax.f32 v47, v6;
	v19 =	vmul.f32 $1.442695020e+00, v26  }
0x533: {  	(erf) = vpow2.f32 v24;
	v35 =	vsub.f32 v6, v31;
	v26 =	vsub.f32 v47, v31  }
0x534: {  	s26 =	sor.u32 $0x290, s20;
	v43 =	vmul.f32 $1.442695020e+00, v9;
	(erf) = vpow2.f32 v19;
	v6 =	vmax.f32 v14, v21  }
0x535: {  	p0 =	por !p2, !p2;
	p2 =	por $0x1, $0x1;
	s18 =	sor.u32 $0x280, s20;
	v9 =	vld [tilespmem:s26+$0x0];
	v57 =	vmax.f32 v12, v5;
	v46 =	vsub.f32 v14, v6;
	v33 =	vsub.f32 v21, v6  }
0x536: {  	s20 =	simm.s32 $0x1  }
0x537: {  	s20 =	simm.s32 @!p0 $0x0  }
0x538: {  	(erf) = vpow2.f32 v43;
	v17 =	vmul.f32 $1.442695020e+00, v35;
	s20 =	sshll.u32 s20, $0x6  }
0x539: {  	v12 =	vsub.f32 v12, v57;
	v24 =	vmul.f32 $1.442695020e+00, v26;
	v19 =	vld [tilespmem:s18+$0x0];
	(erf) = vpow2.f32 v23;
	s20 =	sadd.s32 $0x400, s20  }
0x53a: {  	v21 =	vsub.f32 v5, v57;
	(erf) = vpow2.f32 v17;
	v17 =	vld [tilespmem:$0x1FE70];
	v42 =	vmax.f32 v41, v9;
	s25 =	sor.u32 $0x2B0, s20  }
0x53b: {  	v14 =	vmul.f32 $1.442695020e+00, v46;
	v28 =	vmul.f32 $1.442695020e+00, v33;
	s21 =	sor.u32 $0x2A0, s20;
	v23 =	vld [tilespmem:s25+$0x0];
	v9 =	vsub.f32 v9, v42  }
0x53c: {  	v26 =	vmul.f32 $1.442695020e+00, v12;
	v21 =	vmul.f32 $1.442695020e+00, v21;
	v63 =	vsub.f32 v41, v42;
	v5 =	vld [tilespmem:s21+$0x0]  }
0x53d: {  	p4 =	por $0x1, $0x1;
	v30 =	vpop (erf);
	(erf) = vpow2.f32 v14;
	v43 =	vmul.f32 $1.442695020e+00, v9;
	v9 =	vld [tilespmem:$0x1FE90]  }
.Ltmp67:
0x53e: {  	v12 =	vpop (erf);
	(erf) = vpow2.f32 v26;
	v47 =	vmax.f32 v31, v19;
	v33 =	vmul.f32 $1.442695020e+00, v63;
	(pc) =	sbr.rel @!p4 .LBB2_91-.Ltmp67, $4  }
0x53f: {  	v14 =	vpop (erf);
	v26 =	vsub.f32 v31, v47;
	(erf) = vpow2.f32 v21  }
0x540: {  	v35 =	vsub.f32 v19, v47;
	v17 =	vmul.f32 v30, v17;
	v30 =	vpop (erf);
	(erf) = vpow2.f32 v33  }
0x541: {  	s26 =	sor.u32 $0x290, s20;
	v21 =	vpop (erf);
	v48 =	vmax.f32 v57, v5;
	v31 =	vmax.f32 v6, v23;
	(erf) = vpow2.f32 v24  }
0x542: {  	p3 =	por $0x1, $0x1;
	p0 =	por !p0, !p0;
	s18 =	sor.u32 $0x280, s20;
	v46 =	vsub.f32 v6, v31;
	v33 =	vsub.f32 v23, v31;
	v19 =	vmul.f32 v30, v9;
	v9 =	vld [tilespmem:s26+$0x0]  }
0x543: {  	_ = 	snop  }
0x544: {  	s20 =	simm.s32 $0x1  }
0x545: {  	v6 =	vsub.f32 v57, v48;
	s20 =	simm.s32 @!p0 $0x0  }
0x546: {  	v41 =	vmul.f32 $1.442695020e+00, v26;
	(erf) = vpow2.f32 v43;
	v59 =	vsub.f32 v5, v48;
	v5 =	vld [tilespmem:$0x1FE80];
	s20 =	sshll.u32 s20, $0x6  }
0x547: {  	v57 =	vmul.f32 $1.442695020e+00, v35;
	v26 =	vmul.f32 $1.442695020e+00, v46;
	s22 =	sadd.s32 $0x600, s20;
	v49 =	vmax.f32 v42, v9  }
0x548: {  	v30 =	vpop (erf);
	v46 =	vld [tilespmem:s18+$0x0];
	v23 =	vmul.f32 $1.442695020e+00, v33;
	(erf) = vpow2.f32 v28;
	s26 =	sor.u32 $0x2B0, s22;
	v9 =	vsub.f32 v9, v49  }
0x549: {  	v24 =	vpop (erf);
	v6 =	vmul.f32 $1.442695020e+00, v6;
	(erf) = vpow2.f32 v57;
	v55 =	vld [tilespmem:s26+$0x0]  }
0x54a: {  	v63 =	vmul.f32 $1.442695020e+00, v59;
	v58 =	vpop (erf);
	s20 =	sor.u32 $0x2A0, s22;
	v43 =	vmul.f32 $1.442695020e+00, v9;
	v9 =	vld [tilespmem:$0x1FEA0]  }
0x54b: {  	v28 =	vadd.f32 v17, v30;
	(erf) = vpow2.f32 v26;
	v30 =	vpop (erf);
	v45 =	vmul.f32 v12, v5;
	v5 =	vld [tilespmem:s20+$0x0]  }
0x54c: {  	p5 =	por $0x1, $0x1;
	v50 =	vadd.f32 v19, v21;
	(erf) = vpow2.f32 v6;
	v42 =	vsub.f32 v42, v49;
	v38 =	vpop (erf)  }
.Ltmp68:
0x54d: {  	v28 =	vmul.f32 v58, v28;
	(erf) = vpow2.f32 v63;
	v53 =	vpop (erf);
	v54 =	vmax.f32 v47, v46;
	(pc) =	sbr.rel @!p5 .LBB2_93-.Ltmp68, $4  }
0x54e: {  	s23 =	sor.u32 $0x290, s22;
	v45 =	vadd.f32 v45, v14;
	v42 =	vmul.f32 $1.442695020e+00, v42;
	v26 =	vsub.f32 v47, v54;
	v6 =	vpop (erf)  }
0x54f: {  	v35 =	vsub.f32 v46, v54;
	v53 =	vmul.f32 v53, v50;
	v51 =	vmul.f32 v6, v9;
	v9 =	vld [tilespmem:s23+$0x0]  }
0x550: {  	s21 =	simm.s32 $0x600;
	p4 =	por !p0, !p0;
	(erf) = vpow2.f32 v42;
	v50 =	vpop (erf);
	v57 =	vmax.f32 v48, v5;
	v6 =	vmax.f32 v31, v55  }
0x551: {  	p1 =	por $0x1, $0x1;
	s18 =	sor.u32 $0x280, s22;
	s20 =	simm.s32 $0x100;
	(erf) = vpow2.f32 v41;
	v41 =	vmovc v49;
	v46 =	vsub.f32 v31, v6;
	v33 =	vsub.f32 v55, v6;
	v31 =	vmovc v54  }
.LBB2_94:
0x552: {  	s22 =	simm.s32 $0x1  }
0x553: {  	p0 =	sne.s32 s20, $0x7C0;
	s20 =	sadd.s32 $0x40, s20;
	v42 =	vsub.f32 v48, v57;
	v47 =	vmul.f32 $1.442695020e+00, v26;
	(erf) = vpow2.f32 v43;
	v26 =	vpop (erf);
	s22 =	simm.s32 @!p4 $0x0  }
0x554: {  	v49 =	vmax.f32 v49, v9;
	s21 =	sadd.s32 $0x200, s21;
	v48 =	vmovc v57;
	v55 =	vmovc v6;
	v43 =	vmul.f32 $1.442695020e+00, v46;
	v46 =	vadd.f32 v51, v24;
	s22 =	sshll.u32 s22, $0x6  }
0x555: {  	v35 =	vmul.f32 $1.442695020e+00, v35;
	v53 =	vadd.f32 v53, v50;
	v33 =	vmul.f32 $1.442695020e+00, v33;
	s22 =	sadd.s32 s22, s21;
	v51 =	vld [tilespmem:s18+$0x0];
	v24 =	vpop (erf)  }
0x556: {  	v42 =	vmul.f32 $1.442695020e+00, v42;
	s18 =	sor.u32 $0x280, s22;
	s23 =	sor.u32 $0x290, s22;
	s24 =	sor.u32 $0x2B0, s22;
	v50 =	vpop (erf);
	(erf) = vpow2.f32 v23;
	v23 =	vadd.f32 v28, v26  }
0x557: {  	v11 =	vsub.f32 v5, v57;
	v45 =	vmul.f32 v30, v45;
	s22 =	sor.u32 $0x2A0, s22;
	v26 =	vsub.f32 v41, v49;
	v56 =	vld [tilespmem:s24+$0x0];
	v30 =	vpop (erf)  }
0x558: {  	v58 =	vsub.f32 v9, v49;
	v5 =	vld [tilespmem:s22+$0x0];
	v28 =	vmul.f32 v50, v23;
	(erf) = vpow2.f32 v35;
	v59 =	vpop (erf)  }
0x559: {  	v45 =	vadd.f32 v45, v38;
	v35 =	vmul.f32 $1.442695020e+00, v11;
	v9 =	vld [tilespmem:s23+$0x0];
	(erf) = vpow2.f32 v43;
	v63 =	vpop (erf)  }
.Ltmp69:
0x55a: {  	v41 =	vmovc v49;
	v11 =	vmul.f32 $1.442695020e+00, v26;
	v54 =	vmax.f32 v54, v51;
	(erf) = vpow2.f32 v42;
	v23 =	vmovc v33;
	(pc) =	sbr.rel @p0 .LBB2_94-.Ltmp69, $4  }
0x55b: {  	v43 =	vmul.f32 $1.442695020e+00, v58;
	v26 =	vsub.f32 v31, v54;
	(erf) = vpow2.f32 v35;
	v31 =	vpop (erf)  }
0x55c: {  	v35 =	vsub.f32 v51, v54;
	(erf) = vpow2.f32 v11;
	v50 =	vpop (erf);
	v51 =	vmul.f32 v31, v46  }
0x55d: {  	v38 =	vmovc v59;
	v53 =	vmul.f32 v63, v53;
	v6 =	vmax.f32 v6, v56;
	v57 =	vmax.f32 v57, v5  }
0x55e: {  	p4 =	por !p4, !p4;
	v31 =	vmovc v54;
	v46 =	vsub.f32 v55, v6;
	v33 =	vsub.f32 v56, v6;
	(erf) = vpow2.f32 v47  }
0x55f: {  	v55 =	vmov v48;
	v42 =	vmov v49;
	v47 =	vmov v54  }
.LBB2_96:
0x560: {  	v48 =	vsub.f32 v55, v57;
	v35 =	vmul.f32 @p2 $1.442695020e+00, v35  }
0x561: {  	(erf) = vpow2.f32 @p2 v43;
	v42 =	vmax.f32 v42, v9;
	v59 =	vmul.f32 $1.442695020e+00, v46  }
0x562: {  	v5 =	vsub.f32 v5, v57;
	v63 =	vld [tilespmem:s18+$0x0];
	(erf) = vpow2.f32 @p2 v23;
	v48 =	vmul.f32 $1.442695020e+00, v48  }
0x563: {  	v26 =	vmul.f32 @p2 $1.442695020e+00, v26;
	v23 =	vpop @p3 (erf);
	v41 =	vsub.f32 v41, v42;
	(erf) = vpow2.f32 @p2 v35  }
0x564: {  	v54 =	vld [tilespmem:$0x1FEA0];
	v30 =	vmul.f32 @p3 v30, v45;
	v9 =	vsub.f32 v9, v42;
	v35 =	vpop @p3 (erf);
	(erf) = vpow2.f32 v59  }
0x565: {  	v5 =	vmul.f32 $1.442695020e+00, v5;
	v41 =	vmul.f32 $1.442695020e+00, v41;
	v43 =	vpop @p2 (erf)  }
0x566: {  	v24 =	vadd.f32 @p1 v51, v24;
	v55 =	vld [tilespmem:$0x1FE70];
	v9 =	vmul.f32 $1.442695020e+00, v9;
	(erf) = vpow2.f32 v48;
	v48 =	vpop @p2 (erf)  }
0x567: {  	v56 =	vld [tilespmem:$0x1FE90];
	v47 =	vmax.f32 v47, v63;
	(erf) = vpow2.f32 v5;
	v5 =	vmul.f32 $1.442695020e+00, v33;
	v33 =	vpop @p2 (erf)  }
0x568: {  	v23 =	vadd.f32 @p3 v28, v23;
	v31 =	vsub.f32 v31, v47;
	(erf) = vpow2.f32 v41;
	v49 =	vpop @p2 (erf)  }
0x569: {  	v24 =	vpsel p1, v24, v54;
	v46 =	vsub.f32 v63, v47;
	(erf) = vpow2.f32 @p2 v26;
	v26 =	vpop @p3 (erf)  }
0x56a: {  	v41 =	vadd.f32 @p3 v53, v50;
	v28 =	vmul.f32 $1.442695020e+00, v31;
	(erf) = vpow2.f32 v9;
	v45 =	vpop @p2 (erf)  }
0x56b: {  	v24 =	vmul.f32 @p3 v26, v24;
	v26 =	vmul.f32 $1.442695020e+00, v46;
	v9 =	vpop @p2 (erf)  }
0x56c: {  	v63 =	vld [tilespmem:$0x1FE80];
	v31 =	vpop @p2 (erf);
	(erf) = vpow2.f32 v5;
	v5 =	vpsel p3, v23, v55;
	v23 =	vpsel p3, v41, v56  }
0x56d: {  	v24 =	vpsel p3, v24, v0;
	v58 =	vpop (erf);
	(erf) = vpow2.f32 v26;
	v26 =	vpsel p3, v35, v0  }
0x56e: {  	v23 =	vmul.f32 @p2 v49, v23;
	v24 =	vadd.f32 @p3 v24, v26  }
0x56f: {  	v5 =	vmul.f32 @p2 v43, v5;
	v59 =	vpop (erf);
	(erf) = vpow2.f32 v28;
	v28 =	vadd.f32 @p3 v30, v38  }
0x570: {  	v12 =	vpsel p2, v48, v12;
	v19 =	vpsel p2, v23, v19;
	v26 =	vpop (erf)  }
0x571: {  	v5 =	vpsel p2, v5, v17;
	v23 =	vpsel p3, v24, v54;
	v28 =	vpsel p3, v28, v63;
	v30 =	vpop (erf)  }
0x572: {  	s18 =	simm.s32 $0x1;
	p1 =	por $0x0, $0x0;
	v5 =	vadd.f32 @p2 v5, v9;
	v9 =	vmul.f32 @p2 v12, v28;
	v17 =	vpop @p2 (erf);
	v24 =	vmov @p2 v33  }
0x573: {  	s18 =	simm.s32 @!p1 $0x0;
	v21 =	vpsel p2, v45, v21;
	v17 =	vmul.f32 @p2 v17, v23;
	v14 =	vpsel p2, v24, v14  }
0x574: {  	s18 =	sshll.u32 s18, $0x6;
	v12 =	vadd.f32 @p2 v19, v21;
	v5 =	vpsel p2, v5, v55;
	v14 =	vadd.f32 @p2 v9, v14  }
0x575: {  	s18 =	sadd.s32 $0x0, s18;
	v21 =	vpsel p2, v31, v0;
	v19 =	vpop (erf);
	v5 =	vmul.f32 v58, v5;
	v17 =	vpsel p2, v17, v0  }
0x576: {  	s20 =	sor.u32 $0x330, s18;
	v23 =	vpop (erf);
	v17 =	vadd.f32 @p2 v17, v21;
	v14 =	vpsel p2, v14, v63  }
0x577: {  	s21 =	sor.u32 $0x320, s18;
	v12 =	vpsel p2, v12, v56;
	v21 =	vld [tilespmem:s20+$0x0];
	v24 =	vpop (erf);
	v5 =	vadd.f32 v5, v23;
	v14 =	vmul.f32 v59, v14  }
0x578: {  	p6 =	por $0x1, $0x1;
	v9 =	vld [tilespmem:s21+$0x0];
	v12 =	vmul.f32 v30, v12;
	v28 =	vpop (erf);
	v17 =	vpsel p2, v17, v54  }
.Ltmp70:
0x579: {  	[tilespmem:$0x1FE70] =	vst v5;
	v17 =	vmul.f32 v28, v17;
	v5 =	vadd.f32 v14, v26;
	(pc) =	sbr.rel @!p6 .LBB2_97-.Ltmp70, $4  }
0x57a: {  	v12 =	vadd.f32 v12, v19  }
0x57b: {  	s25 =	sor.u32 $0x310, s18;
	[tilespmem:$0x1FE80] =	vst v5;
	v5 =	vadd.f32 v17, v24  }
0x57c: {  	s26 =	sor.u32 $0x300, s18;
	v19 =	vld [tilespmem:s25+$0x0];
	[tilespmem:$0x1FE90] =	vst v12;
	v24 =	vmax.f32 v7, v21  }
0x57d: {  	p2 =	por !p1, !p1;
	v12 =	vmax.f32 v44, v9;
	v41 =	vsub.f32 v7, v24;
	v31 =	vsub.f32 v21, v24;
	[tilespmem:$0x1FEA0] =	vst v5;
	v5 =	vld [tilespmem:s26+$0x0]  }
0x57e: {  	s20 =	simm.s32 $0x1  }
0x57f: {  	s20 =	simm.s32 @!p2 $0x0  }
0x580: {  	s20 =	sshll.u32 s20, $0x6  }
0x581: {  	v7 =	vsub.f32 v9, v12;
	s20 =	sadd.s32 $0x200, s20  }
0x582: {  	v9 =	vsub.f32 v44, v12;
	v14 =	vmul.f32 $1.442695020e+00, v41;
	s21 =	sor.u32 $0x330, s20  }
0x583: {  	v23 =	vmul.f32 $1.442695020e+00, v31;
	v7 =	vmul.f32 $1.442695020e+00, v7;
	v21 =	vmax.f32 v37, v5;
	s22 =	sor.u32 $0x320, s20;
	v26 =	vld [tilespmem:s21+$0x0]  }
0x584: {  	v28 =	vmul.f32 $1.442695020e+00, v9;
	(erf) = vpow2.f32 v14;
	v17 =	vsub.f32 v37, v21;
	v9 =	vld [tilespmem:s22+$0x0]  }
0x585: {  	p3 =	por $0x1, $0x1;
	(erf) = vpow2.f32 v7;
	v5 =	vsub.f32 v5, v21  }
.Ltmp71:
0x586: {  	(erf) = vpow2.f32 v23;
	v7 =	vmul.f32 $1.442695020e+00, v17;
	v17 =	vmax.f32 v39, v19;
	(pc) =	sbr.rel @!p3 .LBB2_99-.Ltmp71, $4  }
0x587: {  	v54 =	vld [tilespmem:$0x1FE10];
	(erf) = vpow2.f32 v28;
	v14 =	vsub.f32 v19, v17  }
0x588: {  	v55 =	vld [tilespmem:$0x1FE20];
	s26 =	sor.u32 $0x310, s20;
	s20 =	sor.u32 $0x300, s20;
	v23 =	vmul.f32 $1.442695020e+00, v5;
	v33 =	vsub.f32 v39, v17;
	(erf) = vpow2.f32 v7  }
0x589: {  	v5 =	vld [tilespmem:s20+$0x0];
	v44 =	vmax.f32 v12, v9;
	v7 =	vmax.f32 v24, v26;
	v43 =	vmul.f32 $1.442695020e+00, v14  }
0x58a: {  	p0 =	por !p2, !p2;
	p4 =	por $0x1, $0x1;
	v19 =	vld [tilespmem:s26+$0x0];
	(erf) = vpow2.f32 v23;
	v41 =	vsub.f32 v24, v7;
	v31 =	vsub.f32 v26, v7  }
0x58b: {  	s20 =	simm.s32 $0x1  }
0x58c: {  	v9 =	vsub.f32 v9, v44;
	s20 =	simm.s32 @!p0 $0x0  }
0x58d: {  	v14 =	vmul.f32 $1.442695020e+00, v41;
	s20 =	sshll.u32 s20, $0x6  }
0x58e: {  	(erf) = vpow2.f32 v43;
	v9 =	vmul.f32 $1.442695020e+00, v9;
	s21 =	sadd.s32 $0x400, s20  }
0x58f: {  	v23 =	vsub.f32 v12, v44;
	v26 =	vmul.f32 $1.442695020e+00, v33;
	v24 =	vpop (erf);
	(erf) = vpow2.f32 v14;
	s20 =	sor.u32 $0x330, s21  }
0x590: {  	v28 =	vmul.f32 $1.442695020e+00, v31;
	v37 =	vmax.f32 v21, v5;
	v12 =	vpop (erf);
	(erf) = vpow2.f32 v9;
	v31 =	vld [tilespmem:s20+$0x0]  }
0x591: {  	s22 =	sor.u32 $0x320, s21;
	v5 =	vsub.f32 v5, v37;
	(erf) = vpow2.f32 v26;
	v26 =	vld [tilespmem:$0x1FE30]  }
0x592: {  	v39 =	vmax.f32 v17, v19;
	v9 =	vld [tilespmem:s22+$0x0]  }
0x593: {  	v21 =	vsub.f32 v21, v37;
	v33 =	vsub.f32 v17, v39;
	v17 =	vmul.f32 $1.442695020e+00, v5;
	v5 =	vld [tilespmem:$0x1FE60]  }
0x594: {  	v30 =	vmul.f32 $1.442695020e+00, v23  }
0x595: {  	p3 =	por $0x1, $0x1;
	v14 =	vpop (erf);
	v21 =	vmul.f32 $1.442695020e+00, v21;
	(erf) = vpow2.f32 v28  }
.Ltmp72:
0x596: {  	v23 =	vpop (erf);
	(erf) = vpow2.f32 v30;
	v26 =	vmul.f32 v24, v26;
	v24 =	vsub.f32 v19, v39;
	(pc) =	sbr.rel @!p3 .LBB2_101-.Ltmp72, $4  }
0x597: {  	v38 =	vld [tilespmem:$0x1FE40];
	s23 =	sor.u32 $0x300, s21;
	v28 =	vpop (erf);
	(erf) = vpow2.f32 v21  }
0x598: {  	v46 =	vmax.f32 v44, v9;
	v45 =	vmax.f32 v7, v31;
	v30 =	vmul.f32 v28, v5;
	v5 =	vld [tilespmem:s23+$0x0]  }
0x599: {  	p6 =	por !p0, !p0;
	v35 =	vld [tilespmem:$0x1FE50];
	s26 =	sor.u32 $0x310, s21;
	v21 =	vmov v37;
	v28 =	vpop (erf);
	v41 =	vsub.f32 v7, v45;
	v31 =	vsub.f32 v31, v45  }
0x59a: {  	p5 =	por $0x1, $0x1;
	s21 =	simm.s32 $0x400;
	s20 =	simm.s32 $0xC0;
	v19 =	vld [tilespmem:s26+$0x0];
	(erf) = vpow2.f32 v17;
	v17 =	vmov v39;
	v43 =	vmul.f32 $1.442695020e+00, v24;
	v24 =	vpop (erf)  }
.LBB2_102:
0x59b: {  	s22 =	simm.s32 $0x1  }
0x59c: {  	p0 =	sne.s32 s20, $0x7C0;
	s20 =	sadd.s32 $0x40, s20;
	v7 =	vsub.f32 v44, v46;
	v9 =	vsub.f32 v9, v46;
	v33 =	vmul.f32 $1.442695020e+00, v33;
	v44 =	vpop (erf);
	s22 =	simm.s32 @!p6 $0x0  }
0x59d: {  	v37 =	vmax.f32 v37, v5;
	s21 =	sadd.s32 $0x200, s21;
	v41 =	vmul.f32 $1.442695020e+00, v41;
	s22 =	sshll.u32 s22, $0x6;
	(erf) = vpow2.f32 v43;
	v43 =	vpop (erf)  }
0x59e: {  	v21 =	vsub.f32 v21, v37;
	v31 =	vmul.f32 $1.442695020e+00, v31;
	v9 =	vmul.f32 $1.442695020e+00, v9;
	s22 =	sadd.s32 s22, s21;
	v48 =	vpop (erf)  }
0x59f: {  	v26 =	vadd.f32 v26, v14;
	v7 =	vmul.f32 $1.442695020e+00, v7;
	s23 =	sor.u32 $0x300, s22;
	s24 =	sor.u32 $0x310, s22;
	s25 =	sor.u32 $0x330, s22;
	(erf) = vpow2.f32 v41;
	v14 =	vpop (erf)  }
0x5a0: {  	v30 =	vadd.f32 v30, v28;
	v28 =	vmul.f32 v23, v38;
	s22 =	sor.u32 $0x320, s22;
	v49 =	vld [tilespmem:s25+$0x0];
	(erf) = vpow2.f32 v9;
	v23 =	vpop (erf)  }
0x5a1: {  	v50 =	vsub.f32 v5, v37;
	v41 =	vmul.f32 $1.442695020e+00, v21;
	v9 =	vld [tilespmem:s22+$0x0];
	v51 =	vpop (erf);
	(erf) = vpow2.f32 v33  }
0x5a2: {  	v38 =	vadd.f32 v28, v12;
	v12 =	vmovc v43;
	v21 =	vmovc v37;
	v53 =	vld [tilespmem:s24+$0x0];
	(erf) = vpow2.f32 v31;
	v31 =	vmul.f32 v48, v35  }
.Ltmp73:
0x5a3: {  	v39 =	vmax.f32 v39, v19;
	v26 =	vmul.f32 v44, v26;
	v44 =	vmovc v46;
	v5 =	vld [tilespmem:s23+$0x0];
	(erf) = vpow2.f32 v7;
	v7 =	vmovc v45;
	(pc) =	sbr.rel @p0 .LBB2_102-.Ltmp73, $4  }
0x5a4: {  	v11 =	vsub.f32 v19, v39;
	v33 =	vsub.f32 v17, v39;
	(erf) = vpow2.f32 v41;
	v28 =	vpop (erf)  }
0x5a5: {  	v17 =	vmovc v39;
	v48 =	vmul.f32 $1.442695020e+00, v50;
	v30 =	vmul.f32 v51, v30;
	v35 =	vadd.f32 v31, v24  }
0x5a6: {  	v43 =	vmul.f32 $1.442695020e+00, v11;
	v45 =	vmax.f32 v45, v49;
	v46 =	vmax.f32 v46, v9;
	v24 =	vpop (erf)  }
0x5a7: {  	p6 =	por !p6, !p6;
	v41 =	vsub.f32 v7, v45;
	v31 =	vsub.f32 v49, v45;
	(erf) = vpow2.f32 v48;
	v19 =	vmovc v53  }
0x5a8: {  	v48 =	vmov v44;
	v44 =	vmov v46;
	v7 =	vmov v45;
	p6 =	por $0x1, $0x1  }
.LBB2_104:
0x5a9: {  	v9 =	vsub.f32 v9, v44;
	v33 =	vmul.f32 @p4 $1.442695020e+00, v33  }
0x5aa: {  	v45 =	vsub.f32 v48, v44;
	v41 =	vmul.f32 $1.442695020e+00, v41;
	v37 =	vmax.f32 v37, v5  }
0x5ab: {  	(erf) = vpow2.f32 @p4 v43;
	v31 =	vmul.f32 $1.442695020e+00, v31;
	v21 =	vsub.f32 v21, v37  }
0x5ac: {  	v56 =	vld [tilespmem:$0x1FE30];
	v5 =	vsub.f32 v5, v37;
	v9 =	vmul.f32 $1.442695020e+00, v9;
	v53 =	vmul.f32 $1.442695020e+00, v45  }
0x5ad: {  	v39 =	vmax.f32 v39, v19;
	(erf) = vpow2.f32 v41;
	v21 =	vmul.f32 $1.442695020e+00, v21  }
0x5ae: {  	v19 =	vsub.f32 v19, v39;
	v5 =	vmul.f32 $1.442695020e+00, v5;
	v41 =	vpop @p4 (erf);
	(erf) = vpow2.f32 v9  }
0x5af: {  	v14 =	vadd.f32 @p5 v26, v14;
	v58 =	vld [tilespmem:$0x1FE60];
	v9 =	vmul.f32 @p5 v23, v38;
	v23 =	vpop @p4 (erf);
	(erf) = vpow2.f32 @p4 v33  }
0x5b0: {  	v59 =	vld [tilespmem:$0x1FE40];
	v17 =	vsub.f32 v17, v39;
	v19 =	vmul.f32 $1.442695020e+00, v19;
	v33 =	vpop @p5 (erf);
	(erf) = vpow2.f32 v31  }
0x5b1: {  	v14 =	vpsel p5, v14, v56;
	v9 =	vadd.f32 @p5 v9, v12;
	v31 =	vpop @p4 (erf);
	(erf) = vpow2.f32 v53  }
0x5b2: {  	v12 =	vmul.f32 @p4 v41, v14;
	v26 =	vpop @p4 (erf);
	(erf) = vpow2.f32 v21;
	v21 =	vadd.f32 @p5 v30, v28  }
0x5b3: {  	v28 =	vpop @p4 (erf);
	(erf) = vpow2.f32 v5;
	v5 =	vmul.f32 $1.442695020e+00, v17  }
0x5b4: {  	v30 =	vpop @p4 (erf);
	(erf) = vpow2.f32 v19;
	v19 =	vpsel p5, v21, v58  }
0x5b5: {  	v12 =	vpsel p4, v12, v0;
	v9 =	vpsel p5, v9, v59  }
0x5b6: {  	v63 =	vld [tilespmem:$0x1FE50];
	v17 =	vmul.f32 @p5 v33, v35;
	v26 =	vpsel p4, v26, v0;
	v14 =	vmul.f32 @p4 v28, v19;
	v21 =	vpop @p4 (erf)  }
0x5b7: {  	(erf) = vpow2.f32 v5;
	v5 =	vpop (erf);
	v19 =	vmov @p4 v23;
	v23 =	vpsel p4, v31, v0  }
0x5b8: {  	v9 =	vmul.f32 @p4 v26, v9;
	v17 =	vadd.f32 @p5 v17, v24;
	v24 =	vpop (erf);
	v12 =	vadd.f32 @p4 v12, v23  }
0x5b9: {  	v28 =	vpsel p4, v30, v0;
	v14 =	vpsel p4, v14, v0;
	v19 =	vpsel p4, v19, v0;
	v30 =	vpop @p4 (erf)  }
0x5ba: {  	v14 =	vadd.f32 @p4 v14, v28;
	v19 =	vadd.f32 @p4 v9, v19;
	v31 =	vpop (erf);
	v9 =	vpsel p4, v12, v56  }
0x5bb: {  	v17 =	vpsel p5, v17, v63;
	v23 =	vpop (erf);
	v5 =	vmul.f32 v5, v9  }
0x5bc: {  	v17 =	vmul.f32 @p4 v30, v17;
	v14 =	vpsel p4, v14, v58;
	v26 =	vpop (erf)  }
0x5bd: {  	v21 =	vpsel p4, v21, v0;
	v14 =	vmul.f32 v26, v14;
	v5 =	vadd.f32 v5, v31  }
0x5be: {  	s20 =	sor.u32 $0x3B0, s18;
	v19 =	vpsel p4, v19, v59;
	v17 =	vadd.f32 @p4 v17, v21;
	v12 =	vpop (erf)  }
0x5bf: {  	s21 =	sor.u32 $0x3A0, s18;
	v21 =	vld [tilespmem:s20+$0x0];
	v19 =	vmul.f32 v23, v19;
	v28 =	vpop (erf);
	[tilespmem:$0x1FE30] =	vst v5;
	v5 =	vadd.f32 v14, v12  }
0x5c0: {  	v9 =	vld [tilespmem:s21+$0x0];
	v17 =	vpsel p4, v17, v63;
	v26 =	vpop (erf)  }
.Ltmp74:
0x5c1: {  	v17 =	vmul.f32 v26, v17;
	[tilespmem:$0x1FE60] =	vst v5;
	v5 =	vadd.f32 v19, v24;
	(pc) =	sbr.rel @!p6 .LBB2_105-.Ltmp74, $4  }
0x5c2: {  	_ = 	snop  }
0x5c3: {  	s25 =	sor.u32 $0x390, s18;
	[tilespmem:$0x1FE40] =	vst v5;
	v5 =	vadd.f32 v17, v28  }
0x5c4: {  	s26 =	sor.u32 $0x380, s18;
	v19 =	vld [tilespmem:s25+$0x0];
	v24 =	vmax.f32 v1, v21  }
0x5c5: {  	v12 =	vmax.f32 v32, v9;
	v41 =	vsub.f32 v1, v24;
	v33 =	vsub.f32 v21, v24;
	[tilespmem:$0x1FE50] =	vst v5;
	v5 =	vld [tilespmem:s26+$0x0]  }
0x5c6: {  	s18 =	simm.s32 $0x1  }
0x5c7: {  	s18 =	simm.s32 @!p2 $0x0  }
0x5c8: {  	s18 =	sshll.u32 s18, $0x6  }
0x5c9: {  	v1 =	vsub.f32 v9, v12;
	s18 =	sadd.s32 $0x200, s18  }
0x5ca: {  	v9 =	vsub.f32 v32, v12;
	v14 =	vmul.f32 $1.442695020e+00, v41;
	s20 =	sor.u32 $0x3B0, s18  }
0x5cb: {  	v23 =	vmul.f32 $1.442695020e+00, v33;
	v1 =	vmul.f32 $1.442695020e+00, v1;
	v21 =	vmax.f32 v25, v5;
	s21 =	sor.u32 $0x3A0, s18;
	v63 =	vld [tilespmem:s20+$0x0]  }
0x5cc: {  	v26 =	vmul.f32 $1.442695020e+00, v9;
	(erf) = vpow2.f32 v14;
	v17 =	vsub.f32 v25, v21;
	v9 =	vld [tilespmem:s21+$0x0]  }
0x5cd: {  	p3 =	por $0x1, $0x1;
	(erf) = vpow2.f32 v1;
	v5 =	vsub.f32 v5, v21  }
.Ltmp75:
0x5ce: {  	(erf) = vpow2.f32 v23;
	v1 =	vmul.f32 $1.442695020e+00, v17;
	v17 =	vmax.f32 v27, v19;
	(pc) =	sbr.rel @!p3 .LBB2_107-.Ltmp75, $4  }
0x5cf: {  	(erf) = vpow2.f32 v26;
	v14 =	vsub.f32 v19, v17  }
0x5d0: {  	s26 =	sor.u32 $0x390, s18;
	s18 =	sor.u32 $0x380, s18;
	v23 =	vmul.f32 $1.442695020e+00, v5;
	v31 =	vsub.f32 v27, v17;
	(erf) = vpow2.f32 v1  }
0x5d1: {  	v5 =	vld [tilespmem:s18+$0x0];
	v32 =	vmax.f32 v12, v9;
	v1 =	vmax.f32 v24, v63;
	v43 =	vmul.f32 $1.442695020e+00, v14  }
0x5d2: {  	p0 =	por !p2, !p2;
	p2 =	por $0x1, $0x1;
	v19 =	vld [tilespmem:s26+$0x0];
	(erf) = vpow2.f32 v23;
	v41 =	vsub.f32 v24, v1;
	v33 =	vsub.f32 v63, v1  }
0x5d3: {  	v9 =	vsub.f32 v9, v32  }
0x5d4: {  	v14 =	vmul.f32 $1.442695020e+00, v41  }
0x5d5: {  	s18 =	simm.s32 $0x1;
	(erf) = vpow2.f32 v43;
	v9 =	vmul.f32 $1.442695020e+00, v9  }
0x5d6: {  	v26 =	vmul.f32 $1.442695020e+00, v31;
	s18 =	simm.s32 @!p0 $0x0;
	v24 =	vpop (erf);
	(erf) = vpow2.f32 v14  }
0x5d7: {  	v23 =	vsub.f32 v12, v32;
	s18 =	sshll.u32 s18, $0x6;
	v12 =	vpop (erf);
	(erf) = vpow2.f32 v9  }
0x5d8: {  	s20 =	sadd.s32 $0x400, s18;
	(erf) = vpow2.f32 v26;
	v26 =	vld [tilespmem:$0x1FC20]  }
0x5d9: {  	v27 =	vmul.f32 $1.442695020e+00, v33;
	v25 =	vmax.f32 v21, v5;
	s18 =	sor.u32 $0x3B0, s20  }
0x5da: {  	v28 =	vmul.f32 $1.442695020e+00, v23;
	v21 =	vsub.f32 v21, v25;
	s21 =	sor.u32 $0x3A0, s20;
	v63 =	vld [tilespmem:s18+$0x0]  }
0x5db: {  	v5 =	vsub.f32 v5, v25;
	v14 =	vpop (erf);
	v9 =	vld [tilespmem:s21+$0x0];
	(erf) = vpow2.f32 v27;
	v27 =	vmax.f32 v17, v19  }
0x5dc: {  	p4 =	por $0x1, $0x1;
	v21 =	vmul.f32 $1.442695020e+00, v21;
	v31 =	vsub.f32 v17, v27  }
.Ltmp76:
0x5dd: {  	v23 =	vpop (erf);
	v17 =	vmul.f32 $1.442695020e+00, v5;
	v26 =	vmul.f32 v24, v26;
	v24 =	vsub.f32 v19, v27;
	(pc) =	sbr.rel @!p4 .LBB2_109-.Ltmp76, $4  }
0x5de: {  	s22 =	sor.u32 $0x380, s20;
	v30 =	vpop (erf);
	(erf) = vpow2.f32 v28  }
0x5df: {  	v5 =	vld [tilespmem:s22+$0x0];
	(erf) = vpow2.f32 v21;
	v30 =	vmul.f32 v30, v55;
	v28 =	vpop (erf);
	v45 =	vmax.f32 v1, v63  }
0x5e0: {  	p3 =	por !p0, !p0;
	v38 =	vmovc v54;
	v35 =	vld [tilespmem:$0x1FFE0];
	s26 =	sor.u32 $0x390, s20;
	(erf) = vpow2.f32 v17;
	v46 =	vmax.f32 v32, v9;
	v21 =	vmovc v25;
	v41 =	vsub.f32 v1, v45  }
0x5e1: {  	p1 =	por $0x1, $0x1;
	s20 =	simm.s32 $0x400;
	s18 =	simm.s32 $0xC0;
	v19 =	vld [tilespmem:s26+$0x0];
	v33 =	vsub.f32 v63, v45;
	v17 =	vmov v27;
	v43 =	vmul.f32 $1.442695020e+00, v24;
	v24 =	vpop (erf)  }
.LBB2_110:
0x5e2: {  	s21 =	simm.s32 $0x1  }
0x5e3: {  	p0 =	sne.s32 s18, $0x7C0;
	s18 =	sadd.s32 $0x40, s18;
	v1 =	vsub.f32 v32, v46;
	v9 =	vsub.f32 v9, v46;
	v31 =	vmul.f32 $1.442695020e+00, v31;
	v32 =	vpop (erf);
	s21 =	simm.s32 @!p3 $0x0  }
0x5e4: {  	v25 =	vmax.f32 v25, v5;
	s20 =	sadd.s32 $0x200, s20;
	v41 =	vmul.f32 $1.442695020e+00, v41;
	s21 =	sshll.u32 s21, $0x6;
	(erf) = vpow2.f32 v43;
	v43 =	vpop (erf)  }
0x5e5: {  	v21 =	vsub.f32 v21, v25;
	v33 =	vmul.f32 $1.442695020e+00, v33;
	v9 =	vmul.f32 $1.442695020e+00, v9;
	s21 =	sadd.s32 s21, s20;
	v48 =	vpop (erf)  }
0x5e6: {  	v26 =	vadd.f32 v26, v14;
	v1 =	vmul.f32 $1.442695020e+00, v1;
	s22 =	sor.u32 $0x380, s21;
	s23 =	sor.u32 $0x390, s21;
	s24 =	sor.u32 $0x3B0, s21;
	(erf) = vpow2.f32 v41;
	v14 =	vpop (erf)  }
0x5e7: {  	v30 =	vadd.f32 v30, v28;
	v28 =	vmul.f32 v23, v38;
	s21 =	sor.u32 $0x3A0, s21;
	v49 =	vld [tilespmem:s24+$0x0];
	(erf) = vpow2.f32 v9;
	v23 =	vpop (erf)  }
0x5e8: {  	v50 =	vsub.f32 v5, v25;
	v41 =	vmul.f32 $1.442695020e+00, v21;
	v9 =	vld [tilespmem:s21+$0x0];
	v51 =	vpop (erf);
	(erf) = vpow2.f32 v31  }
0x5e9: {  	v38 =	vadd.f32 v28, v12;
	v12 =	vmovc v43;
	v21 =	vmovc v25;
	v53 =	vld [tilespmem:s23+$0x0];
	(erf) = vpow2.f32 v33;
	v33 =	vmul.f32 v48, v35  }
.Ltmp77:
0x5ea: {  	v27 =	vmax.f32 v27, v19;
	v26 =	vmul.f32 v32, v26;
	v32 =	vmovc v46;
	v5 =	vld [tilespmem:s22+$0x0];
	(erf) = vpow2.f32 v1;
	v1 =	vmovc v45;
	(pc) =	sbr.rel @p0 .LBB2_110-.Ltmp77, $4  }
0x5eb: {  	v11 =	vsub.f32 v19, v27;
	v31 =	vsub.f32 v17, v27;
	(erf) = vpow2.f32 v41;
	v28 =	vpop (erf)  }
0x5ec: {  	v17 =	vmovc v27;
	v48 =	vmul.f32 $1.442695020e+00, v50;
	v30 =	vmul.f32 v51, v30;
	v35 =	vadd.f32 v33, v24  }
0x5ed: {  	v43 =	vmul.f32 $1.442695020e+00, v11;
	v45 =	vmax.f32 v45, v49;
	v46 =	vmax.f32 v46, v9;
	v24 =	vpop (erf)  }
0x5ee: {  	p3 =	por !p3, !p3;
	v41 =	vsub.f32 v1, v45;
	v33 =	vsub.f32 v49, v45;
	(erf) = vpow2.f32 v48;
	v19 =	vmovc v53  }
0x5ef: {  	v48 =	vmov v32;
	v32 =	vmov v46;
	[tilespmem:$0x1FC10] =	vst v45  }
.LBB2_112:
0x5f0: {  	v9 =	vsub.f32 v9, v32;
	v31 =	vmul.f32 @p2 $1.442695020e+00, v31;
	v41 =	vmul.f32 $1.442695020e+00, v41  }
0x5f1: {  	v45 =	vsub.f32 v48, v32;
	(erf) = vpow2.f32 @p2 v43;
	v25 =	vmax.f32 v25, v5  }
0x5f2: {  	v33 =	vmul.f32 $1.442695020e+00, v33;
	v21 =	vsub.f32 v21, v25;
	v9 =	vmul.f32 $1.442695020e+00, v9  }
0x5f3: {  	v27 =	vmax.f32 v27, v19;
	v59 =	vmul.f32 $1.442695020e+00, v45;
	(erf) = vpow2.f32 v41  }
0x5f4: {  	v63 =	vld [tilespmem:$0x1FC20];
	v5 =	vsub.f32 v5, v25;
	v21 =	vmul.f32 $1.442695020e+00, v21;
	v41 =	vpop @p2 (erf);
	(erf) = vpow2.f32 v9  }
0x5f5: {  	v19 =	vsub.f32 v19, v27;
	v9 =	vmul.f32 @p1 v23, v38;
	v23 =	vpop @p2 (erf);
	(erf) = vpow2.f32 @p2 v31  }
0x5f6: {  	v14 =	vadd.f32 @p1 v26, v14;
	v5 =	vmul.f32 $1.442695020e+00, v5;
	v31 =	vpop @p1 (erf);
	(erf) = vpow2.f32 v33  }
0x5f7: {  	v17 =	vsub.f32 v17, v27;
	v19 =	vmul.f32 $1.442695020e+00, v19;
	v33 =	vpop @p2 (erf);
	(erf) = vpow2.f32 v59  }
0x5f8: {  	v9 =	vadd.f32 @p1 v9, v12;
	v26 =	vpop @p2 (erf);
	(erf) = vpow2.f32 v21;
	v21 =	vadd.f32 @p1 v30, v28  }
0x5f9: {  	v14 =	vpsel p1, v14, v63;
	v28 =	vpop @p2 (erf);
	(erf) = vpow2.f32 v5;
	v5 =	vmul.f32 $1.442695020e+00, v17  }
0x5fa: {  	v1 =	vld [tilespmem:$0x1FFE0];
	v12 =	vmul.f32 @p2 v41, v14;
	v9 =	vpsel p1, v9, v54;
	v17 =	vmul.f32 @p1 v31, v35  }
0x5fb: {  	v26 =	vpsel p2, v26, v0;
	v30 =	vpop @p2 (erf);
	(erf) = vpow2.f32 v19;
	v19 =	vpsel p1, v21, v55  }
0x5fc: {  	v12 =	vpsel p2, v12, v0;
	v9 =	vmul.f32 @p2 v26, v9;
	v21 =	vpop @p2 (erf)  }
0x5fd: {  	v14 =	vmul.f32 @p2 v28, v19;
	v17 =	vadd.f32 @p1 v17, v24;
	(erf) = vpow2.f32 v5;
	v5 =	vpop (erf)  }
0x5fe: {  	v28 =	vpsel p2, v30, v0;
	v19 =	vmov @p2 v23;
	v23 =	vpsel p2, v33, v0;
	v24 =	vpop (erf)  }
0x5ff: {  	v14 =	vpsel p2, v14, v0;
	v17 =	vpsel p1, v17, v1;
	v12 =	vadd.f32 @p2 v12, v23;
	v30 =	vpop @p2 (erf)  }
0x600: {  	v19 =	vpsel p2, v19, v0;
	v14 =	vadd.f32 @p2 v14, v28;
	v31 =	vpop (erf);
	v17 =	vmul.f32 @p2 v30, v17  }
0x601: {  	v21 =	vpsel p2, v21, v0;
	v9 =	vadd.f32 @p2 v9, v19;
	v12 =	vpsel p2, v12, v63;
	v23 =	vpop (erf)  }
0x602: {  	v5 =	vmul.f32 v5, v12;
	v12 =	vpsel p2, v14, v55;
	v26 =	vpop (erf);
	v17 =	vadd.f32 @p2 v17, v21  }
0x603: {  	v12 =	vmul.f32 v26, v12  }
0x604: {  	v9 =	vpsel p2, v9, v54;
	v19 =	vpop (erf)  }
0x605: {  	s19 =	sadd.s32 $0x1, s19;
	v9 =	vmul.f32 v23, v9;
	v14 =	vpop (erf);
	v11 =	vpsel p2, v17, v1;
	v1 =	vadd.f32 v12, v19  }
0x606: {  	p0 =	sne.s32 s19, $0x6;
	v17 =	vpop (erf)  }
.Ltmp78:
0x607: {  	v11 =	vmul.f32 v17, v11;
	[tilespmem:$0x1FE20] =	vst v1;
	v1 =	vadd.f32 v9, v24;
	(pc) =	sbr.rel @p0 .LBB2_58-.Ltmp78, $4  }
.Ltmp79:
0x608: {  	v5 =	vadd.f32 v5, v31;
	(pc) =	sbr.rel @!p0 .LBB2_113-.Ltmp79, $4  }
0x609: {  	[tilespmem:$0x1FE10] =	vst v1;
	v1 =	vadd.f32 v11, v14  }
0x60a: {  	[tilespmem:$0x1FC20] =	vst v5  }
0x60b: {  	[tilespmem:$0x1FFE0] =	vst v1  }
0x60c: {  	_ = 	snop  }
.LBB2_63:
.Ltmp80:
0x60d: {  	(pc) =	sbr.rel .LBB2_70-.Ltmp80, $2  }
0x60e: {  	_ =	sdelay $0x2  }
0x60f: {  	v18 =	vmovc v38;
	v2 =	vmov v35;
	v3 =	vmov v30;
	v21 =	vmov v52;
	v35 =	vld [tilespmem:$0x1FF40];
	p4 =	por $0x0, $0x0  }
.LBB2_71:
.Ltmp81:
0x610: {  	(pc) =	sbr.rel .LBB2_78-.Ltmp81, $2  }
0x611: {  	_ =	sdelay $0x2  }
0x612: {  	v61 =	vmovc v35;
	v15 =	vmov v38;
	v22 =	vmov v30;
	v21 =	vmov v34;
	v38 =	vld [tilespmem:$0x1FF00];
	p3 =	por $0x0, $0x0  }
.LBB2_79:
.Ltmp82:
0x613: {  	(pc) =	sbr.rel .LBB2_86-.Ltmp82, $3  }
0x614: {  	_ =	sdelay $0x1  }
0x615: {  	v38 =	vld [tilespmem:$0x1FEC0]  }
0x616: {  	v48 =	vmovc v20;
	v20 =	vmovc v12;
	v21 =	vmov v8;
	v35 =	vld [tilespmem:$0x1FED0];
	v40 =	vmov v24;
	v17 =	vmov v16;
	p4 =	por $0x0, $0x0;
	p5 =	por $0x0, $0x0  }
.LBB2_87:
.Ltmp83:
0x617: {  	(pc) =	sbr.rel .LBB2_96-.Ltmp83, $2  }
0x618: {  	_ =	sdelay $0x2  }
0x619: {  	v55 =	vmovc v57;
	v57 =	vmovc v12;
	v6 =	vmov v14;
	v41 =	vmov v42;
	v45 =	vld [tilespmem:$0x1FE80];
	v31 =	vmov v47;
	p2 =	por $0x0, $0x0;
	p3 =	por $0x0, $0x0  }
.LBB2_97:
.Ltmp84:
0x61a: {  	(pc) =	sbr.rel .LBB2_104-.Ltmp84, $4  }
0x61b: {  	v38 =	vld [tilespmem:$0x1FE40]  }
0x61c: {  	v35 =	vld [tilespmem:$0x1FE50]  }
0x61d: {  	v54 =	vld [tilespmem:$0x1FE10]  }
0x61e: {  	v48 =	vmovc v44;
	v44 =	vmovc v12;
	v21 =	vmov v37;
	v7 =	vmov v24;
	v17 =	vmov v39;
	p4 =	por $0x0, $0x0;
	p5 =	por $0x0, $0x0;
	v55 =	vld [tilespmem:$0x1FE20]  }
.LBB2_105:
.Ltmp85:
0x61f: {  	(pc) =	sbr.rel .LBB2_112-.Ltmp85, $2  }
0x620: {  	_ =	sdelay $0x2  }
0x621: {  	v48 =	vmovc v32;
	v32 =	vmovc v12;
	v21 =	vmov v25;
	v38 =	vmov v54;
	v35 =	vld [tilespmem:$0x1FFE0];
	[tilespmem:$0x1FC10] =	vst v24;
	v17 =	vmov v27;
	p2 =	por $0x0, $0x0  }
.LBB2_65:
.Ltmp86:
0x622: {  	(pc) =	sbr.rel .LBB2_70-.Ltmp86, $2  }
0x623: {  	_ =	sdelay $0x2  }
0x624: {  	v52 =	vmov v21;
	v35 =	vld [tilespmem:$0x1FF40];
	v9 =	vmov v24;
	p4 =	por $0x0, $0x0  }
.LBB2_73:
.Ltmp87:
0x625: {  	(pc) =	sbr.rel .LBB2_78-.Ltmp87, $2  }
0x626: {  	_ =	sdelay $0x2  }
0x627: {  	v34 =	vmov v21;
	v38 =	vld [tilespmem:$0x1FF00];
	v9 =	vmov v24  }
.LBB2_81:
.Ltmp88:
0x628: {  	(pc) =	sbr.rel .LBB2_86-.Ltmp88, $3  }
0x629: {  	_ =	sdelay $0x1  }
0x62a: {  	v38 =	vld [tilespmem:$0x1FEC0]  }
0x62b: {  	v48 =	vmov v12;
	v8 =	vmov v21;
	v35 =	vld [tilespmem:$0x1FED0];
	v16 =	vmov v17;
	p5 =	por $0x0, $0x0  }
.LBB2_89:
.Ltmp89:
0x62c: {  	(pc) =	sbr.rel .LBB2_96-.Ltmp89, $2  }
0x62d: {  	_ =	sdelay $0x2  }
0x62e: {  	v55 =	vmov v12;
	v42 =	vmov v41;
	v45 =	vld [tilespmem:$0x1FE80];
	v47 =	vmov v31;
	p3 =	por $0x0, $0x0  }
.LBB2_99:
.Ltmp90:
0x62f: {  	(pc) =	sbr.rel .LBB2_104-.Ltmp90, $3  }
0x630: {  	_ =	sdelay $0x1  }
0x631: {  	v38 =	vld [tilespmem:$0x1FE40]  }
0x632: {  	v48 =	vmov v12;
	v37 =	vmov v21;
	v35 =	vld [tilespmem:$0x1FE50];
	v39 =	vmov v17;
	p5 =	por $0x0, $0x0  }
.LBB2_107:
.Ltmp91:
0x633: {  	(pc) =	sbr.rel .LBB2_112-.Ltmp91, $2  }
0x634: {  	_ =	sdelay $0x2  }
0x635: {  	[tilespmem:$0x1FC10] =	vst v1;
	v48 =	vmovc v12;
	v25 =	vmov v21;
	v38 =	vmov v54;
	v35 =	vld [tilespmem:$0x1FFE0];
	v27 =	vmov v17  }
.LBB2_67:
.Ltmp92:
0x636: {  	(pc) =	sbr.rel .LBB2_70-.Ltmp92, $3  }
0x637: {  	_ =	sdelay $0x1  }
0x638: {  	v43 =	vmov v51  }
0x639: {  	v18 =	vmovc v46;
	v2 =	vmovc v45;
	v3 =	vmov v49;
	v21 =	vmov v52;
	v45 =	vmov v30;
	v35 =	vld [tilespmem:$0x1FF40]  }
.LBB2_75:
.Ltmp93:
0x63a: {  	(pc) =	sbr.rel .LBB2_78-.Ltmp93, $3  }
0x63b: {  	_ =	sdelay $0x1  }
0x63c: {  	v46 =	vmov v51  }
0x63d: {  	v61 =	vmovc v45;
	v15 =	vmovc v43;
	v22 =	vmov v49;
	v21 =	vmov v34;
	v43 =	vmov v30;
	v38 =	vld [tilespmem:$0x1FF00]  }
.LBB2_83:
.Ltmp94:
0x63e: {  	(pc) =	sbr.rel .LBB2_86-.Ltmp94, $3  }
0x63f: {  	_ =	sdelay $0x1  }
0x640: {  	v38 =	vld [tilespmem:$0x1FEC0]  }
0x641: {  	v48 =	vmovc v20;
	v20 =	vmovc v46;
	v21 =	vmov v8;
	v35 =	vld [tilespmem:$0x1FED0];
	v40 =	vmov v45;
	v17 =	vmov v16;
	p6 =	por $0x1, $0x1  }
.LBB2_91:
.Ltmp95:
0x642: {  	(pc) =	sbr.rel .LBB2_96-.Ltmp95, $4  }
0x643: {  	_ = 	snop  }
0x644: {  	v55 =	vmov v57  }
0x645: {  	v57 =	vmovc v48;
	v6 =	vmovc v31;
	v50 =	vmov v21;
	v23 =	vmov v28;
	v28 =	vmov v17  }
0x646: {  	v41 =	vmovc v42;
	v45 =	vld [tilespmem:$0x1FE80];
	v30 =	vmovc v12;
	v38 =	vmov v14;
	v31 =	vmov v47;
	v53 =	vmov v19  }
.LBB2_101:
.Ltmp96:
0x647: {  	(pc) =	sbr.rel .LBB2_104-.Ltmp96, $3  }
0x648: {  	_ =	sdelay $0x1  }
0x649: {  	v38 =	vld [tilespmem:$0x1FE40]  }
0x64a: {  	v48 =	vmovc v44;
	v44 =	vmovc v46;
	v21 =	vmov v37;
	v35 =	vld [tilespmem:$0x1FE50];
	v7 =	vmov v45;
	v17 =	vmov v39;
	p6 =	por $0x1, $0x1  }
.LBB2_109:
.Ltmp97:
0x64b: {  	(pc) =	sbr.rel .LBB2_112-.Ltmp97, $2  }
0x64c: {  	_ =	sdelay $0x2  }
0x64d: {  	v48 =	vmovc v32;
	v32 =	vmovc v46;
	v21 =	vmov v25;
	v38 =	vmov v54;
	v35 =	vld [tilespmem:$0x1FFE0];
	[tilespmem:$0x1FC10] =	vst v45;
	v17 =	vmov v27  }
.LBB2_93:
.Ltmp98:
0x64e: {  	(pc) =	sbr.rel .LBB2_96-.Ltmp98, $2  }
0x64f: {  	_ =	sdelay $0x2  }
0x650: {  	v55 =	vmovc v48;
	v42 =	vmovc v49;
	v41 =	vmov v49;
	v47 =	vmov v54;
	v31 =	vmov v54  }
.LBB2_57:
0x651: {  	v2 =	vld [tilespmem:$0x1FE00];
	_ =	sdelay $0x4  }
0x652: {  	v0 =	vmax.f32 v2, v31  }
0x653: {  	v0 =	vmax.f32 v0, v55  }
0x654: {  	v0 =	vmax.f32 v0, v63  }
0x655: {  	v2 =	vsub.f32 v2, v0;
	_ =	sdelay $0x1  }
0x656: {  	v3 =	vsub.f32 v31, v0;
	v2 =	vmul.f32 $1.442695020e+00, v2;
	_ =	sdelay $0x1  }
0x657: {  	(erf) = vpow2.f32 v2;
	v2 =	vmul.f32 $1.442695020e+00, v3;
	v3 =	vsub.f32 v55, v0;
	_ =	sdelay $0x1  }
0x658: {  	(erf) = vpow2.f32 v2;
	v2 =	vmul.f32 $1.442695020e+00, v3  }
0x659: {  	v3 =	vsub.f32 v63, v0  }
0x65a: {  	(erf) = vpow2.f32 v2  }
0x65b: {  	v2 =	vmul.f32 $1.442695020e+00, v3;
	v3 =	vld [tilespmem:$0x1FDF0];
	_ =	sdelay $0x1  }
0x65c: {  	v4 =	vld [tilespmem:$0x1FDE0];
	_ =	sdelay $0x1  }
0x65d: {  	(erf) = vpow2.f32 v2;
	v2 =	vpop (erf)  }
0x65e: {  	v2 =	vmul.f32 v2, v3  }
0x65f: {  	v3 =	vpop (erf)  }
0x660: {  	v2 =	vadd.f32 $0.0e+00, v2;
	v3 =	vmul.f32 v3, v4  }
0x661: {  	v36 =	vpop (erf)  }
0x662: {  	v2 =	vadd.f32 v2, v3;
	v3 =	vmul.f32 v36, v49;
	_ =	sdelay $0x1  }
0x663: {  	v2 =	vadd.f32 v2, v3;
	v3 =	vld [tilespmem:$0x1FDD0];
	_ =	sdelay $0x3  }
0x664: {  	v37 =	vpop (erf)  }
0x665: {  	v3 =	vmul.f32 v37, v3;
	_ =	sdelay $0x1  }
0x666: {  	v2 =	vadd.f32 v2, v3;
	v3 =	vld [tilespmem:$0x1FDB0];
	_ =	sdelay $0x3  }
0x667: {  	[tilespmem:$0x4000] =	vst v0  }
0x668: {  	[tilespmem:$0x4080] =	vst v2;
	v0 =	vmax.f32 v46, v3  }
0x669: {  	[hbm4b:s10+s3] =	stream.linear.scatter [tilespmem:s15], [sflag:$0x1], $0x10, $0x38;
	v0 =	vmax.f32 v0, v30;
	[tilespmem:$0x4100] =	vst v63  }
0x66a: {  	_ =	swait.ge [sflag:s14], $0x10;
	v0 =	vmax.f32 v0, v43  }
0x66b: {  	[sflag:s14] =	ssyncset.done $0x0;
	v2 =	vsub.f32 v46, v0  }
0x66c: {  	[sflag:s14] =	ssyncadd.s32 $0xFFFFFFF0  }
0x66d: {  	[hbm4b:s11+s3] =	stream.linear.scatter [tilespmem:s16], [sflag:$0x1], $0x10, $0x38;
	v3 =	vsub.f32 v3, v0;
	v2 =	vmul.f32 $1.442695020e+00, v2;
	[tilespmem:$0x4100] =	vst v63  }
0x66e: {  	_ =	swait.ge [sflag:s14], $0x10  }
0x66f: {  	(erf) = vpow2.f32 v2;
	v2 =	vmul.f32 $1.442695020e+00, v3  }
0x670: {  	v3 =	vsub.f32 v30, v0  }
0x671: {  	(erf) = vpow2.f32 v2  }
0x672: {  	v2 =	vmul.f32 $1.442695020e+00, v3;
	v3 =	vsub.f32 v43, v0;
	_ =	sdelay $0x1  }
0x673: {  	(erf) = vpow2.f32 v2;
	v2 =	vmul.f32 $1.442695020e+00, v3;
	v3 =	vld [tilespmem:$0x1FDC0];
	_ =	sdelay $0x3  }
0x674: {  	(erf) = vpow2.f32 v2;
	v2 =	vpop (erf)  }
0x675: {  	v2 =	vmul.f32 v2, v3  }
0x676: {  	v3 =	vpop (erf)  }
0x677: {  	v2 =	vadd.f32 $0.0e+00, v2;
	v3 =	vmul.f32 v3, v28;
	_ =	sdelay $0x1  }
0x678: {  	v2 =	vadd.f32 v2, v3;
	v3 =	vld [tilespmem:$0x1FDA0];
	_ =	sdelay $0x3  }
0x679: {  	v39 =	vpop (erf)  }
0x67a: {  	v3 =	vmul.f32 v39, v3;
	_ =	sdelay $0x1  }
0x67b: {  	v2 =	vadd.f32 v2, v3;
	v3 =	vld [tilespmem:$0x1FD90];
	_ =	sdelay $0x3  }
0x67c: {  	v40 =	vpop (erf)  }
0x67d: {  	v3 =	vmul.f32 v40, v3  }
0x67e: {  	[sflag:s14] =	ssyncset.done $0x0  }
0x67f: {  	[sflag:s14] =	ssyncadd.s32 $0xFFFFFFF0;
	v2 =	vadd.f32 v2, v3  }
0x680: {  	[tilespmem:$0x4000] =	vst v0  }
0x681: {  	s18 =	rddreg [dreg:$0x12];
	v0 =	vmax.f32 v24, v58;
	[tilespmem:$0x4080] =	vst v2  }
0x682: {  	v0 =	vmax.f32 v0, v54;
	[hbm4b:s18+s3] =	stream.linear.scatter [tilespmem:s15], [sflag:$0x1], $0x10, $0x38;
	[tilespmem:$0x4100] =	vst v63  }
0x683: {  	v0 =	vmax.f32 v0, v56;
	_ =	swait.ge [sflag:s14], $0x10  }
0x684: {  	v2 =	vsub.f32 v24, v0;
	[sflag:s14] =	ssyncset.done $0x0  }
0x685: {  	s23 =	rddreg [dreg:$0x13];
	[sflag:s14] =	ssyncadd.s32 $0xFFFFFFF0  }
0x686: {  	v3 =	vsub.f32 v58, v0;
	v2 =	vmul.f32 $1.442695020e+00, v2;
	[hbm4b:s23+s3] =	stream.linear.scatter [tilespmem:s16], [sflag:$0x1], $0x10, $0x38;
	[tilespmem:$0x4100] =	vst v63  }
0x687: {  	_ =	swait.ge [sflag:s14], $0x10  }
0x688: {  	(erf) = vpow2.f32 v2;
	v2 =	vmul.f32 $1.442695020e+00, v3  }
0x689: {  	v3 =	vsub.f32 v54, v0  }
0x68a: {  	(erf) = vpow2.f32 v2  }
0x68b: {  	v2 =	vmul.f32 $1.442695020e+00, v3;
	v3 =	vsub.f32 v56, v0;
	_ =	sdelay $0x1  }
0x68c: {  	(erf) = vpow2.f32 v2;
	v2 =	vmul.f32 $1.442695020e+00, v3;
	v3 =	vld [tilespmem:$0x1FD80];
	_ =	sdelay $0x1  }
0x68d: {  	v42 =	vld [tilespmem:$0x1FD70];
	_ =	sdelay $0x1  }
0x68e: {  	(erf) = vpow2.f32 v2;
	v2 =	vpop (erf)  }
0x68f: {  	v2 =	vmul.f32 v2, v3  }
0x690: {  	v3 =	vpop (erf)  }
0x691: {  	v2 =	vadd.f32 $0.0e+00, v2;
	v3 =	vmul.f32 v3, v42;
	_ =	sdelay $0x1  }
0x692: {  	v2 =	vadd.f32 v2, v3;
	v3 =	vld [tilespmem:$0x1FD60];
	_ =	sdelay $0x3  }
0x693: {  	v43 =	vpop (erf)  }
0x694: {  	v3 =	vmul.f32 v43, v3;
	_ =	sdelay $0x1  }
0x695: {  	v2 =	vadd.f32 v2, v3;
	v3 =	vld [tilespmem:$0x1FD50];
	_ =	sdelay $0x3  }
0x696: {  	v44 =	vpop (erf)  }
0x697: {  	v3 =	vmul.f32 v44, v3  }
0x698: {  	[sflag:s14] =	ssyncset.done $0x0  }
0x699: {  	[sflag:s14] =	ssyncadd.s32 $0xFFFFFFF0;
	v2 =	vadd.f32 v2, v3  }
0x69a: {  	[tilespmem:$0x4000] =	vst v0  }
0x69b: {  	s24 =	rddreg [dreg:$0x14];
	v0 =	vmax.f32 v59, v41;
	[tilespmem:$0x4080] =	vst v2  }
0x69c: {  	v0 =	vmax.f32 v0, v35;
	[hbm4b:s24+s3] =	stream.linear.scatter [tilespmem:s15], [sflag:$0x1], $0x10, $0x38;
	[tilespmem:$0x4100] =	vst v63  }
0x69d: {  	v0 =	vmax.f32 v0, v33;
	_ =	swait.ge [sflag:s14], $0x10  }
0x69e: {  	v2 =	vsub.f32 v59, v0;
	[sflag:s14] =	ssyncset.done $0x0  }
0x69f: {  	s25 =	rddreg [dreg:$0x15];
	[sflag:s14] =	ssyncadd.s32 $0xFFFFFFF0  }
0x6a0: {  	v3 =	vsub.f32 v41, v0;
	v2 =	vmul.f32 $1.442695020e+00, v2;
	[hbm4b:s25+s3] =	stream.linear.scatter [tilespmem:s16], [sflag:$0x1], $0x10, $0x38;
	[tilespmem:$0x4100] =	vst v63  }
0x6a1: {  	_ =	swait.ge [sflag:s14], $0x10  }
0x6a2: {  	(erf) = vpow2.f32 v2;
	v2 =	vmul.f32 $1.442695020e+00, v3  }
0x6a3: {  	v3 =	vsub.f32 v35, v0  }
0x6a4: {  	(erf) = vpow2.f32 v2  }
0x6a5: {  	v2 =	vmul.f32 $1.442695020e+00, v3;
	v3 =	vsub.f32 v33, v0;
	_ =	sdelay $0x1  }
0x6a6: {  	(erf) = vpow2.f32 v2;
	v2 =	vmul.f32 $1.442695020e+00, v3;
	v3 =	vld [tilespmem:$0x1FD40];
	_ =	sdelay $0x1  }
0x6a7: {  	v46 =	vld [tilespmem:$0x1FD30];
	_ =	sdelay $0x1  }
0x6a8: {  	(erf) = vpow2.f32 v2;
	v2 =	vpop (erf)  }
0x6a9: {  	v2 =	vmul.f32 v2, v3  }
0x6aa: {  	v3 =	vpop (erf)  }
0x6ab: {  	v2 =	vadd.f32 $0.0e+00, v2;
	v3 =	vmul.f32 v3, v46;
	_ =	sdelay $0x1  }
0x6ac: {  	v2 =	vadd.f32 v2, v3;
	v3 =	vld [tilespmem:$0x1FD20];
	_ =	sdelay $0x3  }
0x6ad: {  	v47 =	vpop (erf)  }
0x6ae: {  	v3 =	vmul.f32 v47, v3;
	_ =	sdelay $0x1  }
0x6af: {  	v2 =	vadd.f32 v2, v3;
	v3 =	vld [tilespmem:$0x1FD10];
	_ =	sdelay $0x3  }
0x6b0: {  	v49 =	vpop (erf)  }
0x6b1: {  	v3 =	vmul.f32 v49, v3  }
0x6b2: {  	[sflag:s14] =	ssyncset.done $0x0  }
0x6b3: {  	[sflag:s14] =	ssyncadd.s32 $0xFFFFFFF0;
	v2 =	vadd.f32 v2, v3  }
0x6b4: {  	[tilespmem:$0x4000] =	vst v0  }
0x6b5: {  	s26 =	rddreg [dreg:$0x16];
	v0 =	vmax.f32 v48, v51;
	[tilespmem:$0x4080] =	vst v2  }
0x6b6: {  	v0 =	vmax.f32 v0, v53;
	[hbm4b:s26+s3] =	stream.linear.scatter [tilespmem:s15], [sflag:$0x1], $0x10, $0x38;
	[tilespmem:$0x4100] =	vst v63  }
0x6b7: {  	v0 =	vmax.f32 v0, v19;
	_ =	swait.ge [sflag:s14], $0x10  }
0x6b8: {  	v2 =	vsub.f32 v48, v0;
	[sflag:s14] =	ssyncset.done $0x0  }
0x6b9: {  	[sflag:s14] =	ssyncadd.s32 $0xFFFFFFF0  }
0x6ba: {  	v3 =	vsub.f32 v51, v0;
	v2 =	vmul.f32 $1.442695020e+00, v2;
	[hbm4b:s28+s3] =	stream.linear.scatter [tilespmem:s16], [sflag:$0x1], $0x10, $0x38;
	[tilespmem:$0x4100] =	vst v63  }
0x6bb: {  	_ =	swait.ge [sflag:s14], $0x10  }
0x6bc: {  	(erf) = vpow2.f32 v2;
	v2 =	vmul.f32 $1.442695020e+00, v3  }
0x6bd: {  	v3 =	vsub.f32 v53, v0  }
0x6be: {  	(erf) = vpow2.f32 v2  }
0x6bf: {  	v2 =	vmul.f32 $1.442695020e+00, v3;
	v3 =	vsub.f32 v19, v0;
	_ =	sdelay $0x1  }
0x6c0: {  	(erf) = vpow2.f32 v2;
	v2 =	vmul.f32 $1.442695020e+00, v3;
	v3 =	vld [tilespmem:$0x1FD00];
	_ =	sdelay $0x1  }
0x6c1: {  	v52 =	vld [tilespmem:$0x1FCF0];
	_ =	sdelay $0x1  }
0x6c2: {  	(erf) = vpow2.f32 v2;
	v2 =	vpop (erf)  }
0x6c3: {  	v2 =	vmul.f32 v2, v3  }
0x6c4: {  	v3 =	vpop (erf)  }
0x6c5: {  	v2 =	vadd.f32 $0.0e+00, v2;
	v3 =	vmul.f32 v3, v52;
	_ =	sdelay $0x1  }
0x6c6: {  	v2 =	vadd.f32 v2, v3;
	v3 =	vld [tilespmem:$0x1FCE0];
	_ =	sdelay $0x3  }
0x6c7: {  	v53 =	vpop (erf)  }
0x6c8: {  	v3 =	vmul.f32 v53, v3;
	_ =	sdelay $0x1  }
0x6c9: {  	v2 =	vadd.f32 v2, v3;
	v3 =	vld [tilespmem:$0x1FCD0];
	_ =	sdelay $0x3  }
0x6ca: {  	v54 =	vpop (erf)  }
0x6cb: {  	v3 =	vmul.f32 v54, v3  }
0x6cc: {  	[sflag:s14] =	ssyncset.done $0x0  }
0x6cd: {  	[sflag:s14] =	ssyncadd.s32 $0xFFFFFFF0;
	v2 =	vadd.f32 v2, v3  }
0x6ce: {  	[tilespmem:$0x4000] =	vst v0  }
0x6cf: {  	v0 =	vmax.f32 v17, v5;
	[tilespmem:$0x4080] =	vst v2  }
0x6d0: {  	v0 =	vmax.f32 v0, v38;
	[hbm4b:s29+s3] =	stream.linear.scatter [tilespmem:s15], [sflag:$0x1], $0x10, $0x38;
	[tilespmem:$0x4100] =	vst v63  }
0x6d1: {  	v0 =	vmax.f32 v0, v45;
	_ =	swait.ge [sflag:s14], $0x10  }
0x6d2: {  	v2 =	vsub.f32 v17, v0;
	[sflag:s14] =	ssyncset.done $0x0  }
0x6d3: {  	[sflag:s14] =	ssyncadd.s32 $0xFFFFFFF0  }
0x6d4: {  	v3 =	vsub.f32 v5, v0;
	v2 =	vmul.f32 $1.442695020e+00, v2;
	[hbm4b:s30+s3] =	stream.linear.scatter [tilespmem:s16], [sflag:$0x1], $0x10, $0x38;
	[tilespmem:$0x4100] =	vst v63  }
0x6d5: {  	_ =	swait.ge [sflag:s14], $0x10  }
0x6d6: {  	(erf) = vpow2.f32 v2;
	v2 =	vmul.f32 $1.442695020e+00, v3  }
0x6d7: {  	v3 =	vsub.f32 v38, v0  }
0x6d8: {  	(erf) = vpow2.f32 v2  }
0x6d9: {  	v2 =	vmul.f32 $1.442695020e+00, v3;
	v3 =	vsub.f32 v45, v0;
	_ =	sdelay $0x1  }
0x6da: {  	(erf) = vpow2.f32 v2;
	v2 =	vmul.f32 $1.442695020e+00, v3;
	v3 =	vld [tilespmem:$0x1FCC0];
	_ =	sdelay $0x1  }
0x6db: {  	v55 =	vld [tilespmem:$0x1FCB0];
	_ =	sdelay $0x1  }
0x6dc: {  	(erf) = vpow2.f32 v2;
	v2 =	vpop (erf)  }
0x6dd: {  	v2 =	vmul.f32 v2, v3  }
0x6de: {  	v3 =	vpop (erf)  }
0x6df: {  	v2 =	vadd.f32 $0.0e+00, v2;
	v3 =	vmul.f32 v3, v55;
	_ =	sdelay $0x1  }
0x6e0: {  	v2 =	vadd.f32 v2, v3;
	v3 =	vld [tilespmem:$0x1FCA0];
	_ =	sdelay $0x3  }
0x6e1: {  	v56 =	vpop (erf)  }
0x6e2: {  	v3 =	vmul.f32 v56, v3;
	_ =	sdelay $0x1  }
0x6e3: {  	v2 =	vadd.f32 v2, v3;
	v3 =	vld [tilespmem:$0x1FC90];
	_ =	sdelay $0x3  }
0x6e4: {  	v57 =	vpop (erf)  }
0x6e5: {  	v3 =	vmul.f32 v57, v3  }
0x6e6: {  	[sflag:s14] =	ssyncset.done $0x0  }
0x6e7: {  	[sflag:s14] =	ssyncadd.s32 $0xFFFFFFF0;
	v2 =	vadd.f32 v2, v3  }
0x6e8: {  	[tilespmem:$0x4000] =	vst v0  }
0x6e9: {  	[tilespmem:$0x4080] =	vst v2  }
0x6ea: {  	[hbm4b:s31+s3] =	stream.linear.scatter [tilespmem:s15], [sflag:$0x1], $0x10, $0x38;
	[tilespmem:$0x4100] =	vst v63  }
0x6eb: {  	_ =	swait.ge [sflag:s14], $0x10  }
0x6ec: {  	v58 =	vld [tilespmem:$0x1FC50];
	_ =	sdelay $0x2  }
0x6ed: {  	v0 =	vmax.f32 v21, v23  }
0x6ee: {  	v0 =	vmax.f32 v0, v26  }
0x6ef: {  	v0 =	vmax.f32 v0, v58  }
0x6f0: {  	[sflag:s14] =	ssyncset.done $0x0;
	v2 =	vsub.f32 v21, v0  }
0x6f1: {  	[sflag:s14] =	ssyncadd.s32 $0xFFFFFFF0  }
0x6f2: {  	[hbm4b:s0+s3] =	stream.linear.scatter [tilespmem:s16], [sflag:$0x1], $0x10, $0x38;
	v3 =	vsub.f32 v23, v0;
	v2 =	vmul.f32 $1.442695020e+00, v2;
	[tilespmem:$0x4100] =	vst v63  }
0x6f3: {  	_ =	swait.ge [sflag:s14], $0x10  }
0x6f4: {  	(erf) = vpow2.f32 v2;
	v2 =	vmul.f32 $1.442695020e+00, v3  }
0x6f5: {  	v3 =	vsub.f32 v26, v0  }
0x6f6: {  	(erf) = vpow2.f32 v2  }
0x6f7: {  	v2 =	vmul.f32 $1.442695020e+00, v3;
	v3 =	vsub.f32 v58, v0;
	_ =	sdelay $0x1  }
0x6f8: {  	(erf) = vpow2.f32 v2;
	v2 =	vmul.f32 $1.442695020e+00, v3;
	v3 =	vld [tilespmem:$0x1FC80];
	_ =	sdelay $0x1  }
0x6f9: {  	v59 =	vld [tilespmem:$0x1FC70];
	_ =	sdelay $0x1  }
0x6fa: {  	(erf) = vpow2.f32 v2;
	v2 =	vpop (erf)  }
0x6fb: {  	v2 =	vmul.f32 v2, v3  }
0x6fc: {  	v3 =	vpop (erf)  }
0x6fd: {  	v2 =	vadd.f32 $0.0e+00, v2;
	v3 =	vmul.f32 v3, v59;
	_ =	sdelay $0x1  }
0x6fe: {  	v2 =	vadd.f32 v2, v3;
	v3 =	vld [tilespmem:$0x1FC60];
	_ =	sdelay $0x3  }
0x6ff: {  	v60 =	vpop (erf)  }
0x700: {  	v3 =	vmul.f32 v60, v3;
	_ =	sdelay $0x1  }
0x701: {  	v2 =	vadd.f32 v2, v3;
	v3 =	vld [tilespmem:$0x1FC40];
	_ =	sdelay $0x3  }
0x702: {  	v61 =	vpop (erf)  }
0x703: {  	v3 =	vmul.f32 v61, v3  }
0x704: {  	[sflag:s14] =	ssyncset.done $0x0  }
0x705: {  	[sflag:s14] =	ssyncadd.s32 $0xFFFFFFF0;
	v2 =	vadd.f32 v2, v3  }
0x706: {  	[tilespmem:$0x4000] =	vst v0  }
0x707: {  	[tilespmem:$0x4080] =	vst v2  }
0x708: {  	[hbm4b:s4+s3] =	stream.linear.scatter [tilespmem:s15], [sflag:$0x1], $0x10, $0x38;
	[tilespmem:$0x4100] =	vst v63  }
0x709: {  	_ =	swait.ge [sflag:s14], $0x10  }
0x70a: {  	v62 =	vld [tilespmem:$0x1FC10];
	_ =	sdelay $0x2  }
0x70b: {  	v0 =	vmax.f32 v9, v12  }
0x70c: {  	v0 =	vmax.f32 v0, v14  }
0x70d: {  	v0 =	vmax.f32 v0, v62  }
0x70e: {  	[sflag:s14] =	ssyncset.done $0x0;
	v2 =	vsub.f32 v9, v0  }
0x70f: {  	[sflag:s14] =	ssyncadd.s32 $0xFFFFFFF0  }
0x710: {  	[hbm4b:s8+s3] =	stream.linear.scatter [tilespmem:s16], [sflag:$0x1], $0x10, $0x38;
	v3 =	vsub.f32 v12, v0;
	v2 =	vmul.f32 $1.442695020e+00, v2;
	[tilespmem:$0x4100] =	vst v63  }
0x711: {  	_ =	swait.ge [sflag:s14], $0x10  }
0x712: {  	(erf) = vpow2.f32 v2;
	v2 =	vmul.f32 $1.442695020e+00, v3;
	v3 =	vsub.f32 v14, v0;
	_ =	sdelay $0x1  }
0x713: {  	(erf) = vpow2.f32 v2;
	v2 =	vmul.f32 $1.442695020e+00, v3;
	_ =	sdelay $0x1  }
0x714: {  	(erf) = vpow2.f32 v2  }
0x715: {  	v3 =	vld [tilespmem:$0x1FC30];
	_ =	sdelay $0x3  }
0x716: {  	v2 =	vpop (erf)  }
0x717: {  	v2 =	vmul.f32 v2, v3  }
0x718: {  	v3 =	vpop (erf)  }
.Ltmp99:
0x719: {  	v2 =	vadd.f32 $0.0e+00, v2;
	v3 =	vmul.f32 v3, v1;
	(pc) =	sbr.rel .LBB2_114-.Ltmp99, $4  }
0x71a: {  	v63 =	vpop (erf)  }
0x71b: {  	v2 =	vadd.f32 v2, v3;
	v3 =	vmul.f32 v63, v50  }
0x71c: {  	[sflag:s14] =	ssyncset.done $0x0  }
0x71d: {  	s18 =	smov.u32 s12;
	[sflag:s14] =	ssyncadd.s32 $0xFFFFFFF0;
	v1 =	vsub.f32 v62, v0;
	v2 =	vadd.f32 v2, v3  }
.LBB2_115:
0x71e: {  	_ =	sfence.sel $0x180000  }
0x71f: {  	[bflag:$0x0] =	sbarrier.arrive $0xFFFF  }
0x720: {  	_ =	strace $0x90000047  }
0x721: {  	s0 =	stileid.u32;
	[bflag:$0x2] =	sbarrier.arrive $0xFFFF  }
0x722: {  	p0 =	sne.s32 s0, $0x0;
	s0 =	rddreg [dreg:$0x3]  }
0x723: {  	s0 =	sadd.s32 @!p0 $0x100000, s0  }
0x724: {  	[sflag:s0] =	ssyncadd.tile.s32 @!p0 $0x1;
	_ =	shalt  }
.Lfunc_end2:
_tile_overlayer_lowered:
.L_overlay_start_2:
0x725: {  	(tag) =	ssettag $0x2  }
0x726: {  	s0 =	rddreg [dreg:$0x0];
	s2 =	stileid.u32  }
0x727: {  	s1 =	rddreg [dreg:$0x1];
	p0 =	sne.s32 s2, $0x0  }
0x728: {  	s3 =	rddreg [dreg:$0x2];
	[bflag:$0x3] =	sbarrier.arrive $0xFFFF;
	s2 =	simm.s32 @!p0 $0x1C01  }
0x729: {  	[timem:s3], [sflag:s2] =	dma.local @!p0 [hbm:s0], s1  }
0x72a: {  	s0 =	simm.s32 @!p0 $0x1  }
0x72b: {  	_ =	swait.ge @!p0 [sflag:s0], s1  }
0x72c: {  	s1 =	ssub.s32 @!p0 $0x0, s1;
	[sflag:s0] =	ssyncset.done @!p0 $0x0  }
0x72d: {  	[sflag:s0] =	ssyncadd.s32 @!p0 s1  }
0x72e: {  	[bflag:$0x3] =	sbarrier.arrive $0xFFFF  }
0x72f: {  	_ =	shalt  }

</sc_bundles>
